<compile_context>
chip_gen: v7x
topology: tpu7x:2x2x1
jax: 0.10.2.dev20260603
libtpu: 0.0.44.dev20260713+nightly
codegen_flags: <defaults>
</compile_context>

<pallas_src>
import functools

import jax
import jax.numpy as jnp
from jax import lax
from jax.experimental import pallas as pl
from jax.experimental.pallas import tpu as pltpu
from jax.experimental.pallas import tpu_sc as plsc

N = 10000
E = 160000
NUM_COMMON = 100000
FEAT = 256
EMB = 128
H = 256
G = 64
F2 = 128

NW = 32
N_PAD = 10240
RPW = N_PAD // NW
RPS = N_PAD // 16
CH = 128
NCH = 80
NCH_S = 40
E_PAD = 16 * NCH * CH
NB = 8

_mesh = plsc.VectorSubcoreMesh(core_axis_name="c", subcore_axis_name="s")


def _agg_scratch():
    return [
        pltpu.VMEM_SHARED((N_PAD, F2), jnp.float32),
        pltpu.VMEM((2 * NB, CH), jnp.int32),
        pltpu.VMEM((2 * NB, CH), jnp.int32),
        pltpu.VMEM((CH, F2), jnp.float32),
        pltpu.VMEM((CH, F2), jnp.float32),
        pltpu.SemaphoreType.DMA,
        pltpu.SemaphoreType.DMA,
        pltpu.SemaphoreType.DMA,
        pltpu.SemaphoreType.DMA,
        pltpu.SemaphoreType.DMA,
        pltpu.SemaphoreType.DMA,
    ]


def _edge_loop(h_ref, src_h, dst_h, idxs, idxd, rows_a, rows_b,
               sem_a, sem_b, sem_sa, sem_sb, sem_is, sem_id, accum, nch):
    nblk = nch // NB
    pltpu.sync_copy(src_h.at[pl.ds(0, NB)], idxs.at[pl.ds(0, NB)])
    pltpu.sync_copy(dst_h.at[pl.ds(0, NB)], idxd.at[pl.ds(0, NB)])
    pltpu.async_copy(h_ref.at[idxs.at[0]], rows_a, sem_a)

    def body(blk, carry):
        p = (blk % 2) * NB
        q = NB - p

        @pl.when(blk + 1 < nblk)
        def _():
            pltpu.async_copy(src_h.at[pl.ds((blk + 1) * NB, NB)],
                             idxs.at[pl.ds(q, NB)], sem_is)
            pltpu.async_copy(dst_h.at[pl.ds((blk + 1) * NB, NB)],
                             idxd.at[pl.ds(q, NB)], sem_id)

        for k in range(NB):
            rbuf, rsem, rssem = ((rows_a, sem_a, sem_sa) if k % 2 == 0
                                 else (rows_b, sem_b, sem_sb))
            nbuf, nsem, nssem = ((rows_b, sem_b, sem_sb) if k % 2 == 0
                                 else (rows_a, sem_a, sem_sa))

            def wait_nbuf_scatter():
                pltpu.make_async_copy(
                    nbuf, accum.at[idxd.at[0]], nssem).wait()

            if k == 0:
                @pl.when(blk > 0)
                def _():
                    wait_nbuf_scatter()
                pltpu.async_copy(h_ref.at[idxs.at[p + 1]], nbuf, nsem)
            elif k < NB - 1:
                wait_nbuf_scatter()
                pltpu.async_copy(h_ref.at[idxs.at[p + k + 1]], nbuf, nsem)
            else:
                @pl.when(blk + 1 < nblk)
                def _():
                    wait_nbuf_scatter()
                    pltpu.make_async_copy(
                        src_h.at[pl.ds((blk + 1) * NB, NB)],
                        idxs.at[pl.ds(q, NB)], sem_is).wait()
                    pltpu.make_async_copy(
                        dst_h.at[pl.ds((blk + 1) * NB, NB)],
                        idxd.at[pl.ds(q, NB)], sem_id).wait()
                    pltpu.async_copy(h_ref.at[idxs.at[q]], nbuf, nsem)
            pltpu.make_async_copy(h_ref.at[idxs.at[p + k]], rbuf, rsem).wait()
            pltpu.async_copy(rbuf, accum.at[idxd.at[p + k]], rssem, add=True)
        return carry

    lax.fori_loop(0, nblk, body, 0)
    pltpu.make_async_copy(rows_a, accum.at[idxd.at[0]], sem_sa).wait()
    pltpu.make_async_copy(rows_b, accum.at[idxd.at[0]], sem_sb).wait()


@functools.partial(
    pl.kernel,
    out_type=jax.ShapeDtypeStruct((N_PAD, EMB), jnp.float32),
    mesh=_mesh,
    scratch_types=[
        pltpu.VMEM((RPW,), jnp.int32),
        pltpu.VMEM((RPW, EMB), jnp.float32),
        pltpu.SemaphoreType.DMA,
    ],
)
def _emb_gather(cidx_hbm, emb_hbm, out_hbm, idx_v, rows_v, sem):
    c = lax.axis_index("c")
    s = lax.axis_index("s")
    base = (s * 2 + c) * RPW
    pltpu.sync_copy(cidx_hbm.at[pl.ds(base, RPW)], idx_v)
    cps = []
    for k in range(RPW // 64):
        cps.append(pltpu.async_copy(
            emb_hbm.at[idx_v.at[pl.ds(k * 64, 64)]],
            rows_v.at[pl.ds(k * 64, 64)], sem))
    for cp in cps:
        cp.wait()
    pltpu.sync_copy(rows_v, out_hbm.at[pl.ds(base, RPW)])


@functools.partial(
    pl.kernel,
    out_type=(jax.ShapeDtypeStruct((N_PAD, F2), jnp.float32),
              jax.ShapeDtypeStruct((N_PAD, F2), jnp.float32)),
    mesh=_mesh,
    scratch_types=_agg_scratch(),
)
def _agg_dual(h_a, h_b, src3, dst3, z_a, z_b,
              accum, idxs, idxd, rows_a, rows_b,
              sem_a, sem_b, sem_sa, sem_sb, sem_is, sem_id):
    c = lax.axis_index("c")
    s = lax.axis_index("s")

    def run(h_ref, z_ref):
        pltpu.sync_copy(h_ref.at[pl.ds(s * RPS, RPS)],
                        accum.at[pl.ds(s * RPS, RPS)])
        plsc.subcore_barrier()
        _edge_loop(h_ref, src3.at[s], dst3.at[s], idxs, idxd,
                   rows_a, rows_b, sem_a, sem_b, sem_sa, sem_sb,
                   sem_is, sem_id, accum, NCH)
        plsc.subcore_barrier()
        pltpu.sync_copy(accum.at[pl.ds(s * RPS, RPS)],
                        z_ref.at[pl.ds(s * RPS, RPS)])

    @pl.when(c == 0)
    def _():
        run(h_a, z_a)

    @pl.when(c == 1)
    def _():
        run(h_b, z_b)


@functools.partial(
    pl.kernel,
    out_type=(jax.ShapeDtypeStruct((N_PAD, F2), jnp.float32),
              jax.ShapeDtypeStruct((N_PAD, F2), jnp.float32)),
    mesh=_mesh,
    scratch_types=_agg_scratch(),
)
def _agg_split(h, src4, dst4, z_p0, z_p1,
               accum, idxs, idxd, rows_a, rows_b,
               sem_a, sem_b, sem_sa, sem_sb, sem_is, sem_id):
    c = lax.axis_index("c")
    s = lax.axis_index("s")
    wid = c * 16 + s
    pltpu.sync_copy(h.at[pl.ds(s * RPS, RPS)],
                    accum.at[pl.ds(s * RPS, RPS)])
    plsc.subcore_barrier()
    _edge_loop(h, src4.at[wid], dst4.at[wid], idxs, idxd,
               rows_a, rows_b, sem_a, sem_b, sem_sa, sem_sb,
               sem_is, sem_id, accum, NCH_S)
    plsc.subcore_barrier()

    @pl.when(c == 0)
    def _():
        pltpu.sync_copy(accum.at[pl.ds(s * RPS, RPS)],
                        z_p0.at[pl.ds(s * RPS, RPS)])

    @pl.when(c == 1)
    def _():
        pltpu.sync_copy(accum.at[pl.ds(s * RPS, RPS)],
                        z_p1.at[pl.ds(s * RPS, RPS)])


BN = 1024
_GRID = N_PAD // BN


def _mlp0_body(z0, z1, z2a, z2b, h2, w1a, w1b, w1c, b1, w2, b2, o0, o1):
    f32 = jnp.float32
    t = jnp.dot(z0[...], w1a[...], preferred_element_type=f32)
    t = t + jnp.dot(z1[...], w1b[...], preferred_element_type=f32)
    z2 = z2a[...] + z2b[...] - h2[...]
    t = t + jnp.dot(z2, w1c[...], preferred_element_type=f32)
    t = jnp.maximum(t + b1[...], 0.0)
    y = jnp.dot(t, w2[...], preferred_element_type=f32) + b2[...]
    y = jnp.maximum(y, 0.0)
    o0[...] = y[:, :H // 2]
    o1[...] = y[:, H // 2:]


def _mlp0(z0, z1, z2a, z2b, h2, w1a, w1b, w1c, b1, w2, b2):
    nblk = pl.BlockSpec((BN, F2), lambda i: (i, 0))
    wblk = pl.BlockSpec((F2, H), lambda i: (0, 0))
    bblk = pl.BlockSpec((1, H), lambda i: (0, 0))
    return pl.pallas_call(
        _mlp0_body,
        grid=(_GRID,),
        in_specs=[nblk, nblk, nblk, nblk, nblk, wblk, wblk, wblk, bblk,
                  pl.BlockSpec((H, H), lambda i: (0, 0)), bblk],
        out_specs=[
            pl.BlockSpec((BN, H // 2), lambda i: (i, 0)),
            pl.BlockSpec((BN, H // 2), lambda i: (i, 0)),
        ],
        out_shape=[jax.ShapeDtypeStruct((N_PAD, H // 2), jnp.float32)] * 2,
    )(z0, z1, z2a, z2b, h2, w1a, w1b, w1c, b1, w2, b2)


def _mlp1_pool_body(z0, z1, w1a, w1b, b1, w2, b2, bt, out, sum_s, cnt_s):
    i = pl.program_id(0)
    f32 = jnp.float32

    @pl.when(i == 0)
    def _():
        sum_s[...] = jnp.zeros_like(sum_s)
        cnt_s[...] = jnp.zeros_like(cnt_s)

    t = jnp.dot(z0[...], w1a[...], preferred_element_type=f32)
    t = t + jnp.dot(z1[...], w1b[...], preferred_element_type=f32)
    t = jnp.maximum(t + b1[...], 0.0)
    y = jnp.dot(t, w2[...], preferred_element_type=f32) + b2[...]
    y = jnp.maximum(y, 0.0)
    b = bt[0]
    oh = (lax.broadcasted_iota(jnp.int32, (G, BN), 0) == b).astype(f32)
    sum_s[...] += jnp.dot(oh, y, preferred_element_type=f32)
    cnt_s[...] += jnp.sum(oh, axis=1, keepdims=True)

    @pl.when(i == _GRID - 1)
    def _():
        out[...] = sum_s[...] / jnp.maximum(cnt_s[:, :1], 1.0)


def _mlp1_pool(z0, z1, w1a, w1b, b1, w2, b2, bt):
    nblk = pl.BlockSpec((BN, H // 2), lambda i: (i, 0))
    wblk = pl.BlockSpec((H // 2, H), lambda i: (0, 0))
    bblk = pl.BlockSpec((1, H), lambda i: (0, 0))
    return pl.pallas_call(
        _mlp1_pool_body,
        grid=(_GRID,),
        in_specs=[nblk, nblk, wblk, wblk, bblk,
                  pl.BlockSpec((H, H), lambda i: (0, 0)), bblk,
                  pl.BlockSpec((1, 1, BN), lambda i: (i, 0, 0))],
        out_specs=pl.BlockSpec((G, H), lambda i: (0, 0)),
        out_shape=jax.ShapeDtypeStruct((G, H), jnp.float32),
        scratch_shapes=[
            pltpu.VMEM((G, H), jnp.float32),
            pltpu.VMEM((G, 128), jnp.float32),
        ],
    )(z0, z1, w1a, w1b, b1, w2, b2, bt)


def kernel(x, common_index, edge_index, batch, emb,
           W1_0, b1_0, W2_0, b2_0, W1_1, b1_1, W2_1, b2_1):
    pad_n = N_PAD - N
    cidx = common_index.astype(jnp.int32)
    cidx_p = jnp.concatenate(
        [cidx, jnp.arange(pad_n, dtype=jnp.int32) % NUM_COMMON])
    h2 = _emb_gather(cidx_p, emb)

    x_p = jnp.pad(x, ((0, pad_n), (0, 0)))
    h0 = x_p[:, :F2]
    h1 = x_p[:, F2:]

    src = edge_index[0].astype(jnp.int32)
    dst = edge_index[1].astype(jnp.int32)
    pe = E_PAD - E
    ar = jnp.arange(pe, dtype=jnp.int32)
    src_p = jnp.concatenate([src, ar % N])
    dst_p = jnp.concatenate([dst, N + (ar % pad_n)])
    src3 = src_p.reshape(16, NCH, CH)
    dst3 = dst_p.reshape(16, NCH, CH)
    src4 = src_p.reshape(32, NCH_S, CH)
    dst4 = dst_p.reshape(32, NCH_S, CH)

    z0, z1 = _agg_dual(h0, h1, src3, dst3)
    z2a, z2b = _agg_split(h2, src4, dst4)

    h0a, h0b = _mlp0(z0, z1, z2a, z2b, h2,
                     W1_0[:F2], W1_0[F2:2 * F2], W1_0[2 * F2:],
                     b1_0.reshape(1, H), W2_0, b2_0.reshape(1, H))

    za, zb = _agg_dual(h0a, h0b, src3, dst3)

    bt = jnp.concatenate(
        [batch.astype(jnp.int32),
         jnp.full((pad_n,), -1, jnp.int32)]).reshape(_GRID, 1, BN)
    out = _mlp1_pool(za, zb, W1_1[:H // 2], W1_1[H // 2:],
                     b1_1.reshape(1, H), W2_1, b2_1.reshape(1, H), bt)
    return out

# --- scband reference (transcript-rebuilt; emitter-appended) ---
"""Pipeline reference for scband-gin-11038065951025 (READ-ONLY COPY).

The authoritative reference and input builder live on the scoring server;
editing this copy changes nothing except your own understanding.
"""

import jax, jax.numpy as jnp
import numpy as np

N = 10000
E = 160000
NUM_COMMON = 100000
FEAT = 256
EMB = 128
H = 256
G = 64


def setup_inputs(seed: int = 0) -> dict:
    key = jax.random.key(seed)
    ks = jax.random.split(key, 10)
    x = jax.random.normal(ks[0], (N, FEAT), dtype=jnp.float32)
    common_index = jax.random.randint(ks[1], (N,), 0, NUM_COMMON)
    edge_index = jax.random.randint(ks[2], (2, E), 0, N)
    batch = jnp.sort(jax.random.randint(ks[3], (N,), 0, G))
    emb = jax.random.normal(ks[4], (NUM_COMMON, EMB), dtype=jnp.float32) * 0.02
    in_c = FEAT + EMB
    W1_0 = jax.random.normal(ks[5], (in_c, H), dtype=jnp.float32) * (1.0 / np.sqrt(in_c))
    b1_0 = jnp.zeros((H,), dtype=jnp.float32)
    W2_0 = jax.random.normal(ks[6], (H, H), dtype=jnp.float32) * (1.0 / np.sqrt(H))
    b2_0 = jnp.zeros((H,), dtype=jnp.float32)
    W1_1 = jax.random.normal(ks[7], (H, H), dtype=jnp.float32) * (1.0 / np.sqrt(H))
    b1_1 = jnp.zeros((H,), dtype=jnp.float32)
    W2_1 = jax.random.normal(ks[8], (H, H), dtype=jnp.float32) * (1.0 / np.sqrt(H))
    b2_1 = jnp.zeros((H,), dtype=jnp.float32)
    return {"x": x, "common_index": common_index, "edge_index": edge_index, "batch": batch,
            "emb": emb, "W1_0": W1_0, "b1_0": b1_0, "W2_0": W2_0, "b2_0": b2_0,
            "W1_1": W1_1, "b1_1": b1_1, "W2_1": W2_1, "b2_1": b2_1}


def reference(x, common_index, edge_index, batch, emb,
              W1_0, b1_0, W2_0, b2_0, W1_1, b1_1, W2_1, b2_1):
    # shared node embeddings + concat with features
    shared = jnp.take(emb, common_index, axis=0)
    h = jnp.concatenate([x, shared], axis=1)
    src = edge_index[0]
    dst = edge_index[1]
    for (W1, b1, W2, b2) in ((W1_0, b1_0, W2_0, b2_0), (W1_1, b1_1, W2_1, b2_1)):
        # GINConv with eps=0: h_i' = MLP((1+eps)*h_i + sum_{j->i} h_j)
        msgs = jnp.take(h, src, axis=0)
        agg = jax.ops.segment_sum(msgs, dst, num_segments=N)
        z = h + agg
        z = jnp.maximum(jnp.dot(z, W1) + b1, 0.0)
        z = jnp.dot(z, W2) + b2
        h = jnp.maximum(z, 0.0)
    # global mean pool per graph
    sums = jax.ops.segment_sum(h, batch, num_segments=G)
    cnts = jax.ops.segment_sum(jnp.ones((N, 1), dtype=jnp.float32), batch, num_segments=G)
    return sums / jnp.maximum(cnts, 1.0)

if __name__ == "__main__":
    import jax
    _d = setup_inputs()
    print(jax.jit(kernel)(*tuple(_d.values())))

</pallas_src>

<mosaic_0001>
#map = affine_map<(d0, d1) -> (0, 0)>
#map1 = affine_map<(d0, d1) -> (0, 0, 0)>
module attributes {stable_mosaic.version = 14 : i64} {
  func.func @_agg_dual(%arg0: i32, %arg1: i32, %arg2: memref<10240x128xf32, #tpu.memory_space<hbm>>, %arg3: memref<10240x128xf32, #tpu.memory_space<hbm>>, %arg4: memref<16x80x128xi32, #tpu.memory_space<hbm>>, %arg5: memref<16x80x128xi32, #tpu.memory_space<hbm>>, %arg6: memref<10240x128xf32, #tpu.memory_space<hbm>>, %arg7: memref<10240x128xf32, #tpu.memory_space<hbm>>, %arg8: memref<10240x128xf32, #tpu.memory_space<vmem_shared>>, %arg9: memref<16x128xi32, #tpu.memory_space<vmem>>, %arg10: memref<16x128xi32, #tpu.memory_space<vmem>>, %arg11: memref<128x128xf32, #tpu.memory_space<vmem>>, %arg12: memref<128x128xf32, #tpu.memory_space<vmem>>, %arg13: memref<!tpu.dma_semaphore, #tpu.memory_space<semaphore_mem>>, %arg14: memref<!tpu.dma_semaphore, #tpu.memory_space<semaphore_mem>>, %arg15: memref<!tpu.dma_semaphore, #tpu.memory_space<semaphore_mem>>, %arg16: memref<!tpu.dma_semaphore, #tpu.memory_space<semaphore_mem>>, %arg17: memref<!tpu.dma_semaphore, #tpu.memory_space<semaphore_mem>>, %arg18: memref<!tpu.dma_semaphore, #tpu.memory_space<semaphore_mem>>) attributes {dimension_semantics = [#tpu.dimension_semantics<core_parallel>, #tpu.dimension_semantics<subcore_parallel>], iteration_bounds = array<i64: 2, 16>, scalar_prefetch = 0 : i64, scratch_operands = 11 : i64, tpu.core_type = #tpu.core_type<sc_vector_subcore>, window_params = [{transform_indices = #map}, {transform_indices = #map}, {transform_indices = #map1}, {transform_indices = #map1}, {transform_indices = #map}, {transform_indices = #map}]} {
    %eq3A = arith.constant 0 : i32
    %eq3A_0 = arith.cmpi eq, %arg0, %eq3A : i32
    %convert_element_type3A = arith.extui %eq3A_0 : i1 to i32
    %cond3A = arith.constant 0 : i32
    %cond3A_1 = arith.cmpi ne, %convert_element_type3A, %cond3A : i32
    scf.if %cond3A_1 {
      %mul3A = arith.constant 640 : i32
      %mul3A_7 = arith.muli %arg1, %mul3A : i32
      %mul3A_8 = arith.constant 640 : i32
      %mul3A_9 = arith.muli %arg1, %mul3A_8 : i32
      "tpu.region"() ({
        %run_scoped3A = tpu.sem_alloc : memref<!tpu.dma_semaphore, #tpu.memory_space<semaphore_mem>>
        %dma_start3A_39 = arith.constant 0 : i32
        %dma_start3A_40 = tpu.memref_slice %arg8[%mul3A_9, %dma_start3A_39] : memref<10240x128xf32, #tpu.memory_space<vmem_shared>> -> memref<640x128xf32, #tpu.memory_space<vmem_shared>>
        %dma_start3A_41 = arith.constant 0 : i32
        %dma_start3A_42 = tpu.memref_slice %arg2[%mul3A_7, %dma_start3A_41] : memref<10240x128xf32, #tpu.memory_space<hbm>> -> memref<640x128xf32, #tpu.memory_space<hbm>>
        tpu.enqueue_dma source(%dma_start3A_42 : memref<640x128xf32, #tpu.memory_space<hbm>>) target(%dma_start3A_40 : memref<640x128xf32, #tpu.memory_space<vmem_shared>>) target_semaphore(%run_scoped3A : memref<!tpu.dma_semaphore, #tpu.memory_space<semaphore_mem>>)
        %dma_wait3A_43 = arith.constant 0 : i32
        %dma_wait3A_44 = tpu.memref_slice %arg8[%mul3A_9, %dma_wait3A_43] : memref<10240x128xf32, #tpu.memory_space<vmem_shared>> -> memref<640x128xf32, #tpu.memory_space<vmem_shared>>
        %dma_wait3A_45 = arith.constant 0 : i32
        %dma_wait3A_46 = tpu.memref_slice %arg2[%mul3A_7, %dma_wait3A_45] : memref<10240x128xf32, #tpu.memory_space<hbm>> -> memref<640x128xf32, #tpu.memory_space<hbm>>
        tpu.wait_dma2 semaphore(%run_scoped3A : memref<!tpu.dma_semaphore, #tpu.memory_space<semaphore_mem>>) src(%dma_wait3A_46 : memref<640x128xf32, #tpu.memory_space<hbm>>) dst(%dma_wait3A_44 : memref<640x128xf32, #tpu.memory_space<vmem_shared>>)
        tpu.yield
      }) : () -> ()
      %barrier3A = arith.constant 0 : index
      tpu.barrier barrier_id(%barrier3A)
      "tpu.region"() ({
        %run_scoped3A = tpu.sem_alloc : memref<!tpu.dma_semaphore, #tpu.memory_space<semaphore_mem>>
        %dma_start3A_39 = arith.constant 0 : i32
        %dma_start3A_40 = arith.constant 0 : i32
        %dma_start3A_41 = tpu.memref_slice %arg9[%dma_start3A_39, %dma_start3A_40] : memref<16x128xi32, #tpu.memory_space<vmem>> -> memref<8x128xi32, #tpu.memory_space<vmem>>
        %dma_start3A_42 = arith.constant 0 : i32
        %dma_start3A_43 = arith.constant 0 : i32
        %dma_start3A_44 = tpu.memref_slice %arg4[%arg1, %dma_start3A_42, %dma_start3A_43] : memref<16x80x128xi32, #tpu.memory_space<hbm>> -> memref<1x80x128xi32, #tpu.memory_space<hbm>>
        %dma_start3A_45 = tpu.memref_squeeze %dma_start3A_44 : memref<1x80x128xi32, #tpu.memory_space<hbm>> -> memref<80x128xi32, #tpu.memory_space<hbm>>
        %dma_start3A_46 = arith.constant 0 : i32
        %dma_start3A_47 = arith.constant 0 : i32
        %dma_start3A_48 = tpu.memref_slice %dma_start3A_45[%dma_start3A_46, %dma_start3A_47] : memref<80x128xi32, #tpu.memory_space<hbm>> -> memref<8x128xi32, #tpu.memory_space<hbm>>
        %dma_start3A_49 = arith.constant 0 : i32
        %dma_start3A_50 = arith.constant 0 : i32
        %dma_start3A_51 = tpu.memref_slice %arg9[%dma_start3A_49, %dma_start3A_50] : memref<16x128xi32, #tpu.memory_space<vmem>> -> memref<8x128xi32, #tpu.memory_space<vmem>>
        %dma_start3A_52 = arith.constant 0 : i32
        %dma_start3A_53 = arith.constant 0 : i32
        %dma_start3A_54 = tpu.memref_slice %arg4[%arg1, %dma_start3A_52, %dma_start3A_53] : memref<16x80x128xi32, #tpu.memory_space<hbm>> -> memref<1x80x128xi32, #tpu.memory_space<hbm>>
        %dma_start3A_55 = tpu.memref_squeeze %dma_start3A_54 : memref<1x80x128xi32, #tpu.memory_space<hbm>> -> memref<80x128xi32, #tpu.memory_space<hbm>>
        %dma_start3A_56 = arith.constant 0 : i32
        %dma_start3A_57 = arith.constant 0 : i32
        %dma_start3A_58 = tpu.memref_slice %dma_start3A_55[%dma_start3A_56, %dma_start3A_57] : memref<80x128xi32, #tpu.memory_space<hbm>> -> memref<8x128xi32, #tpu.memory_space<hbm>>
        tpu.enqueue_dma source(%dma_start3A_58 : memref<8x128xi32, #tpu.memory_space<hbm>>) target(%dma_start3A_51 : memref<8x128xi32, #tpu.memory_space<vmem>>) target_semaphore(%run_scoped3A : memref<!tpu.dma_semaphore, #tpu.memory_space<semaphore_mem>>)
        %dma_wait3A_59 = arith.constant 0 : i32
        %dma_wait3A_60 = arith.constant 0 : i32
        %dma_wait3A_61 = tpu.memref_slice %arg9[%dma_wait3A_59, %dma_wait3A_60] : memref<16x128xi32, #tpu.memory_space<vmem>> -> memref<8x128xi32, #tpu.memory_space<vmem>>
        %dma_wait3A_62 = arith.constant 0 : i32
        %dma_wait3A_63 = arith.constant 0 : i32
        %dma_wait3A_64 = tpu.memref_slice %arg4[%arg1, %dma_wait3A_62, %dma_wait3A_63] : memref<16x80x128xi32, #tpu.memory_space<hbm>> -> memref<1x80x128xi32, #tpu.memory_space<hbm>>
        %dma_wait3A_65 = tpu.memref_squeeze %dma_wait3A_64 : memref<1x80x128xi32, #tpu.memory_space<hbm>> -> memref<80x128xi32, #tpu.memory_space<hbm>>
        %dma_wait3A_66 = arith.constant 0 : i32
        %dma_wait3A_67 = arith.constant 0 : i32
        %dma_wait3A_68 = tpu.memref_slice %dma_wait3A_65[%dma_wait3A_66, %dma_wait3A_67] : memref<80x128xi32, #tpu.memory_space<hbm>> -> memref<8x128xi32, #tpu.memory_space<hbm>>
        %dma_wait3A_69 = arith.constant 0 : i32
        %dma_wait3A_70 = arith.constant 0 : i32
        %dma_wait3A_71 = tpu.memref_slice %arg9[%dma_wait3A_69, %dma_wait3A_70] : memref<16x128xi32, #tpu.memory_space<vmem>> -> memref<8x128xi32, #tpu.memory_space<vmem>>
        %dma_wait3A_72 = arith.constant 0 : i32
        %dma_wait3A_73 = arith.constant 0 : i32
        %dma_wait3A_74 = tpu.memref_slice %arg4[%arg1, %dma_wait3A_72, %dma_wait3A_73] : memref<16x80x128xi32, #tpu.memory_space<hbm>> -> memref<1x80x128xi32, #tpu.memory_space<hbm>>
        %dma_wait3A_75 = tpu.memref_squeeze %dma_wait3A_74 : memref<1x80x128xi32, #tpu.memory_space<hbm>> -> memref<80x128xi32, #tpu.memory_space<hbm>>
        %dma_wait3A_76 = arith.constant 0 : i32
        %dma_wait3A_77 = arith.constant 0 : i32
        %dma_wait3A_78 = tpu.memref_slice %dma_wait3A_75[%dma_wait3A_76, %dma_wait3A_77] : memref<80x128xi32, #tpu.memory_space<hbm>> -> memref<8x128xi32, #tpu.memory_space<hbm>>
        tpu.wait_dma2 semaphore(%run_scoped3A : memref<!tpu.dma_semaphore, #tpu.memory_space<semaphore_mem>>) src(%dma_wait3A_78 : memref<8x128xi32, #tpu.memory_space<hbm>>) dst(%dma_wait3A_71 : memref<8x128xi32, #tpu.memory_space<vmem>>)
        tpu.yield
      }) : () -> ()
      "tpu.region"() ({
        %run_scoped3A = tpu.sem_alloc : memref<!tpu.dma_semaphore, #tpu.memory_space<semaphore_mem>>
        %dma_start3A_39 = arith.constant 0 : i32
        %dma_start3A_40 = arith.constant 0 : i32
        %dma_start3A_41 = tpu.memref_slice %arg10[%dma_start3A_39, %dma_start3A_40] : memref<16x128xi32, #tpu.memory_space<vmem>> -> memref<8x128xi32, #tpu.memory_space<vmem>>
        %dma_start3A_42 = arith.constant 0 : i32
        %dma_start3A_43 = arith.constant 0 : i32
        %dma_start3A_44 = tpu.memref_slice %arg5[%arg1, %dma_start3A_42, %dma_start3A_43] : memref<16x80x128xi32, #tpu.memory_space<hbm>> -> memref<1x80x128xi32, #tpu.memory_space<hbm>>
        %dma_start3A_45 = tpu.memref_squeeze %dma_start3A_44 : memref<1x80x128xi32, #tpu.memory_space<hbm>> -> memref<80x128xi32, #tpu.memory_space<hbm>>
        %dma_start3A_46 = arith.constant 0 : i32
        %dma_start3A_47 = arith.constant 0 : i32
        %dma_start3A_48 = tpu.memref_slice %dma_start3A_45[%dma_start3A_46, %dma_start3A_47] : memref<80x128xi32, #tpu.memory_space<hbm>> -> memref<8x128xi32, #tpu.memory_space<hbm>>
        %dma_start3A_49 = arith.constant 0 : i32
        %dma_start3A_50 = arith.constant 0 : i32
        %dma_start3A_51 = tpu.memref_slice %arg10[%dma_start3A_49, %dma_start3A_50] : memref<16x128xi32, #tpu.memory_space<vmem>> -> memref<8x128xi32, #tpu.memory_space<vmem>>
        %dma_start3A_52 = arith.constant 0 : i32
        %dma_start3A_53 = arith.constant 0 : i32
        %dma_start3A_54 = tpu.memref_slice %arg5[%arg1, %dma_start3A_52, %dma_start3A_53] : memref<16x80x128xi32, #tpu.memory_space<hbm>> -> memref<1x80x128xi32, #tpu.memory_space<hbm>>
        %dma_start3A_55 = tpu.memref_squeeze %dma_start3A_54 : memref<1x80x128xi32, #tpu.memory_space<hbm>> -> memref<80x128xi32, #tpu.memory_space<hbm>>
        %dma_start3A_56 = arith.constant 0 : i32
        %dma_start3A_57 = arith.constant 0 : i32
        %dma_start3A_58 = tpu.memref_slice %dma_start3A_55[%dma_start3A_56, %dma_start3A_57] : memref<80x128xi32, #tpu.memory_space<hbm>> -> memref<8x128xi32, #tpu.memory_space<hbm>>
        tpu.enqueue_dma source(%dma_start3A_58 : memref<8x128xi32, #tpu.memory_space<hbm>>) target(%dma_start3A_51 : memref<8x128xi32, #tpu.memory_space<vmem>>) target_semaphore(%run_scoped3A : memref<!tpu.dma_semaphore, #tpu.memory_space<semaphore_mem>>)
        %dma_wait3A_59 = arith.constant 0 : i32
        %dma_wait3A_60 = arith.constant 0 : i32
        %dma_wait3A_61 = tpu.memref_slice %arg10[%dma_wait3A_59, %dma_wait3A_60] : memref<16x128xi32, #tpu.memory_space<vmem>> -> memref<8x128xi32, #tpu.memory_space<vmem>>
        %dma_wait3A_62 = arith.constant 0 : i32
        %dma_wait3A_63 = arith.constant 0 : i32
        %dma_wait3A_64 = tpu.memref_slice %arg5[%arg1, %dma_wait3A_62, %dma_wait3A_63] : memref<16x80x128xi32, #tpu.memory_space<hbm>> -> memref<1x80x128xi32, #tpu.memory_space<hbm>>
        %dma_wait3A_65 = tpu.memref_squeeze %dma_wait3A_64 : memref<1x80x128xi32, #tpu.memory_space<hbm>> -> memref<80x128xi32, #tpu.memory_space<hbm>>
        %dma_wait3A_66 = arith.constant 0 : i32
        %dma_wait3A_67 = arith.constant 0 : i32
        %dma_wait3A_68 = tpu.memref_slice %dma_wait3A_65[%dma_wait3A_66, %dma_wait3A_67] : memref<80x128xi32, #tpu.memory_space<hbm>> -> memref<8x128xi32, #tpu.memory_space<hbm>>
        %dma_wait3A_69 = arith.constant 0 : i32
        %dma_wait3A_70 = arith.constant 0 : i32
        %dma_wait3A_71 = tpu.memref_slice %arg10[%dma_wait3A_69, %dma_wait3A_70] : memref<16x128xi32, #tpu.memory_space<vmem>> -> memref<8x128xi32, #tpu.memory_space<vmem>>
        %dma_wait3A_72 = arith.constant 0 : i32
        %dma_wait3A_73 = arith.constant 0 : i32
        %dma_wait3A_74 = tpu.memref_slice %arg5[%arg1, %dma_wait3A_72, %dma_wait3A_73] : memref<16x80x128xi32, #tpu.memory_space<hbm>> -> memref<1x80x128xi32, #tpu.memory_space<hbm>>
        %dma_wait3A_75 = tpu.memref_squeeze %dma_wait3A_74 : memref<1x80x128xi32, #tpu.memory_space<hbm>> -> memref<80x128xi32, #tpu.memory_space<hbm>>
        %dma_wait3A_76 = arith.constant 0 : i32
        %dma_wait3A_77 = arith.constant 0 : i32
        %dma_wait3A_78 = tpu.memref_slice %dma_wait3A_75[%dma_wait3A_76, %dma_wait3A_77] : memref<80x128xi32, #tpu.memory_space<hbm>> -> memref<8x128xi32, #tpu.memory_space<hbm>>
        tpu.wait_dma2 semaphore(%run_scoped3A : memref<!tpu.dma_semaphore, #tpu.memory_space<semaphore_mem>>) src(%dma_wait3A_78 : memref<8x128xi32, #tpu.memory_space<hbm>>) dst(%dma_wait3A_71 : memref<8x128xi32, #tpu.memory_space<vmem>>)
        tpu.yield
      }) : () -> ()
      %dma_start3A = arith.constant 0 : i32
      %dma_start3A_10 = arith.constant 0 : i32
      %dma_start3A_11 = tpu.memref_slice %arg9[%dma_start3A, %dma_start3A_10] : memref<16x128xi32, #tpu.memory_space<vmem>> -> memref<1x128xi32, #tpu.memory_space<vmem>>
      %dma_start3A_12 = tpu.memref_squeeze %dma_start3A_11 : memref<1x128xi32, #tpu.memory_space<vmem>> -> memref<128xi32, #tpu.memory_space<vmem>>
      %dma_start3A_13 = arith.constant 0 : i32
      %dma_start3A_14 = arith.constant 0 : i32
      %dma_start3A_15 = tpu.memref_slice %arg2[%dma_start3A_13, %dma_start3A_14] : memref<10240x128xf32, #tpu.memory_space<hbm>> -> memref<10240x128xf32, #tpu.memory_space<hbm>>
      tpu.enqueue_indirect_dma source(%dma_start3A_15 : memref<10240x128xf32, #tpu.memory_space<hbm>>) target(%arg11 : memref<128x128xf32, #tpu.memory_space<vmem>>) offsets(%dma_start3A_12 : memref<128xi32, #tpu.memory_space<vmem>>) semaphore(%arg13 : memref<!tpu.dma_semaphore, #tpu.memory_space<semaphore_mem>>)
      %scan3A = arith.constant 0 : i32
      %scan3A_16 = arith.constant 0 : i32
      %scan3A_17 = arith.constant 10 : i32
      %scan3A_18 = arith.addi %scan3A_16, %scan3A_17 : i32
      %scan3A_19 = arith.constant 1 : i32
      scf.for %scan3A_39 = %scan3A_16 to %scan3A_18 step %scan3A_19  : i32 {
        %jit3A = arith.constant 2 : i32
        %eq3A_40 = arith.constant 0 : i32
        %eq3A_41 = arith.cmpi eq, %jit3A, %eq3A_40 : i32
        %jit3A_42 = arith.constant 1 : i32
        %select_n3A = arith.select %eq3A_41, %jit3A_42, %jit3A : i32
        %rem3A = arith.remsi %scan3A_39, %select_n3A : i32
        %ne3A = arith.constant 0 : i32
        %ne3A_43 = arith.cmpi ne, %rem3A, %ne3A : i32
        %lt3A = arith.constant 0 : i32
        %lt3A_44 = arith.cmpi slt, %rem3A, %lt3A : i32
        %lt3A_45 = arith.constant 0 : i32
        %lt3A_46 = arith.cmpi slt, %select_n3A, %lt3A_45 : i32
        %ne3A_47 = arith.xori %lt3A_44, %lt3A_46 : i1
        %and3A = arith.andi %ne3A_47, %ne3A_43 : i1
        %add3A = arith.addi %rem3A, %select_n3A : i32
        %select_n3A_48 = arith.select %and3A, %add3A, %rem3A : i32
        %mul3A_49 = arith.constant 8 : i32
        %mul3A_50 = arith.muli %select_n3A_48, %mul3A_49 : i32
        %sub3A = arith.constant 8 : i32
        %sub3A_51 = arith.subi %sub3A, %mul3A_50 : i32
        %add3A_52 = arith.constant 1 : i32
        %add3A_53 = arith.addi %scan3A_39, %add3A_52 : i32
        %lt3A_54 = arith.constant 10 : i32
        %lt3A_55 = arith.cmpi slt, %add3A_53, %lt3A_54 : i32
        %convert_element_type3A_56 = arith.extui %lt3A_55 : i1 to i32
        %cond3A_57 = arith.constant 0 : i32
        %cond3A_58 = arith.cmpi ne, %convert_element_type3A_56, %cond3A_57 : i32
        scf.if %cond3A_58 {
          %add3A_308 = arith.constant 1 : i32
          %add3A_309 = arith.addi %scan3A_39, %add3A_308 : i32
          %mul3A_310 = arith.constant 8 : i32
          %mul3A_311 = arith.muli %add3A_309, %mul3A_310 : i32
          %dma_start3A_312 = arith.constant 0 : i32
          %dma_start3A_313 = tpu.memref_slice %arg9[%sub3A_51, %dma_start3A_312] : memref<16x128xi32, #tpu.memory_space<vmem>> -> memref<8x128xi32, #tpu.memory_space<vmem>>
          %dma_start3A_314 = arith.constant 0 : i32
          %dma_start3A_315 = arith.constant 0 : i32
          %dma_start3A_316 = tpu.memref_slice %arg4[%arg1, %dma_start3A_314, %dma_start3A_315] : memref<16x80x128xi32, #tpu.memory_space<hbm>> -> memref<1x80x128xi32, #tpu.memory_space<hbm>>
          %dma_start3A_317 = tpu.memref_squeeze %dma_start3A_316 : memref<1x80x128xi32, #tpu.memory_space<hbm>> -> memref<80x128xi32, #tpu.memory_space<hbm>>
          %dma_start3A_318 = arith.constant 0 : i32
          %dma_start3A_319 = tpu.memref_slice %dma_start3A_317[%mul3A_311, %dma_start3A_318] : memref<80x128xi32, #tpu.memory_space<hbm>> -> memref<8x128xi32, #tpu.memory_space<hbm>>
          %dma_start3A_320 = arith.constant 0 : i32
          %dma_start3A_321 = tpu.memref_slice %arg9[%sub3A_51, %dma_start3A_320] : memref<16x128xi32, #tpu.memory_space<vmem>> -> memref<8x128xi32, #tpu.memory_space<vmem>>
          %dma_start3A_322 = arith.constant 0 : i32
          %dma_start3A_323 = arith.constant 0 : i32
          %dma_start3A_324 = tpu.memref_slice %arg4[%arg1, %dma_start3A_322, %dma_start3A_323] : memref<16x80x128xi32, #tpu.memory_space<hbm>> -> memref<1x80x128xi32, #tpu.memory_space<hbm>>
          %dma_start3A_325 = tpu.memref_squeeze %dma_start3A_324 : memref<1x80x128xi32, #tpu.memory_space<hbm>> -> memref<80x128xi32, #tpu.memory_space<hbm>>
          %dma_start3A_326 = arith.constant 0 : i32
          %dma_start3A_327 = tpu.memref_slice %dma_start3A_325[%mul3A_311, %dma_start3A_326] : memref<80x128xi32, #tpu.memory_space<hbm>> -> memref<8x128xi32, #tpu.memory_space<hbm>>
          tpu.enqueue_dma source(%dma_start3A_327 : memref<8x128xi32, #tpu.memory_space<hbm>>) target(%dma_start3A_321 : memref<8x128xi32, #tpu.memory_space<vmem>>) target_semaphore(%arg17 : memref<!tpu.dma_semaphore, #tpu.memory_space<semaphore_mem>>)
          %add3A_328 = arith.constant 1 : i32
          %add3A_329 = arith.addi %scan3A_39, %add3A_328 : i32
          %mul3A_330 = arith.constant 8 : i32
          %mul3A_331 = arith.muli %add3A_329, %mul3A_330 : i32
          %dma_start3A_332 = arith.constant 0 : i32
          %dma_start3A_333 = tpu.memref_slice %arg10[%sub3A_51, %dma_start3A_332] : memref<16x128xi32, #tpu.memory_space<vmem>> -> memref<8x128xi32, #tpu.memory_space<vmem>>
          %dma_start3A_334 = arith.constant 0 : i32
          %dma_start3A_335 = arith.constant 0 : i32
          %dma_start3A_336 = tpu.memref_slice %arg5[%arg1, %dma_start3A_334, %dma_start3A_335] : memref<16x80x128xi32, #tpu.memory_space<hbm>> -> memref<1x80x128xi32, #tpu.memory_space<hbm>>
          %dma_start3A_337 = tpu.memref_squeeze %dma_start3A_336 : memref<1x80x128xi32, #tpu.memory_space<hbm>> -> memref<80x128xi32, #tpu.memory_space<hbm>>
          %dma_start3A_338 = arith.constant 0 : i32
          %dma_start3A_339 = tpu.memref_slice %dma_start3A_337[%mul3A_331, %dma_start3A_338] : memref<80x128xi32, #tpu.memory_space<hbm>> -> memref<8x128xi32, #tpu.memory_space<hbm>>
          %dma_start3A_340 = arith.constant 0 : i32
          %dma_start3A_341 = tpu.memref_slice %arg10[%sub3A_51, %dma_start3A_340] : memref<16x128xi32, #tpu.memory_space<vmem>> -> memref<8x128xi32, #tpu.memory_space<vmem>>
          %dma_start3A_342 = arith.constant 0 : i32
          %dma_start3A_343 = arith.constant 0 : i32
          %dma_start3A_344 = tpu.memref_slice %arg5[%arg1, %dma_start3A_342, %dma_start3A_343] : memref<16x80x128xi32, #tpu.memory_space<hbm>> -> memref<1x80x128xi32, #tpu.memory_space<hbm>>
          %dma_start3A_345 = tpu.memref_squeeze %dma_start3A_344 : memref<1x80x128xi32, #tpu.memory_space<hbm>> -> memref<80x128xi32, #tpu.memory_space<hbm>>
          %dma_start3A_346 = arith.constant 0 : i32
          %dma_start3A_347 = tpu.memref_slice %dma_start3A_345[%mul3A_331, %dma_start3A_346] : memref<80x128xi32, #tpu.memory_space<hbm>> -> memref<8x128xi32, #tpu.memory_space<hbm>>
          tpu.enqueue_dma source(%dma_start3A_347 : memref<8x128xi32, #tpu.memory_space<hbm>>) target(%dma_start3A_341 : memref<8x128xi32, #tpu.memory_space<vmem>>) target_semaphore(%arg18 : memref<!tpu.dma_semaphore, #tpu.memory_space<semaphore_mem>>)
        } else {
        }
        %gt3A = arith.constant 0 : i32
        %gt3A_59 = arith.cmpi sgt, %scan3A_39, %gt3A : i32
        %convert_element_type3A_60 = arith.extui %gt3A_59 : i1 to i32
        %cond3A_61 = arith.constant 0 : i32
        %cond3A_62 = arith.cmpi ne, %convert_element_type3A_60, %cond3A_61 : i32
        scf.if %cond3A_62 {
          %dma_wait3A_308 = arith.constant 0 : i32
          %dma_wait3A_309 = arith.constant 0 : i32
          %dma_wait3A_310 = tpu.memref_slice %arg10[%dma_wait3A_308, %dma_wait3A_309] : memref<16x128xi32, #tpu.memory_space<vmem>> -> memref<1x128xi32, #tpu.memory_space<vmem>>
          %dma_wait3A_311 = tpu.memref_squeeze %dma_wait3A_310 : memref<1x128xi32, #tpu.memory_space<vmem>> -> memref<128xi32, #tpu.memory_space<vmem>>
          %dma_wait3A_312 = arith.constant 0 : i32
          %dma_wait3A_313 = arith.constant 0 : i32
          %dma_wait3A_314 = tpu.memref_slice %arg8[%dma_wait3A_312, %dma_wait3A_313] : memref<10240x128xf32, #tpu.memory_space<vmem_shared>> -> memref<10240x128xf32, #tpu.memory_space<vmem_shared>>
          tpu.wait_indirect_dma semaphore(%arg16 : memref<!tpu.dma_semaphore, #tpu.memory_space<semaphore_mem>>) src(%arg12 : memref<128x128xf32, #tpu.memory_space<vmem>>) dst(%dma_wait3A_314 : memref<10240x128xf32, #tpu.memory_space<vmem_shared>>)
        } else {
        }
        %add3A_63 = arith.constant 1 : i32
        %add3A_64 = arith.addi %mul3A_50, %add3A_63 : i32
        %dma_start3A_65 = arith.constant 0 : i32
        %dma_start3A_66 = tpu.memref_slice %arg9[%add3A_64, %dma_start3A_65] : memref<16x128xi32, #tpu.memory_space<vmem>> -> memref<1x128xi32, #tpu.memory_space<vmem>>
        %dma_start3A_67 = tpu.memref_squeeze %dma_start3A_66 : memref<1x128xi32, #tpu.memory_space<vmem>> -> memref<128xi32, #tpu.memory_space<vmem>>
        %dma_start3A_68 = arith.constant 0 : i32
        %dma_start3A_69 = arith.constant 0 : i32
        %dma_start3A_70 = tpu.memref_slice %arg2[%dma_start3A_68, %dma_start3A_69] : memref<10240x128xf32, #tpu.memory_space<hbm>> -> memref<10240x128xf32, #tpu.memory_space<hbm>>
        tpu.enqueue_indirect_dma source(%dma_start3A_70 : memref<10240x128xf32, #tpu.memory_space<hbm>>) target(%arg12 : memref<128x128xf32, #tpu.memory_space<vmem>>) offsets(%dma_start3A_67 : memref<128xi32, #tpu.memory_space<vmem>>) semaphore(%arg14 : memref<!tpu.dma_semaphore, #tpu.memory_space<semaphore_mem>>)
        %add3A_71 = arith.constant 0 : i32
        %add3A_72 = arith.addi %mul3A_50, %add3A_71 : i32
        %dma_wait3A_73 = arith.constant 0 : i32
        %dma_wait3A_74 = tpu.memref_slice %arg9[%add3A_72, %dma_wait3A_73] : memref<16x128xi32, #tpu.memory_space<vmem>> -> memref<1x128xi32, #tpu.memory_space<vmem>>
        %dma_wait3A_75 = tpu.memref_squeeze %dma_wait3A_74 : memref<1x128xi32, #tpu.memory_space<vmem>> -> memref<128xi32, #tpu.memory_space<vmem>>
        %dma_wait3A_76 = arith.constant 0 : i32
        %dma_wait3A_77 = arith.constant 0 : i32
        %dma_wait3A_78 = tpu.memref_slice %arg2[%dma_wait3A_76, %dma_wait3A_77] : memref<10240x128xf32, #tpu.memory_space<hbm>> -> memref<10240x128xf32, #tpu.memory_space<hbm>>
        tpu.wait_indirect_dma semaphore(%arg13 : memref<!tpu.dma_semaphore, #tpu.memory_space<semaphore_mem>>) src(%dma_wait3A_78 : memref<10240x128xf32, #tpu.memory_space<hbm>>) dst(%arg11 : memref<128x128xf32, #tpu.memory_space<vmem>>)
        %add3A_79 = arith.constant 0 : i32
        %add3A_80 = arith.addi %mul3A_50, %add3A_79 : i32
        %dma_start3A_81 = arith.constant 0 : i32
        %dma_start3A_82 = tpu.memref_slice %arg10[%add3A_80, %dma_start3A_81] : memref<16x128xi32, #tpu.memory_space<vmem>> -> memref<1x128xi32, #tpu.memory_space<vmem>>
        %dma_start3A_83 = tpu.memref_squeeze %dma_start3A_82 : memref<1x128xi32, #tpu.memory_space<vmem>> -> memref<128xi32, #tpu.memory_space<vmem>>
        %dma_start3A_84 = arith.constant 0 : i32
        %dma_start3A_85 = arith.constant 0 : i32
        %dma_start3A_86 = tpu.memref_slice %arg8[%dma_start3A_84, %dma_start3A_85] : memref<10240x128xf32, #tpu.memory_space<vmem_shared>> -> memref<10240x128xf32, #tpu.memory_space<vmem_shared>>
        tpu.enqueue_indirect_dma source(%arg11 : memref<128x128xf32, #tpu.memory_space<vmem>>) target(%dma_start3A_86 : memref<10240x128xf32, #tpu.memory_space<vmem_shared>>) offsets(%dma_start3A_83 : memref<128xi32, #tpu.memory_space<vmem>>) semaphore(%arg15 : memref<!tpu.dma_semaphore, #tpu.memory_space<semaphore_mem>>) {add = true}
        %dma_wait3A_87 = arith.constant 0 : i32
        %dma_wait3A_88 = arith.constant 0 : i32
        %dma_wait3A_89 = tpu.memref_slice %arg10[%dma_wait3A_87, %dma_wait3A_88] : memref<16x128xi32, #tpu.memory_space<vmem>> -> memref<1x128xi32, #tpu.memory_space<vmem>>
        %dma_wait3A_90 = tpu.memref_squeeze %dma_wait3A_89 : memref<1x128xi32, #tpu.memory_space<vmem>> -> memref<128xi32, #tpu.memory_space<vmem>>
        %dma_wait3A_91 = arith.constant 0 : i32
        %dma_wait3A_92 = arith.constant 0 : i32
        %dma_wait3A_93 = tpu.memref_slice %arg8[%dma_wait3A_91, %dma_wait3A_92] : memref<10240x128xf32, #tpu.memory_space<vmem_shared>> -> memref<10240x128xf32, #tpu.memory_space<vmem_shared>>
        tpu.wait_indirect_dma semaphore(%arg15 : memref<!tpu.dma_semaphore, #tpu.memory_space<semaphore_mem>>) src(%arg11 : memref<128x128xf32, #tpu.memory_space<vmem>>) dst(%dma_wait3A_93 : memref<10240x128xf32, #tpu.memory_space<vmem_shared>>)
        %add3A_94 = arith.constant 1 : i32
        %add3A_95 = arith.addi %mul3A_50, %add3A_94 : i32
        %add3A_96 = arith.constant 1 : i32
        %add3A_97 = arith.addi %add3A_95, %add3A_96 : i32
        %dma_start3A_98 = arith.constant 0 : i32
        %dma_start3A_99 = tpu.memref_slice %arg9[%add3A_97, %dma_start3A_98] : memref<16x128xi32, #tpu.memory_space<vmem>> -> memref<1x128xi32, #tpu.memory_space<vmem>>
        %dma_start3A_100 = tpu.memref_squeeze %dma_start3A_99 : memref<1x128xi32, #tpu.memory_space<vmem>> -> memref<128xi32, #tpu.memory_space<vmem>>
        %dma_start3A_101 = arith.constant 0 : i32
        %dma_start3A_102 = arith.constant 0 : i32
        %dma_start3A_103 = tpu.memref_slice %arg2[%dma_start3A_101, %dma_start3A_102] : memref<10240x128xf32, #tpu.memory_space<hbm>> -> memref<10240x128xf32, #tpu.memory_space<hbm>>
        tpu.enqueue_indirect_dma source(%dma_start3A_103 : memref<10240x128xf32, #tpu.memory_space<hbm>>) target(%arg11 : memref<128x128xf32, #tpu.memory_space<vmem>>) offsets(%dma_start3A_100 : memref<128xi32, #tpu.memory_space<vmem>>) semaphore(%arg13 : memref<!tpu.dma_semaphore, #tpu.memory_space<semaphore_mem>>)
        %add3A_104 = arith.constant 1 : i32
        %add3A_105 = arith.addi %mul3A_50, %add3A_104 : i32
        %dma_wait3A_106 = arith.constant 0 : i32
        %dma_wait3A_107 = tpu.memref_slice %arg9[%add3A_105, %dma_wait3A_106] : memref<16x128xi32, #tpu.memory_space<vmem>> -> memref<1x128xi32, #tpu.memory_space<vmem>>
        %dma_wait3A_108 = tpu.memref_squeeze %dma_wait3A_107 : memref<1x128xi32, #tpu.memory_space<vmem>> -> memref<128xi32, #tpu.memory_space<vmem>>
        %dma_wait3A_109 = arith.constant 0 : i32
        %dma_wait3A_110 = arith.constant 0 : i32
        %dma_wait3A_111 = tpu.memref_slice %arg2[%dma_wait3A_109, %dma_wait3A_110] : memref<10240x128xf32, #tpu.memory_space<hbm>> -> memref<10240x128xf32, #tpu.memory_space<hbm>>
        tpu.wait_indirect_dma semaphore(%arg14 : memref<!tpu.dma_semaphore, #tpu.memory_space<semaphore_mem>>) src(%dma_wait3A_111 : memref<10240x128xf32, #tpu.memory_space<hbm>>) dst(%arg12 : memref<128x128xf32, #tpu.memory_space<vmem>>)
        %add3A_112 = arith.constant 1 : i32
        %add3A_113 = arith.addi %mul3A_50, %add3A_112 : i32
        %dma_start3A_114 = arith.constant 0 : i32
        %dma_start3A_115 = tpu.memref_slice %arg10[%add3A_113, %dma_start3A_114] : memref<16x128xi32, #tpu.memory_space<vmem>> -> memref<1x128xi32, #tpu.memory_space<vmem>>
        %dma_start3A_116 = tpu.memref_squeeze %dma_start3A_115 : memref<1x128xi32, #tpu.memory_space<vmem>> -> memref<128xi32, #tpu.memory_space<vmem>>
        %dma_start3A_117 = arith.constant 0 : i32
        %dma_start3A_118 = arith.constant 0 : i32
        %dma_start3A_119 = tpu.memref_slice %arg8[%dma_start3A_117, %dma_start3A_118] : memref<10240x128xf32, #tpu.memory_space<vmem_shared>> -> memref<10240x128xf32, #tpu.memory_space<vmem_shared>>
        tpu.enqueue_indirect_dma source(%arg12 : memref<128x128xf32, #tpu.memory_space<vmem>>) target(%dma_start3A_119 : memref<10240x128xf32, #tpu.memory_space<vmem_shared>>) offsets(%dma_start3A_116 : memref<128xi32, #tpu.memory_space<vmem>>) semaphore(%arg16 : memref<!tpu.dma_semaphore, #tpu.memory_space<semaphore_mem>>) {add = true}
        %dma_wait3A_120 = arith.constant 0 : i32
        %dma_wait3A_121 = arith.constant 0 : i32
        %dma_wait3A_122 = tpu.memref_slice %arg10[%dma_wait3A_120, %dma_wait3A_121] : memref<16x128xi32, #tpu.memory_space<vmem>> -> memref<1x128xi32, #tpu.memory_space<vmem>>
        %dma_wait3A_123 = tpu.memref_squeeze %dma_wait3A_122 : memref<1x128xi32, #tpu.memory_space<vmem>> -> memref<128xi32, #tpu.memory_space<vmem>>
        %dma_wait3A_124 = arith.constant 0 : i32
        %dma_wait3A_125 = arith.constant 0 : i32
        %dma_wait3A_126 = tpu.memref_slice %arg8[%dma_wait3A_124, %dma_wait3A_125] : memref<10240x128xf32, #tpu.memory_space<vmem_shared>> -> memref<10240x128xf32, #tpu.memory_space<vmem_shared>>
        tpu.wait_indirect_dma semaphore(%arg16 : memref<!tpu.dma_semaphore, #tpu.memory_space<semaphore_mem>>) src(%arg12 : memref<128x128xf32, #tpu.memory_space<vmem>>) dst(%dma_wait3A_126 : memref<10240x128xf32, #tpu.memory_space<vmem_shared>>)
        %add3A_127 = arith.constant 2 : i32
        %add3A_128 = arith.addi %mul3A_50, %add3A_127 : i32
        %add3A_129 = arith.constant 1 : i32
        %add3A_130 = arith.addi %add3A_128, %add3A_129 : i32
        %dma_start3A_131 = arith.constant 0 : i32
        %dma_start3A_132 = tpu.memref_slice %arg9[%add3A_130, %dma_start3A_131] : memref<16x128xi32, #tpu.memory_space<vmem>> -> memref<1x128xi32, #tpu.memory_space<vmem>>
        %dma_start3A_133 = tpu.memref_squeeze %dma_start3A_132 : memref<1x128xi32, #tpu.memory_space<vmem>> -> memref<128xi32, #tpu.memory_space<vmem>>
        %dma_start3A_134 = arith.constant 0 : i32
        %dma_start3A_135 = arith.constant 0 : i32
        %dma_start3A_136 = tpu.memref_slice %arg2[%dma_start3A_134, %dma_start3A_135] : memref<10240x128xf32, #tpu.memory_space<hbm>> -> memref<10240x128xf32, #tpu.memory_space<hbm>>
        tpu.enqueue_indirect_dma source(%dma_start3A_136 : memref<10240x128xf32, #tpu.memory_space<hbm>>) target(%arg12 : memref<128x128xf32, #tpu.memory_space<vmem>>) offsets(%dma_start3A_133 : memref<128xi32, #tpu.memory_space<vmem>>) semaphore(%arg14 : memref<!tpu.dma_semaphore, #tpu.memory_space<semaphore_mem>>)
        %add3A_137 = arith.constant 2 : i32
        %add3A_138 = arith.addi %mul3A_50, %add3A_137 : i32
        %dma_wait3A_139 = arith.constant 0 : i32
        %dma_wait3A_140 = tpu.memref_slice %arg9[%add3A_138, %dma_wait3A_139] : memref<16x128xi32, #tpu.memory_space<vmem>> -> memref<1x128xi32, #tpu.memory_space<vmem>>
        %dma_wait3A_141 = tpu.memref_squeeze %dma_wait3A_140 : memref<1x128xi32, #tpu.memory_space<vmem>> -> memref<128xi32, #tpu.memory_space<vmem>>
        %dma_wait3A_142 = arith.constant 0 : i32
        %dma_wait3A_143 = arith.constant 0 : i32
        %dma_wait3A_144 = tpu.memref_slice %arg2[%dma_wait3A_142, %dma_wait3A_143] : memref<10240x128xf32, #tpu.memory_space<hbm>> -> memref<10240x128xf32, #tpu.memory_space<hbm>>
        tpu.wait_indirect_dma semaphore(%arg13 : memref<!tpu.dma_semaphore, #tpu.memory_space<semaphore_mem>>) src(%dma_wait3A_144 : memref<10240x128xf32, #tpu.memory_space<hbm>>) dst(%arg11 : memref<128x128xf32, #tpu.memory_space<vmem>>)
        %add3A_145 = arith.constant 2 : i32
        %add3A_146 = arith.addi %mul3A_50, %add3A_145 : i32
        %dma_start3A_147 = arith.constant 0 : i32
        %dma_start3A_148 = tpu.memref_slice %arg10[%add3A_146, %dma_start3A_147] : memref<16x128xi32, #tpu.memory_space<vmem>> -> memref<1x128xi32, #tpu.memory_space<vmem>>
        %dma_start3A_149 = tpu.memref_squeeze %dma_start3A_148 : memref<1x128xi32, #tpu.memory_space<vmem>> -> memref<128xi32, #tpu.memory_space<vmem>>
        %dma_start3A_150 = arith.constant 0 : i32
        %dma_start3A_151 = arith.constant 0 : i32
        %dma_start3A_152 = tpu.memref_slice %arg8[%dma_start3A_150, %dma_start3A_151] : memref<10240x128xf32, #tpu.memory_space<vmem_shared>> -> memref<10240x128xf32, #tpu.memory_space<vmem_shared>>
        tpu.enqueue_indirect_dma source(%arg11 : memref<128x128xf32, #tpu.memory_space<vmem>>) target(%dma_start3A_152 : memref<10240x128xf32, #tpu.memory_space<vmem_shared>>) offsets(%dma_start3A_149 : memref<128xi32, #tpu.memory_space<vmem>>) semaphore(%arg15 : memref<!tpu.dma_semaphore, #tpu.memory_space<semaphore_mem>>) {add = true}
        %dma_wait3A_153 = arith.constant 0 : i32
        %dma_wait3A_154 = arith.constant 0 : i32
        %dma_wait3A_155 = tpu.memref_slice %arg10[%dma_wait3A_153, %dma_wait3A_154] : memref<16x128xi32, #tpu.memory_space<vmem>> -> memref<1x128xi32, #tpu.memory_space<vmem>>
        %dma_wait3A_156 = tpu.memref_squeeze %dma_wait3A_155 : memref<1x128xi32, #tpu.memory_space<vmem>> -> memref<128xi32, #tpu.memory_space<vmem>>
        %dma_wait3A_157 = arith.constant 0 : i32
        %dma_wait3A_158 = arith.constant 0 : i32
        %dma_wait3A_159 = tpu.memref_slice %arg8[%dma_wait3A_157, %dma_wait3A_158] : memref<10240x128xf32, #tpu.memory_space<vmem_shared>> -> memref<10240x128xf32, #tpu.memory_space<vmem_shared>>
        tpu.wait_indirect_dma semaphore(%arg15 : memref<!tpu.dma_semaphore, #tpu.memory_space<semaphore_mem>>) src(%arg11 : memref<128x128xf32, #tpu.memory_space<vmem>>) dst(%dma_wait3A_159 : memref<10240x128xf32, #tpu.memory_space<vmem_shared>>)
        %add3A_160 = arith.constant 3 : i32
        %add3A_161 = arith.addi %mul3A_50, %add3A_160 : i32
        %add3A_162 = arith.constant 1 : i32
        %add3A_163 = arith.addi %add3A_161, %add3A_162 : i32
        %dma_start3A_164 = arith.constant 0 : i32
        %dma_start3A_165 = tpu.memref_slice %arg9[%add3A_163, %dma_start3A_164] : memref<16x128xi32, #tpu.memory_space<vmem>> -> memref<1x128xi32, #tpu.memory_space<vmem>>
        %dma_start3A_166 = tpu.memref_squeeze %dma_start3A_165 : memref<1x128xi32, #tpu.memory_space<vmem>> -> memref<128xi32, #tpu.memory_space<vmem>>
        %dma_start3A_167 = arith.constant 0 : i32
        %dma_start3A_168 = arith.constant 0 : i32
        %dma_start3A_169 = tpu.memref_slice %arg2[%dma_start3A_167, %dma_start3A_168] : memref<10240x128xf32, #tpu.memory_space<hbm>> -> memref<10240x128xf32, #tpu.memory_space<hbm>>
        tpu.enqueue_indirect_dma source(%dma_start3A_169 : memref<10240x128xf32, #tpu.memory_space<hbm>>) target(%arg11 : memref<128x128xf32, #tpu.memory_space<vmem>>) offsets(%dma_start3A_166 : memref<128xi32, #tpu.memory_space<vmem>>) semaphore(%arg13 : memref<!tpu.dma_semaphore, #tpu.memory_space<semaphore_mem>>)
        %add3A_170 = arith.constant 3 : i32
        %add3A_171 = arith.addi %mul3A_50, %add3A_170 : i32
        %dma_wait3A_172 = arith.constant 0 : i32
        %dma_wait3A_173 = tpu.memref_slice %arg9[%add3A_171, %dma_wait3A_172] : memref<16x128xi32, #tpu.memory_space<vmem>> -> memref<1x128xi32, #tpu.memory_space<vmem>>
        %dma_wait3A_174 = tpu.memref_squeeze %dma_wait3A_173 : memref<1x128xi32, #tpu.memory_space<vmem>> -> memref<128xi32, #tpu.memory_space<vmem>>
        %dma_wait3A_175 = arith.constant 0 : i32
        %dma_wait3A_176 = arith.constant 0 : i32
        %dma_wait3A_177 = tpu.memref_slice %arg2[%dma_wait3A_175, %dma_wait3A_176] : memref<10240x128xf32, #tpu.memory_space<hbm>> -> memref<10240x128xf32, #tpu.memory_space<hbm>>
        tpu.wait_indirect_dma semaphore(%arg14 : memref<!tpu.dma_semaphore, #tpu.memory_space<semaphore_mem>>) src(%dma_wait3A_177 : memref<10240x128xf32, #tpu.memory_space<hbm>>) dst(%arg12 : memref<128x128xf32, #tpu.memory_space<vmem>>)
        %add3A_178 = arith.constant 3 : i32
        %add3A_179 = arith.addi %mul3A_50, %add3A_178 : i32
        %dma_start3A_180 = arith.constant 0 : i32
        %dma_start3A_181 = tpu.memref_slice %arg10[%add3A_179, %dma_start3A_180] : memref<16x128xi32, #tpu.memory_space<vmem>> -> memref<1x128xi32, #tpu.memory_space<vmem>>
        %dma_start3A_182 = tpu.memref_squeeze %dma_start3A_181 : memref<1x128xi32, #tpu.memory_space<vmem>> -> memref<128xi32, #tpu.memory_space<vmem>>
        %dma_start3A_183 = arith.constant 0 : i32
        %dma_start3A_184 = arith.constant 0 : i32
        %dma_start3A_185 = tpu.memref_slice %arg8[%dma_start3A_183, %dma_start3A_184] : memref<10240x128xf32, #tpu.memory_space<vmem_shared>> -> memref<10240x128xf32, #tpu.memory_space<vmem_shared>>
        tpu.enqueue_indirect_dma source(%arg12 : memref<128x128xf32, #tpu.memory_space<vmem>>) target(%dma_start3A_185 : memref<10240x128xf32, #tpu.memory_space<vmem_shared>>) offsets(%dma_start3A_182 : memref<128xi32, #tpu.memory_space<vmem>>) semaphore(%arg16 : memref<!tpu.dma_semaphore, #tpu.memory_space<semaphore_mem>>) {add = true}
        %dma_wait3A_186 = arith.constant 0 : i32
        %dma_wait3A_187 = arith.constant 0 : i32
        %dma_wait3A_188 = tpu.memref_slice %arg10[%dma_wait3A_186, %dma_wait3A_187] : memref<16x128xi32, #tpu.memory_space<vmem>> -> memref<1x128xi32, #tpu.memory_space<vmem>>
        %dma_wait3A_189 = tpu.memref_squeeze %dma_wait3A_188 : memref<1x128xi32, #tpu.memory_space<vmem>> -> memref<128xi32, #tpu.memory_space<vmem>>
        %dma_wait3A_190 = arith.constant 0 : i32
        %dma_wait3A_191 = arith.constant 0 : i32
        %dma_wait3A_192 = tpu.memref_slice %arg8[%dma_wait3A_190, %dma_wait3A_191] : memref<10240x128xf32, #tpu.memory_space<vmem_shared>> -> memref<10240x128xf32, #tpu.memory_space<vmem_shared>>
        tpu.wait_indirect_dma semaphore(%arg16 : memref<!tpu.dma_semaphore, #tpu.memory_space<semaphore_mem>>) src(%arg12 : memref<128x128xf32, #tpu.memory_space<vmem>>) dst(%dma_wait3A_192 : memref<10240x128xf32, #tpu.memory_space<vmem_shared>>)
        %add3A_193 = arith.constant 4 : i32
        %add3A_194 = arith.addi %mul3A_50, %add3A_193 : i32
        %add3A_195 = arith.constant 1 : i32
        %add3A_196 = arith.addi %add3A_194, %add3A_195 : i32
        %dma_start3A_197 = arith.constant 0 : i32
        %dma_start3A_198 = tpu.memref_slice %arg9[%add3A_196, %dma_start3A_197] : memref<16x128xi32, #tpu.memory_space<vmem>> -> memref<1x128xi32, #tpu.memory_space<vmem>>
        %dma_start3A_199 = tpu.memref_squeeze %dma_start3A_198 : memref<1x128xi32, #tpu.memory_space<vmem>> -> memref<128xi32, #tpu.memory_space<vmem>>
        %dma_start3A_200 = arith.constant 0 : i32
        %dma_start3A_201 = arith.constant 0 : i32
        %dma_start3A_202 = tpu.memref_slice %arg2[%dma_start3A_200, %dma_start3A_201] : memref<10240x128xf32, #tpu.memory_space<hbm>> -> memref<10240x128xf32, #tpu.memory_space<hbm>>
        tpu.enqueue_indirect_dma source(%dma_start3A_202 : memref<10240x128xf32, #tpu.memory_space<hbm>>) target(%arg12 : memref<128x128xf32, #tpu.memory_space<vmem>>) offsets(%dma_start3A_199 : memref<128xi32, #tpu.memory_space<vmem>>) semaphore(%arg14 : memref<!tpu.dma_semaphore, #tpu.memory_space<semaphore_mem>>)
        %add3A_203 = arith.constant 4 : i32
        %add3A_204 = arith.addi %mul3A_50, %add3A_203 : i32
        %dma_wait3A_205 = arith.constant 0 : i32
        %dma_wait3A_206 = tpu.memref_slice %arg9[%add3A_204, %dma_wait3A_205] : memref<16x128xi32, #tpu.memory_space<vmem>> -> memref<1x128xi32, #tpu.memory_space<vmem>>
        %dma_wait3A_207 = tpu.memref_squeeze %dma_wait3A_206 : memref<1x128xi32, #tpu.memory_space<vmem>> -> memref<128xi32, #tpu.memory_space<vmem>>
        %dma_wait3A_208 = arith.constant 0 : i32
        %dma_wait3A_209 = arith.constant 0 : i32
        %dma_wait3A_210 = tpu.memref_slice %arg2[%dma_wait3A_208, %dma_wait3A_209] : memref<10240x128xf32, #tpu.memory_space<hbm>> -> memref<10240x128xf32, #tpu.memory_space<hbm>>
        tpu.wait_indirect_dma semaphore(%arg13 : memref<!tpu.dma_semaphore, #tpu.memory_space<semaphore_mem>>) src(%dma_wait3A_210 : memref<10240x128xf32, #tpu.memory_space<hbm>>) dst(%arg11 : memref<128x128xf32, #tpu.memory_space<vmem>>)
        %add3A_211 = arith.constant 4 : i32
        %add3A_212 = arith.addi %mul3A_50, %add3A_211 : i32
        %dma_start3A_213 = arith.constant 0 : i32
        %dma_start3A_214 = tpu.memref_slice %arg10[%add3A_212, %dma_start3A_213] : memref<16x128xi32, #tpu.memory_space<vmem>> -> memref<1x128xi32, #tpu.memory_space<vmem>>
        %dma_start3A_215 = tpu.memref_squeeze %dma_start3A_214 : memref<1x128xi32, #tpu.memory_space<vmem>> -> memref<128xi32, #tpu.memory_space<vmem>>
        %dma_start3A_216 = arith.constant 0 : i32
        %dma_start3A_217 = arith.constant 0 : i32
        %dma_start3A_218 = tpu.memref_slice %arg8[%dma_start3A_216, %dma_start3A_217] : memref<10240x128xf32, #tpu.memory_space<vmem_shared>> -> memref<10240x128xf32, #tpu.memory_space<vmem_shared>>
        tpu.enqueue_indirect_dma source(%arg11 : memref<128x128xf32, #tpu.memory_space<vmem>>) target(%dma_start3A_218 : memref<10240x128xf32, #tpu.memory_space<vmem_shared>>) offsets(%dma_start3A_215 : memref<128xi32, #tpu.memory_space<vmem>>) semaphore(%arg15 : memref<!tpu.dma_semaphore, #tpu.memory_space<semaphore_mem>>) {add = true}
        %dma_wait3A_219 = arith.constant 0 : i32
        %dma_wait3A_220 = arith.constant 0 : i32
        %dma_wait3A_221 = tpu.memref_slice %arg10[%dma_wait3A_219, %dma_wait3A_220] : memref<16x128xi32, #tpu.memory_space<vmem>> -> memref<1x128xi32, #tpu.memory_space<vmem>>
        %dma_wait3A_222 = tpu.memref_squeeze %dma_wait3A_221 : memref<1x128xi32, #tpu.memory_space<vmem>> -> memref<128xi32, #tpu.memory_space<vmem>>
        %dma_wait3A_223 = arith.constant 0 : i32
        %dma_wait3A_224 = arith.constant 0 : i32
        %dma_wait3A_225 = tpu.memref_slice %arg8[%dma_wait3A_223, %dma_wait3A_224] : memref<10240x128xf32, #tpu.memory_space<vmem_shared>> -> memref<10240x128xf32, #tpu.memory_space<vmem_shared>>
        tpu.wait_indirect_dma semaphore(%arg15 : memref<!tpu.dma_semaphore, #tpu.memory_space<semaphore_mem>>) src(%arg11 : memref<128x128xf32, #tpu.memory_space<vmem>>) dst(%dma_wait3A_225 : memref<10240x128xf32, #tpu.memory_space<vmem_shared>>)
        %add3A_226 = arith.constant 5 : i32
        %add3A_227 = arith.addi %mul3A_50, %add3A_226 : i32
        %add3A_228 = arith.constant 1 : i32
        %add3A_229 = arith.addi %add3A_227, %add3A_228 : i32
        %dma_start3A_230 = arith.constant 0 : i32
        %dma_start3A_231 = tpu.memref_slice %arg9[%add3A_229, %dma_start3A_230] : memref<16x128xi32, #tpu.memory_space<vmem>> -> memref<1x128xi32, #tpu.memory_space<vmem>>
        %dma_start3A_232 = tpu.memref_squeeze %dma_start3A_231 : memref<1x128xi32, #tpu.memory_space<vmem>> -> memref<128xi32, #tpu.memory_space<vmem>>
        %dma_start3A_233 = arith.constant 0 : i32
        %dma_start3A_234 = arith.constant 0 : i32
        %dma_start3A_235 = tpu.memref_slice %arg2[%dma_start3A_233, %dma_start3A_234] : memref<10240x128xf32, #tpu.memory_space<hbm>> -> memref<10240x128xf32, #tpu.memory_space<hbm>>
        tpu.enqueue_indirect_dma source(%dma_start3A_235 : memref<10240x128xf32, #tpu.memory_space<hbm>>) target(%arg11 : memref<128x128xf32, #tpu.memory_space<vmem>>) offsets(%dma_start3A_232 : memref<128xi32, #tpu.memory_space<vmem>>) semaphore(%arg13 : memref<!tpu.dma_semaphore, #tpu.memory_space<semaphore_mem>>)
        %add3A_236 = arith.constant 5 : i32
        %add3A_237 = arith.addi %mul3A_50, %add3A_236 : i32
        %dma_wait3A_238 = arith.constant 0 : i32
        %dma_wait3A_239 = tpu.memref_slice %arg9[%add3A_237, %dma_wait3A_238] : memref<16x128xi32, #tpu.memory_space<vmem>> -> memref<1x128xi32, #tpu.memory_space<vmem>>
        %dma_wait3A_240 = tpu.memref_squeeze %dma_wait3A_239 : memref<1x128xi32, #tpu.memory_space<vmem>> -> memref<128xi32, #tpu.memory_space<vmem>>
        %dma_wait3A_241 = arith.constant 0 : i32
        %dma_wait3A_242 = arith.constant 0 : i32
        %dma_wait3A_243 = tpu.memref_slice %arg2[%dma_wait3A_241, %dma_wait3A_242] : memref<10240x128xf32, #tpu.memory_space<hbm>> -> memref<10240x128xf32, #tpu.memory_space<hbm>>
        tpu.wait_indirect_dma semaphore(%arg14 : memref<!tpu.dma_semaphore, #tpu.memory_space<semaphore_mem>>) src(%dma_wait3A_243 : memref<10240x128xf32, #tpu.memory_space<hbm>>) dst(%arg12 : memref<128x128xf32, #tpu.memory_space<vmem>>)
        %add3A_244 = arith.constant 5 : i32
        %add3A_245 = arith.addi %mul3A_50, %add3A_244 : i32
        %dma_start3A_246 = arith.constant 0 : i32
        %dma_start3A_247 = tpu.memref_slice %arg10[%add3A_245, %dma_start3A_246] : memref<16x128xi32, #tpu.memory_space<vmem>> -> memref<1x128xi32, #tpu.memory_space<vmem>>
        %dma_start3A_248 = tpu.memref_squeeze %dma_start3A_247 : memref<1x128xi32, #tpu.memory_space<vmem>> -> memref<128xi32, #tpu.memory_space<vmem>>
        %dma_start3A_249 = arith.constant 0 : i32
        %dma_start3A_250 = arith.constant 0 : i32
        %dma_start3A_251 = tpu.memref_slice %arg8[%dma_start3A_249, %dma_start3A_250] : memref<10240x128xf32, #tpu.memory_space<vmem_shared>> -> memref<10240x128xf32, #tpu.memory_space<vmem_shared>>
        tpu.enqueue_indirect_dma source(%arg12 : memref<128x128xf32, #tpu.memory_space<vmem>>) target(%dma_start3A_251 : memref<10240x128xf32, #tpu.memory_space<vmem_shared>>) offsets(%dma_start3A_248 : memref<128xi32, #tpu.memory_space<vmem>>) semaphore(%arg16 : memref<!tpu.dma_semaphore, #tpu.memory_space<semaphore_mem>>) {add = true}
        %dma_wait3A_252 = arith.constant 0 : i32
        %dma_wait3A_253 = arith.constant 0 : i32
        %dma_wait3A_254 = tpu.memref_slice %arg10[%dma_wait3A_252, %dma_wait3A_253] : memref<16x128xi32, #tpu.memory_space<vmem>> -> memref<1x128xi32, #tpu.memory_space<vmem>>
        %dma_wait3A_255 = tpu.memref_squeeze %dma_wait3A_254 : memref<1x128xi32, #tpu.memory_space<vmem>> -> memref<128xi32, #tpu.memory_space<vmem>>
        %dma_wait3A_256 = arith.constant 0 : i32
        %dma_wait3A_257 = arith.constant 0 : i32
        %dma_wait3A_258 = tpu.memref_slice %arg8[%dma_wait3A_256, %dma_wait3A_257] : memref<10240x128xf32, #tpu.memory_space<vmem_shared>> -> memref<10240x128xf32, #tpu.memory_space<vmem_shared>>
        tpu.wait_indirect_dma semaphore(%arg16 : memref<!tpu.dma_semaphore, #tpu.memory_space<semaphore_mem>>) src(%arg12 : memref<128x128xf32, #tpu.memory_space<vmem>>) dst(%dma_wait3A_258 : memref<10240x128xf32, #tpu.memory_space<vmem_shared>>)
        %add3A_259 = arith.constant 6 : i32
        %add3A_260 = arith.addi %mul3A_50, %add3A_259 : i32
        %add3A_261 = arith.constant 1 : i32
        %add3A_262 = arith.addi %add3A_260, %add3A_261 : i32
        %dma_start3A_263 = arith.constant 0 : i32
        %dma_start3A_264 = tpu.memref_slice %arg9[%add3A_262, %dma_start3A_263] : memref<16x128xi32, #tpu.memory_space<vmem>> -> memref<1x128xi32, #tpu.memory_space<vmem>>
        %dma_start3A_265 = tpu.memref_squeeze %dma_start3A_264 : memref<1x128xi32, #tpu.memory_space<vmem>> -> memref<128xi32, #tpu.memory_space<vmem>>
        %dma_start3A_266 = arith.constant 0 : i32
        %dma_start3A_267 = arith.constant 0 : i32
        %dma_start3A_268 = tpu.memref_slice %arg2[%dma_start3A_266, %dma_start3A_267] : memref<10240x128xf32, #tpu.memory_space<hbm>> -> memref<10240x128xf32, #tpu.memory_space<hbm>>
        tpu.enqueue_indirect_dma source(%dma_start3A_268 : memref<10240x128xf32, #tpu.memory_space<hbm>>) target(%arg12 : memref<128x128xf32, #tpu.memory_space<vmem>>) offsets(%dma_start3A_265 : memref<128xi32, #tpu.memory_space<vmem>>) semaphore(%arg14 : memref<!tpu.dma_semaphore, #tpu.memory_space<semaphore_mem>>)
        %add3A_269 = arith.constant 6 : i32
        %add3A_270 = arith.addi %mul3A_50, %add3A_269 : i32
        %dma_wait3A_271 = arith.constant 0 : i32
        %dma_wait3A_272 = tpu.memref_slice %arg9[%add3A_270, %dma_wait3A_271] : memref<16x128xi32, #tpu.memory_space<vmem>> -> memref<1x128xi32, #tpu.memory_space<vmem>>
        %dma_wait3A_273 = tpu.memref_squeeze %dma_wait3A_272 : memref<1x128xi32, #tpu.memory_space<vmem>> -> memref<128xi32, #tpu.memory_space<vmem>>
        %dma_wait3A_274 = arith.constant 0 : i32
        %dma_wait3A_275 = arith.constant 0 : i32
        %dma_wait3A_276 = tpu.memref_slice %arg2[%dma_wait3A_274, %dma_wait3A_275] : memref<10240x128xf32, #tpu.memory_space<hbm>> -> memref<10240x128xf32, #tpu.memory_space<hbm>>
        tpu.wait_indirect_dma semaphore(%arg13 : memref<!tpu.dma_semaphore, #tpu.memory_space<semaphore_mem>>) src(%dma_wait3A_276 : memref<10240x128xf32, #tpu.memory_space<hbm>>) dst(%arg11 : memref<128x128xf32, #tpu.memory_space<vmem>>)
        %add3A_277 = arith.constant 6 : i32
        %add3A_278 = arith.addi %mul3A_50, %add3A_277 : i32
        %dma_start3A_279 = arith.constant 0 : i32
        %dma_start3A_280 = tpu.memref_slice %arg10[%add3A_278, %dma_start3A_279] : memref<16x128xi32, #tpu.memory_space<vmem>> -> memref<1x128xi32, #tpu.memory_space<vmem>>
        %dma_start3A_281 = tpu.memref_squeeze %dma_start3A_280 : memref<1x128xi32, #tpu.memory_space<vmem>> -> memref<128xi32, #tpu.memory_space<vmem>>
        %dma_start3A_282 = arith.constant 0 : i32
        %dma_start3A_283 = arith.constant 0 : i32
        %dma_start3A_284 = tpu.memref_slice %arg8[%dma_start3A_282, %dma_start3A_283] : memref<10240x128xf32, #tpu.memory_space<vmem_shared>> -> memref<10240x128xf32, #tpu.memory_space<vmem_shared>>
        tpu.enqueue_indirect_dma source(%arg11 : memref<128x128xf32, #tpu.memory_space<vmem>>) target(%dma_start3A_284 : memref<10240x128xf32, #tpu.memory_space<vmem_shared>>) offsets(%dma_start3A_281 : memref<128xi32, #tpu.memory_space<vmem>>) semaphore(%arg15 : memref<!tpu.dma_semaphore, #tpu.memory_space<semaphore_mem>>) {add = true}
        %add3A_285 = arith.constant 1 : i32
        %add3A_286 = arith.addi %scan3A_39, %add3A_285 : i32
        %lt3A_287 = arith.constant 10 : i32
        %lt3A_288 = arith.cmpi slt, %add3A_286, %lt3A_287 : i32
        %convert_element_type3A_289 = arith.extui %lt3A_288 : i1 to i32
        %cond3A_290 = arith.constant 0 : i32
        %cond3A_291 = arith.cmpi ne, %convert_element_type3A_289, %cond3A_290 : i32
        scf.if %cond3A_291 {
          %dma_wait3A_308 = arith.constant 0 : i32
          %dma_wait3A_309 = arith.constant 0 : i32
          %dma_wait3A_310 = tpu.memref_slice %arg10[%dma_wait3A_308, %dma_wait3A_309] : memref<16x128xi32, #tpu.memory_space<vmem>> -> memref<1x128xi32, #tpu.memory_space<vmem>>
          %dma_wait3A_311 = tpu.memref_squeeze %dma_wait3A_310 : memref<1x128xi32, #tpu.memory_space<vmem>> -> memref<128xi32, #tpu.memory_space<vmem>>
          %dma_wait3A_312 = arith.constant 0 : i32
          %dma_wait3A_313 = arith.constant 0 : i32
          %dma_wait3A_314 = tpu.memref_slice %arg8[%dma_wait3A_312, %dma_wait3A_313] : memref<10240x128xf32, #tpu.memory_space<vmem_shared>> -> memref<10240x128xf32, #tpu.memory_space<vmem_shared>>
          tpu.wait_indirect_dma semaphore(%arg15 : memref<!tpu.dma_semaphore, #tpu.memory_space<semaphore_mem>>) src(%arg11 : memref<128x128xf32, #tpu.memory_space<vmem>>) dst(%dma_wait3A_314 : memref<10240x128xf32, #tpu.memory_space<vmem_shared>>)
          %add3A_315 = arith.constant 1 : i32
          %add3A_316 = arith.addi %scan3A_39, %add3A_315 : i32
          %mul3A_317 = arith.constant 8 : i32
          %mul3A_318 = arith.muli %add3A_316, %mul3A_317 : i32
          %dma_wait3A_319 = arith.constant 0 : i32
          %dma_wait3A_320 = tpu.memref_slice %arg9[%sub3A_51, %dma_wait3A_319] : memref<16x128xi32, #tpu.memory_space<vmem>> -> memref<8x128xi32, #tpu.memory_space<vmem>>
          %dma_wait3A_321 = arith.constant 0 : i32
          %dma_wait3A_322 = arith.constant 0 : i32
          %dma_wait3A_323 = tpu.memref_slice %arg4[%arg1, %dma_wait3A_321, %dma_wait3A_322] : memref<16x80x128xi32, #tpu.memory_space<hbm>> -> memref<1x80x128xi32, #tpu.memory_space<hbm>>
          %dma_wait3A_324 = tpu.memref_squeeze %dma_wait3A_323 : memref<1x80x128xi32, #tpu.memory_space<hbm>> -> memref<80x128xi32, #tpu.memory_space<hbm>>
          %dma_wait3A_325 = arith.constant 0 : i32
          %dma_wait3A_326 = tpu.memref_slice %dma_wait3A_324[%mul3A_318, %dma_wait3A_325] : memref<80x128xi32, #tpu.memory_space<hbm>> -> memref<8x128xi32, #tpu.memory_space<hbm>>
          %dma_wait3A_327 = arith.constant 0 : i32
          %dma_wait3A_328 = tpu.memref_slice %arg9[%sub3A_51, %dma_wait3A_327] : memref<16x128xi32, #tpu.memory_space<vmem>> -> memref<8x128xi32, #tpu.memory_space<vmem>>
          %dma_wait3A_329 = arith.constant 0 : i32
          %dma_wait3A_330 = arith.constant 0 : i32
          %dma_wait3A_331 = tpu.memref_slice %arg4[%arg1, %dma_wait3A_329, %dma_wait3A_330] : memref<16x80x128xi32, #tpu.memory_space<hbm>> -> memref<1x80x128xi32, #tpu.memory_space<hbm>>
          %dma_wait3A_332 = tpu.memref_squeeze %dma_wait3A_331 : memref<1x80x128xi32, #tpu.memory_space<hbm>> -> memref<80x128xi32, #tpu.memory_space<hbm>>
          %dma_wait3A_333 = arith.constant 0 : i32
          %dma_wait3A_334 = tpu.memref_slice %dma_wait3A_332[%mul3A_318, %dma_wait3A_333] : memref<80x128xi32, #tpu.memory_space<hbm>> -> memref<8x128xi32, #tpu.memory_space<hbm>>
          tpu.wait_dma2 semaphore(%arg17 : memref<!tpu.dma_semaphore, #tpu.memory_space<semaphore_mem>>) src(%dma_wait3A_334 : memref<8x128xi32, #tpu.memory_space<hbm>>) dst(%dma_wait3A_328 : memref<8x128xi32, #tpu.memory_space<vmem>>)
          %add3A_335 = arith.constant 1 : i32
          %add3A_336 = arith.addi %scan3A_39, %add3A_335 : i32
          %mul3A_337 = arith.constant 8 : i32
          %mul3A_338 = arith.muli %add3A_336, %mul3A_337 : i32
          %dma_wait3A_339 = arith.constant 0 : i32
          %dma_wait3A_340 = tpu.memref_slice %arg10[%sub3A_51, %dma_wait3A_339] : memref<16x128xi32, #tpu.memory_space<vmem>> -> memref<8x128xi32, #tpu.memory_space<vmem>>
          %dma_wait3A_341 = arith.constant 0 : i32
          %dma_wait3A_342 = arith.constant 0 : i32
          %dma_wait3A_343 = tpu.memref_slice %arg5[%arg1, %dma_wait3A_341, %dma_wait3A_342] : memref<16x80x128xi32, #tpu.memory_space<hbm>> -> memref<1x80x128xi32, #tpu.memory_space<hbm>>
          %dma_wait3A_344 = tpu.memref_squeeze %dma_wait3A_343 : memref<1x80x128xi32, #tpu.memory_space<hbm>> -> memref<80x128xi32, #tpu.memory_space<hbm>>
          %dma_wait3A_345 = arith.constant 0 : i32
          %dma_wait3A_346 = tpu.memref_slice %dma_wait3A_344[%mul3A_338, %dma_wait3A_345] : memref<80x128xi32, #tpu.memory_space<hbm>> -> memref<8x128xi32, #tpu.memory_space<hbm>>
          %dma_wait3A_347 = arith.constant 0 : i32
          %dma_wait3A_348 = tpu.memref_slice %arg10[%sub3A_51, %dma_wait3A_347] : memref<16x128xi32, #tpu.memory_space<vmem>> -> memref<8x128xi32, #tpu.memory_space<vmem>>
          %dma_wait3A_349 = arith.constant 0 : i32
          %dma_wait3A_350 = arith.constant 0 : i32
          %dma_wait3A_351 = tpu.memref_slice %arg5[%arg1, %dma_wait3A_349, %dma_wait3A_350] : memref<16x80x128xi32, #tpu.memory_space<hbm>> -> memref<1x80x128xi32, #tpu.memory_space<hbm>>
          %dma_wait3A_352 = tpu.memref_squeeze %dma_wait3A_351 : memref<1x80x128xi32, #tpu.memory_space<hbm>> -> memref<80x128xi32, #tpu.memory_space<hbm>>
          %dma_wait3A_353 = arith.constant 0 : i32
          %dma_wait3A_354 = tpu.memref_slice %dma_wait3A_352[%mul3A_338, %dma_wait3A_353] : memref<80x128xi32, #tpu.memory_space<hbm>> -> memref<8x128xi32, #tpu.memory_space<hbm>>
          tpu.wait_dma2 semaphore(%arg18 : memref<!tpu.dma_semaphore, #tpu.memory_space<semaphore_mem>>) src(%dma_wait3A_354 : memref<8x128xi32, #tpu.memory_space<hbm>>) dst(%dma_wait3A_348 : memref<8x128xi32, #tpu.memory_space<vmem>>)
          %dma_start3A_355 = arith.constant 0 : i32
          %dma_start3A_356 = tpu.memref_slice %arg9[%sub3A_51, %dma_start3A_355] : memref<16x128xi32, #tpu.memory_space<vmem>> -> memref<1x128xi32, #tpu.memory_space<vmem>>
          %dma_start3A_357 = tpu.memref_squeeze %dma_start3A_356 : memref<1x128xi32, #tpu.memory_space<vmem>> -> memref<128xi32, #tpu.memory_space<vmem>>
          %dma_start3A_358 = arith.constant 0 : i32
          %dma_start3A_359 = arith.constant 0 : i32
          %dma_start3A_360 = tpu.memref_slice %arg2[%dma_start3A_358, %dma_start3A_359] : memref<10240x128xf32, #tpu.memory_space<hbm>> -> memref<10240x128xf32, #tpu.memory_space<hbm>>
          tpu.enqueue_indirect_dma source(%dma_start3A_360 : memref<10240x128xf32, #tpu.memory_space<hbm>>) target(%arg11 : memref<128x128xf32, #tpu.memory_space<vmem>>) offsets(%dma_start3A_357 : memref<128xi32, #tpu.memory_space<vmem>>) semaphore(%arg13 : memref<!tpu.dma_semaphore, #tpu.memory_space<semaphore_mem>>)
        } else {
        }
        %add3A_292 = arith.constant 7 : i32
        %add3A_293 = arith.addi %mul3A_50, %add3A_292 : i32
        %dma_wait3A_294 = arith.constant 0 : i32
        %dma_wait3A_295 = tpu.memref_slice %arg9[%add3A_293, %dma_wait3A_294] : memref<16x128xi32, #tpu.memory_space<vmem>> -> memref<1x128xi32, #tpu.memory_space<vmem>>
        %dma_wait3A_296 = tpu.memref_squeeze %dma_wait3A_295 : memref<1x128xi32, #tpu.memory_space<vmem>> -> memref<128xi32, #tpu.memory_space<vmem>>
        %dma_wait3A_297 = arith.constant 0 : i32
        %dma_wait3A_298 = arith.constant 0 : i32
        %dma_wait3A_299 = tpu.memref_slice %arg2[%dma_wait3A_297, %dma_wait3A_298] : memref<10240x128xf32, #tpu.memory_space<hbm>> -> memref<10240x128xf32, #tpu.memory_space<hbm>>
        tpu.wait_indirect_dma semaphore(%arg14 : memref<!tpu.dma_semaphore, #tpu.memory_space<semaphore_mem>>) src(%dma_wait3A_299 : memref<10240x128xf32, #tpu.memory_space<hbm>>) dst(%arg12 : memref<128x128xf32, #tpu.memory_space<vmem>>)
        %add3A_300 = arith.constant 7 : i32
        %add3A_301 = arith.addi %mul3A_50, %add3A_300 : i32
        %dma_start3A_302 = arith.constant 0 : i32
        %dma_start3A_303 = tpu.memref_slice %arg10[%add3A_301, %dma_start3A_302] : memref<16x128xi32, #tpu.memory_space<vmem>> -> memref<1x128xi32, #tpu.memory_space<vmem>>
        %dma_start3A_304 = tpu.memref_squeeze %dma_start3A_303 : memref<1x128xi32, #tpu.memory_space<vmem>> -> memref<128xi32, #tpu.memory_space<vmem>>
        %dma_start3A_305 = arith.constant 0 : i32
        %dma_start3A_306 = arith.constant 0 : i32
        %dma_start3A_307 = tpu.memref_slice %arg8[%dma_start3A_305, %dma_start3A_306] : memref<10240x128xf32, #tpu.memory_space<vmem_shared>> -> memref<10240x128xf32, #tpu.memory_space<vmem_shared>>
        tpu.enqueue_indirect_dma source(%arg12 : memref<128x128xf32, #tpu.memory_space<vmem>>) target(%dma_start3A_307 : memref<10240x128xf32, #tpu.memory_space<vmem_shared>>) offsets(%dma_start3A_304 : memref<128xi32, #tpu.memory_space<vmem>>) semaphore(%arg16 : memref<!tpu.dma_semaphore, #tpu.memory_space<semaphore_mem>>) {add = true}
      }
      %scan3A_20 = arith.constant 10 : i32
      %dma_wait3A = arith.constant 0 : i32
      %dma_wait3A_21 = arith.constant 0 : i32
      %dma_wait3A_22 = tpu.memref_slice %arg10[%dma_wait3A, %dma_wait3A_21] : memref<16x128xi32, #tpu.memory_space<vmem>> -> memref<1x128xi32, #tpu.memory_space<vmem>>
      %dma_wait3A_23 = tpu.memref_squeeze %dma_wait3A_22 : memref<1x128xi32, #tpu.memory_space<vmem>> -> memref<128xi32, #tpu.memory_space<vmem>>
      %dma_wait3A_24 = arith.constant 0 : i32
      %dma_wait3A_25 = arith.constant 0 : i32
      %dma_wait3A_26 = tpu.memref_slice %arg8[%dma_wait3A_24, %dma_wait3A_25] : memref<10240x128xf32, #tpu.memory_space<vmem_shared>> -> memref<10240x128xf32, #tpu.memory_space<vmem_shared>>
      tpu.wait_indirect_dma semaphore(%arg15 : memref<!tpu.dma_semaphore, #tpu.memory_space<semaphore_mem>>) src(%arg11 : memref<128x128xf32, #tpu.memory_space<vmem>>) dst(%dma_wait3A_26 : memref<10240x128xf32, #tpu.memory_space<vmem_shared>>)
      %dma_wait3A_27 = arith.constant 0 : i32
      %dma_wait3A_28 = arith.constant 0 : i32
      %dma_wait3A_29 = tpu.memref_slice %arg10[%dma_wait3A_27, %dma_wait3A_28] : memref<16x128xi32, #tpu.memory_space<vmem>> -> memref<1x128xi32, #tpu.memory_space<vmem>>
      %dma_wait3A_30 = tpu.memref_squeeze %dma_wait3A_29 : memref<1x128xi32, #tpu.memory_space<vmem>> -> memref<128xi32, #tpu.memory_space<vmem>>
      %dma_wait3A_31 = arith.constant 0 : i32
      %dma_wait3A_32 = arith.constant 0 : i32
      %dma_wait3A_33 = tpu.memref_slice %arg8[%dma_wait3A_31, %dma_wait3A_32] : memref<10240x128xf32, #tpu.memory_space<vmem_shared>> -> memref<10240x128xf32, #tpu.memory_space<vmem_shared>>
      tpu.wait_indirect_dma semaphore(%arg16 : memref<!tpu.dma_semaphore, #tpu.memory_space<semaphore_mem>>) src(%arg12 : memref<128x128xf32, #tpu.memory_space<vmem>>) dst(%dma_wait3A_33 : memref<10240x128xf32, #tpu.memory_space<vmem_shared>>)
      %barrier3A_34 = arith.constant 0 : index
      tpu.barrier barrier_id(%barrier3A_34)
      %mul3A_35 = arith.constant 640 : i32
      %mul3A_36 = arith.muli %arg1, %mul3A_35 : i32
      %mul3A_37 = arith.constant 640 : i32
      %mul3A_38 = arith.muli %arg1, %mul3A_37 : i32
      "tpu.region"() ({
        %run_scoped3A = tpu.sem_alloc : memref<!tpu.dma_semaphore, #tpu.memory_space<semaphore_mem>>
        %dma_start3A_39 = arith.constant 0 : i32
        %dma_start3A_40 = tpu.memref_slice %arg6[%mul3A_38, %dma_start3A_39] : memref<10240x128xf32, #tpu.memory_space<hbm>> -> memref<640x128xf32, #tpu.memory_space<hbm>>
        %dma_start3A_41 = arith.constant 0 : i32
        %dma_start3A_42 = tpu.memref_slice %arg8[%mul3A_36, %dma_start3A_41] : memref<10240x128xf32, #tpu.memory_space<vmem_shared>> -> memref<640x128xf32, #tpu.memory_space<vmem_shared>>
        tpu.enqueue_dma source(%dma_start3A_42 : memref<640x128xf32, #tpu.memory_space<vmem_shared>>) target(%dma_start3A_40 : memref<640x128xf32, #tpu.memory_space<hbm>>) target_semaphore(%run_scoped3A : memref<!tpu.dma_semaphore, #tpu.memory_space<semaphore_mem>>)
        %dma_wait3A_43 = arith.constant 0 : i32
        %dma_wait3A_44 = tpu.memref_slice %arg6[%mul3A_38, %dma_wait3A_43] : memref<10240x128xf32, #tpu.memory_space<hbm>> -> memref<640x128xf32, #tpu.memory_space<hbm>>
        %dma_wait3A_45 = arith.constant 0 : i32
        %dma_wait3A_46 = tpu.memref_slice %arg8[%mul3A_36, %dma_wait3A_45] : memref<10240x128xf32, #tpu.memory_space<vmem_shared>> -> memref<640x128xf32, #tpu.memory_space<vmem_shared>>
        tpu.wait_dma2 semaphore(%run_scoped3A : memref<!tpu.dma_semaphore, #tpu.memory_space<semaphore_mem>>) src(%dma_wait3A_46 : memref<640x128xf32, #tpu.memory_space<vmem_shared>>) dst(%dma_wait3A_44 : memref<640x128xf32, #tpu.memory_space<hbm>>)
        tpu.yield
      }) : () -> ()
    } else {
    }
    %eq3A_2 = arith.constant 1 : i32
    %eq3A_3 = arith.cmpi eq, %arg0, %eq3A_2 : i32
    %convert_element_type3A_4 = arith.extui %eq3A_3 : i1 to i32
    %cond3A_5 = arith.constant 0 : i32
    %cond3A_6 = arith.cmpi ne, %convert_element_type3A_4, %cond3A_5 : i32
    scf.if %cond3A_6 {
      %mul3A = arith.constant 640 : i32
      %mul3A_7 = arith.muli %arg1, %mul3A : i32
      %mul3A_8 = arith.constant 640 : i32
      %mul3A_9 = arith.muli %arg1, %mul3A_8 : i32
      "tpu.region"() ({
        %run_scoped3A = tpu.sem_alloc : memref<!tpu.dma_semaphore, #tpu.memory_space<semaphore_mem>>
        %dma_start3A_39 = arith.constant 0 : i32
        %dma_start3A_40 = tpu.memref_slice %arg8[%mul3A_9, %dma_start3A_39] : memref<10240x128xf32, #tpu.memory_space<vmem_shared>> -> memref<640x128xf32, #tpu.memory_space<vmem_shared>>
        %dma_start3A_41 = arith.constant 0 : i32
        %dma_start3A_42 = tpu.memref_slice %arg3[%mul3A_7, %dma_start3A_41] : memref<10240x128xf32, #tpu.memory_space<hbm>> -> memref<640x128xf32, #tpu.memory_space<hbm>>
        tpu.enqueue_dma source(%dma_start3A_42 : memref<640x128xf32, #tpu.memory_space<hbm>>) target(%dma_start3A_40 : memref<640x128xf32, #tpu.memory_space<vmem_shared>>) target_semaphore(%run_scoped3A : memref<!tpu.dma_semaphore, #tpu.memory_space<semaphore_mem>>)
        %dma_wait3A_43 = arith.constant 0 : i32
        %dma_wait3A_44 = tpu.memref_slice %arg8[%mul3A_9, %dma_wait3A_43] : memref<10240x128xf32, #tpu.memory_space<vmem_shared>> -> memref<640x128xf32, #tpu.memory_space<vmem_shared>>
        %dma_wait3A_45 = arith.constant 0 : i32
        %dma_wait3A_46 = tpu.memref_slice %arg3[%mul3A_7, %dma_wait3A_45] : memref<10240x128xf32, #tpu.memory_space<hbm>> -> memref<640x128xf32, #tpu.memory_space<hbm>>
        tpu.wait_dma2 semaphore(%run_scoped3A : memref<!tpu.dma_semaphore, #tpu.memory_space<semaphore_mem>>) src(%dma_wait3A_46 : memref<640x128xf32, #tpu.memory_space<hbm>>) dst(%dma_wait3A_44 : memref<640x128xf32, #tpu.memory_space<vmem_shared>>)
        tpu.yield
      }) : () -> ()
      %barrier3A = arith.constant 0 : index
      tpu.barrier barrier_id(%barrier3A)
      "tpu.region"() ({
        %run_scoped3A = tpu.sem_alloc : memref<!tpu.dma_semaphore, #tpu.memory_space<semaphore_mem>>
        %dma_start3A_39 = arith.constant 0 : i32
        %dma_start3A_40 = arith.constant 0 : i32
        %dma_start3A_41 = tpu.memref_slice %arg9[%dma_start3A_39, %dma_start3A_40] : memref<16x128xi32, #tpu.memory_space<vmem>> -> memref<8x128xi32, #tpu.memory_space<vmem>>
        %dma_start3A_42 = arith.constant 0 : i32
        %dma_start3A_43 = arith.constant 0 : i32
        %dma_start3A_44 = tpu.memref_slice %arg4[%arg1, %dma_start3A_42, %dma_start3A_43] : memref<16x80x128xi32, #tpu.memory_space<hbm>> -> memref<1x80x128xi32, #tpu.memory_space<hbm>>
        %dma_start3A_45 = tpu.memref_squeeze %dma_start3A_44 : memref<1x80x128xi32, #tpu.memory_space<hbm>> -> memref<80x128xi32, #tpu.memory_space<hbm>>
        %dma_start3A_46 = arith.constant 0 : i32
        %dma_start3A_47 = arith.constant 0 : i32
        %dma_start3A_48 = tpu.memref_slice %dma_start3A_45[%dma_start3A_46, %dma_start3A_47] : memref<80x128xi32, #tpu.memory_space<hbm>> -> memref<8x128xi32, #tpu.memory_space<hbm>>
        %dma_start3A_49 = arith.constant 0 : i32
        %dma_start3A_50 = arith.constant 0 : i32
        %dma_start3A_51 = tpu.memref_slice %arg9[%dma_start3A_49, %dma_start3A_50] : memref<16x128xi32, #tpu.memory_space<vmem>> -> memref<8x128xi32, #tpu.memory_space<vmem>>
        %dma_start3A_52 = arith.constant 0 : i32
        %dma_start3A_53 = arith.constant 0 : i32
        %dma_start3A_54 = tpu.memref_slice %arg4[%arg1, %dma_start3A_52, %dma_start3A_53] : memref<16x80x128xi32, #tpu.memory_space<hbm>> -> memref<1x80x128xi32, #tpu.memory_space<hbm>>
        %dma_start3A_55 = tpu.memref_squeeze %dma_start3A_54 : memref<1x80x128xi32, #tpu.memory_space<hbm>> -> memref<80x128xi32, #tpu.memory_space<hbm>>
        %dma_start3A_56 = arith.constant 0 : i32
        %dma_start3A_57 = arith.constant 0 : i32
        %dma_start3A_58 = tpu.memref_slice %dma_start3A_55[%dma_start3A_56, %dma_start3A_57] : memref<80x128xi32, #tpu.memory_space<hbm>> -> memref<8x128xi32, #tpu.memory_space<hbm>>
        tpu.enqueue_dma source(%dma_start3A_58 : memref<8x128xi32, #tpu.memory_space<hbm>>) target(%dma_start3A_51 : memref<8x128xi32, #tpu.memory_space<vmem>>) target_semaphore(%run_scoped3A : memref<!tpu.dma_semaphore, #tpu.memory_space<semaphore_mem>>)
        %dma_wait3A_59 = arith.constant 0 : i32
        %dma_wait3A_60 = arith.constant 0 : i32
        %dma_wait3A_61 = tpu.memref_slice %arg9[%dma_wait3A_59, %dma_wait3A_60] : memref<16x128xi32, #tpu.memory_space<vmem>> -> memref<8x128xi32, #tpu.memory_space<vmem>>
        %dma_wait3A_62 = arith.constant 0 : i32
        %dma_wait3A_63 = arith.constant 0 : i32
        %dma_wait3A_64 = tpu.memref_slice %arg4[%arg1, %dma_wait3A_62, %dma_wait3A_63] : memref<16x80x128xi32, #tpu.memory_space<hbm>> -> memref<1x80x128xi32, #tpu.memory_space<hbm>>
        %dma_wait3A_65 = tpu.memref_squeeze %dma_wait3A_64 : memref<1x80x128xi32, #tpu.memory_space<hbm>> -> memref<80x128xi32, #tpu.memory_space<hbm>>
        %dma_wait3A_66 = arith.constant 0 : i32
        %dma_wait3A_67 = arith.constant 0 : i32
        %dma_wait3A_68 = tpu.memref_slice %dma_wait3A_65[%dma_wait3A_66, %dma_wait3A_67] : memref<80x128xi32, #tpu.memory_space<hbm>> -> memref<8x128xi32, #tpu.memory_space<hbm>>
        %dma_wait3A_69 = arith.constant 0 : i32
        %dma_wait3A_70 = arith.constant 0 : i32
        %dma_wait3A_71 = tpu.memref_slice %arg9[%dma_wait3A_69, %dma_wait3A_70] : memref<16x128xi32, #tpu.memory_space<vmem>> -> memref<8x128xi32, #tpu.memory_space<vmem>>
        %dma_wait3A_72 = arith.constant 0 : i32
        %dma_wait3A_73 = arith.constant 0 : i32
        %dma_wait3A_74 = tpu.memref_slice %arg4[%arg1, %dma_wait3A_72, %dma_wait3A_73] : memref<16x80x128xi32, #tpu.memory_space<hbm>> -> memref<1x80x128xi32, #tpu.memory_space<hbm>>
        %dma_wait3A_75 = tpu.memref_squeeze %dma_wait3A_74 : memref<1x80x128xi32, #tpu.memory_space<hbm>> -> memref<80x128xi32, #tpu.memory_space<hbm>>
        %dma_wait3A_76 = arith.constant 0 : i32
        %dma_wait3A_77 = arith.constant 0 : i32
        %dma_wait3A_78 = tpu.memref_slice %dma_wait3A_75[%dma_wait3A_76, %dma_wait3A_77] : memref<80x128xi32, #tpu.memory_space<hbm>> -> memref<8x128xi32, #tpu.memory_space<hbm>>
        tpu.wait_dma2 semaphore(%run_scoped3A : memref<!tpu.dma_semaphore, #tpu.memory_space<semaphore_mem>>) src(%dma_wait3A_78 : memref<8x128xi32, #tpu.memory_space<hbm>>) dst(%dma_wait3A_71 : memref<8x128xi32, #tpu.memory_space<vmem>>)
        tpu.yield
      }) : () -> ()
      "tpu.region"() ({
        %run_scoped3A = tpu.sem_alloc : memref<!tpu.dma_semaphore, #tpu.memory_space<semaphore_mem>>
        %dma_start3A_39 = arith.constant 0 : i32
        %dma_start3A_40 = arith.constant 0 : i32
        %dma_start3A_41 = tpu.memref_slice %arg10[%dma_start3A_39, %dma_start3A_40] : memref<16x128xi32, #tpu.memory_space<vmem>> -> memref<8x128xi32, #tpu.memory_space<vmem>>
        %dma_start3A_42 = arith.constant 0 : i32
        %dma_start3A_43 = arith.constant 0 : i32
        %dma_start3A_44 = tpu.memref_slice %arg5[%arg1, %dma_start3A_42, %dma_start3A_43] : memref<16x80x128xi32, #tpu.memory_space<hbm>> -> memref<1x80x128xi32, #tpu.memory_space<hbm>>
        %dma_start3A_45 = tpu.memref_squeeze %dma_start3A_44 : memref<1x80x128xi32, #tpu.memory_space<hbm>> -> memref<80x128xi32, #tpu.memory_space<hbm>>
        %dma_start3A_46 = arith.constant 0 : i32
        %dma_start3A_47 = arith.constant 0 : i32
        %dma_start3A_48 = tpu.memref_slice %dma_start3A_45[%dma_start3A_46, %dma_start3A_47] : memref<80x128xi32, #tpu.memory_space<hbm>> -> memref<8x128xi32, #tpu.memory_space<hbm>>
        %dma_start3A_49 = arith.constant 0 : i32
        %dma_start3A_50 = arith.constant 0 : i32
        %dma_start3A_51 = tpu.memref_slice %arg10[%dma_start3A_49, %dma_start3A_50] : memref<16x128xi32, #tpu.memory_space<vmem>> -> memref<8x128xi32, #tpu.memory_space<vmem>>
        %dma_start3A_52 = arith.constant 0 : i32
        %dma_start3A_53 = arith.constant 0 : i32
        %dma_start3A_54 = tpu.memref_slice %arg5[%arg1, %dma_start3A_52, %dma_start3A_53] : memref<16x80x128xi32, #tpu.memory_space<hbm>> -> memref<1x80x128xi32, #tpu.memory_space<hbm>>
        %dma_start3A_55 = tpu.memref_squeeze %dma_start3A_54 : memref<1x80x128xi32, #tpu.memory_space<hbm>> -> memref<80x128xi32, #tpu.memory_space<hbm>>
        %dma_start3A_56 = arith.constant 0 : i32
        %dma_start3A_57 = arith.constant 0 : i32
        %dma_start3A_58 = tpu.memref_slice %dma_start3A_55[%dma_start3A_56, %dma_start3A_57] : memref<80x128xi32, #tpu.memory_space<hbm>> -> memref<8x128xi32, #tpu.memory_space<hbm>>
        tpu.enqueue_dma source(%dma_start3A_58 : memref<8x128xi32, #tpu.memory_space<hbm>>) target(%dma_start3A_51 : memref<8x128xi32, #tpu.memory_space<vmem>>) target_semaphore(%run_scoped3A : memref<!tpu.dma_semaphore, #tpu.memory_space<semaphore_mem>>)
        %dma_wait3A_59 = arith.constant 0 : i32
        %dma_wait3A_60 = arith.constant 0 : i32
        %dma_wait3A_61 = tpu.memref_slice %arg10[%dma_wait3A_59, %dma_wait3A_60] : memref<16x128xi32, #tpu.memory_space<vmem>> -> memref<8x128xi32, #tpu.memory_space<vmem>>
        %dma_wait3A_62 = arith.constant 0 : i32
        %dma_wait3A_63 = arith.constant 0 : i32
        %dma_wait3A_64 = tpu.memref_slice %arg5[%arg1, %dma_wait3A_62, %dma_wait3A_63] : memref<16x80x128xi32, #tpu.memory_space<hbm>> -> memref<1x80x128xi32, #tpu.memory_space<hbm>>
        %dma_wait3A_65 = tpu.memref_squeeze %dma_wait3A_64 : memref<1x80x128xi32, #tpu.memory_space<hbm>> -> memref<80x128xi32, #tpu.memory_space<hbm>>
        %dma_wait3A_66 = arith.constant 0 : i32
        %dma_wait3A_67 = arith.constant 0 : i32
        %dma_wait3A_68 = tpu.memref_slice %dma_wait3A_65[%dma_wait3A_66, %dma_wait3A_67] : memref<80x128xi32, #tpu.memory_space<hbm>> -> memref<8x128xi32, #tpu.memory_space<hbm>>
        %dma_wait3A_69 = arith.constant 0 : i32
        %dma_wait3A_70 = arith.constant 0 : i32
        %dma_wait3A_71 = tpu.memref_slice %arg10[%dma_wait3A_69, %dma_wait3A_70] : memref<16x128xi32, #tpu.memory_space<vmem>> -> memref<8x128xi32, #tpu.memory_space<vmem>>
        %dma_wait3A_72 = arith.constant 0 : i32
        %dma_wait3A_73 = arith.constant 0 : i32
        %dma_wait3A_74 = tpu.memref_slice %arg5[%arg1, %dma_wait3A_72, %dma_wait3A_73] : memref<16x80x128xi32, #tpu.memory_space<hbm>> -> memref<1x80x128xi32, #tpu.memory_space<hbm>>
        %dma_wait3A_75 = tpu.memref_squeeze %dma_wait3A_74 : memref<1x80x128xi32, #tpu.memory_space<hbm>> -> memref<80x128xi32, #tpu.memory_space<hbm>>
        %dma_wait3A_76 = arith.constant 0 : i32
        %dma_wait3A_77 = arith.constant 0 : i32
        %dma_wait3A_78 = tpu.memref_slice %dma_wait3A_75[%dma_wait3A_76, %dma_wait3A_77] : memref<80x128xi32, #tpu.memory_space<hbm>> -> memref<8x128xi32, #tpu.memory_space<hbm>>
        tpu.wait_dma2 semaphore(%run_scoped3A : memref<!tpu.dma_semaphore, #tpu.memory_space<semaphore_mem>>) src(%dma_wait3A_78 : memref<8x128xi32, #tpu.memory_space<hbm>>) dst(%dma_wait3A_71 : memref<8x128xi32, #tpu.memory_space<vmem>>)
        tpu.yield
      }) : () -> ()
      %dma_start3A = arith.constant 0 : i32
      %dma_start3A_10 = arith.constant 0 : i32
      %dma_start3A_11 = tpu.memref_slice %arg9[%dma_start3A, %dma_start3A_10] : memref<16x128xi32, #tpu.memory_space<vmem>> -> memref<1x128xi32, #tpu.memory_space<vmem>>
      %dma_start3A_12 = tpu.memref_squeeze %dma_start3A_11 : memref<1x128xi32, #tpu.memory_space<vmem>> -> memref<128xi32, #tpu.memory_space<vmem>>
      %dma_start3A_13 = arith.constant 0 : i32
      %dma_start3A_14 = arith.constant 0 : i32
      %dma_start3A_15 = tpu.memref_slice %arg3[%dma_start3A_13, %dma_start3A_14] : memref<10240x128xf32, #tpu.memory_space<hbm>> -> memref<10240x128xf32, #tpu.memory_space<hbm>>
      tpu.enqueue_indirect_dma source(%dma_start3A_15 : memref<10240x128xf32, #tpu.memory_space<hbm>>) target(%arg11 : memref<128x128xf32, #tpu.memory_space<vmem>>) offsets(%dma_start3A_12 : memref<128xi32, #tpu.memory_space<vmem>>) semaphore(%arg13 : memref<!tpu.dma_semaphore, #tpu.memory_space<semaphore_mem>>)
      %scan3A = arith.constant 0 : i32
      %scan3A_16 = arith.constant 0 : i32
      %scan3A_17 = arith.constant 10 : i32
      %scan3A_18 = arith.addi %scan3A_16, %scan3A_17 : i32
      %scan3A_19 = arith.constant 1 : i32
      scf.for %scan3A_39 = %scan3A_16 to %scan3A_18 step %scan3A_19  : i32 {
        %jit3A = arith.constant 2 : i32
        %eq3A_40 = arith.constant 0 : i32
        %eq3A_41 = arith.cmpi eq, %jit3A, %eq3A_40 : i32
        %jit3A_42 = arith.constant 1 : i32
        %select_n3A = arith.select %eq3A_41, %jit3A_42, %jit3A : i32
        %rem3A = arith.remsi %scan3A_39, %select_n3A : i32
        %ne3A = arith.constant 0 : i32
        %ne3A_43 = arith.cmpi ne, %rem3A, %ne3A : i32
        %lt3A = arith.constant 0 : i32
        %lt3A_44 = arith.cmpi slt, %rem3A, %lt3A : i32
        %lt3A_45 = arith.constant 0 : i32
        %lt3A_46 = arith.cmpi slt, %select_n3A, %lt3A_45 : i32
        %ne3A_47 = arith.xori %lt3A_44, %lt3A_46 : i1
        %and3A = arith.andi %ne3A_47, %ne3A_43 : i1
        %add3A = arith.addi %rem3A, %select_n3A : i32
        %select_n3A_48 = arith.select %and3A, %add3A, %rem3A : i32
        %mul3A_49 = arith.constant 8 : i32
        %mul3A_50 = arith.muli %select_n3A_48, %mul3A_49 : i32
        %sub3A = arith.constant 8 : i32
        %sub3A_51 = arith.subi %sub3A, %mul3A_50 : i32
        %add3A_52 = arith.constant 1 : i32
        %add3A_53 = arith.addi %scan3A_39, %add3A_52 : i32
        %lt3A_54 = arith.constant 10 : i32
        %lt3A_55 = arith.cmpi slt, %add3A_53, %lt3A_54 : i32
        %convert_element_type3A_56 = arith.extui %lt3A_55 : i1 to i32
        %cond3A_57 = arith.constant 0 : i32
        %cond3A_58 = arith.cmpi ne, %convert_element_type3A_56, %cond3A_57 : i32
        scf.if %cond3A_58 {
          %add3A_308 = arith.constant 1 : i32
          %add3A_309 = arith.addi %scan3A_39, %add3A_308 : i32
          %mul3A_310 = arith.constant 8 : i32
          %mul3A_311 = arith.muli %add3A_309, %mul3A_310 : i32
          %dma_start3A_312 = arith.constant 0 : i32
          %dma_start3A_313 = tpu.memref_slice %arg9[%sub3A_51, %dma_start3A_312] : memref<16x128xi32, #tpu.memory_space<vmem>> -> memref<8x128xi32, #tpu.memory_space<vmem>>
          %dma_start3A_314 = arith.constant 0 : i32
          %dma_start3A_315 = arith.constant 0 : i32
          %dma_start3A_316 = tpu.memref_slice %arg4[%arg1, %dma_start3A_314, %dma_start3A_315] : memref<16x80x128xi32, #tpu.memory_space<hbm>> -> memref<1x80x128xi32, #tpu.memory_space<hbm>>
          %dma_start3A_317 = tpu.memref_squeeze %dma_start3A_316 : memref<1x80x128xi32, #tpu.memory_space<hbm>> -> memref<80x128xi32, #tpu.memory_space<hbm>>
          %dma_start3A_318 = arith.constant 0 : i32
          %dma_start3A_319 = tpu.memref_slice %dma_start3A_317[%mul3A_311, %dma_start3A_318] : memref<80x128xi32, #tpu.memory_space<hbm>> -> memref<8x128xi32, #tpu.memory_space<hbm>>
          %dma_start3A_320 = arith.constant 0 : i32
          %dma_start3A_321 = tpu.memref_slice %arg9[%sub3A_51, %dma_start3A_320] : memref<16x128xi32, #tpu.memory_space<vmem>> -> memref<8x128xi32, #tpu.memory_space<vmem>>
          %dma_start3A_322 = arith.constant 0 : i32
          %dma_start3A_323 = arith.constant 0 : i32
          %dma_start3A_324 = tpu.memref_slice %arg4[%arg1, %dma_start3A_322, %dma_start3A_323] : memref<16x80x128xi32, #tpu.memory_space<hbm>> -> memref<1x80x128xi32, #tpu.memory_space<hbm>>
          %dma_start3A_325 = tpu.memref_squeeze %dma_start3A_324 : memref<1x80x128xi32, #tpu.memory_space<hbm>> -> memref<80x128xi32, #tpu.memory_space<hbm>>
          %dma_start3A_326 = arith.constant 0 : i32
          %dma_start3A_327 = tpu.memref_slice %dma_start3A_325[%mul3A_311, %dma_start3A_326] : memref<80x128xi32, #tpu.memory_space<hbm>> -> memref<8x128xi32, #tpu.memory_space<hbm>>
          tpu.enqueue_dma source(%dma_start3A_327 : memref<8x128xi32, #tpu.memory_space<hbm>>) target(%dma_start3A_321 : memref<8x128xi32, #tpu.memory_space<vmem>>) target_semaphore(%arg17 : memref<!tpu.dma_semaphore, #tpu.memory_space<semaphore_mem>>)
          %add3A_328 = arith.constant 1 : i32
          %add3A_329 = arith.addi %scan3A_39, %add3A_328 : i32
          %mul3A_330 = arith.constant 8 : i32
          %mul3A_331 = arith.muli %add3A_329, %mul3A_330 : i32
          %dma_start3A_332 = arith.constant 0 : i32
          %dma_start3A_333 = tpu.memref_slice %arg10[%sub3A_51, %dma_start3A_332] : memref<16x128xi32, #tpu.memory_space<vmem>> -> memref<8x128xi32, #tpu.memory_space<vmem>>
          %dma_start3A_334 = arith.constant 0 : i32
          %dma_start3A_335 = arith.constant 0 : i32
          %dma_start3A_336 = tpu.memref_slice %arg5[%arg1, %dma_start3A_334, %dma_start3A_335] : memref<16x80x128xi32, #tpu.memory_space<hbm>> -> memref<1x80x128xi32, #tpu.memory_space<hbm>>
          %dma_start3A_337 = tpu.memref_squeeze %dma_start3A_336 : memref<1x80x128xi32, #tpu.memory_space<hbm>> -> memref<80x128xi32, #tpu.memory_space<hbm>>
          %dma_start3A_338 = arith.constant 0 : i32
          %dma_start3A_339 = tpu.memref_slice %dma_start3A_337[%mul3A_331, %dma_start3A_338] : memref<80x128xi32, #tpu.memory_space<hbm>> -> memref<8x128xi32, #tpu.memory_space<hbm>>
          %dma_start3A_340 = arith.constant 0 : i32
          %dma_start3A_341 = tpu.memref_slice %arg10[%sub3A_51, %dma_start3A_340] : memref<16x128xi32, #tpu.memory_space<vmem>> -> memref<8x128xi32, #tpu.memory_space<vmem>>
          %dma_start3A_342 = arith.constant 0 : i32
          %dma_start3A_343 = arith.constant 0 : i32
          %dma_start3A_344 = tpu.memref_slice %arg5[%arg1, %dma_start3A_342, %dma_start3A_343] : memref<16x80x128xi32, #tpu.memory_space<hbm>> -> memref<1x80x128xi32, #tpu.memory_space<hbm>>
          %dma_start3A_345 = tpu.memref_squeeze %dma_start3A_344 : memref<1x80x128xi32, #tpu.memory_space<hbm>> -> memref<80x128xi32, #tpu.memory_space<hbm>>
          %dma_start3A_346 = arith.constant 0 : i32
          %dma_start3A_347 = tpu.memref_slice %dma_start3A_345[%mul3A_331, %dma_start3A_346] : memref<80x128xi32, #tpu.memory_space<hbm>> -> memref<8x128xi32, #tpu.memory_space<hbm>>
          tpu.enqueue_dma source(%dma_start3A_347 : memref<8x128xi32, #tpu.memory_space<hbm>>) target(%dma_start3A_341 : memref<8x128xi32, #tpu.memory_space<vmem>>) target_semaphore(%arg18 : memref<!tpu.dma_semaphore, #tpu.memory_space<semaphore_mem>>)
        } else {
        }
        %gt3A = arith.constant 0 : i32
        %gt3A_59 = arith.cmpi sgt, %scan3A_39, %gt3A : i32
        %convert_element_type3A_60 = arith.extui %gt3A_59 : i1 to i32
        %cond3A_61 = arith.constant 0 : i32
        %cond3A_62 = arith.cmpi ne, %convert_element_type3A_60, %cond3A_61 : i32
        scf.if %cond3A_62 {
          %dma_wait3A_308 = arith.constant 0 : i32
          %dma_wait3A_309 = arith.constant 0 : i32
          %dma_wait3A_310 = tpu.memref_slice %arg10[%dma_wait3A_308, %dma_wait3A_309] : memref<16x128xi32, #tpu.memory_space<vmem>> -> memref<1x128xi32, #tpu.memory_space<vmem>>
          %dma_wait3A_311 = tpu.memref_squeeze %dma_wait3A_310 : memref<1x128xi32, #tpu.memory_space<vmem>> -> memref<128xi32, #tpu.memory_space<vmem>>
          %dma_wait3A_312 = arith.constant 0 : i32
          %dma_wait3A_313 = arith.constant 0 : i32
          %dma_wait3A_314 = tpu.memref_slice %arg8[%dma_wait3A_312, %dma_wait3A_313] : memref<10240x128xf32, #tpu.memory_space<vmem_shared>> -> memref<10240x128xf32, #tpu.memory_space<vmem_shared>>
          tpu.wait_indirect_dma semaphore(%arg16 : memref<!tpu.dma_semaphore, #tpu.memory_space<semaphore_mem>>) src(%arg12 : memref<128x128xf32, #tpu.memory_space<vmem>>) dst(%dma_wait3A_314 : memref<10240x128xf32, #tpu.memory_space<vmem_shared>>)
        } else {
        }
        %add3A_63 = arith.constant 1 : i32
        %add3A_64 = arith.addi %mul3A_50, %add3A_63 : i32
        %dma_start3A_65 = arith.constant 0 : i32
        %dma_start3A_66 = tpu.memref_slice %arg9[%add3A_64, %dma_start3A_65] : memref<16x128xi32, #tpu.memory_space<vmem>> -> memref<1x128xi32, #tpu.memory_space<vmem>>
        %dma_start3A_67 = tpu.memref_squeeze %dma_start3A_66 : memref<1x128xi32, #tpu.memory_space<vmem>> -> memref<128xi32, #tpu.memory_space<vmem>>
        %dma_start3A_68 = arith.constant 0 : i32
        %dma_start3A_69 = arith.constant 0 : i32
        %dma_start3A_70 = tpu.memref_slice %arg3[%dma_start3A_68, %dma_start3A_69] : memref<10240x128xf32, #tpu.memory_space<hbm>> -> memref<10240x128xf32, #tpu.memory_space<hbm>>
        tpu.enqueue_indirect_dma source(%dma_start3A_70 : memref<10240x128xf32, #tpu.memory_space<hbm>>) target(%arg12 : memref<128x128xf32, #tpu.memory_space<vmem>>) offsets(%dma_start3A_67 : memref<128xi32, #tpu.memory_space<vmem>>) semaphore(%arg14 : memref<!tpu.dma_semaphore, #tpu.memory_space<semaphore_mem>>)
        %add3A_71 = arith.constant 0 : i32
        %add3A_72 = arith.addi %mul3A_50, %add3A_71 : i32
        %dma_wait3A_73 = arith.constant 0 : i32
        %dma_wait3A_74 = tpu.memref_slice %arg9[%add3A_72, %dma_wait3A_73] : memref<16x128xi32, #tpu.memory_space<vmem>> -> memref<1x128xi32, #tpu.memory_space<vmem>>
        %dma_wait3A_75 = tpu.memref_squeeze %dma_wait3A_74 : memref<1x128xi32, #tpu.memory_space<vmem>> -> memref<128xi32, #tpu.memory_space<vmem>>
        %dma_wait3A_76 = arith.constant 0 : i32
        %dma_wait3A_77 = arith.constant 0 : i32
        %dma_wait3A_78 = tpu.memref_slice %arg3[%dma_wait3A_76, %dma_wait3A_77] : memref<10240x128xf32, #tpu.memory_space<hbm>> -> memref<10240x128xf32, #tpu.memory_space<hbm>>
        tpu.wait_indirect_dma semaphore(%arg13 : memref<!tpu.dma_semaphore, #tpu.memory_space<semaphore_mem>>) src(%dma_wait3A_78 : memref<10240x128xf32, #tpu.memory_space<hbm>>) dst(%arg11 : memref<128x128xf32, #tpu.memory_space<vmem>>)
        %add3A_79 = arith.constant 0 : i32
        %add3A_80 = arith.addi %mul3A_50, %add3A_79 : i32
        %dma_start3A_81 = arith.constant 0 : i32
        %dma_start3A_82 = tpu.memref_slice %arg10[%add3A_80, %dma_start3A_81] : memref<16x128xi32, #tpu.memory_space<vmem>> -> memref<1x128xi32, #tpu.memory_space<vmem>>
        %dma_start3A_83 = tpu.memref_squeeze %dma_start3A_82 : memref<1x128xi32, #tpu.memory_space<vmem>> -> memref<128xi32, #tpu.memory_space<vmem>>
        %dma_start3A_84 = arith.constant 0 : i32
        %dma_start3A_85 = arith.constant 0 : i32
        %dma_start3A_86 = tpu.memref_slice %arg8[%dma_start3A_84, %dma_start3A_85] : memref<10240x128xf32, #tpu.memory_space<vmem_shared>> -> memref<10240x128xf32, #tpu.memory_space<vmem_shared>>
        tpu.enqueue_indirect_dma source(%arg11 : memref<128x128xf32, #tpu.memory_space<vmem>>) target(%dma_start3A_86 : memref<10240x128xf32, #tpu.memory_space<vmem_shared>>) offsets(%dma_start3A_83 : memref<128xi32, #tpu.memory_space<vmem>>) semaphore(%arg15 : memref<!tpu.dma_semaphore, #tpu.memory_space<semaphore_mem>>) {add = true}
        %dma_wait3A_87 = arith.constant 0 : i32
        %dma_wait3A_88 = arith.constant 0 : i32
        %dma_wait3A_89 = tpu.memref_slice %arg10[%dma_wait3A_87, %dma_wait3A_88] : memref<16x128xi32, #tpu.memory_space<vmem>> -> memref<1x128xi32, #tpu.memory_space<vmem>>
        %dma_wait3A_90 = tpu.memref_squeeze %dma_wait3A_89 : memref<1x128xi32, #tpu.memory_space<vmem>> -> memref<128xi32, #tpu.memory_space<vmem>>
        %dma_wait3A_91 = arith.constant 0 : i32
        %dma_wait3A_92 = arith.constant 0 : i32
        %dma_wait3A_93 = tpu.memref_slice %arg8[%dma_wait3A_91, %dma_wait3A_92] : memref<10240x128xf32, #tpu.memory_space<vmem_shared>> -> memref<10240x128xf32, #tpu.memory_space<vmem_shared>>
        tpu.wait_indirect_dma semaphore(%arg15 : memref<!tpu.dma_semaphore, #tpu.memory_space<semaphore_mem>>) src(%arg11 : memref<128x128xf32, #tpu.memory_space<vmem>>) dst(%dma_wait3A_93 : memref<10240x128xf32, #tpu.memory_space<vmem_shared>>)
        %add3A_94 = arith.constant 1 : i32
        %add3A_95 = arith.addi %mul3A_50, %add3A_94 : i32
        %add3A_96 = arith.constant 1 : i32
        %add3A_97 = arith.addi %add3A_95, %add3A_96 : i32
        %dma_start3A_98 = arith.constant 0 : i32
        %dma_start3A_99 = tpu.memref_slice %arg9[%add3A_97, %dma_start3A_98] : memref<16x128xi32, #tpu.memory_space<vmem>> -> memref<1x128xi32, #tpu.memory_space<vmem>>
        %dma_start3A_100 = tpu.memref_squeeze %dma_start3A_99 : memref<1x128xi32, #tpu.memory_space<vmem>> -> memref<128xi32, #tpu.memory_space<vmem>>
        %dma_start3A_101 = arith.constant 0 : i32
        %dma_start3A_102 = arith.constant 0 : i32
        %dma_start3A_103 = tpu.memref_slice %arg3[%dma_start3A_101, %dma_start3A_102] : memref<10240x128xf32, #tpu.memory_space<hbm>> -> memref<10240x128xf32, #tpu.memory_space<hbm>>
        tpu.enqueue_indirect_dma source(%dma_start3A_103 : memref<10240x128xf32, #tpu.memory_space<hbm>>) target(%arg11 : memref<128x128xf32, #tpu.memory_space<vmem>>) offsets(%dma_start3A_100 : memref<128xi32, #tpu.memory_space<vmem>>) semaphore(%arg13 : memref<!tpu.dma_semaphore, #tpu.memory_space<semaphore_mem>>)
        %add3A_104 = arith.constant 1 : i32
        %add3A_105 = arith.addi %mul3A_50, %add3A_104 : i32
        %dma_wait3A_106 = arith.constant 0 : i32
        %dma_wait3A_107 = tpu.memref_slice %arg9[%add3A_105, %dma_wait3A_106] : memref<16x128xi32, #tpu.memory_space<vmem>> -> memref<1x128xi32, #tpu.memory_space<vmem>>
        %dma_wait3A_108 = tpu.memref_squeeze %dma_wait3A_107 : memref<1x128xi32, #tpu.memory_space<vmem>> -> memref<128xi32, #tpu.memory_space<vmem>>
        %dma_wait3A_109 = arith.constant 0 : i32
        %dma_wait3A_110 = arith.constant 0 : i32
        %dma_wait3A_111 = tpu.memref_slice %arg3[%dma_wait3A_109, %dma_wait3A_110] : memref<10240x128xf32, #tpu.memory_space<hbm>> -> memref<10240x128xf32, #tpu.memory_space<hbm>>
        tpu.wait_indirect_dma semaphore(%arg14 : memref<!tpu.dma_semaphore, #tpu.memory_space<semaphore_mem>>) src(%dma_wait3A_111 : memref<10240x128xf32, #tpu.memory_space<hbm>>) dst(%arg12 : memref<128x128xf32, #tpu.memory_space<vmem>>)
        %add3A_112 = arith.constant 1 : i32
        %add3A_113 = arith.addi %mul3A_50, %add3A_112 : i32
        %dma_start3A_114 = arith.constant 0 : i32
        %dma_start3A_115 = tpu.memref_slice %arg10[%add3A_113, %dma_start3A_114] : memref<16x128xi32, #tpu.memory_space<vmem>> -> memref<1x128xi32, #tpu.memory_space<vmem>>
        %dma_start3A_116 = tpu.memref_squeeze %dma_start3A_115 : memref<1x128xi32, #tpu.memory_space<vmem>> -> memref<128xi32, #tpu.memory_space<vmem>>
        %dma_start3A_117 = arith.constant 0 : i32
        %dma_start3A_118 = arith.constant 0 : i32
        %dma_start3A_119 = tpu.memref_slice %arg8[%dma_start3A_117, %dma_start3A_118] : memref<10240x128xf32, #tpu.memory_space<vmem_shared>> -> memref<10240x128xf32, #tpu.memory_space<vmem_shared>>
        tpu.enqueue_indirect_dma source(%arg12 : memref<128x128xf32, #tpu.memory_space<vmem>>) target(%dma_start3A_119 : memref<10240x128xf32, #tpu.memory_space<vmem_shared>>) offsets(%dma_start3A_116 : memref<128xi32, #tpu.memory_space<vmem>>) semaphore(%arg16 : memref<!tpu.dma_semaphore, #tpu.memory_space<semaphore_mem>>) {add = true}
        %dma_wait3A_120 = arith.constant 0 : i32
        %dma_wait3A_121 = arith.constant 0 : i32
        %dma_wait3A_122 = tpu.memref_slice %arg10[%dma_wait3A_120, %dma_wait3A_121] : memref<16x128xi32, #tpu.memory_space<vmem>> -> memref<1x128xi32, #tpu.memory_space<vmem>>
        %dma_wait3A_123 = tpu.memref_squeeze %dma_wait3A_122 : memref<1x128xi32, #tpu.memory_space<vmem>> -> memref<128xi32, #tpu.memory_space<vmem>>
        %dma_wait3A_124 = arith.constant 0 : i32
        %dma_wait3A_125 = arith.constant 0 : i32
        %dma_wait3A_126 = tpu.memref_slice %arg8[%dma_wait3A_124, %dma_wait3A_125] : memref<10240x128xf32, #tpu.memory_space<vmem_shared>> -> memref<10240x128xf32, #tpu.memory_space<vmem_shared>>
        tpu.wait_indirect_dma semaphore(%arg16 : memref<!tpu.dma_semaphore, #tpu.memory_space<semaphore_mem>>) src(%arg12 : memref<128x128xf32, #tpu.memory_space<vmem>>) dst(%dma_wait3A_126 : memref<10240x128xf32, #tpu.memory_space<vmem_shared>>)
        %add3A_127 = arith.constant 2 : i32
        %add3A_128 = arith.addi %mul3A_50, %add3A_127 : i32
        %add3A_129 = arith.constant 1 : i32
        %add3A_130 = arith.addi %add3A_128, %add3A_129 : i32
        %dma_start3A_131 = arith.constant 0 : i32
        %dma_start3A_132 = tpu.memref_slice %arg9[%add3A_130, %dma_start3A_131] : memref<16x128xi32, #tpu.memory_space<vmem>> -> memref<1x128xi32, #tpu.memory_space<vmem>>
        %dma_start3A_133 = tpu.memref_squeeze %dma_start3A_132 : memref<1x128xi32, #tpu.memory_space<vmem>> -> memref<128xi32, #tpu.memory_space<vmem>>
        %dma_start3A_134 = arith.constant 0 : i32
        %dma_start3A_135 = arith.constant 0 : i32
        %dma_start3A_136 = tpu.memref_slice %arg3[%dma_start3A_134, %dma_start3A_135] : memref<10240x128xf32, #tpu.memory_space<hbm>> -> memref<10240x128xf32, #tpu.memory_space<hbm>>
        tpu.enqueue_indirect_dma source(%dma_start3A_136 : memref<10240x128xf32, #tpu.memory_space<hbm>>) target(%arg12 : memref<128x128xf32, #tpu.memory_space<vmem>>) offsets(%dma_start3A_133 : memref<128xi32, #tpu.memory_space<vmem>>) semaphore(%arg14 : memref<!tpu.dma_semaphore, #tpu.memory_space<semaphore_mem>>)
        %add3A_137 = arith.constant 2 : i32
        %add3A_138 = arith.addi %mul3A_50, %add3A_137 : i32
        %dma_wait3A_139 = arith.constant 0 : i32
        %dma_wait3A_140 = tpu.memref_slice %arg9[%add3A_138, %dma_wait3A_139] : memref<16x128xi32, #tpu.memory_space<vmem>> -> memref<1x128xi32, #tpu.memory_space<vmem>>
        %dma_wait3A_141 = tpu.memref_squeeze %dma_wait3A_140 : memref<1x128xi32, #tpu.memory_space<vmem>> -> memref<128xi32, #tpu.memory_space<vmem>>
        %dma_wait3A_142 = arith.constant 0 : i32
        %dma_wait3A_143 = arith.constant 0 : i32
        %dma_wait3A_144 = tpu.memref_slice %arg3[%dma_wait3A_142, %dma_wait3A_143] : memref<10240x128xf32, #tpu.memory_space<hbm>> -> memref<10240x128xf32, #tpu.memory_space<hbm>>
        tpu.wait_indirect_dma semaphore(%arg13 : memref<!tpu.dma_semaphore, #tpu.memory_space<semaphore_mem>>) src(%dma_wait3A_144 : memref<10240x128xf32, #tpu.memory_space<hbm>>) dst(%arg11 : memref<128x128xf32, #tpu.memory_space<vmem>>)
        %add3A_145 = arith.constant 2 : i32
        %add3A_146 = arith.addi %mul3A_50, %add3A_145 : i32
        %dma_start3A_147 = arith.constant 0 : i32
        %dma_start3A_148 = tpu.memref_slice %arg10[%add3A_146, %dma_start3A_147] : memref<16x128xi32, #tpu.memory_space<vmem>> -> memref<1x128xi32, #tpu.memory_space<vmem>>
        %dma_start3A_149 = tpu.memref_squeeze %dma_start3A_148 : memref<1x128xi32, #tpu.memory_space<vmem>> -> memref<128xi32, #tpu.memory_space<vmem>>
        %dma_start3A_150 = arith.constant 0 : i32
        %dma_start3A_151 = arith.constant 0 : i32
        %dma_start3A_152 = tpu.memref_slice %arg8[%dma_start3A_150, %dma_start3A_151] : memref<10240x128xf32, #tpu.memory_space<vmem_shared>> -> memref<10240x128xf32, #tpu.memory_space<vmem_shared>>
        tpu.enqueue_indirect_dma source(%arg11 : memref<128x128xf32, #tpu.memory_space<vmem>>) target(%dma_start3A_152 : memref<10240x128xf32, #tpu.memory_space<vmem_shared>>) offsets(%dma_start3A_149 : memref<128xi32, #tpu.memory_space<vmem>>) semaphore(%arg15 : memref<!tpu.dma_semaphore, #tpu.memory_space<semaphore_mem>>) {add = true}
        %dma_wait3A_153 = arith.constant 0 : i32
        %dma_wait3A_154 = arith.constant 0 : i32
        %dma_wait3A_155 = tpu.memref_slice %arg10[%dma_wait3A_153, %dma_wait3A_154] : memref<16x128xi32, #tpu.memory_space<vmem>> -> memref<1x128xi32, #tpu.memory_space<vmem>>
        %dma_wait3A_156 = tpu.memref_squeeze %dma_wait3A_155 : memref<1x128xi32, #tpu.memory_space<vmem>> -> memref<128xi32, #tpu.memory_space<vmem>>
        %dma_wait3A_157 = arith.constant 0 : i32
        %dma_wait3A_158 = arith.constant 0 : i32
        %dma_wait3A_159 = tpu.memref_slice %arg8[%dma_wait3A_157, %dma_wait3A_158] : memref<10240x128xf32, #tpu.memory_space<vmem_shared>> -> memref<10240x128xf32, #tpu.memory_space<vmem_shared>>
        tpu.wait_indirect_dma semaphore(%arg15 : memref<!tpu.dma_semaphore, #tpu.memory_space<semaphore_mem>>) src(%arg11 : memref<128x128xf32, #tpu.memory_space<vmem>>) dst(%dma_wait3A_159 : memref<10240x128xf32, #tpu.memory_space<vmem_shared>>)
        %add3A_160 = arith.constant 3 : i32
        %add3A_161 = arith.addi %mul3A_50, %add3A_160 : i32
        %add3A_162 = arith.constant 1 : i32
        %add3A_163 = arith.addi %add3A_161, %add3A_162 : i32
        %dma_start3A_164 = arith.constant 0 : i32
        %dma_start3A_165 = tpu.memref_slice %arg9[%add3A_163, %dma_start3A_164] : memref<16x128xi32, #tpu.memory_space<vmem>> -> memref<1x128xi32, #tpu.memory_space<vmem>>
        %dma_start3A_166 = tpu.memref_squeeze %dma_start3A_165 : memref<1x128xi32, #tpu.memory_space<vmem>> -> memref<128xi32, #tpu.memory_space<vmem>>
        %dma_start3A_167 = arith.constant 0 : i32
        %dma_start3A_168 = arith.constant 0 : i32
        %dma_start3A_169 = tpu.memref_slice %arg3[%dma_start3A_167, %dma_start3A_168] : memref<10240x128xf32, #tpu.memory_space<hbm>> -> memref<10240x128xf32, #tpu.memory_space<hbm>>
        tpu.enqueue_indirect_dma source(%dma_start3A_169 : memref<10240x128xf32, #tpu.memory_space<hbm>>) target(%arg11 : memref<128x128xf32, #tpu.memory_space<vmem>>) offsets(%dma_start3A_166 : memref<128xi32, #tpu.memory_space<vmem>>) semaphore(%arg13 : memref<!tpu.dma_semaphore, #tpu.memory_space<semaphore_mem>>)
        %add3A_170 = arith.constant 3 : i32
        %add3A_171 = arith.addi %mul3A_50, %add3A_170 : i32
        %dma_wait3A_172 = arith.constant 0 : i32
        %dma_wait3A_173 = tpu.memref_slice %arg9[%add3A_171, %dma_wait3A_172] : memref<16x128xi32, #tpu.memory_space<vmem>> -> memref<1x128xi32, #tpu.memory_space<vmem>>
        %dma_wait3A_174 = tpu.memref_squeeze %dma_wait3A_173 : memref<1x128xi32, #tpu.memory_space<vmem>> -> memref<128xi32, #tpu.memory_space<vmem>>
        %dma_wait3A_175 = arith.constant 0 : i32
        %dma_wait3A_176 = arith.constant 0 : i32
        %dma_wait3A_177 = tpu.memref_slice %arg3[%dma_wait3A_175, %dma_wait3A_176] : memref<10240x128xf32, #tpu.memory_space<hbm>> -> memref<10240x128xf32, #tpu.memory_space<hbm>>
        tpu.wait_indirect_dma semaphore(%arg14 : memref<!tpu.dma_semaphore, #tpu.memory_space<semaphore_mem>>) src(%dma_wait3A_177 : memref<10240x128xf32, #tpu.memory_space<hbm>>) dst(%arg12 : memref<128x128xf32, #tpu.memory_space<vmem>>)
        %add3A_178 = arith.constant 3 : i32
        %add3A_179 = arith.addi %mul3A_50, %add3A_178 : i32
        %dma_start3A_180 = arith.constant 0 : i32
        %dma_start3A_181 = tpu.memref_slice %arg10[%add3A_179, %dma_start3A_180] : memref<16x128xi32, #tpu.memory_space<vmem>> -> memref<1x128xi32, #tpu.memory_space<vmem>>
        %dma_start3A_182 = tpu.memref_squeeze %dma_start3A_181 : memref<1x128xi32, #tpu.memory_space<vmem>> -> memref<128xi32, #tpu.memory_space<vmem>>
        %dma_start3A_183 = arith.constant 0 : i32
        %dma_start3A_184 = arith.constant 0 : i32
        %dma_start3A_185 = tpu.memref_slice %arg8[%dma_start3A_183, %dma_start3A_184] : memref<10240x128xf32, #tpu.memory_space<vmem_shared>> -> memref<10240x128xf32, #tpu.memory_space<vmem_shared>>
        tpu.enqueue_indirect_dma source(%arg12 : memref<128x128xf32, #tpu.memory_space<vmem>>) target(%dma_start3A_185 : memref<10240x128xf32, #tpu.memory_space<vmem_shared>>) offsets(%dma_start3A_182 : memref<128xi32, #tpu.memory_space<vmem>>) semaphore(%arg16 : memref<!tpu.dma_semaphore, #tpu.memory_space<semaphore_mem>>) {add = true}
        %dma_wait3A_186 = arith.constant 0 : i32
        %dma_wait3A_187 = arith.constant 0 : i32
        %dma_wait3A_188 = tpu.memref_slice %arg10[%dma_wait3A_186, %dma_wait3A_187] : memref<16x128xi32, #tpu.memory_space<vmem>> -> memref<1x128xi32, #tpu.memory_space<vmem>>
        %dma_wait3A_189 = tpu.memref_squeeze %dma_wait3A_188 : memref<1x128xi32, #tpu.memory_space<vmem>> -> memref<128xi32, #tpu.memory_space<vmem>>
        %dma_wait3A_190 = arith.constant 0 : i32
        %dma_wait3A_191 = arith.constant 0 : i32
        %dma_wait3A_192 = tpu.memref_slice %arg8[%dma_wait3A_190, %dma_wait3A_191] : memref<10240x128xf32, #tpu.memory_space<vmem_shared>> -> memref<10240x128xf32, #tpu.memory_space<vmem_shared>>
        tpu.wait_indirect_dma semaphore(%arg16 : memref<!tpu.dma_semaphore, #tpu.memory_space<semaphore_mem>>) src(%arg12 : memref<128x128xf32, #tpu.memory_space<vmem>>) dst(%dma_wait3A_192 : memref<10240x128xf32, #tpu.memory_space<vmem_shared>>)
        %add3A_193 = arith.constant 4 : i32
        %add3A_194 = arith.addi %mul3A_50, %add3A_193 : i32
        %add3A_195 = arith.constant 1 : i32
        %add3A_196 = arith.addi %add3A_194, %add3A_195 : i32
        %dma_start3A_197 = arith.constant 0 : i32
        %dma_start3A_198 = tpu.memref_slice %arg9[%add3A_196, %dma_start3A_197] : memref<16x128xi32, #tpu.memory_space<vmem>> -> memref<1x128xi32, #tpu.memory_space<vmem>>
        %dma_start3A_199 = tpu.memref_squeeze %dma_start3A_198 : memref<1x128xi32, #tpu.memory_space<vmem>> -> memref<128xi32, #tpu.memory_space<vmem>>
        %dma_start3A_200 = arith.constant 0 : i32
        %dma_start3A_201 = arith.constant 0 : i32
        %dma_start3A_202 = tpu.memref_slice %arg3[%dma_start3A_200, %dma_start3A_201] : memref<10240x128xf32, #tpu.memory_space<hbm>> -> memref<10240x128xf32, #tpu.memory_space<hbm>>
        tpu.enqueue_indirect_dma source(%dma_start3A_202 : memref<10240x128xf32, #tpu.memory_space<hbm>>) target(%arg12 : memref<128x128xf32, #tpu.memory_space<vmem>>) offsets(%dma_start3A_199 : memref<128xi32, #tpu.memory_space<vmem>>) semaphore(%arg14 : memref<!tpu.dma_semaphore, #tpu.memory_space<semaphore_mem>>)
        %add3A_203 = arith.constant 4 : i32
        %add3A_204 = arith.addi %mul3A_50, %add3A_203 : i32
        %dma_wait3A_205 = arith.constant 0 : i32
        %dma_wait3A_206 = tpu.memref_slice %arg9[%add3A_204, %dma_wait3A_205] : memref<16x128xi32, #tpu.memory_space<vmem>> -> memref<1x128xi32, #tpu.memory_space<vmem>>
        %dma_wait3A_207 = tpu.memref_squeeze %dma_wait3A_206 : memref<1x128xi32, #tpu.memory_space<vmem>> -> memref<128xi32, #tpu.memory_space<vmem>>
        %dma_wait3A_208 = arith.constant 0 : i32
        %dma_wait3A_209 = arith.constant 0 : i32
        %dma_wait3A_210 = tpu.memref_slice %arg3[%dma_wait3A_208, %dma_wait3A_209] : memref<10240x128xf32, #tpu.memory_space<hbm>> -> memref<10240x128xf32, #tpu.memory_space<hbm>>
        tpu.wait_indirect_dma semaphore(%arg13 : memref<!tpu.dma_semaphore, #tpu.memory_space<semaphore_mem>>) src(%dma_wait3A_210 : memref<10240x128xf32, #tpu.memory_space<hbm>>) dst(%arg11 : memref<128x128xf32, #tpu.memory_space<vmem>>)
        %add3A_211 = arith.constant 4 : i32
        %add3A_212 = arith.addi %mul3A_50, %add3A_211 : i32
        %dma_start3A_213 = arith.constant 0 : i32
        %dma_start3A_214 = tpu.memref_slice %arg10[%add3A_212, %dma_start3A_213] : memref<16x128xi32, #tpu.memory_space<vmem>> -> memref<1x128xi32, #tpu.memory_space<vmem>>
        %dma_start3A_215 = tpu.memref_squeeze %dma_start3A_214 : memref<1x128xi32, #tpu.memory_space<vmem>> -> memref<128xi32, #tpu.memory_space<vmem>>
        %dma_start3A_216 = arith.constant 0 : i32
        %dma_start3A_217 = arith.constant 0 : i32
        %dma_start3A_218 = tpu.memref_slice %arg8[%dma_start3A_216, %dma_start3A_217] : memref<10240x128xf32, #tpu.memory_space<vmem_shared>> -> memref<10240x128xf32, #tpu.memory_space<vmem_shared>>
        tpu.enqueue_indirect_dma source(%arg11 : memref<128x128xf32, #tpu.memory_space<vmem>>) target(%dma_start3A_218 : memref<10240x128xf32, #tpu.memory_space<vmem_shared>>) offsets(%dma_start3A_215 : memref<128xi32, #tpu.memory_space<vmem>>) semaphore(%arg15 : memref<!tpu.dma_semaphore, #tpu.memory_space<semaphore_mem>>) {add = true}
        %dma_wait3A_219 = arith.constant 0 : i32
        %dma_wait3A_220 = arith.constant 0 : i32
        %dma_wait3A_221 = tpu.memref_slice %arg10[%dma_wait3A_219, %dma_wait3A_220] : memref<16x128xi32, #tpu.memory_space<vmem>> -> memref<1x128xi32, #tpu.memory_space<vmem>>
        %dma_wait3A_222 = tpu.memref_squeeze %dma_wait3A_221 : memref<1x128xi32, #tpu.memory_space<vmem>> -> memref<128xi32, #tpu.memory_space<vmem>>
        %dma_wait3A_223 = arith.constant 0 : i32
        %dma_wait3A_224 = arith.constant 0 : i32
        %dma_wait3A_225 = tpu.memref_slice %arg8[%dma_wait3A_223, %dma_wait3A_224] : memref<10240x128xf32, #tpu.memory_space<vmem_shared>> -> memref<10240x128xf32, #tpu.memory_space<vmem_shared>>
        tpu.wait_indirect_dma semaphore(%arg15 : memref<!tpu.dma_semaphore, #tpu.memory_space<semaphore_mem>>) src(%arg11 : memref<128x128xf32, #tpu.memory_space<vmem>>) dst(%dma_wait3A_225 : memref<10240x128xf32, #tpu.memory_space<vmem_shared>>)
        %add3A_226 = arith.constant 5 : i32
        %add3A_227 = arith.addi %mul3A_50, %add3A_226 : i32
        %add3A_228 = arith.constant 1 : i32
        %add3A_229 = arith.addi %add3A_227, %add3A_228 : i32
        %dma_start3A_230 = arith.constant 0 : i32
        %dma_start3A_231 = tpu.memref_slice %arg9[%add3A_229, %dma_start3A_230] : memref<16x128xi32, #tpu.memory_space<vmem>> -> memref<1x128xi32, #tpu.memory_space<vmem>>
        %dma_start3A_232 = tpu.memref_squeeze %dma_start3A_231 : memref<1x128xi32, #tpu.memory_space<vmem>> -> memref<128xi32, #tpu.memory_space<vmem>>
        %dma_start3A_233 = arith.constant 0 : i32
        %dma_start3A_234 = arith.constant 0 : i32
        %dma_start3A_235 = tpu.memref_slice %arg3[%dma_start3A_233, %dma_start3A_234] : memref<10240x128xf32, #tpu.memory_space<hbm>> -> memref<10240x128xf32, #tpu.memory_space<hbm>>
        tpu.enqueue_indirect_dma source(%dma_start3A_235 : memref<10240x128xf32, #tpu.memory_space<hbm>>) target(%arg11 : memref<128x128xf32, #tpu.memory_space<vmem>>) offsets(%dma_start3A_232 : memref<128xi32, #tpu.memory_space<vmem>>) semaphore(%arg13 : memref<!tpu.dma_semaphore, #tpu.memory_space<semaphore_mem>>)
        %add3A_236 = arith.constant 5 : i32
        %add3A_237 = arith.addi %mul3A_50, %add3A_236 : i32
        %dma_wait3A_238 = arith.constant 0 : i32
        %dma_wait3A_239 = tpu.memref_slice %arg9[%add3A_237, %dma_wait3A_238] : memref<16x128xi32, #tpu.memory_space<vmem>> -> memref<1x128xi32, #tpu.memory_space<vmem>>
        %dma_wait3A_240 = tpu.memref_squeeze %dma_wait3A_239 : memref<1x128xi32, #tpu.memory_space<vmem>> -> memref<128xi32, #tpu.memory_space<vmem>>
        %dma_wait3A_241 = arith.constant 0 : i32
        %dma_wait3A_242 = arith.constant 0 : i32
        %dma_wait3A_243 = tpu.memref_slice %arg3[%dma_wait3A_241, %dma_wait3A_242] : memref<10240x128xf32, #tpu.memory_space<hbm>> -> memref<10240x128xf32, #tpu.memory_space<hbm>>
        tpu.wait_indirect_dma semaphore(%arg14 : memref<!tpu.dma_semaphore, #tpu.memory_space<semaphore_mem>>) src(%dma_wait3A_243 : memref<10240x128xf32, #tpu.memory_space<hbm>>) dst(%arg12 : memref<128x128xf32, #tpu.memory_space<vmem>>)
        %add3A_244 = arith.constant 5 : i32
        %add3A_245 = arith.addi %mul3A_50, %add3A_244 : i32
        %dma_start3A_246 = arith.constant 0 : i32
        %dma_start3A_247 = tpu.memref_slice %arg10[%add3A_245, %dma_start3A_246] : memref<16x128xi32, #tpu.memory_space<vmem>> -> memref<1x128xi32, #tpu.memory_space<vmem>>
        %dma_start3A_248 = tpu.memref_squeeze %dma_start3A_247 : memref<1x128xi32, #tpu.memory_space<vmem>> -> memref<128xi32, #tpu.memory_space<vmem>>
        %dma_start3A_249 = arith.constant 0 : i32
        %dma_start3A_250 = arith.constant 0 : i32
        %dma_start3A_251 = tpu.memref_slice %arg8[%dma_start3A_249, %dma_start3A_250] : memref<10240x128xf32, #tpu.memory_space<vmem_shared>> -> memref<10240x128xf32, #tpu.memory_space<vmem_shared>>
        tpu.enqueue_indirect_dma source(%arg12 : memref<128x128xf32, #tpu.memory_space<vmem>>) target(%dma_start3A_251 : memref<10240x128xf32, #tpu.memory_space<vmem_shared>>) offsets(%dma_start3A_248 : memref<128xi32, #tpu.memory_space<vmem>>) semaphore(%arg16 : memref<!tpu.dma_semaphore, #tpu.memory_space<semaphore_mem>>) {add = true}
        %dma_wait3A_252 = arith.constant 0 : i32
        %dma_wait3A_253 = arith.constant 0 : i32
        %dma_wait3A_254 = tpu.memref_slice %arg10[%dma_wait3A_252, %dma_wait3A_253] : memref<16x128xi32, #tpu.memory_space<vmem>> -> memref<1x128xi32, #tpu.memory_space<vmem>>
        %dma_wait3A_255 = tpu.memref_squeeze %dma_wait3A_254 : memref<1x128xi32, #tpu.memory_space<vmem>> -> memref<128xi32, #tpu.memory_space<vmem>>
        %dma_wait3A_256 = arith.constant 0 : i32
        %dma_wait3A_257 = arith.constant 0 : i32
        %dma_wait3A_258 = tpu.memref_slice %arg8[%dma_wait3A_256, %dma_wait3A_257] : memref<10240x128xf32, #tpu.memory_space<vmem_shared>> -> memref<10240x128xf32, #tpu.memory_space<vmem_shared>>
        tpu.wait_indirect_dma semaphore(%arg16 : memref<!tpu.dma_semaphore, #tpu.memory_space<semaphore_mem>>) src(%arg12 : memref<128x128xf32, #tpu.memory_space<vmem>>) dst(%dma_wait3A_258 : memref<10240x128xf32, #tpu.memory_space<vmem_shared>>)
        %add3A_259 = arith.constant 6 : i32
        %add3A_260 = arith.addi %mul3A_50, %add3A_259 : i32
        %add3A_261 = arith.constant 1 : i32
        %add3A_262 = arith.addi %add3A_260, %add3A_261 : i32
        %dma_start3A_263 = arith.constant 0 : i32
        %dma_start3A_264 = tpu.memref_slice %arg9[%add3A_262, %dma_start3A_263] : memref<16x128xi32, #tpu.memory_space<vmem>> -> memref<1x128xi32, #tpu.memory_space<vmem>>
        %dma_start3A_265 = tpu.memref_squeeze %dma_start3A_264 : memref<1x128xi32, #tpu.memory_space<vmem>> -> memref<128xi32, #tpu.memory_space<vmem>>
        %dma_start3A_266 = arith.constant 0 : i32
        %dma_start3A_267 = arith.constant 0 : i32
        %dma_start3A_268 = tpu.memref_slice %arg3[%dma_start3A_266, %dma_start3A_267] : memref<10240x128xf32, #tpu.memory_space<hbm>> -> memref<10240x128xf32, #tpu.memory_space<hbm>>
        tpu.enqueue_indirect_dma source(%dma_start3A_268 : memref<10240x128xf32, #tpu.memory_space<hbm>>) target(%arg12 : memref<128x128xf32, #tpu.memory_space<vmem>>) offsets(%dma_start3A_265 : memref<128xi32, #tpu.memory_space<vmem>>) semaphore(%arg14 : memref<!tpu.dma_semaphore, #tpu.memory_space<semaphore_mem>>)
        %add3A_269 = arith.constant 6 : i32
        %add3A_270 = arith.addi %mul3A_50, %add3A_269 : i32
        %dma_wait3A_271 = arith.constant 0 : i32
        %dma_wait3A_272 = tpu.memref_slice %arg9[%add3A_270, %dma_wait3A_271] : memref<16x128xi32, #tpu.memory_space<vmem>> -> memref<1x128xi32, #tpu.memory_space<vmem>>
        %dma_wait3A_273 = tpu.memref_squeeze %dma_wait3A_272 : memref<1x128xi32, #tpu.memory_space<vmem>> -> memref<128xi32, #tpu.memory_space<vmem>>
        %dma_wait3A_274 = arith.constant 0 : i32
        %dma_wait3A_275 = arith.constant 0 : i32
        %dma_wait3A_276 = tpu.memref_slice %arg3[%dma_wait3A_274, %dma_wait3A_275] : memref<10240x128xf32, #tpu.memory_space<hbm>> -> memref<10240x128xf32, #tpu.memory_space<hbm>>
        tpu.wait_indirect_dma semaphore(%arg13 : memref<!tpu.dma_semaphore, #tpu.memory_space<semaphore_mem>>) src(%dma_wait3A_276 : memref<10240x128xf32, #tpu.memory_space<hbm>>) dst(%arg11 : memref<128x128xf32, #tpu.memory_space<vmem>>)
        %add3A_277 = arith.constant 6 : i32
        %add3A_278 = arith.addi %mul3A_50, %add3A_277 : i32
        %dma_start3A_279 = arith.constant 0 : i32
        %dma_start3A_280 = tpu.memref_slice %arg10[%add3A_278, %dma_start3A_279] : memref<16x128xi32, #tpu.memory_space<vmem>> -> memref<1x128xi32, #tpu.memory_space<vmem>>
        %dma_start3A_281 = tpu.memref_squeeze %dma_start3A_280 : memref<1x128xi32, #tpu.memory_space<vmem>> -> memref<128xi32, #tpu.memory_space<vmem>>
        %dma_start3A_282 = arith.constant 0 : i32
        %dma_start3A_283 = arith.constant 0 : i32
        %dma_start3A_284 = tpu.memref_slice %arg8[%dma_start3A_282, %dma_start3A_283] : memref<10240x128xf32, #tpu.memory_space<vmem_shared>> -> memref<10240x128xf32, #tpu.memory_space<vmem_shared>>
        tpu.enqueue_indirect_dma source(%arg11 : memref<128x128xf32, #tpu.memory_space<vmem>>) target(%dma_start3A_284 : memref<10240x128xf32, #tpu.memory_space<vmem_shared>>) offsets(%dma_start3A_281 : memref<128xi32, #tpu.memory_space<vmem>>) semaphore(%arg15 : memref<!tpu.dma_semaphore, #tpu.memory_space<semaphore_mem>>) {add = true}
        %add3A_285 = arith.constant 1 : i32
        %add3A_286 = arith.addi %scan3A_39, %add3A_285 : i32
        %lt3A_287 = arith.constant 10 : i32
        %lt3A_288 = arith.cmpi slt, %add3A_286, %lt3A_287 : i32
        %convert_element_type3A_289 = arith.extui %lt3A_288 : i1 to i32
        %cond3A_290 = arith.constant 0 : i32
        %cond3A_291 = arith.cmpi ne, %convert_element_type3A_289, %cond3A_290 : i32
        scf.if %cond3A_291 {
          %dma_wait3A_308 = arith.constant 0 : i32
          %dma_wait3A_309 = arith.constant 0 : i32
          %dma_wait3A_310 = tpu.memref_slice %arg10[%dma_wait3A_308, %dma_wait3A_309] : memref<16x128xi32, #tpu.memory_space<vmem>> -> memref<1x128xi32, #tpu.memory_space<vmem>>
          %dma_wait3A_311 = tpu.memref_squeeze %dma_wait3A_310 : memref<1x128xi32, #tpu.memory_space<vmem>> -> memref<128xi32, #tpu.memory_space<vmem>>
          %dma_wait3A_312 = arith.constant 0 : i32
          %dma_wait3A_313 = arith.constant 0 : i32
          %dma_wait3A_314 = tpu.memref_slice %arg8[%dma_wait3A_312, %dma_wait3A_313] : memref<10240x128xf32, #tpu.memory_space<vmem_shared>> -> memref<10240x128xf32, #tpu.memory_space<vmem_shared>>
          tpu.wait_indirect_dma semaphore(%arg15 : memref<!tpu.dma_semaphore, #tpu.memory_space<semaphore_mem>>) src(%arg11 : memref<128x128xf32, #tpu.memory_space<vmem>>) dst(%dma_wait3A_314 : memref<10240x128xf32, #tpu.memory_space<vmem_shared>>)
          %add3A_315 = arith.constant 1 : i32
          %add3A_316 = arith.addi %scan3A_39, %add3A_315 : i32
          %mul3A_317 = arith.constant 8 : i32
          %mul3A_318 = arith.muli %add3A_316, %mul3A_317 : i32
          %dma_wait3A_319 = arith.constant 0 : i32
          %dma_wait3A_320 = tpu.memref_slice %arg9[%sub3A_51, %dma_wait3A_319] : memref<16x128xi32, #tpu.memory_space<vmem>> -> memref<8x128xi32, #tpu.memory_space<vmem>>
          %dma_wait3A_321 = arith.constant 0 : i32
          %dma_wait3A_322 = arith.constant 0 : i32
          %dma_wait3A_323 = tpu.memref_slice %arg4[%arg1, %dma_wait3A_321, %dma_wait3A_322] : memref<16x80x128xi32, #tpu.memory_space<hbm>> -> memref<1x80x128xi32, #tpu.memory_space<hbm>>
          %dma_wait3A_324 = tpu.memref_squeeze %dma_wait3A_323 : memref<1x80x128xi32, #tpu.memory_space<hbm>> -> memref<80x128xi32, #tpu.memory_space<hbm>>
          %dma_wait3A_325 = arith.constant 0 : i32
          %dma_wait3A_326 = tpu.memref_slice %dma_wait3A_324[%mul3A_318, %dma_wait3A_325] : memref<80x128xi32, #tpu.memory_space<hbm>> -> memref<8x128xi32, #tpu.memory_space<hbm>>
          %dma_wait3A_327 = arith.constant 0 : i32
          %dma_wait3A_328 = tpu.memref_slice %arg9[%sub3A_51, %dma_wait3A_327] : memref<16x128xi32, #tpu.memory_space<vmem>> -> memref<8x128xi32, #tpu.memory_space<vmem>>
          %dma_wait3A_329 = arith.constant 0 : i32
          %dma_wait3A_330 = arith.constant 0 : i32
          %dma_wait3A_331 = tpu.memref_slice %arg4[%arg1, %dma_wait3A_329, %dma_wait3A_330] : memref<16x80x128xi32, #tpu.memory_space<hbm>> -> memref<1x80x128xi32, #tpu.memory_space<hbm>>
          %dma_wait3A_332 = tpu.memref_squeeze %dma_wait3A_331 : memref<1x80x128xi32, #tpu.memory_space<hbm>> -> memref<80x128xi32, #tpu.memory_space<hbm>>
          %dma_wait3A_333 = arith.constant 0 : i32
          %dma_wait3A_334 = tpu.memref_slice %dma_wait3A_332[%mul3A_318, %dma_wait3A_333] : memref<80x128xi32, #tpu.memory_space<hbm>> -> memref<8x128xi32, #tpu.memory_space<hbm>>
          tpu.wait_dma2 semaphore(%arg17 : memref<!tpu.dma_semaphore, #tpu.memory_space<semaphore_mem>>) src(%dma_wait3A_334 : memref<8x128xi32, #tpu.memory_space<hbm>>) dst(%dma_wait3A_328 : memref<8x128xi32, #tpu.memory_space<vmem>>)
          %add3A_335 = arith.constant 1 : i32
          %add3A_336 = arith.addi %scan3A_39, %add3A_335 : i32
          %mul3A_337 = arith.constant 8 : i32
          %mul3A_338 = arith.muli %add3A_336, %mul3A_337 : i32
          %dma_wait3A_339 = arith.constant 0 : i32
          %dma_wait3A_340 = tpu.memref_slice %arg10[%sub3A_51, %dma_wait3A_339] : memref<16x128xi32, #tpu.memory_space<vmem>> -> memref<8x128xi32, #tpu.memory_space<vmem>>
          %dma_wait3A_341 = arith.constant 0 : i32
          %dma_wait3A_342 = arith.constant 0 : i32
          %dma_wait3A_343 = tpu.memref_slice %arg5[%arg1, %dma_wait3A_341, %dma_wait3A_342] : memref<16x80x128xi32, #tpu.memory_space<hbm>> -> memref<1x80x128xi32, #tpu.memory_space<hbm>>
          %dma_wait3A_344 = tpu.memref_squeeze %dma_wait3A_343 : memref<1x80x128xi32, #tpu.memory_space<hbm>> -> memref<80x128xi32, #tpu.memory_space<hbm>>
          %dma_wait3A_345 = arith.constant 0 : i32
          %dma_wait3A_346 = tpu.memref_slice %dma_wait3A_344[%mul3A_338, %dma_wait3A_345] : memref<80x128xi32, #tpu.memory_space<hbm>> -> memref<8x128xi32, #tpu.memory_space<hbm>>
          %dma_wait3A_347 = arith.constant 0 : i32
          %dma_wait3A_348 = tpu.memref_slice %arg10[%sub3A_51, %dma_wait3A_347] : memref<16x128xi32, #tpu.memory_space<vmem>> -> memref<8x128xi32, #tpu.memory_space<vmem>>
          %dma_wait3A_349 = arith.constant 0 : i32
          %dma_wait3A_350 = arith.constant 0 : i32
          %dma_wait3A_351 = tpu.memref_slice %arg5[%arg1, %dma_wait3A_349, %dma_wait3A_350] : memref<16x80x128xi32, #tpu.memory_space<hbm>> -> memref<1x80x128xi32, #tpu.memory_space<hbm>>
          %dma_wait3A_352 = tpu.memref_squeeze %dma_wait3A_351 : memref<1x80x128xi32, #tpu.memory_space<hbm>> -> memref<80x128xi32, #tpu.memory_space<hbm>>
          %dma_wait3A_353 = arith.constant 0 : i32
          %dma_wait3A_354 = tpu.memref_slice %dma_wait3A_352[%mul3A_338, %dma_wait3A_353] : memref<80x128xi32, #tpu.memory_space<hbm>> -> memref<8x128xi32, #tpu.memory_space<hbm>>
          tpu.wait_dma2 semaphore(%arg18 : memref<!tpu.dma_semaphore, #tpu.memory_space<semaphore_mem>>) src(%dma_wait3A_354 : memref<8x128xi32, #tpu.memory_space<hbm>>) dst(%dma_wait3A_348 : memref<8x128xi32, #tpu.memory_space<vmem>>)
          %dma_start3A_355 = arith.constant 0 : i32
          %dma_start3A_356 = tpu.memref_slice %arg9[%sub3A_51, %dma_start3A_355] : memref<16x128xi32, #tpu.memory_space<vmem>> -> memref<1x128xi32, #tpu.memory_space<vmem>>
          %dma_start3A_357 = tpu.memref_squeeze %dma_start3A_356 : memref<1x128xi32, #tpu.memory_space<vmem>> -> memref<128xi32, #tpu.memory_space<vmem>>
          %dma_start3A_358 = arith.constant 0 : i32
          %dma_start3A_359 = arith.constant 0 : i32
          %dma_start3A_360 = tpu.memref_slice %arg3[%dma_start3A_358, %dma_start3A_359] : memref<10240x128xf32, #tpu.memory_space<hbm>> -> memref<10240x128xf32, #tpu.memory_space<hbm>>
          tpu.enqueue_indirect_dma source(%dma_start3A_360 : memref<10240x128xf32, #tpu.memory_space<hbm>>) target(%arg11 : memref<128x128xf32, #tpu.memory_space<vmem>>) offsets(%dma_start3A_357 : memref<128xi32, #tpu.memory_space<vmem>>) semaphore(%arg13 : memref<!tpu.dma_semaphore, #tpu.memory_space<semaphore_mem>>)
        } else {
        }
        %add3A_292 = arith.constant 7 : i32
        %add3A_293 = arith.addi %mul3A_50, %add3A_292 : i32
        %dma_wait3A_294 = arith.constant 0 : i32
        %dma_wait3A_295 = tpu.memref_slice %arg9[%add3A_293, %dma_wait3A_294] : memref<16x128xi32, #tpu.memory_space<vmem>> -> memref<1x128xi32, #tpu.memory_space<vmem>>
        %dma_wait3A_296 = tpu.memref_squeeze %dma_wait3A_295 : memref<1x128xi32, #tpu.memory_space<vmem>> -> memref<128xi32, #tpu.memory_space<vmem>>
        %dma_wait3A_297 = arith.constant 0 : i32
        %dma_wait3A_298 = arith.constant 0 : i32
        %dma_wait3A_299 = tpu.memref_slice %arg3[%dma_wait3A_297, %dma_wait3A_298] : memref<10240x128xf32, #tpu.memory_space<hbm>> -> memref<10240x128xf32, #tpu.memory_space<hbm>>
        tpu.wait_indirect_dma semaphore(%arg14 : memref<!tpu.dma_semaphore, #tpu.memory_space<semaphore_mem>>) src(%dma_wait3A_299 : memref<10240x128xf32, #tpu.memory_space<hbm>>) dst(%arg12 : memref<128x128xf32, #tpu.memory_space<vmem>>)
        %add3A_300 = arith.constant 7 : i32
        %add3A_301 = arith.addi %mul3A_50, %add3A_300 : i32
        %dma_start3A_302 = arith.constant 0 : i32
        %dma_start3A_303 = tpu.memref_slice %arg10[%add3A_301, %dma_start3A_302] : memref<16x128xi32, #tpu.memory_space<vmem>> -> memref<1x128xi32, #tpu.memory_space<vmem>>
        %dma_start3A_304 = tpu.memref_squeeze %dma_start3A_303 : memref<1x128xi32, #tpu.memory_space<vmem>> -> memref<128xi32, #tpu.memory_space<vmem>>
        %dma_start3A_305 = arith.constant 0 : i32
        %dma_start3A_306 = arith.constant 0 : i32
        %dma_start3A_307 = tpu.memref_slice %arg8[%dma_start3A_305, %dma_start3A_306] : memref<10240x128xf32, #tpu.memory_space<vmem_shared>> -> memref<10240x128xf32, #tpu.memory_space<vmem_shared>>
        tpu.enqueue_indirect_dma source(%arg12 : memref<128x128xf32, #tpu.memory_space<vmem>>) target(%dma_start3A_307 : memref<10240x128xf32, #tpu.memory_space<vmem_shared>>) offsets(%dma_start3A_304 : memref<128xi32, #tpu.memory_space<vmem>>) semaphore(%arg16 : memref<!tpu.dma_semaphore, #tpu.memory_space<semaphore_mem>>) {add = true}
      }
      %scan3A_20 = arith.constant 10 : i32
      %dma_wait3A = arith.constant 0 : i32
      %dma_wait3A_21 = arith.constant 0 : i32
      %dma_wait3A_22 = tpu.memref_slice %arg10[%dma_wait3A, %dma_wait3A_21] : memref<16x128xi32, #tpu.memory_space<vmem>> -> memref<1x128xi32, #tpu.memory_space<vmem>>
      %dma_wait3A_23 = tpu.memref_squeeze %dma_wait3A_22 : memref<1x128xi32, #tpu.memory_space<vmem>> -> memref<128xi32, #tpu.memory_space<vmem>>
      %dma_wait3A_24 = arith.constant 0 : i32
      %dma_wait3A_25 = arith.constant 0 : i32
      %dma_wait3A_26 = tpu.memref_slice %arg8[%dma_wait3A_24, %dma_wait3A_25] : memref<10240x128xf32, #tpu.memory_space<vmem_shared>> -> memref<10240x128xf32, #tpu.memory_space<vmem_shared>>
      tpu.wait_indirect_dma semaphore(%arg15 : memref<!tpu.dma_semaphore, #tpu.memory_space<semaphore_mem>>) src(%arg11 : memref<128x128xf32, #tpu.memory_space<vmem>>) dst(%dma_wait3A_26 : memref<10240x128xf32, #tpu.memory_space<vmem_shared>>)
      %dma_wait3A_27 = arith.constant 0 : i32
      %dma_wait3A_28 = arith.constant 0 : i32
      %dma_wait3A_29 = tpu.memref_slice %arg10[%dma_wait3A_27, %dma_wait3A_28] : memref<16x128xi32, #tpu.memory_space<vmem>> -> memref<1x128xi32, #tpu.memory_space<vmem>>
      %dma_wait3A_30 = tpu.memref_squeeze %dma_wait3A_29 : memref<1x128xi32, #tpu.memory_space<vmem>> -> memref<128xi32, #tpu.memory_space<vmem>>
      %dma_wait3A_31 = arith.constant 0 : i32
      %dma_wait3A_32 = arith.constant 0 : i32
      %dma_wait3A_33 = tpu.memref_slice %arg8[%dma_wait3A_31, %dma_wait3A_32] : memref<10240x128xf32, #tpu.memory_space<vmem_shared>> -> memref<10240x128xf32, #tpu.memory_space<vmem_shared>>
      tpu.wait_indirect_dma semaphore(%arg16 : memref<!tpu.dma_semaphore, #tpu.memory_space<semaphore_mem>>) src(%arg12 : memref<128x128xf32, #tpu.memory_space<vmem>>) dst(%dma_wait3A_33 : memref<10240x128xf32, #tpu.memory_space<vmem_shared>>)
      %barrier3A_34 = arith.constant 0 : index
      tpu.barrier barrier_id(%barrier3A_34)
      %mul3A_35 = arith.constant 640 : i32
      %mul3A_36 = arith.muli %arg1, %mul3A_35 : i32
      %mul3A_37 = arith.constant 640 : i32
      %mul3A_38 = arith.muli %arg1, %mul3A_37 : i32
      "tpu.region"() ({
        %run_scoped3A = tpu.sem_alloc : memref<!tpu.dma_semaphore, #tpu.memory_space<semaphore_mem>>
        %dma_start3A_39 = arith.constant 0 : i32
        %dma_start3A_40 = tpu.memref_slice %arg7[%mul3A_38, %dma_start3A_39] : memref<10240x128xf32, #tpu.memory_space<hbm>> -> memref<640x128xf32, #tpu.memory_space<hbm>>
        %dma_start3A_41 = arith.constant 0 : i32
        %dma_start3A_42 = tpu.memref_slice %arg8[%mul3A_36, %dma_start3A_41] : memref<10240x128xf32, #tpu.memory_space<vmem_shared>> -> memref<640x128xf32, #tpu.memory_space<vmem_shared>>
        tpu.enqueue_dma source(%dma_start3A_42 : memref<640x128xf32, #tpu.memory_space<vmem_shared>>) target(%dma_start3A_40 : memref<640x128xf32, #tpu.memory_space<hbm>>) target_semaphore(%run_scoped3A : memref<!tpu.dma_semaphore, #tpu.memory_space<semaphore_mem>>)
        %dma_wait3A_43 = arith.constant 0 : i32
        %dma_wait3A_44 = tpu.memref_slice %arg7[%mul3A_38, %dma_wait3A_43] : memref<10240x128xf32, #tpu.memory_space<hbm>> -> memref<640x128xf32, #tpu.memory_space<hbm>>
        %dma_wait3A_45 = arith.constant 0 : i32
        %dma_wait3A_46 = tpu.memref_slice %arg8[%mul3A_36, %dma_wait3A_45] : memref<10240x128xf32, #tpu.memory_space<vmem_shared>> -> memref<640x128xf32, #tpu.memory_space<vmem_shared>>
        tpu.wait_dma2 semaphore(%run_scoped3A : memref<!tpu.dma_semaphore, #tpu.memory_space<semaphore_mem>>) src(%dma_wait3A_46 : memref<640x128xf32, #tpu.memory_space<vmem_shared>>) dst(%dma_wait3A_44 : memref<640x128xf32, #tpu.memory_space<hbm>>)
        tpu.yield
      }) : () -> ()
    } else {
    }
    return
  }
}

#map = affine_map<(d0, d1) -> (0, 0)>
#map1 = affine_map<(d0, d1) -> (0, 0, 0)>
module attributes {stable_mosaic.version = 14 : i64} {
  func.func @_agg_dual(%arg0: i32, %arg1: i32, %arg2: memref<10240x128xf32, #tpu.memory_space<hbm>>, %arg3: memref<10240x128xf32, #tpu.memory_space<hbm>>, %arg4: memref<16x80x128xi32, #tpu.memory_space<hbm>>, %arg5: memref<16x80x128xi32, #tpu.memory_space<hbm>>, %arg6: memref<10240x128xf32, #tpu.memory_space<hbm>>, %arg7: memref<10240x128xf32, #tpu.memory_space<hbm>>, %arg8: memref<10240x128xf32, #tpu.memory_space<vmem_shared>>, %arg9: memref<16x128xi32, #tpu.memory_space<vmem>>, %arg10: memref<16x128xi32, #tpu.memory_space<vmem>>, %arg11: memref<128x128xf32, #tpu.memory_space<vmem>>, %arg12: memref<128x128xf32, #tpu.memory_space<vmem>>, %arg13: memref<!tpu.dma_semaphore, #tpu.memory_space<semaphore_mem>>, %arg14: memref<!tpu.dma_semaphore, #tpu.memory_space<semaphore_mem>>, %arg15: memref<!tpu.dma_semaphore, #tpu.memory_space<semaphore_mem>>, %arg16: memref<!tpu.dma_semaphore, #tpu.memory_space<semaphore_mem>>, %arg17: memref<!tpu.dma_semaphore, #tpu.memory_space<semaphore_mem>>, %arg18: memref<!tpu.dma_semaphore, #tpu.memory_space<semaphore_mem>>) attributes {dimension_semantics = [#tpu.dimension_semantics<core_parallel>, #tpu.dimension_semantics<subcore_parallel>], iteration_bounds = array<i64: 2, 16>, scalar_prefetch = 0 : i64, scratch_operands = 11 : i64, tpu.core_type = #tpu.core_type<sc_vector_subcore>, window_params = [{transform_indices = #map}, {transform_indices = #map}, {transform_indices = #map1}, {transform_indices = #map1}, {transform_indices = #map}, {transform_indices = #map}]} {
    %eq3A = arith.constant 0 : i32
    %eq3A_0 = arith.cmpi eq, %arg0, %eq3A : i32
    %convert_element_type3A = arith.extui %eq3A_0 : i1 to i32
    %cond3A = arith.constant 0 : i32
    %cond3A_1 = arith.cmpi ne, %convert_element_type3A, %cond3A : i32
    scf.if %cond3A_1 {
      %mul3A = arith.constant 640 : i32
      %mul3A_7 = arith.muli %arg1, %mul3A : i32
      %mul3A_8 = arith.constant 640 : i32
      %mul3A_9 = arith.muli %arg1, %mul3A_8 : i32
      "tpu.region"() ({
        %run_scoped3A = tpu.sem_alloc : memref<!tpu.dma_semaphore, #tpu.memory_space<semaphore_mem>>
        %dma_start3A_39 = arith.constant 0 : i32
        %dma_start3A_40 = tpu.memref_slice %arg8[%mul3A_9, %dma_start3A_39] : memref<10240x128xf32, #tpu.memory_space<vmem_shared>> -> memref<640x128xf32, #tpu.memory_space<vmem_shared>>
        %dma_start3A_41 = arith.constant 0 : i32
        %dma_start3A_42 = tpu.memref_slice %arg2[%mul3A_7, %dma_start3A_41] : memref<10240x128xf32, #tpu.memory_space<hbm>> -> memref<640x128xf32, #tpu.memory_space<hbm>>
        tpu.enqueue_dma source(%dma_start3A_42 : memref<640x128xf32, #tpu.memory_space<hbm>>) target(%dma_start3A_40 : memref<640x128xf32, #tpu.memory_space<vmem_shared>>) target_semaphore(%run_scoped3A : memref<!tpu.dma_semaphore, #tpu.memory_space<semaphore_mem>>)
        %dma_wait3A_43 = arith.constant 0 : i32
        %dma_wait3A_44 = tpu.memref_slice %arg8[%mul3A_9, %dma_wait3A_43] : memref<10240x128xf32, #tpu.memory_space<vmem_shared>> -> memref<640x128xf32, #tpu.memory_space<vmem_shared>>
        %dma_wait3A_45 = arith.constant 0 : i32
        %dma_wait3A_46 = tpu.memref_slice %arg2[%mul3A_7, %dma_wait3A_45] : memref<10240x128xf32, #tpu.memory_space<hbm>> -> memref<640x128xf32, #tpu.memory_space<hbm>>
        tpu.wait_dma2 semaphore(%run_scoped3A : memref<!tpu.dma_semaphore, #tpu.memory_space<semaphore_mem>>) src(%dma_wait3A_46 : memref<640x128xf32, #tpu.memory_space<hbm>>) dst(%dma_wait3A_44 : memref<640x128xf32, #tpu.memory_space<vmem_shared>>)
        tpu.yield
      }) : () -> ()
      %barrier3A = arith.constant 0 : index
      tpu.barrier barrier_id(%barrier3A)
      "tpu.region"() ({
        %run_scoped3A = tpu.sem_alloc : memref<!tpu.dma_semaphore, #tpu.memory_space<semaphore_mem>>
        %dma_start3A_39 = arith.constant 0 : i32
        %dma_start3A_40 = arith.constant 0 : i32
        %dma_start3A_41 = tpu.memref_slice %arg9[%dma_start3A_39, %dma_start3A_40] : memref<16x128xi32, #tpu.memory_space<vmem>> -> memref<8x128xi32, #tpu.memory_space<vmem>>
        %dma_start3A_42 = arith.constant 0 : i32
        %dma_start3A_43 = arith.constant 0 : i32
        %dma_start3A_44 = tpu.memref_slice %arg4[%arg1, %dma_start3A_42, %dma_start3A_43] : memref<16x80x128xi32, #tpu.memory_space<hbm>> -> memref<1x80x128xi32, #tpu.memory_space<hbm>>
        %dma_start3A_45 = tpu.memref_squeeze %dma_start3A_44 : memref<1x80x128xi32, #tpu.memory_space<hbm>> -> memref<80x128xi32, #tpu.memory_space<hbm>>
        %dma_start3A_46 = arith.constant 0 : i32
        %dma_start3A_47 = arith.constant 0 : i32
        %dma_start3A_48 = tpu.memref_slice %dma_start3A_45[%dma_start3A_46, %dma_start3A_47] : memref<80x128xi32, #tpu.memory_space<hbm>> -> memref<8x128xi32, #tpu.memory_space<hbm>>
        %dma_start3A_49 = arith.constant 0 : i32
        %dma_start3A_50 = arith.constant 0 : i32
        %dma_start3A_51 = tpu.memref_slice %arg9[%dma_start3A_49, %dma_start3A_50] : memref<16x128xi32, #tpu.memory_space<vmem>> -> memref<8x128xi32, #tpu.memory_space<vmem>>
        %dma_start3A_52 = arith.constant 0 : i32
        %dma_start3A_53 = arith.constant 0 : i32
        %dma_start3A_54 = tpu.memref_slice %arg4[%arg1, %dma_start3A_52, %dma_start3A_53] : memref<16x80x128xi32, #tpu.memory_space<hbm>> -> memref<1x80x128xi32, #tpu.memory_space<hbm>>
        %dma_start3A_55 = tpu.memref_squeeze %dma_start3A_54 : memref<1x80x128xi32, #tpu.memory_space<hbm>> -> memref<80x128xi32, #tpu.memory_space<hbm>>
        %dma_start3A_56 = arith.constant 0 : i32
        %dma_start3A_57 = arith.constant 0 : i32
        %dma_start3A_58 = tpu.memref_slice %dma_start3A_55[%dma_start3A_56, %dma_start3A_57] : memref<80x128xi32, #tpu.memory_space<hbm>> -> memref<8x128xi32, #tpu.memory_space<hbm>>
        tpu.enqueue_dma source(%dma_start3A_58 : memref<8x128xi32, #tpu.memory_space<hbm>>) target(%dma_start3A_51 : memref<8x128xi32, #tpu.memory_space<vmem>>) target_semaphore(%run_scoped3A : memref<!tpu.dma_semaphore, #tpu.memory_space<semaphore_mem>>)
        %dma_wait3A_59 = arith.constant 0 : i32
        %dma_wait3A_60 = arith.constant 0 : i32
        %dma_wait3A_61 = tpu.memref_slice %arg9[%dma_wait3A_59, %dma_wait3A_60] : memref<16x128xi32, #tpu.memory_space<vmem>> -> memref<8x128xi32, #tpu.memory_space<vmem>>
        %dma_wait3A_62 = arith.constant 0 : i32
        %dma_wait3A_63 = arith.constant 0 : i32
        %dma_wait3A_64 = tpu.memref_slice %arg4[%arg1, %dma_wait3A_62, %dma_wait3A_63] : memref<16x80x128xi32, #tpu.memory_space<hbm>> -> memref<1x80x128xi32, #tpu.memory_space<hbm>>
        %dma_wait3A_65 = tpu.memref_squeeze %dma_wait3A_64 : memref<1x80x128xi32, #tpu.memory_space<hbm>> -> memref<80x128xi32, #tpu.memory_space<hbm>>
        %dma_wait3A_66 = arith.constant 0 : i32
        %dma_wait3A_67 = arith.constant 0 : i32
        %dma_wait3A_68 = tpu.memref_slice %dma_wait3A_65[%dma_wait3A_66, %dma_wait3A_67] : memref<80x128xi32, #tpu.memory_space<hbm>> -> memref<8x128xi32, #tpu.memory_space<hbm>>
        %dma_wait3A_69 = arith.constant 0 : i32
        %dma_wait3A_70 = arith.constant 0 : i32
        %dma_wait3A_71 = tpu.memref_slice %arg9[%dma_wait3A_69, %dma_wait3A_70] : memref<16x128xi32, #tpu.memory_space<vmem>> -> memref<8x128xi32, #tpu.memory_space<vmem>>
        %dma_wait3A_72 = arith.constant 0 : i32
        %dma_wait3A_73 = arith.constant 0 : i32
        %dma_wait3A_74 = tpu.memref_slice %arg4[%arg1, %dma_wait3A_72, %dma_wait3A_73] : memref<16x80x128xi32, #tpu.memory_space<hbm>> -> memref<1x80x128xi32, #tpu.memory_space<hbm>>
        %dma_wait3A_75 = tpu.memref_squeeze %dma_wait3A_74 : memref<1x80x128xi32, #tpu.memory_space<hbm>> -> memref<80x128xi32, #tpu.memory_space<hbm>>
        %dma_wait3A_76 = arith.constant 0 : i32
        %dma_wait3A_77 = arith.constant 0 : i32
        %dma_wait3A_78 = tpu.memref_slice %dma_wait3A_75[%dma_wait3A_76, %dma_wait3A_77] : memref<80x128xi32, #tpu.memory_space<hbm>> -> memref<8x128xi32, #tpu.memory_space<hbm>>
        tpu.wait_dma2 semaphore(%run_scoped3A : memref<!tpu.dma_semaphore, #tpu.memory_space<semaphore_mem>>) src(%dma_wait3A_78 : memref<8x128xi32, #tpu.memory_space<hbm>>) dst(%dma_wait3A_71 : memref<8x128xi32, #tpu.memory_space<vmem>>)
        tpu.yield
      }) : () -> ()
      "tpu.region"() ({
        %run_scoped3A = tpu.sem_alloc : memref<!tpu.dma_semaphore, #tpu.memory_space<semaphore_mem>>
        %dma_start3A_39 = arith.constant 0 : i32
        %dma_start3A_40 = arith.constant 0 : i32
        %dma_start3A_41 = tpu.memref_slice %arg10[%dma_start3A_39, %dma_start3A_40] : memref<16x128xi32, #tpu.memory_space<vmem>> -> memref<8x128xi32, #tpu.memory_space<vmem>>
        %dma_start3A_42 = arith.constant 0 : i32
        %dma_start3A_43 = arith.constant 0 : i32
        %dma_start3A_44 = tpu.memref_slice %arg5[%arg1, %dma_start3A_42, %dma_start3A_43] : memref<16x80x128xi32, #tpu.memory_space<hbm>> -> memref<1x80x128xi32, #tpu.memory_space<hbm>>
        %dma_start3A_45 = tpu.memref_squeeze %dma_start3A_44 : memref<1x80x128xi32, #tpu.memory_space<hbm>> -> memref<80x128xi32, #tpu.memory_space<hbm>>
        %dma_start3A_46 = arith.constant 0 : i32
        %dma_start3A_47 = arith.constant 0 : i32
        %dma_start3A_48 = tpu.memref_slice %dma_start3A_45[%dma_start3A_46, %dma_start3A_47] : memref<80x128xi32, #tpu.memory_space<hbm>> -> memref<8x128xi32, #tpu.memory_space<hbm>>
        %dma_start3A_49 = arith.constant 0 : i32
        %dma_start3A_50 = arith.constant 0 : i32
        %dma_start3A_51 = tpu.memref_slice %arg10[%dma_start3A_49, %dma_start3A_50] : memref<16x128xi32, #tpu.memory_space<vmem>> -> memref<8x128xi32, #tpu.memory_space<vmem>>
        %dma_start3A_52 = arith.constant 0 : i32
        %dma_start3A_53 = arith.constant 0 : i32
        %dma_start3A_54 = tpu.memref_slice %arg5[%arg1, %dma_start3A_52, %dma_start3A_53] : memref<16x80x128xi32, #tpu.memory_space<hbm>> -> memref<1x80x128xi32, #tpu.memory_space<hbm>>
        %dma_start3A_55 = tpu.memref_squeeze %dma_start3A_54 : memref<1x80x128xi32, #tpu.memory_space<hbm>> -> memref<80x128xi32, #tpu.memory_space<hbm>>
        %dma_start3A_56 = arith.constant 0 : i32
        %dma_start3A_57 = arith.constant 0 : i32
        %dma_start3A_58 = tpu.memref_slice %dma_start3A_55[%dma_start3A_56, %dma_start3A_57] : memref<80x128xi32, #tpu.memory_space<hbm>> -> memref<8x128xi32, #tpu.memory_space<hbm>>
        tpu.enqueue_dma source(%dma_start3A_58 : memref<8x128xi32, #tpu.memory_space<hbm>>) target(%dma_start3A_51 : memref<8x128xi32, #tpu.memory_space<vmem>>) target_semaphore(%run_scoped3A : memref<!tpu.dma_semaphore, #tpu.memory_space<semaphore_mem>>)
        %dma_wait3A_59 = arith.constant 0 : i32
        %dma_wait3A_60 = arith.constant 0 : i32
        %dma_wait3A_61 = tpu.memref_slice %arg10[%dma_wait3A_59, %dma_wait3A_60] : memref<16x128xi32, #tpu.memory_space<vmem>> -> memref<8x128xi32, #tpu.memory_space<vmem>>
        %dma_wait3A_62 = arith.constant 0 : i32
        %dma_wait3A_63 = arith.constant 0 : i32
        %dma_wait3A_64 = tpu.memref_slice %arg5[%arg1, %dma_wait3A_62, %dma_wait3A_63] : memref<16x80x128xi32, #tpu.memory_space<hbm>> -> memref<1x80x128xi32, #tpu.memory_space<hbm>>
        %dma_wait3A_65 = tpu.memref_squeeze %dma_wait3A_64 : memref<1x80x128xi32, #tpu.memory_space<hbm>> -> memref<80x128xi32, #tpu.memory_space<hbm>>
        %dma_wait3A_66 = arith.constant 0 : i32
        %dma_wait3A_67 = arith.constant 0 : i32
        %dma_wait3A_68 = tpu.memref_slice %dma_wait3A_65[%dma_wait3A_66, %dma_wait3A_67] : memref<80x128xi32, #tpu.memory_space<hbm>> -> memref<8x128xi32, #tpu.memory_space<hbm>>
        %dma_wait3A_69 = arith.constant 0 : i32
        %dma_wait3A_70 = arith.constant 0 : i32
        %dma_wait3A_71 = tpu.memref_slice %arg10[%dma_wait3A_69, %dma_wait3A_70] : memref<16x128xi32, #tpu.memory_space<vmem>> -> memref<8x128xi32, #tpu.memory_space<vmem>>
        %dma_wait3A_72 = arith.constant 0 : i32
        %dma_wait3A_73 = arith.constant 0 : i32
        %dma_wait3A_74 = tpu.memref_slice %arg5[%arg1, %dma_wait3A_72, %dma_wait3A_73] : memref<16x80x128xi32, #tpu.memory_space<hbm>> -> memref<1x80x128xi32, #tpu.memory_space<hbm>>
        %dma_wait3A_75 = tpu.memref_squeeze %dma_wait3A_74 : memref<1x80x128xi32, #tpu.memory_space<hbm>> -> memref<80x128xi32, #tpu.memory_space<hbm>>
        %dma_wait3A_76 = arith.constant 0 : i32
        %dma_wait3A_77 = arith.constant 0 : i32
        %dma_wait3A_78 = tpu.memref_slice %dma_wait3A_75[%dma_wait3A_76, %dma_wait3A_77] : memref<80x128xi32, #tpu.memory_space<hbm>> -> memref<8x128xi32, #tpu.memory_space<hbm>>
        tpu.wait_dma2 semaphore(%run_scoped3A : memref<!tpu.dma_semaphore, #tpu.memory_space<semaphore_mem>>) src(%dma_wait3A_78 : memref<8x128xi32, #tpu.memory_space<hbm>>) dst(%dma_wait3A_71 : memref<8x128xi32, #tpu.memory_space<vmem>>)
        tpu.yield
      }) : () -> ()
      %dma_start3A = arith.constant 0 : i32
      %dma_start3A_10 = arith.constant 0 : i32
      %dma_start3A_11 = tpu.memref_slice %arg9[%dma_start3A, %dma_start3A_10] : memref<16x128xi32, #tpu.memory_space<vmem>> -> memref<1x128xi32, #tpu.memory_space<vmem>>
      %dma_start3A_12 = tpu.memref_squeeze %dma_start3A_11 : memref<1x128xi32, #tpu.memory_space<vmem>> -> memref<128xi32, #tpu.memory_space<vmem>>
      %dma_start3A_13 = arith.constant 0 : i32
      %dma_start3A_14 = arith.constant 0 : i32
      %dma_start3A_15 = tpu.memref_slice %arg2[%dma_start3A_13, %dma_start3A_14] : memref<10240x128xf32, #tpu.memory_space<hbm>> -> memref<10240x128xf32, #tpu.memory_space<hbm>>
      tpu.enqueue_indirect_dma source(%dma_start3A_15 : memref<10240x128xf32, #tpu.memory_space<hbm>>) target(%arg11 : memref<128x128xf32, #tpu.memory_space<vmem>>) offsets(%dma_start3A_12 : memref<128xi32, #tpu.memory_space<vmem>>) semaphore(%arg13 : memref<!tpu.dma_semaphore, #tpu.memory_space<semaphore_mem>>)
      %scan3A = arith.constant 0 : i32
      %scan3A_16 = arith.constant 0 : i32
      %scan3A_17 = arith.constant 10 : i32
      %scan3A_18 = arith.addi %scan3A_16, %scan3A_17 : i32
      %scan3A_19 = arith.constant 1 : i32
      scf.for %scan3A_39 = %scan3A_16 to %scan3A_18 step %scan3A_19  : i32 {
        %jit3A = arith.constant 2 : i32
        %eq3A_40 = arith.constant 0 : i32
        %eq3A_41 = arith.cmpi eq, %jit3A, %eq3A_40 : i32
        %jit3A_42 = arith.constant 1 : i32
        %select_n3A = arith.select %eq3A_41, %jit3A_42, %jit3A : i32
        %rem3A = arith.remsi %scan3A_39, %select_n3A : i32
        %ne3A = arith.constant 0 : i32
        %ne3A_43 = arith.cmpi ne, %rem3A, %ne3A : i32
        %lt3A = arith.constant 0 : i32
        %lt3A_44 = arith.cmpi slt, %rem3A, %lt3A : i32
        %lt3A_45 = arith.constant 0 : i32
        %lt3A_46 = arith.cmpi slt, %select_n3A, %lt3A_45 : i32
        %ne3A_47 = arith.xori %lt3A_44, %lt3A_46 : i1
        %and3A = arith.andi %ne3A_47, %ne3A_43 : i1
        %add3A = arith.addi %rem3A, %select_n3A : i32
        %select_n3A_48 = arith.select %and3A, %add3A, %rem3A : i32
        %mul3A_49 = arith.constant 8 : i32
        %mul3A_50 = arith.muli %select_n3A_48, %mul3A_49 : i32
        %sub3A = arith.constant 8 : i32
        %sub3A_51 = arith.subi %sub3A, %mul3A_50 : i32
        %add3A_52 = arith.constant 1 : i32
        %add3A_53 = arith.addi %scan3A_39, %add3A_52 : i32
        %lt3A_54 = arith.constant 10 : i32
        %lt3A_55 = arith.cmpi slt, %add3A_53, %lt3A_54 : i32
        %convert_element_type3A_56 = arith.extui %lt3A_55 : i1 to i32
        %cond3A_57 = arith.constant 0 : i32
        %cond3A_58 = arith.cmpi ne, %convert_element_type3A_56, %cond3A_57 : i32
        scf.if %cond3A_58 {
          %add3A_308 = arith.constant 1 : i32
          %add3A_309 = arith.addi %scan3A_39, %add3A_308 : i32
          %mul3A_310 = arith.constant 8 : i32
          %mul3A_311 = arith.muli %add3A_309, %mul3A_310 : i32
          %dma_start3A_312 = arith.constant 0 : i32
          %dma_start3A_313 = tpu.memref_slice %arg9[%sub3A_51, %dma_start3A_312] : memref<16x128xi32, #tpu.memory_space<vmem>> -> memref<8x128xi32, #tpu.memory_space<vmem>>
          %dma_start3A_314 = arith.constant 0 : i32
          %dma_start3A_315 = arith.constant 0 : i32
          %dma_start3A_316 = tpu.memref_slice %arg4[%arg1, %dma_start3A_314, %dma_start3A_315] : memref<16x80x128xi32, #tpu.memory_space<hbm>> -> memref<1x80x128xi32, #tpu.memory_space<hbm>>
          %dma_start3A_317 = tpu.memref_squeeze %dma_start3A_316 : memref<1x80x128xi32, #tpu.memory_space<hbm>> -> memref<80x128xi32, #tpu.memory_space<hbm>>
          %dma_start3A_318 = arith.constant 0 : i32
          %dma_start3A_319 = tpu.memref_slice %dma_start3A_317[%mul3A_311, %dma_start3A_318] : memref<80x128xi32, #tpu.memory_space<hbm>> -> memref<8x128xi32, #tpu.memory_space<hbm>>
          %dma_start3A_320 = arith.constant 0 : i32
          %dma_start3A_321 = tpu.memref_slice %arg9[%sub3A_51, %dma_start3A_320] : memref<16x128xi32, #tpu.memory_space<vmem>> -> memref<8x128xi32, #tpu.memory_space<vmem>>
          %dma_start3A_322 = arith.constant 0 : i32
          %dma_start3A_323 = arith.constant 0 : i32
          %dma_start3A_324 = tpu.memref_slice %arg4[%arg1, %dma_start3A_322, %dma_start3A_323] : memref<16x80x128xi32, #tpu.memory_space<hbm>> -> memref<1x80x128xi32, #tpu.memory_space<hbm>>
          %dma_start3A_325 = tpu.memref_squeeze %dma_start3A_324 : memref<1x80x128xi32, #tpu.memory_space<hbm>> -> memref<80x128xi32, #tpu.memory_space<hbm>>
          %dma_start3A_326 = arith.constant 0 : i32
          %dma_start3A_327 = tpu.memref_slice %dma_start3A_325[%mul3A_311, %dma_start3A_326] : memref<80x128xi32, #tpu.memory_space<hbm>> -> memref<8x128xi32, #tpu.memory_space<hbm>>
          tpu.enqueue_dma source(%dma_start3A_327 : memref<8x128xi32, #tpu.memory_space<hbm>>) target(%dma_start3A_321 : memref<8x128xi32, #tpu.memory_space<vmem>>) target_semaphore(%arg17 : memref<!tpu.dma_semaphore, #tpu.memory_space<semaphore_mem>>)
          %add3A_328 = arith.constant 1 : i32
          %add3A_329 = arith.addi %scan3A_39, %add3A_328 : i32
          %mul3A_330 = arith.constant 8 : i32
          %mul3A_331 = arith.muli %add3A_329, %mul3A_330 : i32
          %dma_start3A_332 = arith.constant 0 : i32
          %dma_start3A_333 = tpu.memref_slice %arg10[%sub3A_51, %dma_start3A_332] : memref<16x128xi32, #tpu.memory_space<vmem>> -> memref<8x128xi32, #tpu.memory_space<vmem>>
          %dma_start3A_334 = arith.constant 0 : i32
          %dma_start3A_335 = arith.constant 0 : i32
          %dma_start3A_336 = tpu.memref_slice %arg5[%arg1, %dma_start3A_334, %dma_start3A_335] : memref<16x80x128xi32, #tpu.memory_space<hbm>> -> memref<1x80x128xi32, #tpu.memory_space<hbm>>
          %dma_start3A_337 = tpu.memref_squeeze %dma_start3A_336 : memref<1x80x128xi32, #tpu.memory_space<hbm>> -> memref<80x128xi32, #tpu.memory_space<hbm>>
          %dma_start3A_338 = arith.constant 0 : i32
          %dma_start3A_339 = tpu.memref_slice %dma_start3A_337[%mul3A_331, %dma_start3A_338] : memref<80x128xi32, #tpu.memory_space<hbm>> -> memref<8x128xi32, #tpu.memory_space<hbm>>
          %dma_start3A_340 = arith.constant 0 : i32
          %dma_start3A_341 = tpu.memref_slice %arg10[%sub3A_51, %dma_start3A_340] : memref<16x128xi32, #tpu.memory_space<vmem>> -> memref<8x128xi32, #tpu.memory_space<vmem>>
          %dma_start3A_342 = arith.constant 0 : i32
          %dma_start3A_343 = arith.constant 0 : i32
          %dma_start3A_344 = tpu.memref_slice %arg5[%arg1, %dma_start3A_342, %dma_start3A_343] : memref<16x80x128xi32, #tpu.memory_space<hbm>> -> memref<1x80x128xi32, #tpu.memory_space<hbm>>
          %dma_start3A_345 = tpu.memref_squeeze %dma_start3A_344 : memref<1x80x128xi32, #tpu.memory_space<hbm>> -> memref<80x128xi32, #tpu.memory_space<hbm>>
          %dma_start3A_346 = arith.constant 0 : i32
          %dma_start3A_347 = tpu.memref_slice %dma_start3A_345[%mul3A_331, %dma_start3A_346] : memref<80x128xi32, #tpu.memory_space<hbm>> -> memref<8x128xi32, #tpu.memory_space<hbm>>
          tpu.enqueue_dma source(%dma_start3A_347 : memref<8x128xi32, #tpu.memory_space<hbm>>) target(%dma_start3A_341 : memref<8x128xi32, #tpu.memory_space<vmem>>) target_semaphore(%arg18 : memref<!tpu.dma_semaphore, #tpu.memory_space<semaphore_mem>>)
        } else {
        }
        %gt3A = arith.constant 0 : i32
        %gt3A_59 = arith.cmpi sgt, %scan3A_39, %gt3A : i32
        %convert_element_type3A_60 = arith.extui %gt3A_59 : i1 to i32
        %cond3A_61 = arith.constant 0 : i32
        %cond3A_62 = arith.cmpi ne, %convert_element_type3A_60, %cond3A_61 : i32
        scf.if %cond3A_62 {
          %dma_wait3A_308 = arith.constant 0 : i32
          %dma_wait3A_309 = arith.constant 0 : i32
          %dma_wait3A_310 = tpu.memref_slice %arg10[%dma_wait3A_308, %dma_wait3A_309] : memref<16x128xi32, #tpu.memory_space<vmem>> -> memref<1x128xi32, #tpu.memory_space<vmem>>
          %dma_wait3A_311 = tpu.memref_squeeze %dma_wait3A_310 : memref<1x128xi32, #tpu.memory_space<vmem>> -> memref<128xi32, #tpu.memory_space<vmem>>
          %dma_wait3A_312 = arith.constant 0 : i32
          %dma_wait3A_313 = arith.constant 0 : i32
          %dma_wait3A_314 = tpu.memref_slice %arg8[%dma_wait3A_312, %dma_wait3A_313] : memref<10240x128xf32, #tpu.memory_space<vmem_shared>> -> memref<10240x128xf32, #tpu.memory_space<vmem_shared>>
          tpu.wait_indirect_dma semaphore(%arg16 : memref<!tpu.dma_semaphore, #tpu.memory_space<semaphore_mem>>) src(%arg12 : memref<128x128xf32, #tpu.memory_space<vmem>>) dst(%dma_wait3A_314 : memref<10240x128xf32, #tpu.memory_space<vmem_shared>>)
        } else {
        }
        %add3A_63 = arith.constant 1 : i32
        %add3A_64 = arith.addi %mul3A_50, %add3A_63 : i32
        %dma_start3A_65 = arith.constant 0 : i32
        %dma_start3A_66 = tpu.memref_slice %arg9[%add3A_64, %dma_start3A_65] : memref<16x128xi32, #tpu.memory_space<vmem>> -> memref<1x128xi32, #tpu.memory_space<vmem>>
        %dma_start3A_67 = tpu.memref_squeeze %dma_start3A_66 : memref<1x128xi32, #tpu.memory_space<vmem>> -> memref<128xi32, #tpu.memory_space<vmem>>
        %dma_start3A_68 = arith.constant 0 : i32
        %dma_start3A_69 = arith.constant 0 : i32
        %dma_start3A_70 = tpu.memref_slice %arg2[%dma_start3A_68, %dma_start3A_69] : memref<10240x128xf32, #tpu.memory_space<hbm>> -> memref<10240x128xf32, #tpu.memory_space<hbm>>
        tpu.enqueue_indirect_dma source(%dma_start3A_70 : memref<10240x128xf32, #tpu.memory_space<hbm>>) target(%arg12 : memref<128x128xf32, #tpu.memory_space<vmem>>) offsets(%dma_start3A_67 : memref<128xi32, #tpu.memory_space<vmem>>) semaphore(%arg14 : memref<!tpu.dma_semaphore, #tpu.memory_space<semaphore_mem>>)
        %add3A_71 = arith.constant 0 : i32
        %add3A_72 = arith.addi %mul3A_50, %add3A_71 : i32
        %dma_wait3A_73 = arith.constant 0 : i32
        %dma_wait3A_74 = tpu.memref_slice %arg9[%add3A_72, %dma_wait3A_73] : memref<16x128xi32, #tpu.memory_space<vmem>> -> memref<1x128xi32, #tpu.memory_space<vmem>>
        %dma_wait3A_75 = tpu.memref_squeeze %dma_wait3A_74 : memref<1x128xi32, #tpu.memory_space<vmem>> -> memref<128xi32, #tpu.memory_space<vmem>>
        %dma_wait3A_76 = arith.constant 0 : i32
        %dma_wait3A_77 = arith.constant 0 : i32
        %dma_wait3A_78 = tpu.memref_slice %arg2[%dma_wait3A_76, %dma_wait3A_77] : memref<10240x128xf32, #tpu.memory_space<hbm>> -> memref<10240x128xf32, #tpu.memory_space<hbm>>
        tpu.wait_indirect_dma semaphore(%arg13 : memref<!tpu.dma_semaphore, #tpu.memory_space<semaphore_mem>>) src(%dma_wait3A_78 : memref<10240x128xf32, #tpu.memory_space<hbm>>) dst(%arg11 : memref<128x128xf32, #tpu.memory_space<vmem>>)
        %add3A_79 = arith.constant 0 : i32
        %add3A_80 = arith.addi %mul3A_50, %add3A_79 : i32
        %dma_start3A_81 = arith.constant 0 : i32
        %dma_start3A_82 = tpu.memref_slice %arg10[%add3A_80, %dma_start3A_81] : memref<16x128xi32, #tpu.memory_space<vmem>> -> memref<1x128xi32, #tpu.memory_space<vmem>>
        %dma_start3A_83 = tpu.memref_squeeze %dma_start3A_82 : memref<1x128xi32, #tpu.memory_space<vmem>> -> memref<128xi32, #tpu.memory_space<vmem>>
        %dma_start3A_84 = arith.constant 0 : i32
        %dma_start3A_85 = arith.constant 0 : i32
        %dma_start3A_86 = tpu.memref_slice %arg8[%dma_start3A_84, %dma_start3A_85] : memref<10240x128xf32, #tpu.memory_space<vmem_shared>> -> memref<10240x128xf32, #tpu.memory_space<vmem_shared>>
        tpu.enqueue_indirect_dma source(%arg11 : memref<128x128xf32, #tpu.memory_space<vmem>>) target(%dma_start3A_86 : memref<10240x128xf32, #tpu.memory_space<vmem_shared>>) offsets(%dma_start3A_83 : memref<128xi32, #tpu.memory_space<vmem>>) semaphore(%arg15 : memref<!tpu.dma_semaphore, #tpu.memory_space<semaphore_mem>>) {add = true}
        %dma_wait3A_87 = arith.constant 0 : i32
        %dma_wait3A_88 = arith.constant 0 : i32
        %dma_wait3A_89 = tpu.memref_slice %arg10[%dma_wait3A_87, %dma_wait3A_88] : memref<16x128xi32, #tpu.memory_space<vmem>> -> memref<1x128xi32, #tpu.memory_space<vmem>>
        %dma_wait3A_90 = tpu.memref_squeeze %dma_wait3A_89 : memref<1x128xi32, #tpu.memory_space<vmem>> -> memref<128xi32, #tpu.memory_space<vmem>>
        %dma_wait3A_91 = arith.constant 0 : i32
        %dma_wait3A_92 = arith.constant 0 : i32
        %dma_wait3A_93 = tpu.memref_slice %arg8[%dma_wait3A_91, %dma_wait3A_92] : memref<10240x128xf32, #tpu.memory_space<vmem_shared>> -> memref<10240x128xf32, #tpu.memory_space<vmem_shared>>
        tpu.wait_indirect_dma semaphore(%arg15 : memref<!tpu.dma_semaphore, #tpu.memory_space<semaphore_mem>>) src(%arg11 : memref<128x128xf32, #tpu.memory_space<vmem>>) dst(%dma_wait3A_93 : memref<10240x128xf32, #tpu.memory_space<vmem_shared>>)
        %add3A_94 = arith.constant 1 : i32
        %add3A_95 = arith.addi %mul3A_50, %add3A_94 : i32
        %add3A_96 = arith.constant 1 : i32
        %add3A_97 = arith.addi %add3A_95, %add3A_96 : i32
        %dma_start3A_98 = arith.constant 0 : i32
        %dma_start3A_99 = tpu.memref_slice %arg9[%add3A_97, %dma_start3A_98] : memref<16x128xi32, #tpu.memory_space<vmem>> -> memref<1x128xi32, #tpu.memory_space<vmem>>
        %dma_start3A_100 = tpu.memref_squeeze %dma_start3A_99 : memref<1x128xi32, #tpu.memory_space<vmem>> -> memref<128xi32, #tpu.memory_space<vmem>>
        %dma_start3A_101 = arith.constant 0 : i32
        %dma_start3A_102 = arith.constant 0 : i32
        %dma_start3A_103 = tpu.memref_slice %arg2[%dma_start3A_101, %dma_start3A_102] : memref<10240x128xf32, #tpu.memory_space<hbm>> -> memref<10240x128xf32, #tpu.memory_space<hbm>>
        tpu.enqueue_indirect_dma source(%dma_start3A_103 : memref<10240x128xf32, #tpu.memory_space<hbm>>) target(%arg11 : memref<128x128xf32, #tpu.memory_space<vmem>>) offsets(%dma_start3A_100 : memref<128xi32, #tpu.memory_space<vmem>>) semaphore(%arg13 : memref<!tpu.dma_semaphore, #tpu.memory_space<semaphore_mem>>)
        %add3A_104 = arith.constant 1 : i32
        %add3A_105 = arith.addi %mul3A_50, %add3A_104 : i32
        %dma_wait3A_106 = arith.constant 0 : i32
        %dma_wait3A_107 = tpu.memref_slice %arg9[%add3A_105, %dma_wait3A_106] : memref<16x128xi32, #tpu.memory_space<vmem>> -> memref<1x128xi32, #tpu.memory_space<vmem>>
        %dma_wait3A_108 = tpu.memref_squeeze %dma_wait3A_107 : memref<1x128xi32, #tpu.memory_space<vmem>> -> memref<128xi32, #tpu.memory_space<vmem>>
        %dma_wait3A_109 = arith.constant 0 : i32
        %dma_wait3A_110 = arith.constant 0 : i32
        %dma_wait3A_111 = tpu.memref_slice %arg2[%dma_wait3A_109, %dma_wait3A_110] : memref<10240x128xf32, #tpu.memory_space<hbm>> -> memref<10240x128xf32, #tpu.memory_space<hbm>>
        tpu.wait_indirect_dma semaphore(%arg14 : memref<!tpu.dma_semaphore, #tpu.memory_space<semaphore_mem>>) src(%dma_wait3A_111 : memref<10240x128xf32, #tpu.memory_space<hbm>>) dst(%arg12 : memref<128x128xf32, #tpu.memory_space<vmem>>)
        %add3A_112 = arith.constant 1 : i32
        %add3A_113 = arith.addi %mul3A_50, %add3A_112 : i32
        %dma_start3A_114 = arith.constant 0 : i32
        %dma_start3A_115 = tpu.memref_slice %arg10[%add3A_113, %dma_start3A_114] : memref<16x128xi32, #tpu.memory_space<vmem>> -> memref<1x128xi32, #tpu.memory_space<vmem>>
        %dma_start3A_116 = tpu.memref_squeeze %dma_start3A_115 : memref<1x128xi32, #tpu.memory_space<vmem>> -> memref<128xi32, #tpu.memory_space<vmem>>
        %dma_start3A_117 = arith.constant 0 : i32
        %dma_start3A_118 = arith.constant 0 : i32
        %dma_start3A_119 = tpu.memref_slice %arg8[%dma_start3A_117, %dma_start3A_118] : memref<10240x128xf32, #tpu.memory_space<vmem_shared>> -> memref<10240x128xf32, #tpu.memory_space<vmem_shared>>
        tpu.enqueue_indirect_dma source(%arg12 : memref<128x128xf32, #tpu.memory_space<vmem>>) target(%dma_start3A_119 : memref<10240x128xf32, #tpu.memory_space<vmem_shared>>) offsets(%dma_start3A_116 : memref<128xi32, #tpu.memory_space<vmem>>) semaphore(%arg16 : memref<!tpu.dma_semaphore, #tpu.memory_space<semaphore_mem>>) {add = true}
        %dma_wait3A_120 = arith.constant 0 : i32
        %dma_wait3A_121 = arith.constant 0 : i32
        %dma_wait3A_122 = tpu.memref_slice %arg10[%dma_wait3A_120, %dma_wait3A_121] : memref<16x128xi32, #tpu.memory_space<vmem>> -> memref<1x128xi32, #tpu.memory_space<vmem>>
        %dma_wait3A_123 = tpu.memref_squeeze %dma_wait3A_122 : memref<1x128xi32, #tpu.memory_space<vmem>> -> memref<128xi32, #tpu.memory_space<vmem>>
        %dma_wait3A_124 = arith.constant 0 : i32
        %dma_wait3A_125 = arith.constant 0 : i32
        %dma_wait3A_126 = tpu.memref_slice %arg8[%dma_wait3A_124, %dma_wait3A_125] : memref<10240x128xf32, #tpu.memory_space<vmem_shared>> -> memref<10240x128xf32, #tpu.memory_space<vmem_shared>>
        tpu.wait_indirect_dma semaphore(%arg16 : memref<!tpu.dma_semaphore, #tpu.memory_space<semaphore_mem>>) src(%arg12 : memref<128x128xf32, #tpu.memory_space<vmem>>) dst(%dma_wait3A_126 : memref<10240x128xf32, #tpu.memory_space<vmem_shared>>)
        %add3A_127 = arith.constant 2 : i32
        %add3A_128 = arith.addi %mul3A_50, %add3A_127 : i32
        %add3A_129 = arith.constant 1 : i32
        %add3A_130 = arith.addi %add3A_128, %add3A_129 : i32
        %dma_start3A_131 = arith.constant 0 : i32
        %dma_start3A_132 = tpu.memref_slice %arg9[%add3A_130, %dma_start3A_131] : memref<16x128xi32, #tpu.memory_space<vmem>> -> memref<1x128xi32, #tpu.memory_space<vmem>>
        %dma_start3A_133 = tpu.memref_squeeze %dma_start3A_132 : memref<1x128xi32, #tpu.memory_space<vmem>> -> memref<128xi32, #tpu.memory_space<vmem>>
        %dma_start3A_134 = arith.constant 0 : i32
        %dma_start3A_135 = arith.constant 0 : i32
        %dma_start3A_136 = tpu.memref_slice %arg2[%dma_start3A_134, %dma_start3A_135] : memref<10240x128xf32, #tpu.memory_space<hbm>> -> memref<10240x128xf32, #tpu.memory_space<hbm>>
        tpu.enqueue_indirect_dma source(%dma_start3A_136 : memref<10240x128xf32, #tpu.memory_space<hbm>>) target(%arg12 : memref<128x128xf32, #tpu.memory_space<vmem>>) offsets(%dma_start3A_133 : memref<128xi32, #tpu.memory_space<vmem>>) semaphore(%arg14 : memref<!tpu.dma_semaphore, #tpu.memory_space<semaphore_mem>>)
        %add3A_137 = arith.constant 2 : i32
        %add3A_138 = arith.addi %mul3A_50, %add3A_137 : i32
        %dma_wait3A_139 = arith.constant 0 : i32
        %dma_wait3A_140 = tpu.memref_slice %arg9[%add3A_138, %dma_wait3A_139] : memref<16x128xi32, #tpu.memory_space<vmem>> -> memref<1x128xi32, #tpu.memory_space<vmem>>
        %dma_wait3A_141 = tpu.memref_squeeze %dma_wait3A_140 : memref<1x128xi32, #tpu.memory_space<vmem>> -> memref<128xi32, #tpu.memory_space<vmem>>
        %dma_wait3A_142 = arith.constant 0 : i32
        %dma_wait3A_143 = arith.constant 0 : i32
        %dma_wait3A_144 = tpu.memref_slice %arg2[%dma_wait3A_142, %dma_wait3A_143] : memref<10240x128xf32, #tpu.memory_space<hbm>> -> memref<10240x128xf32, #tpu.memory_space<hbm>>
        tpu.wait_indirect_dma semaphore(%arg13 : memref<!tpu.dma_semaphore, #tpu.memory_space<semaphore_mem>>) src(%dma_wait3A_144 : memref<10240x128xf32, #tpu.memory_space<hbm>>) dst(%arg11 : memref<128x128xf32, #tpu.memory_space<vmem>>)
        %add3A_145 = arith.constant 2 : i32
        %add3A_146 = arith.addi %mul3A_50, %add3A_145 : i32
        %dma_start3A_147 = arith.constant 0 : i32
        %dma_start3A_148 = tpu.memref_slice %arg10[%add3A_146, %dma_start3A_147] : memref<16x128xi32, #tpu.memory_space<vmem>> -> memref<1x128xi32, #tpu.memory_space<vmem>>
        %dma_start3A_149 = tpu.memref_squeeze %dma_start3A_148 : memref<1x128xi32, #tpu.memory_space<vmem>> -> memref<128xi32, #tpu.memory_space<vmem>>
        %dma_start3A_150 = arith.constant 0 : i32
        %dma_start3A_151 = arith.constant 0 : i32
        %dma_start3A_152 = tpu.memref_slice %arg8[%dma_start3A_150, %dma_start3A_151] : memref<10240x128xf32, #tpu.memory_space<vmem_shared>> -> memref<10240x128xf32, #tpu.memory_space<vmem_shared>>
        tpu.enqueue_indirect_dma source(%arg11 : memref<128x128xf32, #tpu.memory_space<vmem>>) target(%dma_start3A_152 : memref<10240x128xf32, #tpu.memory_space<vmem_shared>>) offsets(%dma_start3A_149 : memref<128xi32, #tpu.memory_space<vmem>>) semaphore(%arg15 : memref<!tpu.dma_semaphore, #tpu.memory_space<semaphore_mem>>) {add = true}
        %dma_wait3A_153 = arith.constant 0 : i32
        %dma_wait3A_154 = arith.constant 0 : i32
        %dma_wait3A_155 = tpu.memref_slice %arg10[%dma_wait3A_153, %dma_wait3A_154] : memref<16x128xi32, #tpu.memory_space<vmem>> -> memref<1x128xi32, #tpu.memory_space<vmem>>
        %dma_wait3A_156 = tpu.memref_squeeze %dma_wait3A_155 : memref<1x128xi32, #tpu.memory_space<vmem>> -> memref<128xi32, #tpu.memory_space<vmem>>
        %dma_wait3A_157 = arith.constant 0 : i32
        %dma_wait3A_158 = arith.constant 0 : i32
        %dma_wait3A_159 = tpu.memref_slice %arg8[%dma_wait3A_157, %dma_wait3A_158] : memref<10240x128xf32, #tpu.memory_space<vmem_shared>> -> memref<10240x128xf32, #tpu.memory_space<vmem_shared>>
        tpu.wait_indirect_dma semaphore(%arg15 : memref<!tpu.dma_semaphore, #tpu.memory_space<semaphore_mem>>) src(%arg11 : memref<128x128xf32, #tpu.memory_space<vmem>>) dst(%dma_wait3A_159 : memref<10240x128xf32, #tpu.memory_space<vmem_shared>>)
        %add3A_160 = arith.constant 3 : i32
        %add3A_161 = arith.addi %mul3A_50, %add3A_160 : i32
        %add3A_162 = arith.constant 1 : i32
        %add3A_163 = arith.addi %add3A_161, %add3A_162 : i32
        %dma_start3A_164 = arith.constant 0 : i32
        %dma_start3A_165 = tpu.memref_slice %arg9[%add3A_163, %dma_start3A_164] : memref<16x128xi32, #tpu.memory_space<vmem>> -> memref<1x128xi32, #tpu.memory_space<vmem>>
        %dma_start3A_166 = tpu.memref_squeeze %dma_start3A_165 : memref<1x128xi32, #tpu.memory_space<vmem>> -> memref<128xi32, #tpu.memory_space<vmem>>
        %dma_start3A_167 = arith.constant 0 : i32
        %dma_start3A_168 = arith.constant 0 : i32
        %dma_start3A_169 = tpu.memref_slice %arg2[%dma_start3A_167, %dma_start3A_168] : memref<10240x128xf32, #tpu.memory_space<hbm>> -> memref<10240x128xf32, #tpu.memory_space<hbm>>
        tpu.enqueue_indirect_dma source(%dma_start3A_169 : memref<10240x128xf32, #tpu.memory_space<hbm>>) target(%arg11 : memref<128x128xf32, #tpu.memory_space<vmem>>) offsets(%dma_start3A_166 : memref<128xi32, #tpu.memory_space<vmem>>) semaphore(%arg13 : memref<!tpu.dma_semaphore, #tpu.memory_space<semaphore_mem>>)
        %add3A_170 = arith.constant 3 : i32
        %add3A_171 = arith.addi %mul3A_50, %add3A_170 : i32
        %dma_wait3A_172 = arith.constant 0 : i32
        %dma_wait3A_173 = tpu.memref_slice %arg9[%add3A_171, %dma_wait3A_172] : memref<16x128xi32, #tpu.memory_space<vmem>> -> memref<1x128xi32, #tpu.memory_space<vmem>>
        %dma_wait3A_174 = tpu.memref_squeeze %dma_wait3A_173 : memref<1x128xi32, #tpu.memory_space<vmem>> -> memref<128xi32, #tpu.memory_space<vmem>>
        %dma_wait3A_175 = arith.constant 0 : i32
        %dma_wait3A_176 = arith.constant 0 : i32
        %dma_wait3A_177 = tpu.memref_slice %arg2[%dma_wait3A_175, %dma_wait3A_176] : memref<10240x128xf32, #tpu.memory_space<hbm>> -> memref<10240x128xf32, #tpu.memory_space<hbm>>
        tpu.wait_indirect_dma semaphore(%arg14 : memref<!tpu.dma_semaphore, #tpu.memory_space<semaphore_mem>>) src(%dma_wait3A_177 : memref<10240x128xf32, #tpu.memory_space<hbm>>) dst(%arg12 : memref<128x128xf32, #tpu.memory_space<vmem>>)
        %add3A_178 = arith.constant 3 : i32
        %add3A_179 = arith.addi %mul3A_50, %add3A_178 : i32
        %dma_start3A_180 = arith.constant 0 : i32
        %dma_start3A_181 = tpu.memref_slice %arg10[%add3A_179, %dma_start3A_180] : memref<16x128xi32, #tpu.memory_space<vmem>> -> memref<1x128xi32, #tpu.memory_space<vmem>>
        %dma_start3A_182 = tpu.memref_squeeze %dma_start3A_181 : memref<1x128xi32, #tpu.memory_space<vmem>> -> memref<128xi32, #tpu.memory_space<vmem>>
        %dma_start3A_183 = arith.constant 0 : i32
        %dma_start3A_184 = arith.constant 0 : i32
        %dma_start3A_185 = tpu.memref_slice %arg8[%dma_start3A_183, %dma_start3A_184] : memref<10240x128xf32, #tpu.memory_space<vmem_shared>> -> memref<10240x128xf32, #tpu.memory_space<vmem_shared>>
        tpu.enqueue_indirect_dma source(%arg12 : memref<128x128xf32, #tpu.memory_space<vmem>>) target(%dma_start3A_185 : memref<10240x128xf32, #tpu.memory_space<vmem_shared>>) offsets(%dma_start3A_182 : memref<128xi32, #tpu.memory_space<vmem>>) semaphore(%arg16 : memref<!tpu.dma_semaphore, #tpu.memory_space<semaphore_mem>>) {add = true}
        %dma_wait3A_186 = arith.constant 0 : i32
        %dma_wait3A_187 = arith.constant 0 : i32
        %dma_wait3A_188 = tpu.memref_slice %arg10[%dma_wait3A_186, %dma_wait3A_187] : memref<16x128xi32, #tpu.memory_space<vmem>> -> memref<1x128xi32, #tpu.memory_space<vmem>>
        %dma_wait3A_189 = tpu.memref_squeeze %dma_wait3A_188 : memref<1x128xi32, #tpu.memory_space<vmem>> -> memref<128xi32, #tpu.memory_space<vmem>>
        %dma_wait3A_190 = arith.constant 0 : i32
        %dma_wait3A_191 = arith.constant 0 : i32
        %dma_wait3A_192 = tpu.memref_slice %arg8[%dma_wait3A_190, %dma_wait3A_191] : memref<10240x128xf32, #tpu.memory_space<vmem_shared>> -> memref<10240x128xf32, #tpu.memory_space<vmem_shared>>
        tpu.wait_indirect_dma semaphore(%arg16 : memref<!tpu.dma_semaphore, #tpu.memory_space<semaphore_mem>>) src(%arg12 : memref<128x128xf32, #tpu.memory_space<vmem>>) dst(%dma_wait3A_192 : memref<10240x128xf32, #tpu.memory_space<vmem_shared>>)
        %add3A_193 = arith.constant 4 : i32
        %add3A_194 = arith.addi %mul3A_50, %add3A_193 : i32
        %add3A_195 = arith.constant 1 : i32
        %add3A_196 = arith.addi %add3A_194, %add3A_195 : i32
        %dma_start3A_197 = arith.constant 0 : i32
        %dma_start3A_198 = tpu.memref_slice %arg9[%add3A_196, %dma_start3A_197] : memref<16x128xi32, #tpu.memory_space<vmem>> -> memref<1x128xi32, #tpu.memory_space<vmem>>
        %dma_start3A_199 = tpu.memref_squeeze %dma_start3A_198 : memref<1x128xi32, #tpu.memory_space<vmem>> -> memref<128xi32, #tpu.memory_space<vmem>>
        %dma_start3A_200 = arith.constant 0 : i32
        %dma_start3A_201 = arith.constant 0 : i32
        %dma_start3A_202 = tpu.memref_slice %arg2[%dma_start3A_200, %dma_start3A_201] : memref<10240x128xf32, #tpu.memory_space<hbm>> -> memref<10240x128xf32, #tpu.memory_space<hbm>>
        tpu.enqueue_indirect_dma source(%dma_start3A_202 : memref<10240x128xf32, #tpu.memory_space<hbm>>) target(%arg12 : memref<128x128xf32, #tpu.memory_space<vmem>>) offsets(%dma_start3A_199 : memref<128xi32, #tpu.memory_space<vmem>>) semaphore(%arg14 : memref<!tpu.dma_semaphore, #tpu.memory_space<semaphore_mem>>)
        %add3A_203 = arith.constant 4 : i32
        %add3A_204 = arith.addi %mul3A_50, %add3A_203 : i32
        %dma_wait3A_205 = arith.constant 0 : i32
        %dma_wait3A_206 = tpu.memref_slice %arg9[%add3A_204, %dma_wait3A_205] : memref<16x128xi32, #tpu.memory_space<vmem>> -> memref<1x128xi32, #tpu.memory_space<vmem>>
        %dma_wait3A_207 = tpu.memref_squeeze %dma_wait3A_206 : memref<1x128xi32, #tpu.memory_space<vmem>> -> memref<128xi32, #tpu.memory_space<vmem>>
        %dma_wait3A_208 = arith.constant 0 : i32
        %dma_wait3A_209 = arith.constant 0 : i32
        %dma_wait3A_210 = tpu.memref_slice %arg2[%dma_wait3A_208, %dma_wait3A_209] : memref<10240x128xf32, #tpu.memory_space<hbm>> -> memref<10240x128xf32, #tpu.memory_space<hbm>>
        tpu.wait_indirect_dma semaphore(%arg13 : memref<!tpu.dma_semaphore, #tpu.memory_space<semaphore_mem>>) src(%dma_wait3A_210 : memref<10240x128xf32, #tpu.memory_space<hbm>>) dst(%arg11 : memref<128x128xf32, #tpu.memory_space<vmem>>)
        %add3A_211 = arith.constant 4 : i32
        %add3A_212 = arith.addi %mul3A_50, %add3A_211 : i32
        %dma_start3A_213 = arith.constant 0 : i32
        %dma_start3A_214 = tpu.memref_slice %arg10[%add3A_212, %dma_start3A_213] : memref<16x128xi32, #tpu.memory_space<vmem>> -> memref<1x128xi32, #tpu.memory_space<vmem>>
        %dma_start3A_215 = tpu.memref_squeeze %dma_start3A_214 : memref<1x128xi32, #tpu.memory_space<vmem>> -> memref<128xi32, #tpu.memory_space<vmem>>
        %dma_start3A_216 = arith.constant 0 : i32
        %dma_start3A_217 = arith.constant 0 : i32
        %dma_start3A_218 = tpu.memref_slice %arg8[%dma_start3A_216, %dma_start3A_217] : memref<10240x128xf32, #tpu.memory_space<vmem_shared>> -> memref<10240x128xf32, #tpu.memory_space<vmem_shared>>
        tpu.enqueue_indirect_dma source(%arg11 : memref<128x128xf32, #tpu.memory_space<vmem>>) target(%dma_start3A_218 : memref<10240x128xf32, #tpu.memory_space<vmem_shared>>) offsets(%dma_start3A_215 : memref<128xi32, #tpu.memory_space<vmem>>) semaphore(%arg15 : memref<!tpu.dma_semaphore, #tpu.memory_space<semaphore_mem>>) {add = true}
        %dma_wait3A_219 = arith.constant 0 : i32
        %dma_wait3A_220 = arith.constant 0 : i32
        %dma_wait3A_221 = tpu.memref_slice %arg10[%dma_wait3A_219, %dma_wait3A_220] : memref<16x128xi32, #tpu.memory_space<vmem>> -> memref<1x128xi32, #tpu.memory_space<vmem>>
        %dma_wait3A_222 = tpu.memref_squeeze %dma_wait3A_221 : memref<1x128xi32, #tpu.memory_space<vmem>> -> memref<128xi32, #tpu.memory_space<vmem>>
        %dma_wait3A_223 = arith.constant 0 : i32
        %dma_wait3A_224 = arith.constant 0 : i32
        %dma_wait3A_225 = tpu.memref_slice %arg8[%dma_wait3A_223, %dma_wait3A_224] : memref<10240x128xf32, #tpu.memory_space<vmem_shared>> -> memref<10240x128xf32, #tpu.memory_space<vmem_shared>>
        tpu.wait_indirect_dma semaphore(%arg15 : memref<!tpu.dma_semaphore, #tpu.memory_space<semaphore_mem>>) src(%arg11 : memref<128x128xf32, #tpu.memory_space<vmem>>) dst(%dma_wait3A_225 : memref<10240x128xf32, #tpu.memory_space<vmem_shared>>)
        %add3A_226 = arith.constant 5 : i32
        %add3A_227 = arith.addi %mul3A_50, %add3A_226 : i32
        %add3A_228 = arith.constant 1 : i32
        %add3A_229 = arith.addi %add3A_227, %add3A_228 : i32
        %dma_start3A_230 = arith.constant 0 : i32
        %dma_start3A_231 = tpu.memref_slice %arg9[%add3A_229, %dma_start3A_230] : memref<16x128xi32, #tpu.memory_space<vmem>> -> memref<1x128xi32, #tpu.memory_space<vmem>>
        %dma_start3A_232 = tpu.memref_squeeze %dma_start3A_231 : memref<1x128xi32, #tpu.memory_space<vmem>> -> memref<128xi32, #tpu.memory_space<vmem>>
        %dma_start3A_233 = arith.constant 0 : i32
        %dma_start3A_234 = arith.constant 0 : i32
        %dma_start3A_235 = tpu.memref_slice %arg2[%dma_start3A_233, %dma_start3A_234] : memref<10240x128xf32, #tpu.memory_space<hbm>> -> memref<10240x128xf32, #tpu.memory_space<hbm>>
        tpu.enqueue_indirect_dma source(%dma_start3A_235 : memref<10240x128xf32, #tpu.memory_space<hbm>>) target(%arg11 : memref<128x128xf32, #tpu.memory_space<vmem>>) offsets(%dma_start3A_232 : memref<128xi32, #tpu.memory_space<vmem>>) semaphore(%arg13 : memref<!tpu.dma_semaphore, #tpu.memory_space<semaphore_mem>>)
        %add3A_236 = arith.constant 5 : i32
        %add3A_237 = arith.addi %mul3A_50, %add3A_236 : i32
        %dma_wait3A_238 = arith.constant 0 : i32
        %dma_wait3A_239 = tpu.memref_slice %arg9[%add3A_237, %dma_wait3A_238] : memref<16x128xi32, #tpu.memory_space<vmem>> -> memref<1x128xi32, #tpu.memory_space<vmem>>
        %dma_wait3A_240 = tpu.memref_squeeze %dma_wait3A_239 : memref<1x128xi32, #tpu.memory_space<vmem>> -> memref<128xi32, #tpu.memory_space<vmem>>
        %dma_wait3A_241 = arith.constant 0 : i32
        %dma_wait3A_242 = arith.constant 0 : i32
        %dma_wait3A_243 = tpu.memref_slice %arg2[%dma_wait3A_241, %dma_wait3A_242] : memref<10240x128xf32, #tpu.memory_space<hbm>> -> memref<10240x128xf32, #tpu.memory_space<hbm>>
        tpu.wait_indirect_dma semaphore(%arg14 : memref<!tpu.dma_semaphore, #tpu.memory_space<semaphore_mem>>) src(%dma_wait3A_243 : memref<10240x128xf32, #tpu.memory_space<hbm>>) dst(%arg12 : memref<128x128xf32, #tpu.memory_space<vmem>>)
        %add3A_244 = arith.constant 5 : i32
        %add3A_245 = arith.addi %mul3A_50, %add3A_244 : i32
        %dma_start3A_246 = arith.constant 0 : i32
        %dma_start3A_247 = tpu.memref_slice %arg10[%add3A_245, %dma_start3A_246] : memref<16x128xi32, #tpu.memory_space<vmem>> -> memref<1x128xi32, #tpu.memory_space<vmem>>
        %dma_start3A_248 = tpu.memref_squeeze %dma_start3A_247 : memref<1x128xi32, #tpu.memory_space<vmem>> -> memref<128xi32, #tpu.memory_space<vmem>>
        %dma_start3A_249 = arith.constant 0 : i32
        %dma_start3A_250 = arith.constant 0 : i32
        %dma_start3A_251 = tpu.memref_slice %arg8[%dma_start3A_249, %dma_start3A_250] : memref<10240x128xf32, #tpu.memory_space<vmem_shared>> -> memref<10240x128xf32, #tpu.memory_space<vmem_shared>>
        tpu.enqueue_indirect_dma source(%arg12 : memref<128x128xf32, #tpu.memory_space<vmem>>) target(%dma_start3A_251 : memref<10240x128xf32, #tpu.memory_space<vmem_shared>>) offsets(%dma_start3A_248 : memref<128xi32, #tpu.memory_space<vmem>>) semaphore(%arg16 : memref<!tpu.dma_semaphore, #tpu.memory_space<semaphore_mem>>) {add = true}
        %dma_wait3A_252 = arith.constant 0 : i32
        %dma_wait3A_253 = arith.constant 0 : i32
        %dma_wait3A_254 = tpu.memref_slice %arg10[%dma_wait3A_252, %dma_wait3A_253] : memref<16x128xi32, #tpu.memory_space<vmem>> -> memref<1x128xi32, #tpu.memory_space<vmem>>
        %dma_wait3A_255 = tpu.memref_squeeze %dma_wait3A_254 : memref<1x128xi32, #tpu.memory_space<vmem>> -> memref<128xi32, #tpu.memory_space<vmem>>
        %dma_wait3A_256 = arith.constant 0 : i32
        %dma_wait3A_257 = arith.constant 0 : i32
        %dma_wait3A_258 = tpu.memref_slice %arg8[%dma_wait3A_256, %dma_wait3A_257] : memref<10240x128xf32, #tpu.memory_space<vmem_shared>> -> memref<10240x128xf32, #tpu.memory_space<vmem_shared>>
        tpu.wait_indirect_dma semaphore(%arg16 : memref<!tpu.dma_semaphore, #tpu.memory_space<semaphore_mem>>) src(%arg12 : memref<128x128xf32, #tpu.memory_space<vmem>>) dst(%dma_wait3A_258 : memref<10240x128xf32, #tpu.memory_space<vmem_shared>>)
        %add3A_259 = arith.constant 6 : i32
        %add3A_260 = arith.addi %mul3A_50, %add3A_259 : i32
        %add3A_261 = arith.constant 1 : i32
        %add3A_262 = arith.addi %add3A_260, %add3A_261 : i32
        %dma_start3A_263 = arith.constant 0 : i32
        %dma_start3A_264 = tpu.memref_slice %arg9[%add3A_262, %dma_start3A_263] : memref<16x128xi32, #tpu.memory_space<vmem>> -> memref<1x128xi32, #tpu.memory_space<vmem>>
        %dma_start3A_265 = tpu.memref_squeeze %dma_start3A_264 : memref<1x128xi32, #tpu.memory_space<vmem>> -> memref<128xi32, #tpu.memory_space<vmem>>
        %dma_start3A_266 = arith.constant 0 : i32
        %dma_start3A_267 = arith.constant 0 : i32
        %dma_start3A_268 = tpu.memref_slice %arg2[%dma_start3A_266, %dma_start3A_267] : memref<10240x128xf32, #tpu.memory_space<hbm>> -> memref<10240x128xf32, #tpu.memory_space<hbm>>
        tpu.enqueue_indirect_dma source(%dma_start3A_268 : memref<10240x128xf32, #tpu.memory_space<hbm>>) target(%arg12 : memref<128x128xf32, #tpu.memory_space<vmem>>) offsets(%dma_start3A_265 : memref<128xi32, #tpu.memory_space<vmem>>) semaphore(%arg14 : memref<!tpu.dma_semaphore, #tpu.memory_space<semaphore_mem>>)
        %add3A_269 = arith.constant 6 : i32
        %add3A_270 = arith.addi %mul3A_50, %add3A_269 : i32
        %dma_wait3A_271 = arith.constant 0 : i32
        %dma_wait3A_272 = tpu.memref_slice %arg9[%add3A_270, %dma_wait3A_271] : memref<16x128xi32, #tpu.memory_space<vmem>> -> memref<1x128xi32, #tpu.memory_space<vmem>>
        %dma_wait3A_273 = tpu.memref_squeeze %dma_wait3A_272 : memref<1x128xi32, #tpu.memory_space<vmem>> -> memref<128xi32, #tpu.memory_space<vmem>>
        %dma_wait3A_274 = arith.constant 0 : i32
        %dma_wait3A_275 = arith.constant 0 : i32
        %dma_wait3A_276 = tpu.memref_slice %arg2[%dma_wait3A_274, %dma_wait3A_275] : memref<10240x128xf32, #tpu.memory_space<hbm>> -> memref<10240x128xf32, #tpu.memory_space<hbm>>
        tpu.wait_indirect_dma semaphore(%arg13 : memref<!tpu.dma_semaphore, #tpu.memory_space<semaphore_mem>>) src(%dma_wait3A_276 : memref<10240x128xf32, #tpu.memory_space<hbm>>) dst(%arg11 : memref<128x128xf32, #tpu.memory_space<vmem>>)
        %add3A_277 = arith.constant 6 : i32
        %add3A_278 = arith.addi %mul3A_50, %add3A_277 : i32
        %dma_start3A_279 = arith.constant 0 : i32
        %dma_start3A_280 = tpu.memref_slice %arg10[%add3A_278, %dma_start3A_279] : memref<16x128xi32, #tpu.memory_space<vmem>> -> memref<1x128xi32, #tpu.memory_space<vmem>>
        %dma_start3A_281 = tpu.memref_squeeze %dma_start3A_280 : memref<1x128xi32, #tpu.memory_space<vmem>> -> memref<128xi32, #tpu.memory_space<vmem>>
        %dma_start3A_282 = arith.constant 0 : i32
        %dma_start3A_283 = arith.constant 0 : i32
        %dma_start3A_284 = tpu.memref_slice %arg8[%dma_start3A_282, %dma_start3A_283] : memref<10240x128xf32, #tpu.memory_space<vmem_shared>> -> memref<10240x128xf32, #tpu.memory_space<vmem_shared>>
        tpu.enqueue_indirect_dma source(%arg11 : memref<128x128xf32, #tpu.memory_space<vmem>>) target(%dma_start3A_284 : memref<10240x128xf32, #tpu.memory_space<vmem_shared>>) offsets(%dma_start3A_281 : memref<128xi32, #tpu.memory_space<vmem>>) semaphore(%arg15 : memref<!tpu.dma_semaphore, #tpu.memory_space<semaphore_mem>>) {add = true}
        %add3A_285 = arith.constant 1 : i32
        %add3A_286 = arith.addi %scan3A_39, %add3A_285 : i32
        %lt3A_287 = arith.constant 10 : i32
        %lt3A_288 = arith.cmpi slt, %add3A_286, %lt3A_287 : i32
        %convert_element_type3A_289 = arith.extui %lt3A_288 : i1 to i32
        %cond3A_290 = arith.constant 0 : i32
        %cond3A_291 = arith.cmpi ne, %convert_element_type3A_289, %cond3A_290 : i32
        scf.if %cond3A_291 {
          %dma_wait3A_308 = arith.constant 0 : i32
          %dma_wait3A_309 = arith.constant 0 : i32
          %dma_wait3A_310 = tpu.memref_slice %arg10[%dma_wait3A_308, %dma_wait3A_309] : memref<16x128xi32, #tpu.memory_space<vmem>> -> memref<1x128xi32, #tpu.memory_space<vmem>>
          %dma_wait3A_311 = tpu.memref_squeeze %dma_wait3A_310 : memref<1x128xi32, #tpu.memory_space<vmem>> -> memref<128xi32, #tpu.memory_space<vmem>>
          %dma_wait3A_312 = arith.constant 0 : i32
          %dma_wait3A_313 = arith.constant 0 : i32
          %dma_wait3A_314 = tpu.memref_slice %arg8[%dma_wait3A_312, %dma_wait3A_313] : memref<10240x128xf32, #tpu.memory_space<vmem_shared>> -> memref<10240x128xf32, #tpu.memory_space<vmem_shared>>
          tpu.wait_indirect_dma semaphore(%arg15 : memref<!tpu.dma_semaphore, #tpu.memory_space<semaphore_mem>>) src(%arg11 : memref<128x128xf32, #tpu.memory_space<vmem>>) dst(%dma_wait3A_314 : memref<10240x128xf32, #tpu.memory_space<vmem_shared>>)
          %add3A_315 = arith.constant 1 : i32
          %add3A_316 = arith.addi %scan3A_39, %add3A_315 : i32
          %mul3A_317 = arith.constant 8 : i32
          %mul3A_318 = arith.muli %add3A_316, %mul3A_317 : i32
          %dma_wait3A_319 = arith.constant 0 : i32
          %dma_wait3A_320 = tpu.memref_slice %arg9[%sub3A_51, %dma_wait3A_319] : memref<16x128xi32, #tpu.memory_space<vmem>> -> memref<8x128xi32, #tpu.memory_space<vmem>>
          %dma_wait3A_321 = arith.constant 0 : i32
          %dma_wait3A_322 = arith.constant 0 : i32
          %dma_wait3A_323 = tpu.memref_slice %arg4[%arg1, %dma_wait3A_321, %dma_wait3A_322] : memref<16x80x128xi32, #tpu.memory_space<hbm>> -> memref<1x80x128xi32, #tpu.memory_space<hbm>>
          %dma_wait3A_324 = tpu.memref_squeeze %dma_wait3A_323 : memref<1x80x128xi32, #tpu.memory_space<hbm>> -> memref<80x128xi32, #tpu.memory_space<hbm>>
          %dma_wait3A_325 = arith.constant 0 : i32
          %dma_wait3A_326 = tpu.memref_slice %dma_wait3A_324[%mul3A_318, %dma_wait3A_325] : memref<80x128xi32, #tpu.memory_space<hbm>> -> memref<8x128xi32, #tpu.memory_space<hbm>>
          %dma_wait3A_327 = arith.constant 0 : i32
          %dma_wait3A_328 = tpu.memref_slice %arg9[%sub3A_51, %dma_wait3A_327] : memref<16x128xi32, #tpu.memory_space<vmem>> -> memref<8x128xi32, #tpu.memory_space<vmem>>
          %dma_wait3A_329 = arith.constant 0 : i32
          %dma_wait3A_330 = arith.constant 0 : i32
          %dma_wait3A_331 = tpu.memref_slice %arg4[%arg1, %dma_wait3A_329, %dma_wait3A_330] : memref<16x80x128xi32, #tpu.memory_space<hbm>> -> memref<1x80x128xi32, #tpu.memory_space<hbm>>
          %dma_wait3A_332 = tpu.memref_squeeze %dma_wait3A_331 : memref<1x80x128xi32, #tpu.memory_space<hbm>> -> memref<80x128xi32, #tpu.memory_space<hbm>>
          %dma_wait3A_333 = arith.constant 0 : i32
          %dma_wait3A_334 = tpu.memref_slice %dma_wait3A_332[%mul3A_318, %dma_wait3A_333] : memref<80x128xi32, #tpu.memory_space<hbm>> -> memref<8x128xi32, #tpu.memory_space<hbm>>
          tpu.wait_dma2 semaphore(%arg17 : memref<!tpu.dma_semaphore, #tpu.memory_space<semaphore_mem>>) src(%dma_wait3A_334 : memref<8x128xi32, #tpu.memory_space<hbm>>) dst(%dma_wait3A_328 : memref<8x128xi32, #tpu.memory_space<vmem>>)
          %add3A_335 = arith.constant 1 : i32
          %add3A_336 = arith.addi %scan3A_39, %add3A_335 : i32
          %mul3A_337 = arith.constant 8 : i32
          %mul3A_338 = arith.muli %add3A_336, %mul3A_337 : i32
          %dma_wait3A_339 = arith.constant 0 : i32
          %dma_wait3A_340 = tpu.memref_slice %arg10[%sub3A_51, %dma_wait3A_339] : memref<16x128xi32, #tpu.memory_space<vmem>> -> memref<8x128xi32, #tpu.memory_space<vmem>>
          %dma_wait3A_341 = arith.constant 0 : i32
          %dma_wait3A_342 = arith.constant 0 : i32
          %dma_wait3A_343 = tpu.memref_slice %arg5[%arg1, %dma_wait3A_341, %dma_wait3A_342] : memref<16x80x128xi32, #tpu.memory_space<hbm>> -> memref<1x80x128xi32, #tpu.memory_space<hbm>>
          %dma_wait3A_344 = tpu.memref_squeeze %dma_wait3A_343 : memref<1x80x128xi32, #tpu.memory_space<hbm>> -> memref<80x128xi32, #tpu.memory_space<hbm>>
          %dma_wait3A_345 = arith.constant 0 : i32
          %dma_wait3A_346 = tpu.memref_slice %dma_wait3A_344[%mul3A_338, %dma_wait3A_345] : memref<80x128xi32, #tpu.memory_space<hbm>> -> memref<8x128xi32, #tpu.memory_space<hbm>>
          %dma_wait3A_347 = arith.constant 0 : i32
          %dma_wait3A_348 = tpu.memref_slice %arg10[%sub3A_51, %dma_wait3A_347] : memref<16x128xi32, #tpu.memory_space<vmem>> -> memref<8x128xi32, #tpu.memory_space<vmem>>
          %dma_wait3A_349 = arith.constant 0 : i32
          %dma_wait3A_350 = arith.constant 0 : i32
          %dma_wait3A_351 = tpu.memref_slice %arg5[%arg1, %dma_wait3A_349, %dma_wait3A_350] : memref<16x80x128xi32, #tpu.memory_space<hbm>> -> memref<1x80x128xi32, #tpu.memory_space<hbm>>
          %dma_wait3A_352 = tpu.memref_squeeze %dma_wait3A_351 : memref<1x80x128xi32, #tpu.memory_space<hbm>> -> memref<80x128xi32, #tpu.memory_space<hbm>>
          %dma_wait3A_353 = arith.constant 0 : i32
          %dma_wait3A_354 = tpu.memref_slice %dma_wait3A_352[%mul3A_338, %dma_wait3A_353] : memref<80x128xi32, #tpu.memory_space<hbm>> -> memref<8x128xi32, #tpu.memory_space<hbm>>
          tpu.wait_dma2 semaphore(%arg18 : memref<!tpu.dma_semaphore, #tpu.memory_space<semaphore_mem>>) src(%dma_wait3A_354 : memref<8x128xi32, #tpu.memory_space<hbm>>) dst(%dma_wait3A_348 : memref<8x128xi32, #tpu.memory_space<vmem>>)
          %dma_start3A_355 = arith.constant 0 : i32
          %dma_start3A_356 = tpu.memref_slice %arg9[%sub3A_51, %dma_start3A_355] : memref<16x128xi32, #tpu.memory_space<vmem>> -> memref<1x128xi32, #tpu.memory_space<vmem>>
          %dma_start3A_357 = tpu.memref_squeeze %dma_start3A_356 : memref<1x128xi32, #tpu.memory_space<vmem>> -> memref<128xi32, #tpu.memory_space<vmem>>
          %dma_start3A_358 = arith.constant 0 : i32
          %dma_start3A_359 = arith.constant 0 : i32
          %dma_start3A_360 = tpu.memref_slice %arg2[%dma_start3A_358, %dma_start3A_359] : memref<10240x128xf32, #tpu.memory_space<hbm>> -> memref<10240x128xf32, #tpu.memory_space<hbm>>
          tpu.enqueue_indirect_dma source(%dma_start3A_360 : memref<10240x128xf32, #tpu.memory_space<hbm>>) target(%arg11 : memref<128x128xf32, #tpu.memory_space<vmem>>) offsets(%dma_start3A_357 : memref<128xi32, #tpu.memory_space<vmem>>) semaphore(%arg13 : memref<!tpu.dma_semaphore, #tpu.memory_space<semaphore_mem>>)
        } else {
        }
        %add3A_292 = arith.constant 7 : i32
        %add3A_293 = arith.addi %mul3A_50, %add3A_292 : i32
        %dma_wait3A_294 = arith.constant 0 : i32
        %dma_wait3A_295 = tpu.memref_slice %arg9[%add3A_293, %dma_wait3A_294] : memref<16x128xi32, #tpu.memory_space<vmem>> -> memref<1x128xi32, #tpu.memory_space<vmem>>
        %dma_wait3A_296 = tpu.memref_squeeze %dma_wait3A_295 : memref<1x128xi32, #tpu.memory_space<vmem>> -> memref<128xi32, #tpu.memory_space<vmem>>
        %dma_wait3A_297 = arith.constant 0 : i32
        %dma_wait3A_298 = arith.constant 0 : i32
        %dma_wait3A_299 = tpu.memref_slice %arg2[%dma_wait3A_297, %dma_wait3A_298] : memref<10240x128xf32, #tpu.memory_space<hbm>> -> memref<10240x128xf32, #tpu.memory_space<hbm>>
        tpu.wait_indirect_dma semaphore(%arg14 : memref<!tpu.dma_semaphore, #tpu.memory_space<semaphore_mem>>) src(%dma_wait3A_299 : memref<10240x128xf32, #tpu.memory_space<hbm>>) dst(%arg12 : memref<128x128xf32, #tpu.memory_space<vmem>>)
        %add3A_300 = arith.constant 7 : i32
        %add3A_301 = arith.addi %mul3A_50, %add3A_300 : i32
        %dma_start3A_302 = arith.constant 0 : i32
        %dma_start3A_303 = tpu.memref_slice %arg10[%add3A_301, %dma_start3A_302] : memref<16x128xi32, #tpu.memory_space<vmem>> -> memref<1x128xi32, #tpu.memory_space<vmem>>
        %dma_start3A_304 = tpu.memref_squeeze %dma_start3A_303 : memref<1x128xi32, #tpu.memory_space<vmem>> -> memref<128xi32, #tpu.memory_space<vmem>>
        %dma_start3A_305 = arith.constant 0 : i32
        %dma_start3A_306 = arith.constant 0 : i32
        %dma_start3A_307 = tpu.memref_slice %arg8[%dma_start3A_305, %dma_start3A_306] : memref<10240x128xf32, #tpu.memory_space<vmem_shared>> -> memref<10240x128xf32, #tpu.memory_space<vmem_shared>>
        tpu.enqueue_indirect_dma source(%arg12 : memref<128x128xf32, #tpu.memory_space<vmem>>) target(%dma_start3A_307 : memref<10240x128xf32, #tpu.memory_space<vmem_shared>>) offsets(%dma_start3A_304 : memref<128xi32, #tpu.memory_space<vmem>>) semaphore(%arg16 : memref<!tpu.dma_semaphore, #tpu.memory_space<semaphore_mem>>) {add = true}
      }
      %scan3A_20 = arith.constant 10 : i32
      %dma_wait3A = arith.constant 0 : i32
      %dma_wait3A_21 = arith.constant 0 : i32
      %dma_wait3A_22 = tpu.memref_slice %arg10[%dma_wait3A, %dma_wait3A_21] : memref<16x128xi32, #tpu.memory_space<vmem>> -> memref<1x128xi32, #tpu.memory_space<vmem>>
      %dma_wait3A_23 = tpu.memref_squeeze %dma_wait3A_22 : memref<1x128xi32, #tpu.memory_space<vmem>> -> memref<128xi32, #tpu.memory_space<vmem>>
      %dma_wait3A_24 = arith.constant 0 : i32
      %dma_wait3A_25 = arith.constant 0 : i32
      %dma_wait3A_26 = tpu.memref_slice %arg8[%dma_wait3A_24, %dma_wait3A_25] : memref<10240x128xf32, #tpu.memory_space<vmem_shared>> -> memref<10240x128xf32, #tpu.memory_space<vmem_shared>>
      tpu.wait_indirect_dma semaphore(%arg15 : memref<!tpu.dma_semaphore, #tpu.memory_space<semaphore_mem>>) src(%arg11 : memref<128x128xf32, #tpu.memory_space<vmem>>) dst(%dma_wait3A_26 : memref<10240x128xf32, #tpu.memory_space<vmem_shared>>)
      %dma_wait3A_27 = arith.constant 0 : i32
      %dma_wait3A_28 = arith.constant 0 : i32
      %dma_wait3A_29 = tpu.memref_slice %arg10[%dma_wait3A_27, %dma_wait3A_28] : memref<16x128xi32, #tpu.memory_space<vmem>> -> memref<1x128xi32, #tpu.memory_space<vmem>>
      %dma_wait3A_30 = tpu.memref_squeeze %dma_wait3A_29 : memref<1x128xi32, #tpu.memory_space<vmem>> -> memref<128xi32, #tpu.memory_space<vmem>>
      %dma_wait3A_31 = arith.constant 0 : i32
      %dma_wait3A_32 = arith.constant 0 : i32
      %dma_wait3A_33 = tpu.memref_slice %arg8[%dma_wait3A_31, %dma_wait3A_32] : memref<10240x128xf32, #tpu.memory_space<vmem_shared>> -> memref<10240x128xf32, #tpu.memory_space<vmem_shared>>
      tpu.wait_indirect_dma semaphore(%arg16 : memref<!tpu.dma_semaphore, #tpu.memory_space<semaphore_mem>>) src(%arg12 : memref<128x128xf32, #tpu.memory_space<vmem>>) dst(%dma_wait3A_33 : memref<10240x128xf32, #tpu.memory_space<vmem_shared>>)
      %barrier3A_34 = arith.constant 0 : index
      tpu.barrier barrier_id(%barrier3A_34)
      %mul3A_35 = arith.constant 640 : i32
      %mul3A_36 = arith.muli %arg1, %mul3A_35 : i32
      %mul3A_37 = arith.constant 640 : i32
      %mul3A_38 = arith.muli %arg1, %mul3A_37 : i32
      "tpu.region"() ({
        %run_scoped3A = tpu.sem_alloc : memref<!tpu.dma_semaphore, #tpu.memory_space<semaphore_mem>>
        %dma_start3A_39 = arith.constant 0 : i32
        %dma_start3A_40 = tpu.memref_slice %arg6[%mul3A_38, %dma_start3A_39] : memref<10240x128xf32, #tpu.memory_space<hbm>> -> memref<640x128xf32, #tpu.memory_space<hbm>>
        %dma_start3A_41 = arith.constant 0 : i32
        %dma_start3A_42 = tpu.memref_slice %arg8[%mul3A_36, %dma_start3A_41] : memref<10240x128xf32, #tpu.memory_space<vmem_shared>> -> memref<640x128xf32, #tpu.memory_space<vmem_shared>>
        tpu.enqueue_dma source(%dma_start3A_42 : memref<640x128xf32, #tpu.memory_space<vmem_shared>>) target(%dma_start3A_40 : memref<640x128xf32, #tpu.memory_space<hbm>>) target_semaphore(%run_scoped3A : memref<!tpu.dma_semaphore, #tpu.memory_space<semaphore_mem>>)
        %dma_wait3A_43 = arith.constant 0 : i32
        %dma_wait3A_44 = tpu.memref_slice %arg6[%mul3A_38, %dma_wait3A_43] : memref<10240x128xf32, #tpu.memory_space<hbm>> -> memref<640x128xf32, #tpu.memory_space<hbm>>
        %dma_wait3A_45 = arith.constant 0 : i32
        %dma_wait3A_46 = tpu.memref_slice %arg8[%mul3A_36, %dma_wait3A_45] : memref<10240x128xf32, #tpu.memory_space<vmem_shared>> -> memref<640x128xf32, #tpu.memory_space<vmem_shared>>
        tpu.wait_dma2 semaphore(%run_scoped3A : memref<!tpu.dma_semaphore, #tpu.memory_space<semaphore_mem>>) src(%dma_wait3A_46 : memref<640x128xf32, #tpu.memory_space<vmem_shared>>) dst(%dma_wait3A_44 : memref<640x128xf32, #tpu.memory_space<hbm>>)
        tpu.yield
      }) : () -> ()
    } else {
    }
    %eq3A_2 = arith.constant 1 : i32
    %eq3A_3 = arith.cmpi eq, %arg0, %eq3A_2 : i32
    %convert_element_type3A_4 = arith.extui %eq3A_3 : i1 to i32
    %cond3A_5 = arith.constant 0 : i32
    %cond3A_6 = arith.cmpi ne, %convert_element_type3A_4, %cond3A_5 : i32
    scf.if %cond3A_6 {
      %mul3A = arith.constant 640 : i32
      %mul3A_7 = arith.muli %arg1, %mul3A : i32
      %mul3A_8 = arith.constant 640 : i32
      %mul3A_9 = arith.muli %arg1, %mul3A_8 : i32
      "tpu.region"() ({
        %run_scoped3A = tpu.sem_alloc : memref<!tpu.dma_semaphore, #tpu.memory_space<semaphore_mem>>
        %dma_start3A_39 = arith.constant 0 : i32
        %dma_start3A_40 = tpu.memref_slice %arg8[%mul3A_9, %dma_start3A_39] : memref<10240x128xf32, #tpu.memory_space<vmem_shared>> -> memref<640x128xf32, #tpu.memory_space<vmem_shared>>
        %dma_start3A_41 = arith.constant 0 : i32
        %dma_start3A_42 = tpu.memref_slice %arg3[%mul3A_7, %dma_start3A_41] : memref<10240x128xf32, #tpu.memory_space<hbm>> -> memref<640x128xf32, #tpu.memory_space<hbm>>
        tpu.enqueue_dma source(%dma_start3A_42 : memref<640x128xf32, #tpu.memory_space<hbm>>) target(%dma_start3A_40 : memref<640x128xf32, #tpu.memory_space<vmem_shared>>) target_semaphore(%run_scoped3A : memref<!tpu.dma_semaphore, #tpu.memory_space<semaphore_mem>>)
        %dma_wait3A_43 = arith.constant 0 : i32
        %dma_wait3A_44 = tpu.memref_slice %arg8[%mul3A_9, %dma_wait3A_43] : memref<10240x128xf32, #tpu.memory_space<vmem_shared>> -> memref<640x128xf32, #tpu.memory_space<vmem_shared>>
        %dma_wait3A_45 = arith.constant 0 : i32
        %dma_wait3A_46 = tpu.memref_slice %arg3[%mul3A_7, %dma_wait3A_45] : memref<10240x128xf32, #tpu.memory_space<hbm>> -> memref<640x128xf32, #tpu.memory_space<hbm>>
        tpu.wait_dma2 semaphore(%run_scoped3A : memref<!tpu.dma_semaphore, #tpu.memory_space<semaphore_mem>>) src(%dma_wait3A_46 : memref<640x128xf32, #tpu.memory_space<hbm>>) dst(%dma_wait3A_44 : memref<640x128xf32, #tpu.memory_space<vmem_shared>>)
        tpu.yield
      }) : () -> ()
      %barrier3A = arith.constant 0 : index
      tpu.barrier barrier_id(%barrier3A)
      "tpu.region"() ({
        %run_scoped3A = tpu.sem_alloc : memref<!tpu.dma_semaphore, #tpu.memory_space<semaphore_mem>>
        %dma_start3A_39 = arith.constant 0 : i32
        %dma_start3A_40 = arith.constant 0 : i32
        %dma_start3A_41 = tpu.memref_slice %arg9[%dma_start3A_39, %dma_start3A_40] : memref<16x128xi32, #tpu.memory_space<vmem>> -> memref<8x128xi32, #tpu.memory_space<vmem>>
        %dma_start3A_42 = arith.constant 0 : i32
        %dma_start3A_43 = arith.constant 0 : i32
        %dma_start3A_44 = tpu.memref_slice %arg4[%arg1, %dma_start3A_42, %dma_start3A_43] : memref<16x80x128xi32, #tpu.memory_space<hbm>> -> memref<1x80x128xi32, #tpu.memory_space<hbm>>
        %dma_start3A_45 = tpu.memref_squeeze %dma_start3A_44 : memref<1x80x128xi32, #tpu.memory_space<hbm>> -> memref<80x128xi32, #tpu.memory_space<hbm>>
        %dma_start3A_46 = arith.constant 0 : i32
        %dma_start3A_47 = arith.constant 0 : i32
        %dma_start3A_48 = tpu.memref_slice %dma_start3A_45[%dma_start3A_46, %dma_start3A_47] : memref<80x128xi32, #tpu.memory_space<hbm>> -> memref<8x128xi32, #tpu.memory_space<hbm>>
        %dma_start3A_49 = arith.constant 0 : i32
        %dma_start3A_50 = arith.constant 0 : i32
        %dma_start3A_51 = tpu.memref_slice %arg9[%dma_start3A_49, %dma_start3A_50] : memref<16x128xi32, #tpu.memory_space<vmem>> -> memref<8x128xi32, #tpu.memory_space<vmem>>
        %dma_start3A_52 = arith.constant 0 : i32
        %dma_start3A_53 = arith.constant 0 : i32
        %dma_start3A_54 = tpu.memref_slice %arg4[%arg1, %dma_start3A_52, %dma_start3A_53] : memref<16x80x128xi32, #tpu.memory_space<hbm>> -> memref<1x80x128xi32, #tpu.memory_space<hbm>>
        %dma_start3A_55 = tpu.memref_squeeze %dma_start3A_54 : memref<1x80x128xi32, #tpu.memory_space<hbm>> -> memref<80x128xi32, #tpu.memory_space<hbm>>
        %dma_start3A_56 = arith.constant 0 : i32
        %dma_start3A_57 = arith.constant 0 : i32
        %dma_start3A_58 = tpu.memref_slice %dma_start3A_55[%dma_start3A_56, %dma_start3A_57] : memref<80x128xi32, #tpu.memory_space<hbm>> -> memref<8x128xi32, #tpu.memory_space<hbm>>
        tpu.enqueue_dma source(%dma_start3A_58 : memref<8x128xi32, #tpu.memory_space<hbm>>) target(%dma_start3A_51 : memref<8x128xi32, #tpu.memory_space<vmem>>) target_semaphore(%run_scoped3A : memref<!tpu.dma_semaphore, #tpu.memory_space<semaphore_mem>>)
        %dma_wait3A_59 = arith.constant 0 : i32
        %dma_wait3A_60 = arith.constant 0 : i32
        %dma_wait3A_61 = tpu.memref_slice %arg9[%dma_wait3A_59, %dma_wait3A_60] : memref<16x128xi32, #tpu.memory_space<vmem>> -> memref<8x128xi32, #tpu.memory_space<vmem>>
        %dma_wait3A_62 = arith.constant 0 : i32
        %dma_wait3A_63 = arith.constant 0 : i32
        %dma_wait3A_64 = tpu.memref_slice %arg4[%arg1, %dma_wait3A_62, %dma_wait3A_63] : memref<16x80x128xi32, #tpu.memory_space<hbm>> -> memref<1x80x128xi32, #tpu.memory_space<hbm>>
        %dma_wait3A_65 = tpu.memref_squeeze %dma_wait3A_64 : memref<1x80x128xi32, #tpu.memory_space<hbm>> -> memref<80x128xi32, #tpu.memory_space<hbm>>
        %dma_wait3A_66 = arith.constant 0 : i32
        %dma_wait3A_67 = arith.constant 0 : i32
        %dma_wait3A_68 = tpu.memref_slice %dma_wait3A_65[%dma_wait3A_66, %dma_wait3A_67] : memref<80x128xi32, #tpu.memory_space<hbm>> -> memref<8x128xi32, #tpu.memory_space<hbm>>
        %dma_wait3A_69 = arith.constant 0 : i32
        %dma_wait3A_70 = arith.constant 0 : i32
        %dma_wait3A_71 = tpu.memref_slice %arg9[%dma_wait3A_69, %dma_wait3A_70] : memref<16x128xi32, #tpu.memory_space<vmem>> -> memref<8x128xi32, #tpu.memory_space<vmem>>
        %dma_wait3A_72 = arith.constant 0 : i32
        %dma_wait3A_73 = arith.constant 0 : i32
        %dma_wait3A_74 = tpu.memref_slice %arg4[%arg1, %dma_wait3A_72, %dma_wait3A_73] : memref<16x80x128xi32, #tpu.memory_space<hbm>> -> memref<1x80x128xi32, #tpu.memory_space<hbm>>
        %dma_wait3A_75 = tpu.memref_squeeze %dma_wait3A_74 : memref<1x80x128xi32, #tpu.memory_space<hbm>> -> memref<80x128xi32, #tpu.memory_space<hbm>>
        %dma_wait3A_76 = arith.constant 0 : i32
        %dma_wait3A_77 = arith.constant 0 : i32
        %dma_wait3A_78 = tpu.memref_slice %dma_wait3A_75[%dma_wait3A_76, %dma_wait3A_77] : memref<80x128xi32, #tpu.memory_space<hbm>> -> memref<8x128xi32, #tpu.memory_space<hbm>>
        tpu.wait_dma2 semaphore(%run_scoped3A : memref<!tpu.dma_semaphore, #tpu.memory_space<semaphore_mem>>) src(%dma_wait3A_78 : memref<8x128xi32, #tpu.memory_space<hbm>>) dst(%dma_wait3A_71 : memref<8x128xi32, #tpu.memory_space<vmem>>)
        tpu.yield
      }) : () -> ()
      "tpu.region"() ({
        %run_scoped3A = tpu.sem_alloc : memref<!tpu.dma_semaphore, #tpu.memory_space<semaphore_mem>>
        %dma_start3A_39 = arith.constant 0 : i32
        %dma_start3A_40 = arith.constant 0 : i32
        %dma_start3A_41 = tpu.memref_slice %arg10[%dma_start3A_39, %dma_start3A_40] : memref<16x128xi32, #tpu.memory_space<vmem>> -> memref<8x128xi32, #tpu.memory_space<vmem>>
        %dma_start3A_42 = arith.constant 0 : i32
        %dma_start3A_43 = arith.constant 0 : i32
        %dma_start3A_44 = tpu.memref_slice %arg5[%arg1, %dma_start3A_42, %dma_start3A_43] : memref<16x80x128xi32, #tpu.memory_space<hbm>> -> memref<1x80x128xi32, #tpu.memory_space<hbm>>
        %dma_start3A_45 = tpu.memref_squeeze %dma_start3A_44 : memref<1x80x128xi32, #tpu.memory_space<hbm>> -> memref<80x128xi32, #tpu.memory_space<hbm>>
        %dma_start3A_46 = arith.constant 0 : i32
        %dma_start3A_47 = arith.constant 0 : i32
        %dma_start3A_48 = tpu.memref_slice %dma_start3A_45[%dma_start3A_46, %dma_start3A_47] : memref<80x128xi32, #tpu.memory_space<hbm>> -> memref<8x128xi32, #tpu.memory_space<hbm>>
        %dma_start3A_49 = arith.constant 0 : i32
        %dma_start3A_50 = arith.constant 0 : i32
        %dma_start3A_51 = tpu.memref_slice %arg10[%dma_start3A_49, %dma_start3A_50] : memref<16x128xi32, #tpu.memory_space<vmem>> -> memref<8x128xi32, #tpu.memory_space<vmem>>
        %dma_start3A_52 = arith.constant 0 : i32
        %dma_start3A_53 = arith.constant 0 : i32
        %dma_start3A_54 = tpu.memref_slice %arg5[%arg1, %dma_start3A_52, %dma_start3A_53] : memref<16x80x128xi32, #tpu.memory_space<hbm>> -> memref<1x80x128xi32, #tpu.memory_space<hbm>>
        %dma_start3A_55 = tpu.memref_squeeze %dma_start3A_54 : memref<1x80x128xi32, #tpu.memory_space<hbm>> -> memref<80x128xi32, #tpu.memory_space<hbm>>
        %dma_start3A_56 = arith.constant 0 : i32
        %dma_start3A_57 = arith.constant 0 : i32
        %dma_start3A_58 = tpu.memref_slice %dma_start3A_55[%dma_start3A_56, %dma_start3A_57] : memref<80x128xi32, #tpu.memory_space<hbm>> -> memref<8x128xi32, #tpu.memory_space<hbm>>
        tpu.enqueue_dma source(%dma_start3A_58 : memref<8x128xi32, #tpu.memory_space<hbm>>) target(%dma_start3A_51 : memref<8x128xi32, #tpu.memory_space<vmem>>) target_semaphore(%run_scoped3A : memref<!tpu.dma_semaphore, #tpu.memory_space<semaphore_mem>>)
        %dma_wait3A_59 = arith.constant 0 : i32
        %dma_wait3A_60 = arith.constant 0 : i32
        %dma_wait3A_61 = tpu.memref_slice %arg10[%dma_wait3A_59, %dma_wait3A_60] : memref<16x128xi32, #tpu.memory_space<vmem>> -> memref<8x128xi32, #tpu.memory_space<vmem>>
        %dma_wait3A_62 = arith.constant 0 : i32
        %dma_wait3A_63 = arith.constant 0 : i32
        %dma_wait3A_64 = tpu.memref_slice %arg5[%arg1, %dma_wait3A_62, %dma_wait3A_63] : memref<16x80x128xi32, #tpu.memory_space<hbm>> -> memref<1x80x128xi32, #tpu.memory_space<hbm>>
        %dma_wait3A_65 = tpu.memref_squeeze %dma_wait3A_64 : memref<1x80x128xi32, #tpu.memory_space<hbm>> -> memref<80x128xi32, #tpu.memory_space<hbm>>
        %dma_wait3A_66 = arith.constant 0 : i32
        %dma_wait3A_67 = arith.constant 0 : i32
        %dma_wait3A_68 = tpu.memref_slice %dma_wait3A_65[%dma_wait3A_66, %dma_wait3A_67] : memref<80x128xi32, #tpu.memory_space<hbm>> -> memref<8x128xi32, #tpu.memory_space<hbm>>
        %dma_wait3A_69 = arith.constant 0 : i32
        %dma_wait3A_70 = arith.constant 0 : i32
        %dma_wait3A_71 = tpu.memref_slice %arg10[%dma_wait3A_69, %dma_wait3A_70] : memref<16x128xi32, #tpu.memory_space<vmem>> -> memref<8x128xi32, #tpu.memory_space<vmem>>
        %dma_wait3A_72 = arith.constant 0 : i32
        %dma_wait3A_73 = arith.constant 0 : i32
        %dma_wait3A_74 = tpu.memref_slice %arg5[%arg1, %dma_wait3A_72, %dma_wait3A_73] : memref<16x80x128xi32, #tpu.memory_space<hbm>> -> memref<1x80x128xi32, #tpu.memory_space<hbm>>
        %dma_wait3A_75 = tpu.memref_squeeze %dma_wait3A_74 : memref<1x80x128xi32, #tpu.memory_space<hbm>> -> memref<80x128xi32, #tpu.memory_space<hbm>>
        %dma_wait3A_76 = arith.constant 0 : i32
        %dma_wait3A_77 = arith.constant 0 : i32
        %dma_wait3A_78 = tpu.memref_slice %dma_wait3A_75[%dma_wait3A_76, %dma_wait3A_77] : memref<80x128xi32, #tpu.memory_space<hbm>> -> memref<8x128xi32, #tpu.memory_space<hbm>>
        tpu.wait_dma2 semaphore(%run_scoped3A : memref<!tpu.dma_semaphore, #tpu.memory_space<semaphore_mem>>) src(%dma_wait3A_78 : memref<8x128xi32, #tpu.memory_space<hbm>>) dst(%dma_wait3A_71 : memref<8x128xi32, #tpu.memory_space<vmem>>)
        tpu.yield
      }) : () -> ()
      %dma_start3A = arith.constant 0 : i32
      %dma_start3A_10 = arith.constant 0 : i32
      %dma_start3A_11 = tpu.memref_slice %arg9[%dma_start3A, %dma_start3A_10] : memref<16x128xi32, #tpu.memory_space<vmem>> -> memref<1x128xi32, #tpu.memory_space<vmem>>
      %dma_start3A_12 = tpu.memref_squeeze %dma_start3A_11 : memref<1x128xi32, #tpu.memory_space<vmem>> -> memref<128xi32, #tpu.memory_space<vmem>>
      %dma_start3A_13 = arith.constant 0 : i32
      %dma_start3A_14 = arith.constant 0 : i32
      %dma_start3A_15 = tpu.memref_slice %arg3[%dma_start3A_13, %dma_start3A_14] : memref<10240x128xf32, #tpu.memory_space<hbm>> -> memref<10240x128xf32, #tpu.memory_space<hbm>>
      tpu.enqueue_indirect_dma source(%dma_start3A_15 : memref<10240x128xf32, #tpu.memory_space<hbm>>) target(%arg11 : memref<128x128xf32, #tpu.memory_space<vmem>>) offsets(%dma_start3A_12 : memref<128xi32, #tpu.memory_space<vmem>>) semaphore(%arg13 : memref<!tpu.dma_semaphore, #tpu.memory_space<semaphore_mem>>)
      %scan3A = arith.constant 0 : i32
      %scan3A_16 = arith.constant 0 : i32
      %scan3A_17 = arith.constant 10 : i32
      %scan3A_18 = arith.addi %scan3A_16, %scan3A_17 : i32
      %scan3A_19 = arith.constant 1 : i32
      scf.for %scan3A_39 = %scan3A_16 to %scan3A_18 step %scan3A_19  : i32 {
        %jit3A = arith.constant 2 : i32
        %eq3A_40 = arith.constant 0 : i32
        %eq3A_41 = arith.cmpi eq, %jit3A, %eq3A_40 : i32
        %jit3A_42 = arith.constant 1 : i32
        %select_n3A = arith.select %eq3A_41, %jit3A_42, %jit3A : i32
        %rem3A = arith.remsi %scan3A_39, %select_n3A : i32
        %ne3A = arith.constant 0 : i32
        %ne3A_43 = arith.cmpi ne, %rem3A, %ne3A : i32
        %lt3A = arith.constant 0 : i32
        %lt3A_44 = arith.cmpi slt, %rem3A, %lt3A : i32
        %lt3A_45 = arith.constant 0 : i32
        %lt3A_46 = arith.cmpi slt, %select_n3A, %lt3A_45 : i32
        %ne3A_47 = arith.xori %lt3A_44, %lt3A_46 : i1
        %and3A = arith.andi %ne3A_47, %ne3A_43 : i1
        %add3A = arith.addi %rem3A, %select_n3A : i32
        %select_n3A_48 = arith.select %and3A, %add3A, %rem3A : i32
        %mul3A_49 = arith.constant 8 : i32
        %mul3A_50 = arith.muli %select_n3A_48, %mul3A_49 : i32
        %sub3A = arith.constant 8 : i32
        %sub3A_51 = arith.subi %sub3A, %mul3A_50 : i32
        %add3A_52 = arith.constant 1 : i32
        %add3A_53 = arith.addi %scan3A_39, %add3A_52 : i32
        %lt3A_54 = arith.constant 10 : i32
        %lt3A_55 = arith.cmpi slt, %add3A_53, %lt3A_54 : i32
        %convert_element_type3A_56 = arith.extui %lt3A_55 : i1 to i32
        %cond3A_57 = arith.constant 0 : i32
        %cond3A_58 = arith.cmpi ne, %convert_element_type3A_56, %cond3A_57 : i32
        scf.if %cond3A_58 {
          %add3A_308 = arith.constant 1 : i32
          %add3A_309 = arith.addi %scan3A_39, %add3A_308 : i32
          %mul3A_310 = arith.constant 8 : i32
          %mul3A_311 = arith.muli %add3A_309, %mul3A_310 : i32
          %dma_start3A_312 = arith.constant 0 : i32
          %dma_start3A_313 = tpu.memref_slice %arg9[%sub3A_51, %dma_start3A_312] : memref<16x128xi32, #tpu.memory_space<vmem>> -> memref<8x128xi32, #tpu.memory_space<vmem>>
          %dma_start3A_314 = arith.constant 0 : i32
          %dma_start3A_315 = arith.constant 0 : i32
          %dma_start3A_316 = tpu.memref_slice %arg4[%arg1, %dma_start3A_314, %dma_start3A_315] : memref<16x80x128xi32, #tpu.memory_space<hbm>> -> memref<1x80x128xi32, #tpu.memory_space<hbm>>
          %dma_start3A_317 = tpu.memref_squeeze %dma_start3A_316 : memref<1x80x128xi32, #tpu.memory_space<hbm>> -> memref<80x128xi32, #tpu.memory_space<hbm>>
          %dma_start3A_318 = arith.constant 0 : i32
          %dma_start3A_319 = tpu.memref_slice %dma_start3A_317[%mul3A_311, %dma_start3A_318] : memref<80x128xi32, #tpu.memory_space<hbm>> -> memref<8x128xi32, #tpu.memory_space<hbm>>
          %dma_start3A_320 = arith.constant 0 : i32
          %dma_start3A_321 = tpu.memref_slice %arg9[%sub3A_51, %dma_start3A_320] : memref<16x128xi32, #tpu.memory_space<vmem>> -> memref<8x128xi32, #tpu.memory_space<vmem>>
          %dma_start3A_322 = arith.constant 0 : i32
          %dma_start3A_323 = arith.constant 0 : i32
          %dma_start3A_324 = tpu.memref_slice %arg4[%arg1, %dma_start3A_322, %dma_start3A_323] : memref<16x80x128xi32, #tpu.memory_space<hbm>> -> memref<1x80x128xi32, #tpu.memory_space<hbm>>
          %dma_start3A_325 = tpu.memref_squeeze %dma_start3A_324 : memref<1x80x128xi32, #tpu.memory_space<hbm>> -> memref<80x128xi32, #tpu.memory_space<hbm>>
          %dma_start3A_326 = arith.constant 0 : i32
          %dma_start3A_327 = tpu.memref_slice %dma_start3A_325[%mul3A_311, %dma_start3A_326] : memref<80x128xi32, #tpu.memory_space<hbm>> -> memref<8x128xi32, #tpu.memory_space<hbm>>
          tpu.enqueue_dma source(%dma_start3A_327 : memref<8x128xi32, #tpu.memory_space<hbm>>) target(%dma_start3A_321 : memref<8x128xi32, #tpu.memory_space<vmem>>) target_semaphore(%arg17 : memref<!tpu.dma_semaphore, #tpu.memory_space<semaphore_mem>>)
          %add3A_328 = arith.constant 1 : i32
          %add3A_329 = arith.addi %scan3A_39, %add3A_328 : i32
          %mul3A_330 = arith.constant 8 : i32
          %mul3A_331 = arith.muli %add3A_329, %mul3A_330 : i32
          %dma_start3A_332 = arith.constant 0 : i32
          %dma_start3A_333 = tpu.memref_slice %arg10[%sub3A_51, %dma_start3A_332] : memref<16x128xi32, #tpu.memory_space<vmem>> -> memref<8x128xi32, #tpu.memory_space<vmem>>
          %dma_start3A_334 = arith.constant 0 : i32
          %dma_start3A_335 = arith.constant 0 : i32
          %dma_start3A_336 = tpu.memref_slice %arg5[%arg1, %dma_start3A_334, %dma_start3A_335] : memref<16x80x128xi32, #tpu.memory_space<hbm>> -> memref<1x80x128xi32, #tpu.memory_space<hbm>>
          %dma_start3A_337 = tpu.memref_squeeze %dma_start3A_336 : memref<1x80x128xi32, #tpu.memory_space<hbm>> -> memref<80x128xi32, #tpu.memory_space<hbm>>
          %dma_start3A_338 = arith.constant 0 : i32
          %dma_start3A_339 = tpu.memref_slice %dma_start3A_337[%mul3A_331, %dma_start3A_338] : memref<80x128xi32, #tpu.memory_space<hbm>> -> memref<8x128xi32, #tpu.memory_space<hbm>>
          %dma_start3A_340 = arith.constant 0 : i32
          %dma_start3A_341 = tpu.memref_slice %arg10[%sub3A_51, %dma_start3A_340] : memref<16x128xi32, #tpu.memory_space<vmem>> -> memref<8x128xi32, #tpu.memory_space<vmem>>
          %dma_start3A_342 = arith.constant 0 : i32
          %dma_start3A_343 = arith.constant 0 : i32
          %dma_start3A_344 = tpu.memref_slice %arg5[%arg1, %dma_start3A_342, %dma_start3A_343] : memref<16x80x128xi32, #tpu.memory_space<hbm>> -> memref<1x80x128xi32, #tpu.memory_space<hbm>>
          %dma_start3A_345 = tpu.memref_squeeze %dma_start3A_344 : memref<1x80x128xi32, #tpu.memory_space<hbm>> -> memref<80x128xi32, #tpu.memory_space<hbm>>
          %dma_start3A_346 = arith.constant 0 : i32
          %dma_start3A_347 = tpu.memref_slice %dma_start3A_345[%mul3A_331, %dma_start3A_346] : memref<80x128xi32, #tpu.memory_space<hbm>> -> memref<8x128xi32, #tpu.memory_space<hbm>>
          tpu.enqueue_dma source(%dma_start3A_347 : memref<8x128xi32, #tpu.memory_space<hbm>>) target(%dma_start3A_341 : memref<8x128xi32, #tpu.memory_space<vmem>>) target_semaphore(%arg18 : memref<!tpu.dma_semaphore, #tpu.memory_space<semaphore_mem>>)
        } else {
        }
        %gt3A = arith.constant 0 : i32
        %gt3A_59 = arith.cmpi sgt, %scan3A_39, %gt3A : i32
        %convert_element_type3A_60 = arith.extui %gt3A_59 : i1 to i32
        %cond3A_61 = arith.constant 0 : i32
        %cond3A_62 = arith.cmpi ne, %convert_element_type3A_60, %cond3A_61 : i32
        scf.if %cond3A_62 {
          %dma_wait3A_308 = arith.constant 0 : i32
          %dma_wait3A_309 = arith.constant 0 : i32
          %dma_wait3A_310 = tpu.memref_slice %arg10[%dma_wait3A_308, %dma_wait3A_309] : memref<16x128xi32, #tpu.memory_space<vmem>> -> memref<1x128xi32, #tpu.memory_space<vmem>>
          %dma_wait3A_311 = tpu.memref_squeeze %dma_wait3A_310 : memref<1x128xi32, #tpu.memory_space<vmem>> -> memref<128xi32, #tpu.memory_space<vmem>>
          %dma_wait3A_312 = arith.constant 0 : i32
          %dma_wait3A_313 = arith.constant 0 : i32
          %dma_wait3A_314 = tpu.memref_slice %arg8[%dma_wait3A_312, %dma_wait3A_313] : memref<10240x128xf32, #tpu.memory_space<vmem_shared>> -> memref<10240x128xf32, #tpu.memory_space<vmem_shared>>
          tpu.wait_indirect_dma semaphore(%arg16 : memref<!tpu.dma_semaphore, #tpu.memory_space<semaphore_mem>>) src(%arg12 : memref<128x128xf32, #tpu.memory_space<vmem>>) dst(%dma_wait3A_314 : memref<10240x128xf32, #tpu.memory_space<vmem_shared>>)
        } else {
        }
        %add3A_63 = arith.constant 1 : i32
        %add3A_64 = arith.addi %mul3A_50, %add3A_63 : i32
        %dma_start3A_65 = arith.constant 0 : i32
        %dma_start3A_66 = tpu.memref_slice %arg9[%add3A_64, %dma_start3A_65] : memref<16x128xi32, #tpu.memory_space<vmem>> -> memref<1x128xi32, #tpu.memory_space<vmem>>
        %dma_start3A_67 = tpu.memref_squeeze %dma_start3A_66 : memref<1x128xi32, #tpu.memory_space<vmem>> -> memref<128xi32, #tpu.memory_space<vmem>>
        %dma_start3A_68 = arith.constant 0 : i32
        %dma_start3A_69 = arith.constant 0 : i32
        %dma_start3A_70 = tpu.memref_slice %arg3[%dma_start3A_68, %dma_start3A_69] : memref<10240x128xf32, #tpu.memory_space<hbm>> -> memref<10240x128xf32, #tpu.memory_space<hbm>>
        tpu.enqueue_indirect_dma source(%dma_start3A_70 : memref<10240x128xf32, #tpu.memory_space<hbm>>) target(%arg12 : memref<128x128xf32, #tpu.memory_space<vmem>>) offsets(%dma_start3A_67 : memref<128xi32, #tpu.memory_space<vmem>>) semaphore(%arg14 : memref<!tpu.dma_semaphore, #tpu.memory_space<semaphore_mem>>)
        %add3A_71 = arith.constant 0 : i32
        %add3A_72 = arith.addi %mul3A_50, %add3A_71 : i32
        %dma_wait3A_73 = arith.constant 0 : i32
        %dma_wait3A_74 = tpu.memref_slice %arg9[%add3A_72, %dma_wait3A_73] : memref<16x128xi32, #tpu.memory_space<vmem>> -> memref<1x128xi32, #tpu.memory_space<vmem>>
        %dma_wait3A_75 = tpu.memref_squeeze %dma_wait3A_74 : memref<1x128xi32, #tpu.memory_space<vmem>> -> memref<128xi32, #tpu.memory_space<vmem>>
        %dma_wait3A_76 = arith.constant 0 : i32
        %dma_wait3A_77 = arith.constant 0 : i32
        %dma_wait3A_78 = tpu.memref_slice %arg3[%dma_wait3A_76, %dma_wait3A_77] : memref<10240x128xf32, #tpu.memory_space<hbm>> -> memref<10240x128xf32, #tpu.memory_space<hbm>>
        tpu.wait_indirect_dma semaphore(%arg13 : memref<!tpu.dma_semaphore, #tpu.memory_space<semaphore_mem>>) src(%dma_wait3A_78 : memref<10240x128xf32, #tpu.memory_space<hbm>>) dst(%arg11 : memref<128x128xf32, #tpu.memory_space<vmem>>)
        %add3A_79 = arith.constant 0 : i32
        %add3A_80 = arith.addi %mul3A_50, %add3A_79 : i32
        %dma_start3A_81 = arith.constant 0 : i32
        %dma_start3A_82 = tpu.memref_slice %arg10[%add3A_80, %dma_start3A_81] : memref<16x128xi32, #tpu.memory_space<vmem>> -> memref<1x128xi32, #tpu.memory_space<vmem>>
        %dma_start3A_83 = tpu.memref_squeeze %dma_start3A_82 : memref<1x128xi32, #tpu.memory_space<vmem>> -> memref<128xi32, #tpu.memory_space<vmem>>
        %dma_start3A_84 = arith.constant 0 : i32
        %dma_start3A_85 = arith.constant 0 : i32
        %dma_start3A_86 = tpu.memref_slice %arg8[%dma_start3A_84, %dma_start3A_85] : memref<10240x128xf32, #tpu.memory_space<vmem_shared>> -> memref<10240x128xf32, #tpu.memory_space<vmem_shared>>
        tpu.enqueue_indirect_dma source(%arg11 : memref<128x128xf32, #tpu.memory_space<vmem>>) target(%dma_start3A_86 : memref<10240x128xf32, #tpu.memory_space<vmem_shared>>) offsets(%dma_start3A_83 : memref<128xi32, #tpu.memory_space<vmem>>) semaphore(%arg15 : memref<!tpu.dma_semaphore, #tpu.memory_space<semaphore_mem>>) {add = true}
        %dma_wait3A_87 = arith.constant 0 : i32
        %dma_wait3A_88 = arith.constant 0 : i32
        %dma_wait3A_89 = tpu.memref_slice %arg10[%dma_wait3A_87, %dma_wait3A_88] : memref<16x128xi32, #tpu.memory_space<vmem>> -> memref<1x128xi32, #tpu.memory_space<vmem>>
        %dma_wait3A_90 = tpu.memref_squeeze %dma_wait3A_89 : memref<1x128xi32, #tpu.memory_space<vmem>> -> memref<128xi32, #tpu.memory_space<vmem>>
        %dma_wait3A_91 = arith.constant 0 : i32
        %dma_wait3A_92 = arith.constant 0 : i32
        %dma_wait3A_93 = tpu.memref_slice %arg8[%dma_wait3A_91, %dma_wait3A_92] : memref<10240x128xf32, #tpu.memory_space<vmem_shared>> -> memref<10240x128xf32, #tpu.memory_space<vmem_shared>>
        tpu.wait_indirect_dma semaphore(%arg15 : memref<!tpu.dma_semaphore, #tpu.memory_space<semaphore_mem>>) src(%arg11 : memref<128x128xf32, #tpu.memory_space<vmem>>) dst(%dma_wait3A_93 : memref<10240x128xf32, #tpu.memory_space<vmem_shared>>)
        %add3A_94 = arith.constant 1 : i32
        %add3A_95 = arith.addi %mul3A_50, %add3A_94 : i32
        %add3A_96 = arith.constant 1 : i32
        %add3A_97 = arith.addi %add3A_95, %add3A_96 : i32
        %dma_start3A_98 = arith.constant 0 : i32
        %dma_start3A_99 = tpu.memref_slice %arg9[%add3A_97, %dma_start3A_98] : memref<16x128xi32, #tpu.memory_space<vmem>> -> memref<1x128xi32, #tpu.memory_space<vmem>>
        %dma_start3A_100 = tpu.memref_squeeze %dma_start3A_99 : memref<1x128xi32, #tpu.memory_space<vmem>> -> memref<128xi32, #tpu.memory_space<vmem>>
        %dma_start3A_101 = arith.constant 0 : i32
        %dma_start3A_102 = arith.constant 0 : i32
        %dma_start3A_103 = tpu.memref_slice %arg3[%dma_start3A_101, %dma_start3A_102] : memref<10240x128xf32, #tpu.memory_space<hbm>> -> memref<10240x128xf32, #tpu.memory_space<hbm>>
        tpu.enqueue_indirect_dma source(%dma_start3A_103 : memref<10240x128xf32, #tpu.memory_space<hbm>>) target(%arg11 : memref<128x128xf32, #tpu.memory_space<vmem>>) offsets(%dma_start3A_100 : memref<128xi32, #tpu.memory_space<vmem>>) semaphore(%arg13 : memref<!tpu.dma_semaphore, #tpu.memory_space<semaphore_mem>>)
        %add3A_104 = arith.constant 1 : i32
        %add3A_105 = arith.addi %mul3A_50, %add3A_104 : i32
        %dma_wait3A_106 = arith.constant 0 : i32
        %dma_wait3A_107 = tpu.memref_slice %arg9[%add3A_105, %dma_wait3A_106] : memref<16x128xi32, #tpu.memory_space<vmem>> -> memref<1x128xi32, #tpu.memory_space<vmem>>
        %dma_wait3A_108 = tpu.memref_squeeze %dma_wait3A_107 : memref<1x128xi32, #tpu.memory_space<vmem>> -> memref<128xi32, #tpu.memory_space<vmem>>
        %dma_wait3A_109 = arith.constant 0 : i32
        %dma_wait3A_110 = arith.constant 0 : i32
        %dma_wait3A_111 = tpu.memref_slice %arg3[%dma_wait3A_109, %dma_wait3A_110] : memref<10240x128xf32, #tpu.memory_space<hbm>> -> memref<10240x128xf32, #tpu.memory_space<hbm>>
        tpu.wait_indirect_dma semaphore(%arg14 : memref<!tpu.dma_semaphore, #tpu.memory_space<semaphore_mem>>) src(%dma_wait3A_111 : memref<10240x128xf32, #tpu.memory_space<hbm>>) dst(%arg12 : memref<128x128xf32, #tpu.memory_space<vmem>>)
        %add3A_112 = arith.constant 1 : i32
        %add3A_113 = arith.addi %mul3A_50, %add3A_112 : i32
        %dma_start3A_114 = arith.constant 0 : i32
        %dma_start3A_115 = tpu.memref_slice %arg10[%add3A_113, %dma_start3A_114] : memref<16x128xi32, #tpu.memory_space<vmem>> -> memref<1x128xi32, #tpu.memory_space<vmem>>
        %dma_start3A_116 = tpu.memref_squeeze %dma_start3A_115 : memref<1x128xi32, #tpu.memory_space<vmem>> -> memref<128xi32, #tpu.memory_space<vmem>>
        %dma_start3A_117 = arith.constant 0 : i32
        %dma_start3A_118 = arith.constant 0 : i32
        %dma_start3A_119 = tpu.memref_slice %arg8[%dma_start3A_117, %dma_start3A_118] : memref<10240x128xf32, #tpu.memory_space<vmem_shared>> -> memref<10240x128xf32, #tpu.memory_space<vmem_shared>>
        tpu.enqueue_indirect_dma source(%arg12 : memref<128x128xf32, #tpu.memory_space<vmem>>) target(%dma_start3A_119 : memref<10240x128xf32, #tpu.memory_space<vmem_shared>>) offsets(%dma_start3A_116 : memref<128xi32, #tpu.memory_space<vmem>>) semaphore(%arg16 : memref<!tpu.dma_semaphore, #tpu.memory_space<semaphore_mem>>) {add = true}
        %dma_wait3A_120 = arith.constant 0 : i32
        %dma_wait3A_121 = arith.constant 0 : i32
        %dma_wait3A_122 = tpu.memref_slice %arg10[%dma_wait3A_120, %dma_wait3A_121] : memref<16x128xi32, #tpu.memory_space<vmem>> -> memref<1x128xi32, #tpu.memory_space<vmem>>
        %dma_wait3A_123 = tpu.memref_squeeze %dma_wait3A_122 : memref<1x128xi32, #tpu.memory_space<vmem>> -> memref<128xi32, #tpu.memory_space<vmem>>
        %dma_wait3A_124 = arith.constant 0 : i32
        %dma_wait3A_125 = arith.constant 0 : i32
        %dma_wait3A_126 = tpu.memref_slice %arg8[%dma_wait3A_124, %dma_wait3A_125] : memref<10240x128xf32, #tpu.memory_space<vmem_shared>> -> memref<10240x128xf32, #tpu.memory_space<vmem_shared>>
        tpu.wait_indirect_dma semaphore(%arg16 : memref<!tpu.dma_semaphore, #tpu.memory_space<semaphore_mem>>) src(%arg12 : memref<128x128xf32, #tpu.memory_space<vmem>>) dst(%dma_wait3A_126 : memref<10240x128xf32, #tpu.memory_space<vmem_shared>>)
        %add3A_127 = arith.constant 2 : i32
        %add3A_128 = arith.addi %mul3A_50, %add3A_127 : i32
        %add3A_129 = arith.constant 1 : i32
        %add3A_130 = arith.addi %add3A_128, %add3A_129 : i32
        %dma_start3A_131 = arith.constant 0 : i32
        %dma_start3A_132 = tpu.memref_slice %arg9[%add3A_130, %dma_start3A_131] : memref<16x128xi32, #tpu.memory_space<vmem>> -> memref<1x128xi32, #tpu.memory_space<vmem>>
        %dma_start3A_133 = tpu.memref_squeeze %dma_start3A_132 : memref<1x128xi32, #tpu.memory_space<vmem>> -> memref<128xi32, #tpu.memory_space<vmem>>
        %dma_start3A_134 = arith.constant 0 : i32
        %dma_start3A_135 = arith.constant 0 : i32
        %dma_start3A_136 = tpu.memref_slice %arg3[%dma_start3A_134, %dma_start3A_135] : memref<10240x128xf32, #tpu.memory_space<hbm>> -> memref<10240x128xf32, #tpu.memory_space<hbm>>
        tpu.enqueue_indirect_dma source(%dma_start3A_136 : memref<10240x128xf32, #tpu.memory_space<hbm>>) target(%arg12 : memref<128x128xf32, #tpu.memory_space<vmem>>) offsets(%dma_start3A_133 : memref<128xi32, #tpu.memory_space<vmem>>) semaphore(%arg14 : memref<!tpu.dma_semaphore, #tpu.memory_space<semaphore_mem>>)
        %add3A_137 = arith.constant 2 : i32
        %add3A_138 = arith.addi %mul3A_50, %add3A_137 : i32
        %dma_wait3A_139 = arith.constant 0 : i32
        %dma_wait3A_140 = tpu.memref_slice %arg9[%add3A_138, %dma_wait3A_139] : memref<16x128xi32, #tpu.memory_space<vmem>> -> memref<1x128xi32, #tpu.memory_space<vmem>>
        %dma_wait3A_141 = tpu.memref_squeeze %dma_wait3A_140 : memref<1x128xi32, #tpu.memory_space<vmem>> -> memref<128xi32, #tpu.memory_space<vmem>>
        %dma_wait3A_142 = arith.constant 0 : i32
        %dma_wait3A_143 = arith.constant 0 : i32
        %dma_wait3A_144 = tpu.memref_slice %arg3[%dma_wait3A_142, %dma_wait3A_143] : memref<10240x128xf32, #tpu.memory_space<hbm>> -> memref<10240x128xf32, #tpu.memory_space<hbm>>
        tpu.wait_indirect_dma semaphore(%arg13 : memref<!tpu.dma_semaphore, #tpu.memory_space<semaphore_mem>>) src(%dma_wait3A_144 : memref<10240x128xf32, #tpu.memory_space<hbm>>) dst(%arg11 : memref<128x128xf32, #tpu.memory_space<vmem>>)
        %add3A_145 = arith.constant 2 : i32
        %add3A_146 = arith.addi %mul3A_50, %add3A_145 : i32
        %dma_start3A_147 = arith.constant 0 : i32
        %dma_start3A_148 = tpu.memref_slice %arg10[%add3A_146, %dma_start3A_147] : memref<16x128xi32, #tpu.memory_space<vmem>> -> memref<1x128xi32, #tpu.memory_space<vmem>>
        %dma_start3A_149 = tpu.memref_squeeze %dma_start3A_148 : memref<1x128xi32, #tpu.memory_space<vmem>> -> memref<128xi32, #tpu.memory_space<vmem>>
        %dma_start3A_150 = arith.constant 0 : i32
        %dma_start3A_151 = arith.constant 0 : i32
        %dma_start3A_152 = tpu.memref_slice %arg8[%dma_start3A_150, %dma_start3A_151] : memref<10240x128xf32, #tpu.memory_space<vmem_shared>> -> memref<10240x128xf32, #tpu.memory_space<vmem_shared>>
        tpu.enqueue_indirect_dma source(%arg11 : memref<128x128xf32, #tpu.memory_space<vmem>>) target(%dma_start3A_152 : memref<10240x128xf32, #tpu.memory_space<vmem_shared>>) offsets(%dma_start3A_149 : memref<128xi32, #tpu.memory_space<vmem>>) semaphore(%arg15 : memref<!tpu.dma_semaphore, #tpu.memory_space<semaphore_mem>>) {add = true}
        %dma_wait3A_153 = arith.constant 0 : i32
        %dma_wait3A_154 = arith.constant 0 : i32
        %dma_wait3A_155 = tpu.memref_slice %arg10[%dma_wait3A_153, %dma_wait3A_154] : memref<16x128xi32, #tpu.memory_space<vmem>> -> memref<1x128xi32, #tpu.memory_space<vmem>>
        %dma_wait3A_156 = tpu.memref_squeeze %dma_wait3A_155 : memref<1x128xi32, #tpu.memory_space<vmem>> -> memref<128xi32, #tpu.memory_space<vmem>>
        %dma_wait3A_157 = arith.constant 0 : i32
        %dma_wait3A_158 = arith.constant 0 : i32
        %dma_wait3A_159 = tpu.memref_slice %arg8[%dma_wait3A_157, %dma_wait3A_158] : memref<10240x128xf32, #tpu.memory_space<vmem_shared>> -> memref<10240x128xf32, #tpu.memory_space<vmem_shared>>
        tpu.wait_indirect_dma semaphore(%arg15 : memref<!tpu.dma_semaphore, #tpu.memory_space<semaphore_mem>>) src(%arg11 : memref<128x128xf32, #tpu.memory_space<vmem>>) dst(%dma_wait3A_159 : memref<10240x128xf32, #tpu.memory_space<vmem_shared>>)
        %add3A_160 = arith.constant 3 : i32
        %add3A_161 = arith.addi %mul3A_50, %add3A_160 : i32
        %add3A_162 = arith.constant 1 : i32
        %add3A_163 = arith.addi %add3A_161, %add3A_162 : i32
        %dma_start3A_164 = arith.constant 0 : i32
        %dma_start3A_165 = tpu.memref_slice %arg9[%add3A_163, %dma_start3A_164] : memref<16x128xi32, #tpu.memory_space<vmem>> -> memref<1x128xi32, #tpu.memory_space<vmem>>
        %dma_start3A_166 = tpu.memref_squeeze %dma_start3A_165 : memref<1x128xi32, #tpu.memory_space<vmem>> -> memref<128xi32, #tpu.memory_space<vmem>>
        %dma_start3A_167 = arith.constant 0 : i32
        %dma_start3A_168 = arith.constant 0 : i32
        %dma_start3A_169 = tpu.memref_slice %arg3[%dma_start3A_167, %dma_start3A_168] : memref<10240x128xf32, #tpu.memory_space<hbm>> -> memref<10240x128xf32, #tpu.memory_space<hbm>>
        tpu.enqueue_indirect_dma source(%dma_start3A_169 : memref<10240x128xf32, #tpu.memory_space<hbm>>) target(%arg11 : memref<128x128xf32, #tpu.memory_space<vmem>>) offsets(%dma_start3A_166 : memref<128xi32, #tpu.memory_space<vmem>>) semaphore(%arg13 : memref<!tpu.dma_semaphore, #tpu.memory_space<semaphore_mem>>)
        %add3A_170 = arith.constant 3 : i32
        %add3A_171 = arith.addi %mul3A_50, %add3A_170 : i32
        %dma_wait3A_172 = arith.constant 0 : i32
        %dma_wait3A_173 = tpu.memref_slice %arg9[%add3A_171, %dma_wait3A_172] : memref<16x128xi32, #tpu.memory_space<vmem>> -> memref<1x128xi32, #tpu.memory_space<vmem>>
        %dma_wait3A_174 = tpu.memref_squeeze %dma_wait3A_173 : memref<1x128xi32, #tpu.memory_space<vmem>> -> memref<128xi32, #tpu.memory_space<vmem>>
        %dma_wait3A_175 = arith.constant 0 : i32
        %dma_wait3A_176 = arith.constant 0 : i32
        %dma_wait3A_177 = tpu.memref_slice %arg3[%dma_wait3A_175, %dma_wait3A_176] : memref<10240x128xf32, #tpu.memory_space<hbm>> -> memref<10240x128xf32, #tpu.memory_space<hbm>>
        tpu.wait_indirect_dma semaphore(%arg14 : memref<!tpu.dma_semaphore, #tpu.memory_space<semaphore_mem>>) src(%dma_wait3A_177 : memref<10240x128xf32, #tpu.memory_space<hbm>>) dst(%arg12 : memref<128x128xf32, #tpu.memory_space<vmem>>)
        %add3A_178 = arith.constant 3 : i32
        %add3A_179 = arith.addi %mul3A_50, %add3A_178 : i32
        %dma_start3A_180 = arith.constant 0 : i32
        %dma_start3A_181 = tpu.memref_slice %arg10[%add3A_179, %dma_start3A_180] : memref<16x128xi32, #tpu.memory_space<vmem>> -> memref<1x128xi32, #tpu.memory_space<vmem>>
        %dma_start3A_182 = tpu.memref_squeeze %dma_start3A_181 : memref<1x128xi32, #tpu.memory_space<vmem>> -> memref<128xi32, #tpu.memory_space<vmem>>
        %dma_start3A_183 = arith.constant 0 : i32
        %dma_start3A_184 = arith.constant 0 : i32
        %dma_start3A_185 = tpu.memref_slice %arg8[%dma_start3A_183, %dma_start3A_184] : memref<10240x128xf32, #tpu.memory_space<vmem_shared>> -> memref<10240x128xf32, #tpu.memory_space<vmem_shared>>
        tpu.enqueue_indirect_dma source(%arg12 : memref<128x128xf32, #tpu.memory_space<vmem>>) target(%dma_start3A_185 : memref<10240x128xf32, #tpu.memory_space<vmem_shared>>) offsets(%dma_start3A_182 : memref<128xi32, #tpu.memory_space<vmem>>) semaphore(%arg16 : memref<!tpu.dma_semaphore, #tpu.memory_space<semaphore_mem>>) {add = true}
        %dma_wait3A_186 = arith.constant 0 : i32
        %dma_wait3A_187 = arith.constant 0 : i32
        %dma_wait3A_188 = tpu.memref_slice %arg10[%dma_wait3A_186, %dma_wait3A_187] : memref<16x128xi32, #tpu.memory_space<vmem>> -> memref<1x128xi32, #tpu.memory_space<vmem>>
        %dma_wait3A_189 = tpu.memref_squeeze %dma_wait3A_188 : memref<1x128xi32, #tpu.memory_space<vmem>> -> memref<128xi32, #tpu.memory_space<vmem>>
        %dma_wait3A_190 = arith.constant 0 : i32
        %dma_wait3A_191 = arith.constant 0 : i32
        %dma_wait3A_192 = tpu.memref_slice %arg8[%dma_wait3A_190, %dma_wait3A_191] : memref<10240x128xf32, #tpu.memory_space<vmem_shared>> -> memref<10240x128xf32, #tpu.memory_space<vmem_shared>>
        tpu.wait_indirect_dma semaphore(%arg16 : memref<!tpu.dma_semaphore, #tpu.memory_space<semaphore_mem>>) src(%arg12 : memref<128x128xf32, #tpu.memory_space<vmem>>) dst(%dma_wait3A_192 : memref<10240x128xf32, #tpu.memory_space<vmem_shared>>)
        %add3A_193 = arith.constant 4 : i32
        %add3A_194 = arith.addi %mul3A_50, %add3A_193 : i32
        %add3A_195 = arith.constant 1 : i32
        %add3A_196 = arith.addi %add3A_194, %add3A_195 : i32
        %dma_start3A_197 = arith.constant 0 : i32
        %dma_start3A_198 = tpu.memref_slice %arg9[%add3A_196, %dma_start3A_197] : memref<16x128xi32, #tpu.memory_space<vmem>> -> memref<1x128xi32, #tpu.memory_space<vmem>>
        %dma_start3A_199 = tpu.memref_squeeze %dma_start3A_198 : memref<1x128xi32, #tpu.memory_space<vmem>> -> memref<128xi32, #tpu.memory_space<vmem>>
        %dma_start3A_200 = arith.constant 0 : i32
        %dma_start3A_201 = arith.constant 0 : i32
        %dma_start3A_202 = tpu.memref_slice %arg3[%dma_start3A_200, %dma_start3A_201] : memref<10240x128xf32, #tpu.memory_space<hbm>> -> memref<10240x128xf32, #tpu.memory_space<hbm>>
        tpu.enqueue_indirect_dma source(%dma_start3A_202 : memref<10240x128xf32, #tpu.memory_space<hbm>>) target(%arg12 : memref<128x128xf32, #tpu.memory_space<vmem>>) offsets(%dma_start3A_199 : memref<128xi32, #tpu.memory_space<vmem>>) semaphore(%arg14 : memref<!tpu.dma_semaphore, #tpu.memory_space<semaphore_mem>>)
        %add3A_203 = arith.constant 4 : i32
        %add3A_204 = arith.addi %mul3A_50, %add3A_203 : i32
        %dma_wait3A_205 = arith.constant 0 : i32
        %dma_wait3A_206 = tpu.memref_slice %arg9[%add3A_204, %dma_wait3A_205] : memref<16x128xi32, #tpu.memory_space<vmem>> -> memref<1x128xi32, #tpu.memory_space<vmem>>
        %dma_wait3A_207 = tpu.memref_squeeze %dma_wait3A_206 : memref<1x128xi32, #tpu.memory_space<vmem>> -> memref<128xi32, #tpu.memory_space<vmem>>
        %dma_wait3A_208 = arith.constant 0 : i32
        %dma_wait3A_209 = arith.constant 0 : i32
        %dma_wait3A_210 = tpu.memref_slice %arg3[%dma_wait3A_208, %dma_wait3A_209] : memref<10240x128xf32, #tpu.memory_space<hbm>> -> memref<10240x128xf32, #tpu.memory_space<hbm>>
        tpu.wait_indirect_dma semaphore(%arg13 : memref<!tpu.dma_semaphore, #tpu.memory_space<semaphore_mem>>) src(%dma_wait3A_210 : memref<10240x128xf32, #tpu.memory_space<hbm>>) dst(%arg11 : memref<128x128xf32, #tpu.memory_space<vmem>>)
        %add3A_211 = arith.constant 4 : i32
        %add3A_212 = arith.addi %mul3A_50, %add3A_211 : i32
        %dma_start3A_213 = arith.constant 0 : i32
        %dma_start3A_214 = tpu.memref_slice %arg10[%add3A_212, %dma_start3A_213] : memref<16x128xi32, #tpu.memory_space<vmem>> -> memref<1x128xi32, #tpu.memory_space<vmem>>
        %dma_start3A_215 = tpu.memref_squeeze %dma_start3A_214 : memref<1x128xi32, #tpu.memory_space<vmem>> -> memref<128xi32, #tpu.memory_space<vmem>>
        %dma_start3A_216 = arith.constant 0 : i32
        %dma_start3A_217 = arith.constant 0 : i32
        %dma_start3A_218 = tpu.memref_slice %arg8[%dma_start3A_216, %dma_start3A_217] : memref<10240x128xf32, #tpu.memory_space<vmem_shared>> -> memref<10240x128xf32, #tpu.memory_space<vmem_shared>>
        tpu.enqueue_indirect_dma source(%arg11 : memref<128x128xf32, #tpu.memory_space<vmem>>) target(%dma_start3A_218 : memref<10240x128xf32, #tpu.memory_space<vmem_shared>>) offsets(%dma_start3A_215 : memref<128xi32, #tpu.memory_space<vmem>>) semaphore(%arg15 : memref<!tpu.dma_semaphore, #tpu.memory_space<semaphore_mem>>) {add = true}
        %dma_wait3A_219 = arith.constant 0 : i32
        %dma_wait3A_220 = arith.constant 0 : i32
        %dma_wait3A_221 = tpu.memref_slice %arg10[%dma_wait3A_219, %dma_wait3A_220] : memref<16x128xi32, #tpu.memory_space<vmem>> -> memref<1x128xi32, #tpu.memory_space<vmem>>
        %dma_wait3A_222 = tpu.memref_squeeze %dma_wait3A_221 : memref<1x128xi32, #tpu.memory_space<vmem>> -> memref<128xi32, #tpu.memory_space<vmem>>
        %dma_wait3A_223 = arith.constant 0 : i32
        %dma_wait3A_224 = arith.constant 0 : i32
        %dma_wait3A_225 = tpu.memref_slice %arg8[%dma_wait3A_223, %dma_wait3A_224] : memref<10240x128xf32, #tpu.memory_space<vmem_shared>> -> memref<10240x128xf32, #tpu.memory_space<vmem_shared>>
        tpu.wait_indirect_dma semaphore(%arg15 : memref<!tpu.dma_semaphore, #tpu.memory_space<semaphore_mem>>) src(%arg11 : memref<128x128xf32, #tpu.memory_space<vmem>>) dst(%dma_wait3A_225 : memref<10240x128xf32, #tpu.memory_space<vmem_shared>>)
        %add3A_226 = arith.constant 5 : i32
        %add3A_227 = arith.addi %mul3A_50, %add3A_226 : i32
        %add3A_228 = arith.constant 1 : i32
        %add3A_229 = arith.addi %add3A_227, %add3A_228 : i32
        %dma_start3A_230 = arith.constant 0 : i32
        %dma_start3A_231 = tpu.memref_slice %arg9[%add3A_229, %dma_start3A_230] : memref<16x128xi32, #tpu.memory_space<vmem>> -> memref<1x128xi32, #tpu.memory_space<vmem>>
        %dma_start3A_232 = tpu.memref_squeeze %dma_start3A_231 : memref<1x128xi32, #tpu.memory_space<vmem>> -> memref<128xi32, #tpu.memory_space<vmem>>
        %dma_start3A_233 = arith.constant 0 : i32
        %dma_start3A_234 = arith.constant 0 : i32
        %dma_start3A_235 = tpu.memref_slice %arg3[%dma_start3A_233, %dma_start3A_234] : memref<10240x128xf32, #tpu.memory_space<hbm>> -> memref<10240x128xf32, #tpu.memory_space<hbm>>
        tpu.enqueue_indirect_dma source(%dma_start3A_235 : memref<10240x128xf32, #tpu.memory_space<hbm>>) target(%arg11 : memref<128x128xf32, #tpu.memory_space<vmem>>) offsets(%dma_start3A_232 : memref<128xi32, #tpu.memory_space<vmem>>) semaphore(%arg13 : memref<!tpu.dma_semaphore, #tpu.memory_space<semaphore_mem>>)
        %add3A_236 = arith.constant 5 : i32
        %add3A_237 = arith.addi %mul3A_50, %add3A_236 : i32
        %dma_wait3A_238 = arith.constant 0 : i32
        %dma_wait3A_239 = tpu.memref_slice %arg9[%add3A_237, %dma_wait3A_238] : memref<16x128xi32, #tpu.memory_space<vmem>> -> memref<1x128xi32, #tpu.memory_space<vmem>>
        %dma_wait3A_240 = tpu.memref_squeeze %dma_wait3A_239 : memref<1x128xi32, #tpu.memory_space<vmem>> -> memref<128xi32, #tpu.memory_space<vmem>>
        %dma_wait3A_241 = arith.constant 0 : i32
        %dma_wait3A_242 = arith.constant 0 : i32
        %dma_wait3A_243 = tpu.memref_slice %arg3[%dma_wait3A_241, %dma_wait3A_242] : memref<10240x128xf32, #tpu.memory_space<hbm>> -> memref<10240x128xf32, #tpu.memory_space<hbm>>
        tpu.wait_indirect_dma semaphore(%arg14 : memref<!tpu.dma_semaphore, #tpu.memory_space<semaphore_mem>>) src(%dma_wait3A_243 : memref<10240x128xf32, #tpu.memory_space<hbm>>) dst(%arg12 : memref<128x128xf32, #tpu.memory_space<vmem>>)
        %add3A_244 = arith.constant 5 : i32
        %add3A_245 = arith.addi %mul3A_50, %add3A_244 : i32
        %dma_start3A_246 = arith.constant 0 : i32
        %dma_start3A_247 = tpu.memref_slice %arg10[%add3A_245, %dma_start3A_246] : memref<16x128xi32, #tpu.memory_space<vmem>> -> memref<1x128xi32, #tpu.memory_space<vmem>>
        %dma_start3A_248 = tpu.memref_squeeze %dma_start3A_247 : memref<1x128xi32, #tpu.memory_space<vmem>> -> memref<128xi32, #tpu.memory_space<vmem>>
        %dma_start3A_249 = arith.constant 0 : i32
        %dma_start3A_250 = arith.constant 0 : i32
        %dma_start3A_251 = tpu.memref_slice %arg8[%dma_start3A_249, %dma_start3A_250] : memref<10240x128xf32, #tpu.memory_space<vmem_shared>> -> memref<10240x128xf32, #tpu.memory_space<vmem_shared>>
        tpu.enqueue_indirect_dma source(%arg12 : memref<128x128xf32, #tpu.memory_space<vmem>>) target(%dma_start3A_251 : memref<10240x128xf32, #tpu.memory_space<vmem_shared>>) offsets(%dma_start3A_248 : memref<128xi32, #tpu.memory_space<vmem>>) semaphore(%arg16 : memref<!tpu.dma_semaphore, #tpu.memory_space<semaphore_mem>>) {add = true}
        %dma_wait3A_252 = arith.constant 0 : i32
        %dma_wait3A_253 = arith.constant 0 : i32
        %dma_wait3A_254 = tpu.memref_slice %arg10[%dma_wait3A_252, %dma_wait3A_253] : memref<16x128xi32, #tpu.memory_space<vmem>> -> memref<1x128xi32, #tpu.memory_space<vmem>>
        %dma_wait3A_255 = tpu.memref_squeeze %dma_wait3A_254 : memref<1x128xi32, #tpu.memory_space<vmem>> -> memref<128xi32, #tpu.memory_space<vmem>>
        %dma_wait3A_256 = arith.constant 0 : i32
        %dma_wait3A_257 = arith.constant 0 : i32
        %dma_wait3A_258 = tpu.memref_slice %arg8[%dma_wait3A_256, %dma_wait3A_257] : memref<10240x128xf32, #tpu.memory_space<vmem_shared>> -> memref<10240x128xf32, #tpu.memory_space<vmem_shared>>
        tpu.wait_indirect_dma semaphore(%arg16 : memref<!tpu.dma_semaphore, #tpu.memory_space<semaphore_mem>>) src(%arg12 : memref<128x128xf32, #tpu.memory_space<vmem>>) dst(%dma_wait3A_258 : memref<10240x128xf32, #tpu.memory_space<vmem_shared>>)
        %add3A_259 = arith.constant 6 : i32
        %add3A_260 = arith.addi %mul3A_50, %add3A_259 : i32
        %add3A_261 = arith.constant 1 : i32
        %add3A_262 = arith.addi %add3A_260, %add3A_261 : i32
        %dma_start3A_263 = arith.constant 0 : i32
        %dma_start3A_264 = tpu.memref_slice %arg9[%add3A_262, %dma_start3A_263] : memref<16x128xi32, #tpu.memory_space<vmem>> -> memref<1x128xi32, #tpu.memory_space<vmem>>
        %dma_start3A_265 = tpu.memref_squeeze %dma_start3A_264 : memref<1x128xi32, #tpu.memory_space<vmem>> -> memref<128xi32, #tpu.memory_space<vmem>>
        %dma_start3A_266 = arith.constant 0 : i32
        %dma_start3A_267 = arith.constant 0 : i32
        %dma_start3A_268 = tpu.memref_slice %arg3[%dma_start3A_266, %dma_start3A_267] : memref<10240x128xf32, #tpu.memory_space<hbm>> -> memref<10240x128xf32, #tpu.memory_space<hbm>>
        tpu.enqueue_indirect_dma source(%dma_start3A_268 : memref<10240x128xf32, #tpu.memory_space<hbm>>) target(%arg12 : memref<128x128xf32, #tpu.memory_space<vmem>>) offsets(%dma_start3A_265 : memref<128xi32, #tpu.memory_space<vmem>>) semaphore(%arg14 : memref<!tpu.dma_semaphore, #tpu.memory_space<semaphore_mem>>)
        %add3A_269 = arith.constant 6 : i32
        %add3A_270 = arith.addi %mul3A_50, %add3A_269 : i32
        %dma_wait3A_271 = arith.constant 0 : i32
        %dma_wait3A_272 = tpu.memref_slice %arg9[%add3A_270, %dma_wait3A_271] : memref<16x128xi32, #tpu.memory_space<vmem>> -> memref<1x128xi32, #tpu.memory_space<vmem>>
        %dma_wait3A_273 = tpu.memref_squeeze %dma_wait3A_272 : memref<1x128xi32, #tpu.memory_space<vmem>> -> memref<128xi32, #tpu.memory_space<vmem>>
        %dma_wait3A_274 = arith.constant 0 : i32
        %dma_wait3A_275 = arith.constant 0 : i32
        %dma_wait3A_276 = tpu.memref_slice %arg3[%dma_wait3A_274, %dma_wait3A_275] : memref<10240x128xf32, #tpu.memory_space<hbm>> -> memref<10240x128xf32, #tpu.memory_space<hbm>>
        tpu.wait_indirect_dma semaphore(%arg13 : memref<!tpu.dma_semaphore, #tpu.memory_space<semaphore_mem>>) src(%dma_wait3A_276 : memref<10240x128xf32, #tpu.memory_space<hbm>>) dst(%arg11 : memref<128x128xf32, #tpu.memory_space<vmem>>)
        %add3A_277 = arith.constant 6 : i32
        %add3A_278 = arith.addi %mul3A_50, %add3A_277 : i32
        %dma_start3A_279 = arith.constant 0 : i32
        %dma_start3A_280 = tpu.memref_slice %arg10[%add3A_278, %dma_start3A_279] : memref<16x128xi32, #tpu.memory_space<vmem>> -> memref<1x128xi32, #tpu.memory_space<vmem>>
        %dma_start3A_281 = tpu.memref_squeeze %dma_start3A_280 : memref<1x128xi32, #tpu.memory_space<vmem>> -> memref<128xi32, #tpu.memory_space<vmem>>
        %dma_start3A_282 = arith.constant 0 : i32
        %dma_start3A_283 = arith.constant 0 : i32
        %dma_start3A_284 = tpu.memref_slice %arg8[%dma_start3A_282, %dma_start3A_283] : memref<10240x128xf32, #tpu.memory_space<vmem_shared>> -> memref<10240x128xf32, #tpu.memory_space<vmem_shared>>
        tpu.enqueue_indirect_dma source(%arg11 : memref<128x128xf32, #tpu.memory_space<vmem>>) target(%dma_start3A_284 : memref<10240x128xf32, #tpu.memory_space<vmem_shared>>) offsets(%dma_start3A_281 : memref<128xi32, #tpu.memory_space<vmem>>) semaphore(%arg15 : memref<!tpu.dma_semaphore, #tpu.memory_space<semaphore_mem>>) {add = true}
        %add3A_285 = arith.constant 1 : i32
        %add3A_286 = arith.addi %scan3A_39, %add3A_285 : i32
        %lt3A_287 = arith.constant 10 : i32
        %lt3A_288 = arith.cmpi slt, %add3A_286, %lt3A_287 : i32
        %convert_element_type3A_289 = arith.extui %lt3A_288 : i1 to i32
        %cond3A_290 = arith.constant 0 : i32
        %cond3A_291 = arith.cmpi ne, %convert_element_type3A_289, %cond3A_290 : i32
        scf.if %cond3A_291 {
          %dma_wait3A_308 = arith.constant 0 : i32
          %dma_wait3A_309 = arith.constant 0 : i32
          %dma_wait3A_310 = tpu.memref_slice %arg10[%dma_wait3A_308, %dma_wait3A_309] : memref<16x128xi32, #tpu.memory_space<vmem>> -> memref<1x128xi32, #tpu.memory_space<vmem>>
          %dma_wait3A_311 = tpu.memref_squeeze %dma_wait3A_310 : memref<1x128xi32, #tpu.memory_space<vmem>> -> memref<128xi32, #tpu.memory_space<vmem>>
          %dma_wait3A_312 = arith.constant 0 : i32
          %dma_wait3A_313 = arith.constant 0 : i32
          %dma_wait3A_314 = tpu.memref_slice %arg8[%dma_wait3A_312, %dma_wait3A_313] : memref<10240x128xf32, #tpu.memory_space<vmem_shared>> -> memref<10240x128xf32, #tpu.memory_space<vmem_shared>>
          tpu.wait_indirect_dma semaphore(%arg15 : memref<!tpu.dma_semaphore, #tpu.memory_space<semaphore_mem>>) src(%arg11 : memref<128x128xf32, #tpu.memory_space<vmem>>) dst(%dma_wait3A_314 : memref<10240x128xf32, #tpu.memory_space<vmem_shared>>)
          %add3A_315 = arith.constant 1 : i32
          %add3A_316 = arith.addi %scan3A_39, %add3A_315 : i32
          %mul3A_317 = arith.constant 8 : i32
          %mul3A_318 = arith.muli %add3A_316, %mul3A_317 : i32
          %dma_wait3A_319 = arith.constant 0 : i32
          %dma_wait3A_320 = tpu.memref_slice %arg9[%sub3A_51, %dma_wait3A_319] : memref<16x128xi32, #tpu.memory_space<vmem>> -> memref<8x128xi32, #tpu.memory_space<vmem>>
          %dma_wait3A_321 = arith.constant 0 : i32
          %dma_wait3A_322 = arith.constant 0 : i32
          %dma_wait3A_323 = tpu.memref_slice %arg4[%arg1, %dma_wait3A_321, %dma_wait3A_322] : memref<16x80x128xi32, #tpu.memory_space<hbm>> -> memref<1x80x128xi32, #tpu.memory_space<hbm>>
          %dma_wait3A_324 = tpu.memref_squeeze %dma_wait3A_323 : memref<1x80x128xi32, #tpu.memory_space<hbm>> -> memref<80x128xi32, #tpu.memory_space<hbm>>
          %dma_wait3A_325 = arith.constant 0 : i32
          %dma_wait3A_326 = tpu.memref_slice %dma_wait3A_324[%mul3A_318, %dma_wait3A_325] : memref<80x128xi32, #tpu.memory_space<hbm>> -> memref<8x128xi32, #tpu.memory_space<hbm>>
          %dma_wait3A_327 = arith.constant 0 : i32
          %dma_wait3A_328 = tpu.memref_slice %arg9[%sub3A_51, %dma_wait3A_327] : memref<16x128xi32, #tpu.memory_space<vmem>> -> memref<8x128xi32, #tpu.memory_space<vmem>>
          %dma_wait3A_329 = arith.constant 0 : i32
          %dma_wait3A_330 = arith.constant 0 : i32
          %dma_wait3A_331 = tpu.memref_slice %arg4[%arg1, %dma_wait3A_329, %dma_wait3A_330] : memref<16x80x128xi32, #tpu.memory_space<hbm>> -> memref<1x80x128xi32, #tpu.memory_space<hbm>>
          %dma_wait3A_332 = tpu.memref_squeeze %dma_wait3A_331 : memref<1x80x128xi32, #tpu.memory_space<hbm>> -> memref<80x128xi32, #tpu.memory_space<hbm>>
          %dma_wait3A_333 = arith.constant 0 : i32
          %dma_wait3A_334 = tpu.memref_slice %dma_wait3A_332[%mul3A_318, %dma_wait3A_333] : memref<80x128xi32, #tpu.memory_space<hbm>> -> memref<8x128xi32, #tpu.memory_space<hbm>>
          tpu.wait_dma2 semaphore(%arg17 : memref<!tpu.dma_semaphore, #tpu.memory_space<semaphore_mem>>) src(%dma_wait3A_334 : memref<8x128xi32, #tpu.memory_space<hbm>>) dst(%dma_wait3A_328 : memref<8x128xi32, #tpu.memory_space<vmem>>)
          %add3A_335 = arith.constant 1 : i32
          %add3A_336 = arith.addi %scan3A_39, %add3A_335 : i32
          %mul3A_337 = arith.constant 8 : i32
          %mul3A_338 = arith.muli %add3A_336, %mul3A_337 : i32
          %dma_wait3A_339 = arith.constant 0 : i32
          %dma_wait3A_340 = tpu.memref_slice %arg10[%sub3A_51, %dma_wait3A_339] : memref<16x128xi32, #tpu.memory_space<vmem>> -> memref<8x128xi32, #tpu.memory_space<vmem>>
          %dma_wait3A_341 = arith.constant 0 : i32
          %dma_wait3A_342 = arith.constant 0 : i32
          %dma_wait3A_343 = tpu.memref_slice %arg5[%arg1, %dma_wait3A_341, %dma_wait3A_342] : memref<16x80x128xi32, #tpu.memory_space<hbm>> -> memref<1x80x128xi32, #tpu.memory_space<hbm>>
          %dma_wait3A_344 = tpu.memref_squeeze %dma_wait3A_343 : memref<1x80x128xi32, #tpu.memory_space<hbm>> -> memref<80x128xi32, #tpu.memory_space<hbm>>
          %dma_wait3A_345 = arith.constant 0 : i32
          %dma_wait3A_346 = tpu.memref_slice %dma_wait3A_344[%mul3A_338, %dma_wait3A_345] : memref<80x128xi32, #tpu.memory_space<hbm>> -> memref<8x128xi32, #tpu.memory_space<hbm>>
          %dma_wait3A_347 = arith.constant 0 : i32
          %dma_wait3A_348 = tpu.memref_slice %arg10[%sub3A_51, %dma_wait3A_347] : memref<16x128xi32, #tpu.memory_space<vmem>> -> memref<8x128xi32, #tpu.memory_space<vmem>>
          %dma_wait3A_349 = arith.constant 0 : i32
          %dma_wait3A_350 = arith.constant 0 : i32
          %dma_wait3A_351 = tpu.memref_slice %arg5[%arg1, %dma_wait3A_349, %dma_wait3A_350] : memref<16x80x128xi32, #tpu.memory_space<hbm>> -> memref<1x80x128xi32, #tpu.memory_space<hbm>>
          %dma_wait3A_352 = tpu.memref_squeeze %dma_wait3A_351 : memref<1x80x128xi32, #tpu.memory_space<hbm>> -> memref<80x128xi32, #tpu.memory_space<hbm>>
          %dma_wait3A_353 = arith.constant 0 : i32
          %dma_wait3A_354 = tpu.memref_slice %dma_wait3A_352[%mul3A_338, %dma_wait3A_353] : memref<80x128xi32, #tpu.memory_space<hbm>> -> memref<8x128xi32, #tpu.memory_space<hbm>>
          tpu.wait_dma2 semaphore(%arg18 : memref<!tpu.dma_semaphore, #tpu.memory_space<semaphore_mem>>) src(%dma_wait3A_354 : memref<8x128xi32, #tpu.memory_space<hbm>>) dst(%dma_wait3A_348 : memref<8x128xi32, #tpu.memory_space<vmem>>)
          %dma_start3A_355 = arith.constant 0 : i32
          %dma_start3A_356 = tpu.memref_slice %arg9[%sub3A_51, %dma_start3A_355] : memref<16x128xi32, #tpu.memory_space<vmem>> -> memref<1x128xi32, #tpu.memory_space<vmem>>
          %dma_start3A_357 = tpu.memref_squeeze %dma_start3A_356 : memref<1x128xi32, #tpu.memory_space<vmem>> -> memref<128xi32, #tpu.memory_space<vmem>>
          %dma_start3A_358 = arith.constant 0 : i32
          %dma_start3A_359 = arith.constant 0 : i32
          %dma_start3A_360 = tpu.memref_slice %arg3[%dma_start3A_358, %dma_start3A_359] : memref<10240x128xf32, #tpu.memory_space<hbm>> -> memref<10240x128xf32, #tpu.memory_space<hbm>>
          tpu.enqueue_indirect_dma source(%dma_start3A_360 : memref<10240x128xf32, #tpu.memory_space<hbm>>) target(%arg11 : memref<128x128xf32, #tpu.memory_space<vmem>>) offsets(%dma_start3A_357 : memref<128xi32, #tpu.memory_space<vmem>>) semaphore(%arg13 : memref<!tpu.dma_semaphore, #tpu.memory_space<semaphore_mem>>)
        } else {
        }
        %add3A_292 = arith.constant 7 : i32
        %add3A_293 = arith.addi %mul3A_50, %add3A_292 : i32
        %dma_wait3A_294 = arith.constant 0 : i32
        %dma_wait3A_295 = tpu.memref_slice %arg9[%add3A_293, %dma_wait3A_294] : memref<16x128xi32, #tpu.memory_space<vmem>> -> memref<1x128xi32, #tpu.memory_space<vmem>>
        %dma_wait3A_296 = tpu.memref_squeeze %dma_wait3A_295 : memref<1x128xi32, #tpu.memory_space<vmem>> -> memref<128xi32, #tpu.memory_space<vmem>>
        %dma_wait3A_297 = arith.constant 0 : i32
        %dma_wait3A_298 = arith.constant 0 : i32
        %dma_wait3A_299 = tpu.memref_slice %arg3[%dma_wait3A_297, %dma_wait3A_298] : memref<10240x128xf32, #tpu.memory_space<hbm>> -> memref<10240x128xf32, #tpu.memory_space<hbm>>
        tpu.wait_indirect_dma semaphore(%arg14 : memref<!tpu.dma_semaphore, #tpu.memory_space<semaphore_mem>>) src(%dma_wait3A_299 : memref<10240x128xf32, #tpu.memory_space<hbm>>) dst(%arg12 : memref<128x128xf32, #tpu.memory_space<vmem>>)
        %add3A_300 = arith.constant 7 : i32
        %add3A_301 = arith.addi %mul3A_50, %add3A_300 : i32
        %dma_start3A_302 = arith.constant 0 : i32
        %dma_start3A_303 = tpu.memref_slice %arg10[%add3A_301, %dma_start3A_302] : memref<16x128xi32, #tpu.memory_space<vmem>> -> memref<1x128xi32, #tpu.memory_space<vmem>>
        %dma_start3A_304 = tpu.memref_squeeze %dma_start3A_303 : memref<1x128xi32, #tpu.memory_space<vmem>> -> memref<128xi32, #tpu.memory_space<vmem>>
        %dma_start3A_305 = arith.constant 0 : i32
        %dma_start3A_306 = arith.constant 0 : i32
        %dma_start3A_307 = tpu.memref_slice %arg8[%dma_start3A_305, %dma_start3A_306] : memref<10240x128xf32, #tpu.memory_space<vmem_shared>> -> memref<10240x128xf32, #tpu.memory_space<vmem_shared>>
        tpu.enqueue_indirect_dma source(%arg12 : memref<128x128xf32, #tpu.memory_space<vmem>>) target(%dma_start3A_307 : memref<10240x128xf32, #tpu.memory_space<vmem_shared>>) offsets(%dma_start3A_304 : memref<128xi32, #tpu.memory_space<vmem>>) semaphore(%arg16 : memref<!tpu.dma_semaphore, #tpu.memory_space<semaphore_mem>>) {add = true}
      }
      %scan3A_20 = arith.constant 10 : i32
      %dma_wait3A = arith.constant 0 : i32
      %dma_wait3A_21 = arith.constant 0 : i32
      %dma_wait3A_22 = tpu.memref_slice %arg10[%dma_wait3A, %dma_wait3A_21] : memref<16x128xi32, #tpu.memory_space<vmem>> -> memref<1x128xi32, #tpu.memory_space<vmem>>
      %dma_wait3A_23 = tpu.memref_squeeze %dma_wait3A_22 : memref<1x128xi32, #tpu.memory_space<vmem>> -> memref<128xi32, #tpu.memory_space<vmem>>
      %dma_wait3A_24 = arith.constant 0 : i32
      %dma_wait3A_25 = arith.constant 0 : i32
      %dma_wait3A_26 = tpu.memref_slice %arg8[%dma_wait3A_24, %dma_wait3A_25] : memref<10240x128xf32, #tpu.memory_space<vmem_shared>> -> memref<10240x128xf32, #tpu.memory_space<vmem_shared>>
      tpu.wait_indirect_dma semaphore(%arg15 : memref<!tpu.dma_semaphore, #tpu.memory_space<semaphore_mem>>) src(%arg11 : memref<128x128xf32, #tpu.memory_space<vmem>>) dst(%dma_wait3A_26 : memref<10240x128xf32, #tpu.memory_space<vmem_shared>>)
      %dma_wait3A_27 = arith.constant 0 : i32
      %dma_wait3A_28 = arith.constant 0 : i32
      %dma_wait3A_29 = tpu.memref_slice %arg10[%dma_wait3A_27, %dma_wait3A_28] : memref<16x128xi32, #tpu.memory_space<vmem>> -> memref<1x128xi32, #tpu.memory_space<vmem>>
      %dma_wait3A_30 = tpu.memref_squeeze %dma_wait3A_29 : memref<1x128xi32, #tpu.memory_space<vmem>> -> memref<128xi32, #tpu.memory_space<vmem>>
      %dma_wait3A_31 = arith.constant 0 : i32
      %dma_wait3A_32 = arith.constant 0 : i32
      %dma_wait3A_33 = tpu.memref_slice %arg8[%dma_wait3A_31, %dma_wait3A_32] : memref<10240x128xf32, #tpu.memory_space<vmem_shared>> -> memref<10240x128xf32, #tpu.memory_space<vmem_shared>>
      tpu.wait_indirect_dma semaphore(%arg16 : memref<!tpu.dma_semaphore, #tpu.memory_space<semaphore_mem>>) src(%arg12 : memref<128x128xf32, #tpu.memory_space<vmem>>) dst(%dma_wait3A_33 : memref<10240x128xf32, #tpu.memory_space<vmem_shared>>)
      %barrier3A_34 = arith.constant 0 : index
      tpu.barrier barrier_id(%barrier3A_34)
      %mul3A_35 = arith.constant 640 : i32
      %mul3A_36 = arith.muli %arg1, %mul3A_35 : i32
      %mul3A_37 = arith.constant 640 : i32
      %mul3A_38 = arith.muli %arg1, %mul3A_37 : i32
      "tpu.region"() ({
        %run_scoped3A = tpu.sem_alloc : memref<!tpu.dma_semaphore, #tpu.memory_space<semaphore_mem>>
        %dma_start3A_39 = arith.constant 0 : i32
        %dma_start3A_40 = tpu.memref_slice %arg7[%mul3A_38, %dma_start3A_39] : memref<10240x128xf32, #tpu.memory_space<hbm>> -> memref<640x128xf32, #tpu.memory_space<hbm>>
        %dma_start3A_41 = arith.constant 0 : i32
        %dma_start3A_42 = tpu.memref_slice %arg8[%mul3A_36, %dma_start3A_41] : memref<10240x128xf32, #tpu.memory_space<vmem_shared>> -> memref<640x128xf32, #tpu.memory_space<vmem_shared>>
        tpu.enqueue_dma source(%dma_start3A_42 : memref<640x128xf32, #tpu.memory_space<vmem_shared>>) target(%dma_start3A_40 : memref<640x128xf32, #tpu.memory_space<hbm>>) target_semaphore(%run_scoped3A : memref<!tpu.dma_semaphore, #tpu.memory_space<semaphore_mem>>)
        %dma_wait3A_43 = arith.constant 0 : i32
        %dma_wait3A_44 = tpu.memref_slice %arg7[%mul3A_38, %dma_wait3A_43] : memref<10240x128xf32, #tpu.memory_space<hbm>> -> memref<640x128xf32, #tpu.memory_space<hbm>>
        %dma_wait3A_45 = arith.constant 0 : i32
        %dma_wait3A_46 = tpu.memref_slice %arg8[%mul3A_36, %dma_wait3A_45] : memref<10240x128xf32, #tpu.memory_space<vmem_shared>> -> memref<640x128xf32, #tpu.memory_space<vmem_shared>>
        tpu.wait_dma2 semaphore(%run_scoped3A : memref<!tpu.dma_semaphore, #tpu.memory_space<semaphore_mem>>) src(%dma_wait3A_46 : memref<640x128xf32, #tpu.memory_space<vmem_shared>>) dst(%dma_wait3A_44 : memref<640x128xf32, #tpu.memory_space<hbm>>)
        tpu.yield
      }) : () -> ()
    } else {
    }
    return
  }
}

#map = affine_map<(d0, d1) -> (0)>
#map1 = affine_map<(d0, d1) -> (0, 0)>
module attributes {stable_mosaic.version = 14 : i64} {
  func.func @_emb_gather(%arg0: i32, %arg1: i32, %arg2: memref<10240xi32, #tpu.memory_space<hbm>>, %arg3: memref<100000x128xf32, #tpu.memory_space<hbm>>, %arg4: memref<10240x128xf32, #tpu.memory_space<hbm>>, %arg5: memref<320xi32, #tpu.memory_space<vmem>>, %arg6: memref<320x128xf32, #tpu.memory_space<vmem>>, %arg7: memref<!tpu.dma_semaphore, #tpu.memory_space<semaphore_mem>>) attributes {dimension_semantics = [#tpu.dimension_semantics<core_parallel>, #tpu.dimension_semantics<subcore_parallel>], iteration_bounds = array<i64: 2, 16>, scalar_prefetch = 0 : i64, scratch_operands = 3 : i64, tpu.core_type = #tpu.core_type<sc_vector_subcore>, window_params = [{transform_indices = #map}, {transform_indices = #map1}, {transform_indices = #map1}]} {
    %mul3A = arith.constant 2 : i32
    %mul3A_0 = arith.muli %arg1, %mul3A : i32
    %add3A = arith.addi %mul3A_0, %arg0 : i32
    %mul3A_1 = arith.constant 320 : i32
    %mul3A_2 = arith.muli %add3A, %mul3A_1 : i32
    "tpu.region"() ({
      %run_scoped3A = tpu.sem_alloc : memref<!tpu.dma_semaphore, #tpu.memory_space<semaphore_mem>>
      %dma_start3A_81 = tpu.memref_slice %arg2[%mul3A_2] : memref<10240xi32, #tpu.memory_space<hbm>> -> memref<320xi32, #tpu.memory_space<hbm>>
      %dma_start3A_82 = tpu.memref_slice %arg2[%mul3A_2] : memref<10240xi32, #tpu.memory_space<hbm>> -> memref<320xi32, #tpu.memory_space<hbm>>
      tpu.enqueue_dma source(%dma_start3A_82 : memref<320xi32, #tpu.memory_space<hbm>>) target(%arg5 : memref<320xi32, #tpu.memory_space<vmem>>) target_semaphore(%run_scoped3A : memref<!tpu.dma_semaphore, #tpu.memory_space<semaphore_mem>>)
      %dma_wait3A_83 = tpu.memref_slice %arg2[%mul3A_2] : memref<10240xi32, #tpu.memory_space<hbm>> -> memref<320xi32, #tpu.memory_space<hbm>>
      %dma_wait3A_84 = tpu.memref_slice %arg2[%mul3A_2] : memref<10240xi32, #tpu.memory_space<hbm>> -> memref<320xi32, #tpu.memory_space<hbm>>
      tpu.wait_dma2 semaphore(%run_scoped3A : memref<!tpu.dma_semaphore, #tpu.memory_space<semaphore_mem>>) src(%dma_wait3A_84 : memref<320xi32, #tpu.memory_space<hbm>>) dst(%arg5 : memref<320xi32, #tpu.memory_space<vmem>>)
      tpu.yield
    }) : () -> ()
    %dma_start3A = arith.constant 0 : i32
    %dma_start3A_3 = arith.constant 0 : i32
    %dma_start3A_4 = tpu.memref_slice %arg6[%dma_start3A, %dma_start3A_3] : memref<320x128xf32, #tpu.memory_space<vmem>> -> memref<64x128xf32, #tpu.memory_space<vmem>>
    %dma_start3A_5 = arith.constant 0 : i32
    %dma_start3A_6 = tpu.memref_slice %arg5[%dma_start3A_5] : memref<320xi32, #tpu.memory_space<vmem>> -> memref<64xi32, #tpu.memory_space<vmem>>
    %dma_start3A_7 = arith.constant 0 : i32
    %dma_start3A_8 = arith.constant 0 : i32
    %dma_start3A_9 = tpu.memref_slice %arg3[%dma_start3A_7, %dma_start3A_8] : memref<100000x128xf32, #tpu.memory_space<hbm>> -> memref<100000x128xf32, #tpu.memory_space<hbm>>
    tpu.enqueue_indirect_dma source(%dma_start3A_9 : memref<100000x128xf32, #tpu.memory_space<hbm>>) target(%dma_start3A_4 : memref<64x128xf32, #tpu.memory_space<vmem>>) offsets(%dma_start3A_6 : memref<64xi32, #tpu.memory_space<vmem>>) semaphore(%arg7 : memref<!tpu.dma_semaphore, #tpu.memory_space<semaphore_mem>>)
    %dma_start3A_10 = arith.constant 64 : i32
    %dma_start3A_11 = arith.constant 0 : i32
    %dma_start3A_12 = tpu.memref_slice %arg6[%dma_start3A_10, %dma_start3A_11] : memref<320x128xf32, #tpu.memory_space<vmem>> -> memref<64x128xf32, #tpu.memory_space<vmem>>
    %dma_start3A_13 = arith.constant 64 : i32
    %dma_start3A_14 = tpu.memref_slice %arg5[%dma_start3A_13] : memref<320xi32, #tpu.memory_space<vmem>> -> memref<64xi32, #tpu.memory_space<vmem>>
    %dma_start3A_15 = arith.constant 0 : i32
    %dma_start3A_16 = arith.constant 0 : i32
    %dma_start3A_17 = tpu.memref_slice %arg3[%dma_start3A_15, %dma_start3A_16] : memref<100000x128xf32, #tpu.memory_space<hbm>> -> memref<100000x128xf32, #tpu.memory_space<hbm>>
    tpu.enqueue_indirect_dma source(%dma_start3A_17 : memref<100000x128xf32, #tpu.memory_space<hbm>>) target(%dma_start3A_12 : memref<64x128xf32, #tpu.memory_space<vmem>>) offsets(%dma_start3A_14 : memref<64xi32, #tpu.memory_space<vmem>>) semaphore(%arg7 : memref<!tpu.dma_semaphore, #tpu.memory_space<semaphore_mem>>)
    %dma_start3A_18 = arith.constant 128 : i32
    %dma_start3A_19 = arith.constant 0 : i32
    %dma_start3A_20 = tpu.memref_slice %arg6[%dma_start3A_18, %dma_start3A_19] : memref<320x128xf32, #tpu.memory_space<vmem>> -> memref<64x128xf32, #tpu.memory_space<vmem>>
    %dma_start3A_21 = arith.constant 128 : i32
    %dma_start3A_22 = tpu.memref_slice %arg5[%dma_start3A_21] : memref<320xi32, #tpu.memory_space<vmem>> -> memref<64xi32, #tpu.memory_space<vmem>>
    %dma_start3A_23 = arith.constant 0 : i32
    %dma_start3A_24 = arith.constant 0 : i32
    %dma_start3A_25 = tpu.memref_slice %arg3[%dma_start3A_23, %dma_start3A_24] : memref<100000x128xf32, #tpu.memory_space<hbm>> -> memref<100000x128xf32, #tpu.memory_space<hbm>>
    tpu.enqueue_indirect_dma source(%dma_start3A_25 : memref<100000x128xf32, #tpu.memory_space<hbm>>) target(%dma_start3A_20 : memref<64x128xf32, #tpu.memory_space<vmem>>) offsets(%dma_start3A_22 : memref<64xi32, #tpu.memory_space<vmem>>) semaphore(%arg7 : memref<!tpu.dma_semaphore, #tpu.memory_space<semaphore_mem>>)
    %dma_start3A_26 = arith.constant 192 : i32
    %dma_start3A_27 = arith.constant 0 : i32
    %dma_start3A_28 = tpu.memref_slice %arg6[%dma_start3A_26, %dma_start3A_27] : memref<320x128xf32, #tpu.memory_space<vmem>> -> memref<64x128xf32, #tpu.memory_space<vmem>>
    %dma_start3A_29 = arith.constant 192 : i32
    %dma_start3A_30 = tpu.memref_slice %arg5[%dma_start3A_29] : memref<320xi32, #tpu.memory_space<vmem>> -> memref<64xi32, #tpu.memory_space<vmem>>
    %dma_start3A_31 = arith.constant 0 : i32
    %dma_start3A_32 = arith.constant 0 : i32
    %dma_start3A_33 = tpu.memref_slice %arg3[%dma_start3A_31, %dma_start3A_32] : memref<100000x128xf32, #tpu.memory_space<hbm>> -> memref<100000x128xf32, #tpu.memory_space<hbm>>
    tpu.enqueue_indirect_dma source(%dma_start3A_33 : memref<100000x128xf32, #tpu.memory_space<hbm>>) target(%dma_start3A_28 : memref<64x128xf32, #tpu.memory_space<vmem>>) offsets(%dma_start3A_30 : memref<64xi32, #tpu.memory_space<vmem>>) semaphore(%arg7 : memref<!tpu.dma_semaphore, #tpu.memory_space<semaphore_mem>>)
    %dma_start3A_34 = arith.constant 256 : i32
    %dma_start3A_35 = arith.constant 0 : i32
    %dma_start3A_36 = tpu.memref_slice %arg6[%dma_start3A_34, %dma_start3A_35] : memref<320x128xf32, #tpu.memory_space<vmem>> -> memref<64x128xf32, #tpu.memory_space<vmem>>
    %dma_start3A_37 = arith.constant 256 : i32
    %dma_start3A_38 = tpu.memref_slice %arg5[%dma_start3A_37] : memref<320xi32, #tpu.memory_space<vmem>> -> memref<64xi32, #tpu.memory_space<vmem>>
    %dma_start3A_39 = arith.constant 0 : i32
    %dma_start3A_40 = arith.constant 0 : i32
    %dma_start3A_41 = tpu.memref_slice %arg3[%dma_start3A_39, %dma_start3A_40] : memref<100000x128xf32, #tpu.memory_space<hbm>> -> memref<100000x128xf32, #tpu.memory_space<hbm>>
    tpu.enqueue_indirect_dma source(%dma_start3A_41 : memref<100000x128xf32, #tpu.memory_space<hbm>>) target(%dma_start3A_36 : memref<64x128xf32, #tpu.memory_space<vmem>>) offsets(%dma_start3A_38 : memref<64xi32, #tpu.memory_space<vmem>>) semaphore(%arg7 : memref<!tpu.dma_semaphore, #tpu.memory_space<semaphore_mem>>)
    %dma_wait3A = arith.constant 0 : i32
    %dma_wait3A_42 = arith.constant 0 : i32
    %dma_wait3A_43 = tpu.memref_slice %arg6[%dma_wait3A, %dma_wait3A_42] : memref<320x128xf32, #tpu.memory_space<vmem>> -> memref<64x128xf32, #tpu.memory_space<vmem>>
    %dma_wait3A_44 = arith.constant 0 : i32
    %dma_wait3A_45 = tpu.memref_slice %arg5[%dma_wait3A_44] : memref<320xi32, #tpu.memory_space<vmem>> -> memref<64xi32, #tpu.memory_space<vmem>>
    %dma_wait3A_46 = arith.constant 0 : i32
    %dma_wait3A_47 = arith.constant 0 : i32
    %dma_wait3A_48 = tpu.memref_slice %arg3[%dma_wait3A_46, %dma_wait3A_47] : memref<100000x128xf32, #tpu.memory_space<hbm>> -> memref<100000x128xf32, #tpu.memory_space<hbm>>
    tpu.wait_indirect_dma semaphore(%arg7 : memref<!tpu.dma_semaphore, #tpu.memory_space<semaphore_mem>>) src(%dma_wait3A_48 : memref<100000x128xf32, #tpu.memory_space<hbm>>) dst(%dma_wait3A_43 : memref<64x128xf32, #tpu.memory_space<vmem>>)
    %dma_wait3A_49 = arith.constant 64 : i32
    %dma_wait3A_50 = arith.constant 0 : i32
    %dma_wait3A_51 = tpu.memref_slice %arg6[%dma_wait3A_49, %dma_wait3A_50] : memref<320x128xf32, #tpu.memory_space<vmem>> -> memref<64x128xf32, #tpu.memory_space<vmem>>
    %dma_wait3A_52 = arith.constant 64 : i32
    %dma_wait3A_53 = tpu.memref_slice %arg5[%dma_wait3A_52] : memref<320xi32, #tpu.memory_space<vmem>> -> memref<64xi32, #tpu.memory_space<vmem>>
    %dma_wait3A_54 = arith.constant 0 : i32
    %dma_wait3A_55 = arith.constant 0 : i32
    %dma_wait3A_56 = tpu.memref_slice %arg3[%dma_wait3A_54, %dma_wait3A_55] : memref<100000x128xf32, #tpu.memory_space<hbm>> -> memref<100000x128xf32, #tpu.memory_space<hbm>>
    tpu.wait_indirect_dma semaphore(%arg7 : memref<!tpu.dma_semaphore, #tpu.memory_space<semaphore_mem>>) src(%dma_wait3A_56 : memref<100000x128xf32, #tpu.memory_space<hbm>>) dst(%dma_wait3A_51 : memref<64x128xf32, #tpu.memory_space<vmem>>)
    %dma_wait3A_57 = arith.constant 128 : i32
    %dma_wait3A_58 = arith.constant 0 : i32
    %dma_wait3A_59 = tpu.memref_slice %arg6[%dma_wait3A_57, %dma_wait3A_58] : memref<320x128xf32, #tpu.memory_space<vmem>> -> memref<64x128xf32, #tpu.memory_space<vmem>>
    %dma_wait3A_60 = arith.constant 128 : i32
    %dma_wait3A_61 = tpu.memref_slice %arg5[%dma_wait3A_60] : memref<320xi32, #tpu.memory_space<vmem>> -> memref<64xi32, #tpu.memory_space<vmem>>
    %dma_wait3A_62 = arith.constant 0 : i32
    %dma_wait3A_63 = arith.constant 0 : i32
    %dma_wait3A_64 = tpu.memref_slice %arg3[%dma_wait3A_62, %dma_wait3A_63] : memref<100000x128xf32, #tpu.memory_space<hbm>> -> memref<100000x128xf32, #tpu.memory_space<hbm>>
    tpu.wait_indirect_dma semaphore(%arg7 : memref<!tpu.dma_semaphore, #tpu.memory_space<semaphore_mem>>) src(%dma_wait3A_64 : memref<100000x128xf32, #tpu.memory_space<hbm>>) dst(%dma_wait3A_59 : memref<64x128xf32, #tpu.memory_space<vmem>>)
    %dma_wait3A_65 = arith.constant 192 : i32
    %dma_wait3A_66 = arith.constant 0 : i32
    %dma_wait3A_67 = tpu.memref_slice %arg6[%dma_wait3A_65, %dma_wait3A_66] : memref<320x128xf32, #tpu.memory_space<vmem>> -> memref<64x128xf32, #tpu.memory_space<vmem>>
    %dma_wait3A_68 = arith.constant 192 : i32
    %dma_wait3A_69 = tpu.memref_slice %arg5[%dma_wait3A_68] : memref<320xi32, #tpu.memory_space<vmem>> -> memref<64xi32, #tpu.memory_space<vmem>>
    %dma_wait3A_70 = arith.constant 0 : i32
    %dma_wait3A_71 = arith.constant 0 : i32
    %dma_wait3A_72 = tpu.memref_slice %arg3[%dma_wait3A_70, %dma_wait3A_71] : memref<100000x128xf32, #tpu.memory_space<hbm>> -> memref<100000x128xf32, #tpu.memory_space<hbm>>
    tpu.wait_indirect_dma semaphore(%arg7 : memref<!tpu.dma_semaphore, #tpu.memory_space<semaphore_mem>>) src(%dma_wait3A_72 : memref<100000x128xf32, #tpu.memory_space<hbm>>) dst(%dma_wait3A_67 : memref<64x128xf32, #tpu.memory_space<vmem>>)
    %dma_wait3A_73 = arith.constant 256 : i32
    %dma_wait3A_74 = arith.constant 0 : i32
    %dma_wait3A_75 = tpu.memref_slice %arg6[%dma_wait3A_73, %dma_wait3A_74] : memref<320x128xf32, #tpu.memory_space<vmem>> -> memref<64x128xf32, #tpu.memory_space<vmem>>
    %dma_wait3A_76 = arith.constant 256 : i32
    %dma_wait3A_77 = tpu.memref_slice %arg5[%dma_wait3A_76] : memref<320xi32, #tpu.memory_space<vmem>> -> memref<64xi32, #tpu.memory_space<vmem>>
    %dma_wait3A_78 = arith.constant 0 : i32
    %dma_wait3A_79 = arith.constant 0 : i32
    %dma_wait3A_80 = tpu.memref_slice %arg3[%dma_wait3A_78, %dma_wait3A_79] : memref<100000x128xf32, #tpu.memory_space<hbm>> -> memref<100000x128xf32, #tpu.memory_space<hbm>>
    tpu.wait_indirect_dma semaphore(%arg7 : memref<!tpu.dma_semaphore, #tpu.memory_space<semaphore_mem>>) src(%dma_wait3A_80 : memref<100000x128xf32, #tpu.memory_space<hbm>>) dst(%dma_wait3A_75 : memref<64x128xf32, #tpu.memory_space<vmem>>)
    "tpu.region"() ({
      %run_scoped3A = tpu.sem_alloc : memref<!tpu.dma_semaphore, #tpu.memory_space<semaphore_mem>>
      %dma_start3A_81 = arith.constant 0 : i32
      %dma_start3A_82 = tpu.memref_slice %arg4[%mul3A_2, %dma_start3A_81] : memref<10240x128xf32, #tpu.memory_space<hbm>> -> memref<320x128xf32, #tpu.memory_space<hbm>>
      %dma_start3A_83 = arith.constant 0 : i32
      %dma_start3A_84 = tpu.memref_slice %arg4[%mul3A_2, %dma_start3A_83] : memref<10240x128xf32, #tpu.memory_space<hbm>> -> memref<320x128xf32, #tpu.memory_space<hbm>>
      tpu.enqueue_dma source(%arg6 : memref<320x128xf32, #tpu.memory_space<vmem>>) target(%dma_start3A_84 : memref<320x128xf32, #tpu.memory_space<hbm>>) target_semaphore(%run_scoped3A : memref<!tpu.dma_semaphore, #tpu.memory_space<semaphore_mem>>)
      %dma_wait3A_85 = arith.constant 0 : i32
      %dma_wait3A_86 = tpu.memref_slice %arg4[%mul3A_2, %dma_wait3A_85] : memref<10240x128xf32, #tpu.memory_space<hbm>> -> memref<320x128xf32, #tpu.memory_space<hbm>>
      %dma_wait3A_87 = arith.constant 0 : i32
      %dma_wait3A_88 = tpu.memref_slice %arg4[%mul3A_2, %dma_wait3A_87] : memref<10240x128xf32, #tpu.memory_space<hbm>> -> memref<320x128xf32, #tpu.memory_space<hbm>>
      tpu.wait_dma2 semaphore(%run_scoped3A : memref<!tpu.dma_semaphore, #tpu.memory_space<semaphore_mem>>) src(%arg6 : memref<320x128xf32, #tpu.memory_space<vmem>>) dst(%dma_wait3A_88 : memref<320x128xf32, #tpu.memory_space<hbm>>)
      tpu.yield
    }) : () -> ()
    return
  }
}

#map = affine_map<(d0, d1) -> (0, 0)>
#map1 = affine_map<(d0, d1) -> (0, 0, 0)>
module attributes {stable_mosaic.version = 14 : i64} {
  func.func @_agg_split(%arg0: i32, %arg1: i32, %arg2: memref<10240x128xf32, #tpu.memory_space<hbm>>, %arg3: memref<32x40x128xi32, #tpu.memory_space<hbm>>, %arg4: memref<32x40x128xi32, #tpu.memory_space<hbm>>, %arg5: memref<10240x128xf32, #tpu.memory_space<hbm>>, %arg6: memref<10240x128xf32, #tpu.memory_space<hbm>>, %arg7: memref<10240x128xf32, #tpu.memory_space<vmem_shared>>, %arg8: memref<16x128xi32, #tpu.memory_space<vmem>>, %arg9: memref<16x128xi32, #tpu.memory_space<vmem>>, %arg10: memref<128x128xf32, #tpu.memory_space<vmem>>, %arg11: memref<128x128xf32, #tpu.memory_space<vmem>>, %arg12: memref<!tpu.dma_semaphore, #tpu.memory_space<semaphore_mem>>, %arg13: memref<!tpu.dma_semaphore, #tpu.memory_space<semaphore_mem>>, %arg14: memref<!tpu.dma_semaphore, #tpu.memory_space<semaphore_mem>>, %arg15: memref<!tpu.dma_semaphore, #tpu.memory_space<semaphore_mem>>, %arg16: memref<!tpu.dma_semaphore, #tpu.memory_space<semaphore_mem>>, %arg17: memref<!tpu.dma_semaphore, #tpu.memory_space<semaphore_mem>>) attributes {dimension_semantics = [#tpu.dimension_semantics<core_parallel>, #tpu.dimension_semantics<subcore_parallel>], iteration_bounds = array<i64: 2, 16>, scalar_prefetch = 0 : i64, scratch_operands = 11 : i64, tpu.core_type = #tpu.core_type<sc_vector_subcore>, window_params = [{transform_indices = #map}, {transform_indices = #map1}, {transform_indices = #map1}, {transform_indices = #map}, {transform_indices = #map}]} {
    %mul3A = arith.constant 16 : i32
    %mul3A_0 = arith.muli %arg0, %mul3A : i32
    %add3A = arith.addi %mul3A_0, %arg1 : i32
    %mul3A_1 = arith.constant 640 : i32
    %mul3A_2 = arith.muli %arg1, %mul3A_1 : i32
    %mul3A_3 = arith.constant 640 : i32
    %mul3A_4 = arith.muli %arg1, %mul3A_3 : i32
    "tpu.region"() ({
      %run_scoped3A = tpu.sem_alloc : memref<!tpu.dma_semaphore, #tpu.memory_space<semaphore_mem>>
      %dma_start3A_37 = arith.constant 0 : i32
      %dma_start3A_38 = tpu.memref_slice %arg7[%mul3A_4, %dma_start3A_37] : memref<10240x128xf32, #tpu.memory_space<vmem_shared>> -> memref<640x128xf32, #tpu.memory_space<vmem_shared>>
      %dma_start3A_39 = arith.constant 0 : i32
      %dma_start3A_40 = tpu.memref_slice %arg2[%mul3A_2, %dma_start3A_39] : memref<10240x128xf32, #tpu.memory_space<hbm>> -> memref<640x128xf32, #tpu.memory_space<hbm>>
      tpu.enqueue_dma source(%dma_start3A_40 : memref<640x128xf32, #tpu.memory_space<hbm>>) target(%dma_start3A_38 : memref<640x128xf32, #tpu.memory_space<vmem_shared>>) target_semaphore(%run_scoped3A : memref<!tpu.dma_semaphore, #tpu.memory_space<semaphore_mem>>)
      %dma_wait3A_41 = arith.constant 0 : i32
      %dma_wait3A_42 = tpu.memref_slice %arg7[%mul3A_4, %dma_wait3A_41] : memref<10240x128xf32, #tpu.memory_space<vmem_shared>> -> memref<640x128xf32, #tpu.memory_space<vmem_shared>>
      %dma_wait3A_43 = arith.constant 0 : i32
      %dma_wait3A_44 = tpu.memref_slice %arg2[%mul3A_2, %dma_wait3A_43] : memref<10240x128xf32, #tpu.memory_space<hbm>> -> memref<640x128xf32, #tpu.memory_space<hbm>>
      tpu.wait_dma2 semaphore(%run_scoped3A : memref<!tpu.dma_semaphore, #tpu.memory_space<semaphore_mem>>) src(%dma_wait3A_44 : memref<640x128xf32, #tpu.memory_space<hbm>>) dst(%dma_wait3A_42 : memref<640x128xf32, #tpu.memory_space<vmem_shared>>)
      tpu.yield
    }) : () -> ()
    %barrier3A = arith.constant 0 : index
    tpu.barrier barrier_id(%barrier3A)
    "tpu.region"() ({
      %run_scoped3A = tpu.sem_alloc : memref<!tpu.dma_semaphore, #tpu.memory_space<semaphore_mem>>
      %dma_start3A_37 = arith.constant 0 : i32
      %dma_start3A_38 = arith.constant 0 : i32
      %dma_start3A_39 = tpu.memref_slice %arg8[%dma_start3A_37, %dma_start3A_38] : memref<16x128xi32, #tpu.memory_space<vmem>> -> memref<8x128xi32, #tpu.memory_space<vmem>>
      %dma_start3A_40 = arith.constant 0 : i32
      %dma_start3A_41 = arith.constant 0 : i32
      %dma_start3A_42 = tpu.memref_slice %arg3[%add3A, %dma_start3A_40, %dma_start3A_41] : memref<32x40x128xi32, #tpu.memory_space<hbm>> -> memref<1x40x128xi32, #tpu.memory_space<hbm>>
      %dma_start3A_43 = tpu.memref_squeeze %dma_start3A_42 : memref<1x40x128xi32, #tpu.memory_space<hbm>> -> memref<40x128xi32, #tpu.memory_space<hbm>>
      %dma_start3A_44 = arith.constant 0 : i32
      %dma_start3A_45 = arith.constant 0 : i32
      %dma_start3A_46 = tpu.memref_slice %dma_start3A_43[%dma_start3A_44, %dma_start3A_45] : memref<40x128xi32, #tpu.memory_space<hbm>> -> memref<8x128xi32, #tpu.memory_space<hbm>>
      %dma_start3A_47 = arith.constant 0 : i32
      %dma_start3A_48 = arith.constant 0 : i32
      %dma_start3A_49 = tpu.memref_slice %arg8[%dma_start3A_47, %dma_start3A_48] : memref<16x128xi32, #tpu.memory_space<vmem>> -> memref<8x128xi32, #tpu.memory_space<vmem>>
      %dma_start3A_50 = arith.constant 0 : i32
      %dma_start3A_51 = arith.constant 0 : i32
      %dma_start3A_52 = tpu.memref_slice %arg3[%add3A, %dma_start3A_50, %dma_start3A_51] : memref<32x40x128xi32, #tpu.memory_space<hbm>> -> memref<1x40x128xi32, #tpu.memory_space<hbm>>
      %dma_start3A_53 = tpu.memref_squeeze %dma_start3A_52 : memref<1x40x128xi32, #tpu.memory_space<hbm>> -> memref<40x128xi32, #tpu.memory_space<hbm>>
      %dma_start3A_54 = arith.constant 0 : i32
      %dma_start3A_55 = arith.constant 0 : i32
      %dma_start3A_56 = tpu.memref_slice %dma_start3A_53[%dma_start3A_54, %dma_start3A_55] : memref<40x128xi32, #tpu.memory_space<hbm>> -> memref<8x128xi32, #tpu.memory_space<hbm>>
      tpu.enqueue_dma source(%dma_start3A_56 : memref<8x128xi32, #tpu.memory_space<hbm>>) target(%dma_start3A_49 : memref<8x128xi32, #tpu.memory_space<vmem>>) target_semaphore(%run_scoped3A : memref<!tpu.dma_semaphore, #tpu.memory_space<semaphore_mem>>)
      %dma_wait3A_57 = arith.constant 0 : i32
      %dma_wait3A_58 = arith.constant 0 : i32
      %dma_wait3A_59 = tpu.memref_slice %arg8[%dma_wait3A_57, %dma_wait3A_58] : memref<16x128xi32, #tpu.memory_space<vmem>> -> memref<8x128xi32, #tpu.memory_space<vmem>>
      %dma_wait3A_60 = arith.constant 0 : i32
      %dma_wait3A_61 = arith.constant 0 : i32
      %dma_wait3A_62 = tpu.memref_slice %arg3[%add3A, %dma_wait3A_60, %dma_wait3A_61] : memref<32x40x128xi32, #tpu.memory_space<hbm>> -> memref<1x40x128xi32, #tpu.memory_space<hbm>>
      %dma_wait3A_63 = tpu.memref_squeeze %dma_wait3A_62 : memref<1x40x128xi32, #tpu.memory_space<hbm>> -> memref<40x128xi32, #tpu.memory_space<hbm>>
      %dma_wait3A_64 = arith.constant 0 : i32
      %dma_wait3A_65 = arith.constant 0 : i32
      %dma_wait3A_66 = tpu.memref_slice %dma_wait3A_63[%dma_wait3A_64, %dma_wait3A_65] : memref<40x128xi32, #tpu.memory_space<hbm>> -> memref<8x128xi32, #tpu.memory_space<hbm>>
      %dma_wait3A_67 = arith.constant 0 : i32
      %dma_wait3A_68 = arith.constant 0 : i32
      %dma_wait3A_69 = tpu.memref_slice %arg8[%dma_wait3A_67, %dma_wait3A_68] : memref<16x128xi32, #tpu.memory_space<vmem>> -> memref<8x128xi32, #tpu.memory_space<vmem>>
      %dma_wait3A_70 = arith.constant 0 : i32
      %dma_wait3A_71 = arith.constant 0 : i32
      %dma_wait3A_72 = tpu.memref_slice %arg3[%add3A, %dma_wait3A_70, %dma_wait3A_71] : memref<32x40x128xi32, #tpu.memory_space<hbm>> -> memref<1x40x128xi32, #tpu.memory_space<hbm>>
      %dma_wait3A_73 = tpu.memref_squeeze %dma_wait3A_72 : memref<1x40x128xi32, #tpu.memory_space<hbm>> -> memref<40x128xi32, #tpu.memory_space<hbm>>
      %dma_wait3A_74 = arith.constant 0 : i32
      %dma_wait3A_75 = arith.constant 0 : i32
      %dma_wait3A_76 = tpu.memref_slice %dma_wait3A_73[%dma_wait3A_74, %dma_wait3A_75] : memref<40x128xi32, #tpu.memory_space<hbm>> -> memref<8x128xi32, #tpu.memory_space<hbm>>
      tpu.wait_dma2 semaphore(%run_scoped3A : memref<!tpu.dma_semaphore, #tpu.memory_space<semaphore_mem>>) src(%dma_wait3A_76 : memref<8x128xi32, #tpu.memory_space<hbm>>) dst(%dma_wait3A_69 : memref<8x128xi32, #tpu.memory_space<vmem>>)
      tpu.yield
    }) : () -> ()
    "tpu.region"() ({
      %run_scoped3A = tpu.sem_alloc : memref<!tpu.dma_semaphore, #tpu.memory_space<semaphore_mem>>
      %dma_start3A_37 = arith.constant 0 : i32
      %dma_start3A_38 = arith.constant 0 : i32
      %dma_start3A_39 = tpu.memref_slice %arg9[%dma_start3A_37, %dma_start3A_38] : memref<16x128xi32, #tpu.memory_space<vmem>> -> memref<8x128xi32, #tpu.memory_space<vmem>>
      %dma_start3A_40 = arith.constant 0 : i32
      %dma_start3A_41 = arith.constant 0 : i32
      %dma_start3A_42 = tpu.memref_slice %arg4[%add3A, %dma_start3A_40, %dma_start3A_41] : memref<32x40x128xi32, #tpu.memory_space<hbm>> -> memref<1x40x128xi32, #tpu.memory_space<hbm>>
      %dma_start3A_43 = tpu.memref_squeeze %dma_start3A_42 : memref<1x40x128xi32, #tpu.memory_space<hbm>> -> memref<40x128xi32, #tpu.memory_space<hbm>>
      %dma_start3A_44 = arith.constant 0 : i32
      %dma_start3A_45 = arith.constant 0 : i32
      %dma_start3A_46 = tpu.memref_slice %dma_start3A_43[%dma_start3A_44, %dma_start3A_45] : memref<40x128xi32, #tpu.memory_space<hbm>> -> memref<8x128xi32, #tpu.memory_space<hbm>>
      %dma_start3A_47 = arith.constant 0 : i32
      %dma_start3A_48 = arith.constant 0 : i32
      %dma_start3A_49 = tpu.memref_slice %arg9[%dma_start3A_47, %dma_start3A_48] : memref<16x128xi32, #tpu.memory_space<vmem>> -> memref<8x128xi32, #tpu.memory_space<vmem>>
      %dma_start3A_50 = arith.constant 0 : i32
      %dma_start3A_51 = arith.constant 0 : i32
      %dma_start3A_52 = tpu.memref_slice %arg4[%add3A, %dma_start3A_50, %dma_start3A_51] : memref<32x40x128xi32, #tpu.memory_space<hbm>> -> memref<1x40x128xi32, #tpu.memory_space<hbm>>
      %dma_start3A_53 = tpu.memref_squeeze %dma_start3A_52 : memref<1x40x128xi32, #tpu.memory_space<hbm>> -> memref<40x128xi32, #tpu.memory_space<hbm>>
      %dma_start3A_54 = arith.constant 0 : i32
      %dma_start3A_55 = arith.constant 0 : i32
      %dma_start3A_56 = tpu.memref_slice %dma_start3A_53[%dma_start3A_54, %dma_start3A_55] : memref<40x128xi32, #tpu.memory_space<hbm>> -> memref<8x128xi32, #tpu.memory_space<hbm>>
      tpu.enqueue_dma source(%dma_start3A_56 : memref<8x128xi32, #tpu.memory_space<hbm>>) target(%dma_start3A_49 : memref<8x128xi32, #tpu.memory_space<vmem>>) target_semaphore(%run_scoped3A : memref<!tpu.dma_semaphore, #tpu.memory_space<semaphore_mem>>)
      %dma_wait3A_57 = arith.constant 0 : i32
      %dma_wait3A_58 = arith.constant 0 : i32
      %dma_wait3A_59 = tpu.memref_slice %arg9[%dma_wait3A_57, %dma_wait3A_58] : memref<16x128xi32, #tpu.memory_space<vmem>> -> memref<8x128xi32, #tpu.memory_space<vmem>>
      %dma_wait3A_60 = arith.constant 0 : i32
      %dma_wait3A_61 = arith.constant 0 : i32
      %dma_wait3A_62 = tpu.memref_slice %arg4[%add3A, %dma_wait3A_60, %dma_wait3A_61] : memref<32x40x128xi32, #tpu.memory_space<hbm>> -> memref<1x40x128xi32, #tpu.memory_space<hbm>>
      %dma_wait3A_63 = tpu.memref_squeeze %dma_wait3A_62 : memref<1x40x128xi32, #tpu.memory_space<hbm>> -> memref<40x128xi32, #tpu.memory_space<hbm>>
      %dma_wait3A_64 = arith.constant 0 : i32
      %dma_wait3A_65 = arith.constant 0 : i32
      %dma_wait3A_66 = tpu.memref_slice %dma_wait3A_63[%dma_wait3A_64, %dma_wait3A_65] : memref<40x128xi32, #tpu.memory_space<hbm>> -> memref<8x128xi32, #tpu.memory_space<hbm>>
      %dma_wait3A_67 = arith.constant 0 : i32
      %dma_wait3A_68 = arith.constant 0 : i32
      %dma_wait3A_69 = tpu.memref_slice %arg9[%dma_wait3A_67, %dma_wait3A_68] : memref<16x128xi32, #tpu.memory_space<vmem>> -> memref<8x128xi32, #tpu.memory_space<vmem>>
      %dma_wait3A_70 = arith.constant 0 : i32
      %dma_wait3A_71 = arith.constant 0 : i32
      %dma_wait3A_72 = tpu.memref_slice %arg4[%add3A, %dma_wait3A_70, %dma_wait3A_71] : memref<32x40x128xi32, #tpu.memory_space<hbm>> -> memref<1x40x128xi32, #tpu.memory_space<hbm>>
      %dma_wait3A_73 = tpu.memref_squeeze %dma_wait3A_72 : memref<1x40x128xi32, #tpu.memory_space<hbm>> -> memref<40x128xi32, #tpu.memory_space<hbm>>
      %dma_wait3A_74 = arith.constant 0 : i32
      %dma_wait3A_75 = arith.constant 0 : i32
      %dma_wait3A_76 = tpu.memref_slice %dma_wait3A_73[%dma_wait3A_74, %dma_wait3A_75] : memref<40x128xi32, #tpu.memory_space<hbm>> -> memref<8x128xi32, #tpu.memory_space<hbm>>
      tpu.wait_dma2 semaphore(%run_scoped3A : memref<!tpu.dma_semaphore, #tpu.memory_space<semaphore_mem>>) src(%dma_wait3A_76 : memref<8x128xi32, #tpu.memory_space<hbm>>) dst(%dma_wait3A_69 : memref<8x128xi32, #tpu.memory_space<vmem>>)
      tpu.yield
    }) : () -> ()
    %dma_start3A = arith.constant 0 : i32
    %dma_start3A_5 = arith.constant 0 : i32
    %dma_start3A_6 = tpu.memref_slice %arg8[%dma_start3A, %dma_start3A_5] : memref<16x128xi32, #tpu.memory_space<vmem>> -> memref<1x128xi32, #tpu.memory_space<vmem>>
    %dma_start3A_7 = tpu.memref_squeeze %dma_start3A_6 : memref<1x128xi32, #tpu.memory_space<vmem>> -> memref<128xi32, #tpu.memory_space<vmem>>
    %dma_start3A_8 = arith.constant 0 : i32
    %dma_start3A_9 = arith.constant 0 : i32
    %dma_start3A_10 = tpu.memref_slice %arg2[%dma_start3A_8, %dma_start3A_9] : memref<10240x128xf32, #tpu.memory_space<hbm>> -> memref<10240x128xf32, #tpu.memory_space<hbm>>
    tpu.enqueue_indirect_dma source(%dma_start3A_10 : memref<10240x128xf32, #tpu.memory_space<hbm>>) target(%arg10 : memref<128x128xf32, #tpu.memory_space<vmem>>) offsets(%dma_start3A_7 : memref<128xi32, #tpu.memory_space<vmem>>) semaphore(%arg12 : memref<!tpu.dma_semaphore, #tpu.memory_space<semaphore_mem>>)
    %scan3A = arith.constant 0 : i32
    %scan3A_11 = arith.constant 0 : i32
    %scan3A_12 = arith.constant 5 : i32
    %scan3A_13 = arith.addi %scan3A_11, %scan3A_12 : i32
    %scan3A_14 = arith.constant 1 : i32
    scf.for %scan3A_37 = %scan3A_11 to %scan3A_13 step %scan3A_14  : i32 {
      %jit3A = arith.constant 2 : i32
      %eq3A_38 = arith.constant 0 : i32
      %eq3A_39 = arith.cmpi eq, %jit3A, %eq3A_38 : i32
      %jit3A_40 = arith.constant 1 : i32
      %select_n3A = arith.select %eq3A_39, %jit3A_40, %jit3A : i32
      %rem3A = arith.remsi %scan3A_37, %select_n3A : i32
      %ne3A = arith.constant 0 : i32
      %ne3A_41 = arith.cmpi ne, %rem3A, %ne3A : i32
      %lt3A = arith.constant 0 : i32
      %lt3A_42 = arith.cmpi slt, %rem3A, %lt3A : i32
      %lt3A_43 = arith.constant 0 : i32
      %lt3A_44 = arith.cmpi slt, %select_n3A, %lt3A_43 : i32
      %ne3A_45 = arith.xori %lt3A_42, %lt3A_44 : i1
      %and3A = arith.andi %ne3A_45, %ne3A_41 : i1
      %add3A_46 = arith.addi %rem3A, %select_n3A : i32
      %select_n3A_47 = arith.select %and3A, %add3A_46, %rem3A : i32
      %mul3A_48 = arith.constant 8 : i32
      %mul3A_49 = arith.muli %select_n3A_47, %mul3A_48 : i32
      %sub3A = arith.constant 8 : i32
      %sub3A_50 = arith.subi %sub3A, %mul3A_49 : i32
      %add3A_51 = arith.constant 1 : i32
      %add3A_52 = arith.addi %scan3A_37, %add3A_51 : i32
      %lt3A_53 = arith.constant 5 : i32
      %lt3A_54 = arith.cmpi slt, %add3A_52, %lt3A_53 : i32
      %convert_element_type3A_55 = arith.extui %lt3A_54 : i1 to i32
      %cond3A_56 = arith.constant 0 : i32
      %cond3A_57 = arith.cmpi ne, %convert_element_type3A_55, %cond3A_56 : i32
      scf.if %cond3A_57 {
        %add3A_307 = arith.constant 1 : i32
        %add3A_308 = arith.addi %scan3A_37, %add3A_307 : i32
        %mul3A_309 = arith.constant 8 : i32
        %mul3A_310 = arith.muli %add3A_308, %mul3A_309 : i32
        %dma_start3A_311 = arith.constant 0 : i32
        %dma_start3A_312 = tpu.memref_slice %arg8[%sub3A_50, %dma_start3A_311] : memref<16x128xi32, #tpu.memory_space<vmem>> -> memref<8x128xi32, #tpu.memory_space<vmem>>
        %dma_start3A_313 = arith.constant 0 : i32
        %dma_start3A_314 = arith.constant 0 : i32
        %dma_start3A_315 = tpu.memref_slice %arg3[%add3A, %dma_start3A_313, %dma_start3A_314] : memref<32x40x128xi32, #tpu.memory_space<hbm>> -> memref<1x40x128xi32, #tpu.memory_space<hbm>>
        %dma_start3A_316 = tpu.memref_squeeze %dma_start3A_315 : memref<1x40x128xi32, #tpu.memory_space<hbm>> -> memref<40x128xi32, #tpu.memory_space<hbm>>
        %dma_start3A_317 = arith.constant 0 : i32
        %dma_start3A_318 = tpu.memref_slice %dma_start3A_316[%mul3A_310, %dma_start3A_317] : memref<40x128xi32, #tpu.memory_space<hbm>> -> memref<8x128xi32, #tpu.memory_space<hbm>>
        %dma_start3A_319 = arith.constant 0 : i32
        %dma_start3A_320 = tpu.memref_slice %arg8[%sub3A_50, %dma_start3A_319] : memref<16x128xi32, #tpu.memory_space<vmem>> -> memref<8x128xi32, #tpu.memory_space<vmem>>
        %dma_start3A_321 = arith.constant 0 : i32
        %dma_start3A_322 = arith.constant 0 : i32
        %dma_start3A_323 = tpu.memref_slice %arg3[%add3A, %dma_start3A_321, %dma_start3A_322] : memref<32x40x128xi32, #tpu.memory_space<hbm>> -> memref<1x40x128xi32, #tpu.memory_space<hbm>>
        %dma_start3A_324 = tpu.memref_squeeze %dma_start3A_323 : memref<1x40x128xi32, #tpu.memory_space<hbm>> -> memref<40x128xi32, #tpu.memory_space<hbm>>
        %dma_start3A_325 = arith.constant 0 : i32
        %dma_start3A_326 = tpu.memref_slice %dma_start3A_324[%mul3A_310, %dma_start3A_325] : memref<40x128xi32, #tpu.memory_space<hbm>> -> memref<8x128xi32, #tpu.memory_space<hbm>>
        tpu.enqueue_dma source(%dma_start3A_326 : memref<8x128xi32, #tpu.memory_space<hbm>>) target(%dma_start3A_320 : memref<8x128xi32, #tpu.memory_space<vmem>>) target_semaphore(%arg16 : memref<!tpu.dma_semaphore, #tpu.memory_space<semaphore_mem>>)
        %add3A_327 = arith.constant 1 : i32
        %add3A_328 = arith.addi %scan3A_37, %add3A_327 : i32
        %mul3A_329 = arith.constant 8 : i32
        %mul3A_330 = arith.muli %add3A_328, %mul3A_329 : i32
        %dma_start3A_331 = arith.constant 0 : i32
        %dma_start3A_332 = tpu.memref_slice %arg9[%sub3A_50, %dma_start3A_331] : memref<16x128xi32, #tpu.memory_space<vmem>> -> memref<8x128xi32, #tpu.memory_space<vmem>>
        %dma_start3A_333 = arith.constant 0 : i32
        %dma_start3A_334 = arith.constant 0 : i32
        %dma_start3A_335 = tpu.memref_slice %arg4[%add3A, %dma_start3A_333, %dma_start3A_334] : memref<32x40x128xi32, #tpu.memory_space<hbm>> -> memref<1x40x128xi32, #tpu.memory_space<hbm>>
        %dma_start3A_336 = tpu.memref_squeeze %dma_start3A_335 : memref<1x40x128xi32, #tpu.memory_space<hbm>> -> memref<40x128xi32, #tpu.memory_space<hbm>>
        %dma_start3A_337 = arith.constant 0 : i32
        %dma_start3A_338 = tpu.memref_slice %dma_start3A_336[%mul3A_330, %dma_start3A_337] : memref<40x128xi32, #tpu.memory_space<hbm>> -> memref<8x128xi32, #tpu.memory_space<hbm>>
        %dma_start3A_339 = arith.constant 0 : i32
        %dma_start3A_340 = tpu.memref_slice %arg9[%sub3A_50, %dma_start3A_339] : memref<16x128xi32, #tpu.memory_space<vmem>> -> memref<8x128xi32, #tpu.memory_space<vmem>>
        %dma_start3A_341 = arith.constant 0 : i32
        %dma_start3A_342 = arith.constant 0 : i32
        %dma_start3A_343 = tpu.memref_slice %arg4[%add3A, %dma_start3A_341, %dma_start3A_342] : memref<32x40x128xi32, #tpu.memory_space<hbm>> -> memref<1x40x128xi32, #tpu.memory_space<hbm>>
        %dma_start3A_344 = tpu.memref_squeeze %dma_start3A_343 : memref<1x40x128xi32, #tpu.memory_space<hbm>> -> memref<40x128xi32, #tpu.memory_space<hbm>>
        %dma_start3A_345 = arith.constant 0 : i32
        %dma_start3A_346 = tpu.memref_slice %dma_start3A_344[%mul3A_330, %dma_start3A_345] : memref<40x128xi32, #tpu.memory_space<hbm>> -> memref<8x128xi32, #tpu.memory_space<hbm>>
        tpu.enqueue_dma source(%dma_start3A_346 : memref<8x128xi32, #tpu.memory_space<hbm>>) target(%dma_start3A_340 : memref<8x128xi32, #tpu.memory_space<vmem>>) target_semaphore(%arg17 : memref<!tpu.dma_semaphore, #tpu.memory_space<semaphore_mem>>)
      } else {
      }
      %gt3A = arith.constant 0 : i32
      %gt3A_58 = arith.cmpi sgt, %scan3A_37, %gt3A : i32
      %convert_element_type3A_59 = arith.extui %gt3A_58 : i1 to i32
      %cond3A_60 = arith.constant 0 : i32
      %cond3A_61 = arith.cmpi ne, %convert_element_type3A_59, %cond3A_60 : i32
      scf.if %cond3A_61 {
        %dma_wait3A_307 = arith.constant 0 : i32
        %dma_wait3A_308 = arith.constant 0 : i32
        %dma_wait3A_309 = tpu.memref_slice %arg9[%dma_wait3A_307, %dma_wait3A_308] : memref<16x128xi32, #tpu.memory_space<vmem>> -> memref<1x128xi32, #tpu.memory_space<vmem>>
        %dma_wait3A_310 = tpu.memref_squeeze %dma_wait3A_309 : memref<1x128xi32, #tpu.memory_space<vmem>> -> memref<128xi32, #tpu.memory_space<vmem>>
        %dma_wait3A_311 = arith.constant 0 : i32
        %dma_wait3A_312 = arith.constant 0 : i32
        %dma_wait3A_313 = tpu.memref_slice %arg7[%dma_wait3A_311, %dma_wait3A_312] : memref<10240x128xf32, #tpu.memory_space<vmem_shared>> -> memref<10240x128xf32, #tpu.memory_space<vmem_shared>>
        tpu.wait_indirect_dma semaphore(%arg15 : memref<!tpu.dma_semaphore, #tpu.memory_space<semaphore_mem>>) src(%arg11 : memref<128x128xf32, #tpu.memory_space<vmem>>) dst(%dma_wait3A_313 : memref<10240x128xf32, #tpu.memory_space<vmem_shared>>)
      } else {
      }
      %add3A_62 = arith.constant 1 : i32
      %add3A_63 = arith.addi %mul3A_49, %add3A_62 : i32
      %dma_start3A_64 = arith.constant 0 : i32
      %dma_start3A_65 = tpu.memref_slice %arg8[%add3A_63, %dma_start3A_64] : memref<16x128xi32, #tpu.memory_space<vmem>> -> memref<1x128xi32, #tpu.memory_space<vmem>>
      %dma_start3A_66 = tpu.memref_squeeze %dma_start3A_65 : memref<1x128xi32, #tpu.memory_space<vmem>> -> memref<128xi32, #tpu.memory_space<vmem>>
      %dma_start3A_67 = arith.constant 0 : i32
      %dma_start3A_68 = arith.constant 0 : i32
      %dma_start3A_69 = tpu.memref_slice %arg2[%dma_start3A_67, %dma_start3A_68] : memref<10240x128xf32, #tpu.memory_space<hbm>> -> memref<10240x128xf32, #tpu.memory_space<hbm>>
      tpu.enqueue_indirect_dma source(%dma_start3A_69 : memref<10240x128xf32, #tpu.memory_space<hbm>>) target(%arg11 : memref<128x128xf32, #tpu.memory_space<vmem>>) offsets(%dma_start3A_66 : memref<128xi32, #tpu.memory_space<vmem>>) semaphore(%arg13 : memref<!tpu.dma_semaphore, #tpu.memory_space<semaphore_mem>>)
      %add3A_70 = arith.constant 0 : i32
      %add3A_71 = arith.addi %mul3A_49, %add3A_70 : i32
      %dma_wait3A_72 = arith.constant 0 : i32
      %dma_wait3A_73 = tpu.memref_slice %arg8[%add3A_71, %dma_wait3A_72] : memref<16x128xi32, #tpu.memory_space<vmem>> -> memref<1x128xi32, #tpu.memory_space<vmem>>
      %dma_wait3A_74 = tpu.memref_squeeze %dma_wait3A_73 : memref<1x128xi32, #tpu.memory_space<vmem>> -> memref<128xi32, #tpu.memory_space<vmem>>
      %dma_wait3A_75 = arith.constant 0 : i32
      %dma_wait3A_76 = arith.constant 0 : i32
      %dma_wait3A_77 = tpu.memref_slice %arg2[%dma_wait3A_75, %dma_wait3A_76] : memref<10240x128xf32, #tpu.memory_space<hbm>> -> memref<10240x128xf32, #tpu.memory_space<hbm>>
      tpu.wait_indirect_dma semaphore(%arg12 : memref<!tpu.dma_semaphore, #tpu.memory_space<semaphore_mem>>) src(%dma_wait3A_77 : memref<10240x128xf32, #tpu.memory_space<hbm>>) dst(%arg10 : memref<128x128xf32, #tpu.memory_space<vmem>>)
      %add3A_78 = arith.constant 0 : i32
      %add3A_79 = arith.addi %mul3A_49, %add3A_78 : i32
      %dma_start3A_80 = arith.constant 0 : i32
      %dma_start3A_81 = tpu.memref_slice %arg9[%add3A_79, %dma_start3A_80] : memref<16x128xi32, #tpu.memory_space<vmem>> -> memref<1x128xi32, #tpu.memory_space<vmem>>
      %dma_start3A_82 = tpu.memref_squeeze %dma_start3A_81 : memref<1x128xi32, #tpu.memory_space<vmem>> -> memref<128xi32, #tpu.memory_space<vmem>>
      %dma_start3A_83 = arith.constant 0 : i32
      %dma_start3A_84 = arith.constant 0 : i32
      %dma_start3A_85 = tpu.memref_slice %arg7[%dma_start3A_83, %dma_start3A_84] : memref<10240x128xf32, #tpu.memory_space<vmem_shared>> -> memref<10240x128xf32, #tpu.memory_space<vmem_shared>>
      tpu.enqueue_indirect_dma source(%arg10 : memref<128x128xf32, #tpu.memory_space<vmem>>) target(%dma_start3A_85 : memref<10240x128xf32, #tpu.memory_space<vmem_shared>>) offsets(%dma_start3A_82 : memref<128xi32, #tpu.memory_space<vmem>>) semaphore(%arg14 : memref<!tpu.dma_semaphore, #tpu.memory_space<semaphore_mem>>) {add = true}
      %dma_wait3A_86 = arith.constant 0 : i32
      %dma_wait3A_87 = arith.constant 0 : i32
      %dma_wait3A_88 = tpu.memref_slice %arg9[%dma_wait3A_86, %dma_wait3A_87] : memref<16x128xi32, #tpu.memory_space<vmem>> -> memref<1x128xi32, #tpu.memory_space<vmem>>
      %dma_wait3A_89 = tpu.memref_squeeze %dma_wait3A_88 : memref<1x128xi32, #tpu.memory_space<vmem>> -> memref<128xi32, #tpu.memory_space<vmem>>
      %dma_wait3A_90 = arith.constant 0 : i32
      %dma_wait3A_91 = arith.constant 0 : i32
      %dma_wait3A_92 = tpu.memref_slice %arg7[%dma_wait3A_90, %dma_wait3A_91] : memref<10240x128xf32, #tpu.memory_space<vmem_shared>> -> memref<10240x128xf32, #tpu.memory_space<vmem_shared>>
      tpu.wait_indirect_dma semaphore(%arg14 : memref<!tpu.dma_semaphore, #tpu.memory_space<semaphore_mem>>) src(%arg10 : memref<128x128xf32, #tpu.memory_space<vmem>>) dst(%dma_wait3A_92 : memref<10240x128xf32, #tpu.memory_space<vmem_shared>>)
      %add3A_93 = arith.constant 1 : i32
      %add3A_94 = arith.addi %mul3A_49, %add3A_93 : i32
      %add3A_95 = arith.constant 1 : i32
      %add3A_96 = arith.addi %add3A_94, %add3A_95 : i32
      %dma_start3A_97 = arith.constant 0 : i32
      %dma_start3A_98 = tpu.memref_slice %arg8[%add3A_96, %dma_start3A_97] : memref<16x128xi32, #tpu.memory_space<vmem>> -> memref<1x128xi32, #tpu.memory_space<vmem>>
      %dma_start3A_99 = tpu.memref_squeeze %dma_start3A_98 : memref<1x128xi32, #tpu.memory_space<vmem>> -> memref<128xi32, #tpu.memory_space<vmem>>
      %dma_start3A_100 = arith.constant 0 : i32
      %dma_start3A_101 = arith.constant 0 : i32
      %dma_start3A_102 = tpu.memref_slice %arg2[%dma_start3A_100, %dma_start3A_101] : memref<10240x128xf32, #tpu.memory_space<hbm>> -> memref<10240x128xf32, #tpu.memory_space<hbm>>
      tpu.enqueue_indirect_dma source(%dma_start3A_102 : memref<10240x128xf32, #tpu.memory_space<hbm>>) target(%arg10 : memref<128x128xf32, #tpu.memory_space<vmem>>) offsets(%dma_start3A_99 : memref<128xi32, #tpu.memory_space<vmem>>) semaphore(%arg12 : memref<!tpu.dma_semaphore, #tpu.memory_space<semaphore_mem>>)
      %add3A_103 = arith.constant 1 : i32
      %add3A_104 = arith.addi %mul3A_49, %add3A_103 : i32
      %dma_wait3A_105 = arith.constant 0 : i32
      %dma_wait3A_106 = tpu.memref_slice %arg8[%add3A_104, %dma_wait3A_105] : memref<16x128xi32, #tpu.memory_space<vmem>> -> memref<1x128xi32, #tpu.memory_space<vmem>>
      %dma_wait3A_107 = tpu.memref_squeeze %dma_wait3A_106 : memref<1x128xi32, #tpu.memory_space<vmem>> -> memref<128xi32, #tpu.memory_space<vmem>>
      %dma_wait3A_108 = arith.constant 0 : i32
      %dma_wait3A_109 = arith.constant 0 : i32
      %dma_wait3A_110 = tpu.memref_slice %arg2[%dma_wait3A_108, %dma_wait3A_109] : memref<10240x128xf32, #tpu.memory_space<hbm>> -> memref<10240x128xf32, #tpu.memory_space<hbm>>
      tpu.wait_indirect_dma semaphore(%arg13 : memref<!tpu.dma_semaphore, #tpu.memory_space<semaphore_mem>>) src(%dma_wait3A_110 : memref<10240x128xf32, #tpu.memory_space<hbm>>) dst(%arg11 : memref<128x128xf32, #tpu.memory_space<vmem>>)
      %add3A_111 = arith.constant 1 : i32
      %add3A_112 = arith.addi %mul3A_49, %add3A_111 : i32
      %dma_start3A_113 = arith.constant 0 : i32
      %dma_start3A_114 = tpu.memref_slice %arg9[%add3A_112, %dma_start3A_113] : memref<16x128xi32, #tpu.memory_space<vmem>> -> memref<1x128xi32, #tpu.memory_space<vmem>>
      %dma_start3A_115 = tpu.memref_squeeze %dma_start3A_114 : memref<1x128xi32, #tpu.memory_space<vmem>> -> memref<128xi32, #tpu.memory_space<vmem>>
      %dma_start3A_116 = arith.constant 0 : i32
      %dma_start3A_117 = arith.constant 0 : i32
      %dma_start3A_118 = tpu.memref_slice %arg7[%dma_start3A_116, %dma_start3A_117] : memref<10240x128xf32, #tpu.memory_space<vmem_shared>> -> memref<10240x128xf32, #tpu.memory_space<vmem_shared>>
      tpu.enqueue_indirect_dma source(%arg11 : memref<128x128xf32, #tpu.memory_space<vmem>>) target(%dma_start3A_118 : memref<10240x128xf32, #tpu.memory_space<vmem_shared>>) offsets(%dma_start3A_115 : memref<128xi32, #tpu.memory_space<vmem>>) semaphore(%arg15 : memref<!tpu.dma_semaphore, #tpu.memory_space<semaphore_mem>>) {add = true}
      %dma_wait3A_119 = arith.constant 0 : i32
      %dma_wait3A_120 = arith.constant 0 : i32
      %dma_wait3A_121 = tpu.memref_slice %arg9[%dma_wait3A_119, %dma_wait3A_120] : memref<16x128xi32, #tpu.memory_space<vmem>> -> memref<1x128xi32, #tpu.memory_space<vmem>>
      %dma_wait3A_122 = tpu.memref_squeeze %dma_wait3A_121 : memref<1x128xi32, #tpu.memory_space<vmem>> -> memref<128xi32, #tpu.memory_space<vmem>>
      %dma_wait3A_123 = arith.constant 0 : i32
      %dma_wait3A_124 = arith.constant 0 : i32
      %dma_wait3A_125 = tpu.memref_slice %arg7[%dma_wait3A_123, %dma_wait3A_124] : memref<10240x128xf32, #tpu.memory_space<vmem_shared>> -> memref<10240x128xf32, #tpu.memory_space<vmem_shared>>
      tpu.wait_indirect_dma semaphore(%arg15 : memref<!tpu.dma_semaphore, #tpu.memory_space<semaphore_mem>>) src(%arg11 : memref<128x128xf32, #tpu.memory_space<vmem>>) dst(%dma_wait3A_125 : memref<10240x128xf32, #tpu.memory_space<vmem_shared>>)
      %add3A_126 = arith.constant 2 : i32
      %add3A_127 = arith.addi %mul3A_49, %add3A_126 : i32
      %add3A_128 = arith.constant 1 : i32
      %add3A_129 = arith.addi %add3A_127, %add3A_128 : i32
      %dma_start3A_130 = arith.constant 0 : i32
      %dma_start3A_131 = tpu.memref_slice %arg8[%add3A_129, %dma_start3A_130] : memref<16x128xi32, #tpu.memory_space<vmem>> -> memref<1x128xi32, #tpu.memory_space<vmem>>
      %dma_start3A_132 = tpu.memref_squeeze %dma_start3A_131 : memref<1x128xi32, #tpu.memory_space<vmem>> -> memref<128xi32, #tpu.memory_space<vmem>>
      %dma_start3A_133 = arith.constant 0 : i32
      %dma_start3A_134 = arith.constant 0 : i32
      %dma_start3A_135 = tpu.memref_slice %arg2[%dma_start3A_133, %dma_start3A_134] : memref<10240x128xf32, #tpu.memory_space<hbm>> -> memref<10240x128xf32, #tpu.memory_space<hbm>>
      tpu.enqueue_indirect_dma source(%dma_start3A_135 : memref<10240x128xf32, #tpu.memory_space<hbm>>) target(%arg11 : memref<128x128xf32, #tpu.memory_space<vmem>>) offsets(%dma_start3A_132 : memref<128xi32, #tpu.memory_space<vmem>>) semaphore(%arg13 : memref<!tpu.dma_semaphore, #tpu.memory_space<semaphore_mem>>)
      %add3A_136 = arith.constant 2 : i32
      %add3A_137 = arith.addi %mul3A_49, %add3A_136 : i32
      %dma_wait3A_138 = arith.constant 0 : i32
      %dma_wait3A_139 = tpu.memref_slice %arg8[%add3A_137, %dma_wait3A_138] : memref<16x128xi32, #tpu.memory_space<vmem>> -> memref<1x128xi32, #tpu.memory_space<vmem>>
      %dma_wait3A_140 = tpu.memref_squeeze %dma_wait3A_139 : memref<1x128xi32, #tpu.memory_space<vmem>> -> memref<128xi32, #tpu.memory_space<vmem>>
      %dma_wait3A_141 = arith.constant 0 : i32
      %dma_wait3A_142 = arith.constant 0 : i32
      %dma_wait3A_143 = tpu.memref_slice %arg2[%dma_wait3A_141, %dma_wait3A_142] : memref<10240x128xf32, #tpu.memory_space<hbm>> -> memref<10240x128xf32, #tpu.memory_space<hbm>>
      tpu.wait_indirect_dma semaphore(%arg12 : memref<!tpu.dma_semaphore, #tpu.memory_space<semaphore_mem>>) src(%dma_wait3A_143 : memref<10240x128xf32, #tpu.memory_space<hbm>>) dst(%arg10 : memref<128x128xf32, #tpu.memory_space<vmem>>)
      %add3A_144 = arith.constant 2 : i32
      %add3A_145 = arith.addi %mul3A_49, %add3A_144 : i32
      %dma_start3A_146 = arith.constant 0 : i32
      %dma_start3A_147 = tpu.memref_slice %arg9[%add3A_145, %dma_start3A_146] : memref<16x128xi32, #tpu.memory_space<vmem>> -> memref<1x128xi32, #tpu.memory_space<vmem>>
      %dma_start3A_148 = tpu.memref_squeeze %dma_start3A_147 : memref<1x128xi32, #tpu.memory_space<vmem>> -> memref<128xi32, #tpu.memory_space<vmem>>
      %dma_start3A_149 = arith.constant 0 : i32
      %dma_start3A_150 = arith.constant 0 : i32
      %dma_start3A_151 = tpu.memref_slice %arg7[%dma_start3A_149, %dma_start3A_150] : memref<10240x128xf32, #tpu.memory_space<vmem_shared>> -> memref<10240x128xf32, #tpu.memory_space<vmem_shared>>
      tpu.enqueue_indirect_dma source(%arg10 : memref<128x128xf32, #tpu.memory_space<vmem>>) target(%dma_start3A_151 : memref<10240x128xf32, #tpu.memory_space<vmem_shared>>) offsets(%dma_start3A_148 : memref<128xi32, #tpu.memory_space<vmem>>) semaphore(%arg14 : memref<!tpu.dma_semaphore, #tpu.memory_space<semaphore_mem>>) {add = true}
      %dma_wait3A_152 = arith.constant 0 : i32
      %dma_wait3A_153 = arith.constant 0 : i32
      %dma_wait3A_154 = tpu.memref_slice %arg9[%dma_wait3A_152, %dma_wait3A_153] : memref<16x128xi32, #tpu.memory_space<vmem>> -> memref<1x128xi32, #tpu.memory_space<vmem>>
      %dma_wait3A_155 = tpu.memref_squeeze %dma_wait3A_154 : memref<1x128xi32, #tpu.memory_space<vmem>> -> memref<128xi32, #tpu.memory_space<vmem>>
      %dma_wait3A_156 = arith.constant 0 : i32
      %dma_wait3A_157 = arith.constant 0 : i32
      %dma_wait3A_158 = tpu.memref_slice %arg7[%dma_wait3A_156, %dma_wait3A_157] : memref<10240x128xf32, #tpu.memory_space<vmem_shared>> -> memref<10240x128xf32, #tpu.memory_space<vmem_shared>>
      tpu.wait_indirect_dma semaphore(%arg14 : memref<!tpu.dma_semaphore, #tpu.memory_space<semaphore_mem>>) src(%arg10 : memref<128x128xf32, #tpu.memory_space<vmem>>) dst(%dma_wait3A_158 : memref<10240x128xf32, #tpu.memory_space<vmem_shared>>)
      %add3A_159 = arith.constant 3 : i32
      %add3A_160 = arith.addi %mul3A_49, %add3A_159 : i32
      %add3A_161 = arith.constant 1 : i32
      %add3A_162 = arith.addi %add3A_160, %add3A_161 : i32
      %dma_start3A_163 = arith.constant 0 : i32
      %dma_start3A_164 = tpu.memref_slice %arg8[%add3A_162, %dma_start3A_163] : memref<16x128xi32, #tpu.memory_space<vmem>> -> memref<1x128xi32, #tpu.memory_space<vmem>>
      %dma_start3A_165 = tpu.memref_squeeze %dma_start3A_164 : memref<1x128xi32, #tpu.memory_space<vmem>> -> memref<128xi32, #tpu.memory_space<vmem>>
      %dma_start3A_166 = arith.constant 0 : i32
      %dma_start3A_167 = arith.constant 0 : i32
      %dma_start3A_168 = tpu.memref_slice %arg2[%dma_start3A_166, %dma_start3A_167] : memref<10240x128xf32, #tpu.memory_space<hbm>> -> memref<10240x128xf32, #tpu.memory_space<hbm>>
      tpu.enqueue_indirect_dma source(%dma_start3A_168 : memref<10240x128xf32, #tpu.memory_space<hbm>>) target(%arg10 : memref<128x128xf32, #tpu.memory_space<vmem>>) offsets(%dma_start3A_165 : memref<128xi32, #tpu.memory_space<vmem>>) semaphore(%arg12 : memref<!tpu.dma_semaphore, #tpu.memory_space<semaphore_mem>>)
      %add3A_169 = arith.constant 3 : i32
      %add3A_170 = arith.addi %mul3A_49, %add3A_169 : i32
      %dma_wait3A_171 = arith.constant 0 : i32
      %dma_wait3A_172 = tpu.memref_slice %arg8[%add3A_170, %dma_wait3A_171] : memref<16x128xi32, #tpu.memory_space<vmem>> -> memref<1x128xi32, #tpu.memory_space<vmem>>
      %dma_wait3A_173 = tpu.memref_squeeze %dma_wait3A_172 : memref<1x128xi32, #tpu.memory_space<vmem>> -> memref<128xi32, #tpu.memory_space<vmem>>
      %dma_wait3A_174 = arith.constant 0 : i32
      %dma_wait3A_175 = arith.constant 0 : i32
      %dma_wait3A_176 = tpu.memref_slice %arg2[%dma_wait3A_174, %dma_wait3A_175] : memref<10240x128xf32, #tpu.memory_space<hbm>> -> memref<10240x128xf32, #tpu.memory_space<hbm>>
      tpu.wait_indirect_dma semaphore(%arg13 : memref<!tpu.dma_semaphore, #tpu.memory_space<semaphore_mem>>) src(%dma_wait3A_176 : memref<10240x128xf32, #tpu.memory_space<hbm>>) dst(%arg11 : memref<128x128xf32, #tpu.memory_space<vmem>>)
      %add3A_177 = arith.constant 3 : i32
      %add3A_178 = arith.addi %mul3A_49, %add3A_177 : i32
      %dma_start3A_179 = arith.constant 0 : i32
      %dma_start3A_180 = tpu.memref_slice %arg9[%add3A_178, %dma_start3A_179] : memref<16x128xi32, #tpu.memory_space<vmem>> -> memref<1x128xi32, #tpu.memory_space<vmem>>
      %dma_start3A_181 = tpu.memref_squeeze %dma_start3A_180 : memref<1x128xi32, #tpu.memory_space<vmem>> -> memref<128xi32, #tpu.memory_space<vmem>>
      %dma_start3A_182 = arith.constant 0 : i32
      %dma_start3A_183 = arith.constant 0 : i32
      %dma_start3A_184 = tpu.memref_slice %arg7[%dma_start3A_182, %dma_start3A_183] : memref<10240x128xf32, #tpu.memory_space<vmem_shared>> -> memref<10240x128xf32, #tpu.memory_space<vmem_shared>>
      tpu.enqueue_indirect_dma source(%arg11 : memref<128x128xf32, #tpu.memory_space<vmem>>) target(%dma_start3A_184 : memref<10240x128xf32, #tpu.memory_space<vmem_shared>>) offsets(%dma_start3A_181 : memref<128xi32, #tpu.memory_space<vmem>>) semaphore(%arg15 : memref<!tpu.dma_semaphore, #tpu.memory_space<semaphore_mem>>) {add = true}
      %dma_wait3A_185 = arith.constant 0 : i32
      %dma_wait3A_186 = arith.constant 0 : i32
      %dma_wait3A_187 = tpu.memref_slice %arg9[%dma_wait3A_185, %dma_wait3A_186] : memref<16x128xi32, #tpu.memory_space<vmem>> -> memref<1x128xi32, #tpu.memory_space<vmem>>
      %dma_wait3A_188 = tpu.memref_squeeze %dma_wait3A_187 : memref<1x128xi32, #tpu.memory_space<vmem>> -> memref<128xi32, #tpu.memory_space<vmem>>
      %dma_wait3A_189 = arith.constant 0 : i32
      %dma_wait3A_190 = arith.constant 0 : i32
      %dma_wait3A_191 = tpu.memref_slice %arg7[%dma_wait3A_189, %dma_wait3A_190] : memref<10240x128xf32, #tpu.memory_space<vmem_shared>> -> memref<10240x128xf32, #tpu.memory_space<vmem_shared>>
      tpu.wait_indirect_dma semaphore(%arg15 : memref<!tpu.dma_semaphore, #tpu.memory_space<semaphore_mem>>) src(%arg11 : memref<128x128xf32, #tpu.memory_space<vmem>>) dst(%dma_wait3A_191 : memref<10240x128xf32, #tpu.memory_space<vmem_shared>>)
      %add3A_192 = arith.constant 4 : i32
      %add3A_193 = arith.addi %mul3A_49, %add3A_192 : i32
      %add3A_194 = arith.constant 1 : i32
      %add3A_195 = arith.addi %add3A_193, %add3A_194 : i32
      %dma_start3A_196 = arith.constant 0 : i32
      %dma_start3A_197 = tpu.memref_slice %arg8[%add3A_195, %dma_start3A_196] : memref<16x128xi32, #tpu.memory_space<vmem>> -> memref<1x128xi32, #tpu.memory_space<vmem>>
      %dma_start3A_198 = tpu.memref_squeeze %dma_start3A_197 : memref<1x128xi32, #tpu.memory_space<vmem>> -> memref<128xi32, #tpu.memory_space<vmem>>
      %dma_start3A_199 = arith.constant 0 : i32
      %dma_start3A_200 = arith.constant 0 : i32
      %dma_start3A_201 = tpu.memref_slice %arg2[%dma_start3A_199, %dma_start3A_200] : memref<10240x128xf32, #tpu.memory_space<hbm>> -> memref<10240x128xf32, #tpu.memory_space<hbm>>
      tpu.enqueue_indirect_dma source(%dma_start3A_201 : memref<10240x128xf32, #tpu.memory_space<hbm>>) target(%arg11 : memref<128x128xf32, #tpu.memory_space<vmem>>) offsets(%dma_start3A_198 : memref<128xi32, #tpu.memory_space<vmem>>) semaphore(%arg13 : memref<!tpu.dma_semaphore, #tpu.memory_space<semaphore_mem>>)
      %add3A_202 = arith.constant 4 : i32
      %add3A_203 = arith.addi %mul3A_49, %add3A_202 : i32
      %dma_wait3A_204 = arith.constant 0 : i32
      %dma_wait3A_205 = tpu.memref_slice %arg8[%add3A_203, %dma_wait3A_204] : memref<16x128xi32, #tpu.memory_space<vmem>> -> memref<1x128xi32, #tpu.memory_space<vmem>>
      %dma_wait3A_206 = tpu.memref_squeeze %dma_wait3A_205 : memref<1x128xi32, #tpu.memory_space<vmem>> -> memref<128xi32, #tpu.memory_space<vmem>>
      %dma_wait3A_207 = arith.constant 0 : i32
      %dma_wait3A_208 = arith.constant 0 : i32
      %dma_wait3A_209 = tpu.memref_slice %arg2[%dma_wait3A_207, %dma_wait3A_208] : memref<10240x128xf32, #tpu.memory_space<hbm>> -> memref<10240x128xf32, #tpu.memory_space<hbm>>
      tpu.wait_indirect_dma semaphore(%arg12 : memref<!tpu.dma_semaphore, #tpu.memory_space<semaphore_mem>>) src(%dma_wait3A_209 : memref<10240x128xf32, #tpu.memory_space<hbm>>) dst(%arg10 : memref<128x128xf32, #tpu.memory_space<vmem>>)
      %add3A_210 = arith.constant 4 : i32
      %add3A_211 = arith.addi %mul3A_49, %add3A_210 : i32
      %dma_start3A_212 = arith.constant 0 : i32
      %dma_start3A_213 = tpu.memref_slice %arg9[%add3A_211, %dma_start3A_212] : memref<16x128xi32, #tpu.memory_space<vmem>> -> memref<1x128xi32, #tpu.memory_space<vmem>>
      %dma_start3A_214 = tpu.memref_squeeze %dma_start3A_213 : memref<1x128xi32, #tpu.memory_space<vmem>> -> memref<128xi32, #tpu.memory_space<vmem>>
      %dma_start3A_215 = arith.constant 0 : i32
      %dma_start3A_216 = arith.constant 0 : i32
      %dma_start3A_217 = tpu.memref_slice %arg7[%dma_start3A_215, %dma_start3A_216] : memref<10240x128xf32, #tpu.memory_space<vmem_shared>> -> memref<10240x128xf32, #tpu.memory_space<vmem_shared>>
      tpu.enqueue_indirect_dma source(%arg10 : memref<128x128xf32, #tpu.memory_space<vmem>>) target(%dma_start3A_217 : memref<10240x128xf32, #tpu.memory_space<vmem_shared>>) offsets(%dma_start3A_214 : memref<128xi32, #tpu.memory_space<vmem>>) semaphore(%arg14 : memref<!tpu.dma_semaphore, #tpu.memory_space<semaphore_mem>>) {add = true}
      %dma_wait3A_218 = arith.constant 0 : i32
      %dma_wait3A_219 = arith.constant 0 : i32
      %dma_wait3A_220 = tpu.memref_slice %arg9[%dma_wait3A_218, %dma_wait3A_219] : memref<16x128xi32, #tpu.memory_space<vmem>> -> memref<1x128xi32, #tpu.memory_space<vmem>>
      %dma_wait3A_221 = tpu.memref_squeeze %dma_wait3A_220 : memref<1x128xi32, #tpu.memory_space<vmem>> -> memref<128xi32, #tpu.memory_space<vmem>>
      %dma_wait3A_222 = arith.constant 0 : i32
      %dma_wait3A_223 = arith.constant 0 : i32
      %dma_wait3A_224 = tpu.memref_slice %arg7[%dma_wait3A_222, %dma_wait3A_223] : memref<10240x128xf32, #tpu.memory_space<vmem_shared>> -> memref<10240x128xf32, #tpu.memory_space<vmem_shared>>
      tpu.wait_indirect_dma semaphore(%arg14 : memref<!tpu.dma_semaphore, #tpu.memory_space<semaphore_mem>>) src(%arg10 : memref<128x128xf32, #tpu.memory_space<vmem>>) dst(%dma_wait3A_224 : memref<10240x128xf32, #tpu.memory_space<vmem_shared>>)
      %add3A_225 = arith.constant 5 : i32
      %add3A_226 = arith.addi %mul3A_49, %add3A_225 : i32
      %add3A_227 = arith.constant 1 : i32
      %add3A_228 = arith.addi %add3A_226, %add3A_227 : i32
      %dma_start3A_229 = arith.constant 0 : i32
      %dma_start3A_230 = tpu.memref_slice %arg8[%add3A_228, %dma_start3A_229] : memref<16x128xi32, #tpu.memory_space<vmem>> -> memref<1x128xi32, #tpu.memory_space<vmem>>
      %dma_start3A_231 = tpu.memref_squeeze %dma_start3A_230 : memref<1x128xi32, #tpu.memory_space<vmem>> -> memref<128xi32, #tpu.memory_space<vmem>>
      %dma_start3A_232 = arith.constant 0 : i32
      %dma_start3A_233 = arith.constant 0 : i32
      %dma_start3A_234 = tpu.memref_slice %arg2[%dma_start3A_232, %dma_start3A_233] : memref<10240x128xf32, #tpu.memory_space<hbm>> -> memref<10240x128xf32, #tpu.memory_space<hbm>>
      tpu.enqueue_indirect_dma source(%dma_start3A_234 : memref<10240x128xf32, #tpu.memory_space<hbm>>) target(%arg10 : memref<128x128xf32, #tpu.memory_space<vmem>>) offsets(%dma_start3A_231 : memref<128xi32, #tpu.memory_space<vmem>>) semaphore(%arg12 : memref<!tpu.dma_semaphore, #tpu.memory_space<semaphore_mem>>)
      %add3A_235 = arith.constant 5 : i32
      %add3A_236 = arith.addi %mul3A_49, %add3A_235 : i32
      %dma_wait3A_237 = arith.constant 0 : i32
      %dma_wait3A_238 = tpu.memref_slice %arg8[%add3A_236, %dma_wait3A_237] : memref<16x128xi32, #tpu.memory_space<vmem>> -> memref<1x128xi32, #tpu.memory_space<vmem>>
      %dma_wait3A_239 = tpu.memref_squeeze %dma_wait3A_238 : memref<1x128xi32, #tpu.memory_space<vmem>> -> memref<128xi32, #tpu.memory_space<vmem>>
      %dma_wait3A_240 = arith.constant 0 : i32
      %dma_wait3A_241 = arith.constant 0 : i32
      %dma_wait3A_242 = tpu.memref_slice %arg2[%dma_wait3A_240, %dma_wait3A_241] : memref<10240x128xf32, #tpu.memory_space<hbm>> -> memref<10240x128xf32, #tpu.memory_space<hbm>>
      tpu.wait_indirect_dma semaphore(%arg13 : memref<!tpu.dma_semaphore, #tpu.memory_space<semaphore_mem>>) src(%dma_wait3A_242 : memref<10240x128xf32, #tpu.memory_space<hbm>>) dst(%arg11 : memref<128x128xf32, #tpu.memory_space<vmem>>)
      %add3A_243 = arith.constant 5 : i32
      %add3A_244 = arith.addi %mul3A_49, %add3A_243 : i32
      %dma_start3A_245 = arith.constant 0 : i32
      %dma_start3A_246 = tpu.memref_slice %arg9[%add3A_244, %dma_start3A_245] : memref<16x128xi32, #tpu.memory_space<vmem>> -> memref<1x128xi32, #tpu.memory_space<vmem>>
      %dma_start3A_247 = tpu.memref_squeeze %dma_start3A_246 : memref<1x128xi32, #tpu.memory_space<vmem>> -> memref<128xi32, #tpu.memory_space<vmem>>
      %dma_start3A_248 = arith.constant 0 : i32
      %dma_start3A_249 = arith.constant 0 : i32
      %dma_start3A_250 = tpu.memref_slice %arg7[%dma_start3A_248, %dma_start3A_249] : memref<10240x128xf32, #tpu.memory_space<vmem_shared>> -> memref<10240x128xf32, #tpu.memory_space<vmem_shared>>
      tpu.enqueue_indirect_dma source(%arg11 : memref<128x128xf32, #tpu.memory_space<vmem>>) target(%dma_start3A_250 : memref<10240x128xf32, #tpu.memory_space<vmem_shared>>) offsets(%dma_start3A_247 : memref<128xi32, #tpu.memory_space<vmem>>) semaphore(%arg15 : memref<!tpu.dma_semaphore, #tpu.memory_space<semaphore_mem>>) {add = true}
      %dma_wait3A_251 = arith.constant 0 : i32
      %dma_wait3A_252 = arith.constant 0 : i32
      %dma_wait3A_253 = tpu.memref_slice %arg9[%dma_wait3A_251, %dma_wait3A_252] : memref<16x128xi32, #tpu.memory_space<vmem>> -> memref<1x128xi32, #tpu.memory_space<vmem>>
      %dma_wait3A_254 = tpu.memref_squeeze %dma_wait3A_253 : memref<1x128xi32, #tpu.memory_space<vmem>> -> memref<128xi32, #tpu.memory_space<vmem>>
      %dma_wait3A_255 = arith.constant 0 : i32
      %dma_wait3A_256 = arith.constant 0 : i32
      %dma_wait3A_257 = tpu.memref_slice %arg7[%dma_wait3A_255, %dma_wait3A_256] : memref<10240x128xf32, #tpu.memory_space<vmem_shared>> -> memref<10240x128xf32, #tpu.memory_space<vmem_shared>>
      tpu.wait_indirect_dma semaphore(%arg15 : memref<!tpu.dma_semaphore, #tpu.memory_space<semaphore_mem>>) src(%arg11 : memref<128x128xf32, #tpu.memory_space<vmem>>) dst(%dma_wait3A_257 : memref<10240x128xf32, #tpu.memory_space<vmem_shared>>)
      %add3A_258 = arith.constant 6 : i32
      %add3A_259 = arith.addi %mul3A_49, %add3A_258 : i32
      %add3A_260 = arith.constant 1 : i32
      %add3A_261 = arith.addi %add3A_259, %add3A_260 : i32
      %dma_start3A_262 = arith.constant 0 : i32
      %dma_start3A_263 = tpu.memref_slice %arg8[%add3A_261, %dma_start3A_262] : memref<16x128xi32, #tpu.memory_space<vmem>> -> memref<1x128xi32, #tpu.memory_space<vmem>>
      %dma_start3A_264 = tpu.memref_squeeze %dma_start3A_263 : memref<1x128xi32, #tpu.memory_space<vmem>> -> memref<128xi32, #tpu.memory_space<vmem>>
      %dma_start3A_265 = arith.constant 0 : i32
      %dma_start3A_266 = arith.constant 0 : i32
      %dma_start3A_267 = tpu.memref_slice %arg2[%dma_start3A_265, %dma_start3A_266] : memref<10240x128xf32, #tpu.memory_space<hbm>> -> memref<10240x128xf32, #tpu.memory_space<hbm>>
      tpu.enqueue_indirect_dma source(%dma_start3A_267 : memref<10240x128xf32, #tpu.memory_space<hbm>>) target(%arg11 : memref<128x128xf32, #tpu.memory_space<vmem>>) offsets(%dma_start3A_264 : memref<128xi32, #tpu.memory_space<vmem>>) semaphore(%arg13 : memref<!tpu.dma_semaphore, #tpu.memory_space<semaphore_mem>>)
      %add3A_268 = arith.constant 6 : i32
      %add3A_269 = arith.addi %mul3A_49, %add3A_268 : i32
      %dma_wait3A_270 = arith.constant 0 : i32
      %dma_wait3A_271 = tpu.memref_slice %arg8[%add3A_269, %dma_wait3A_270] : memref<16x128xi32, #tpu.memory_space<vmem>> -> memref<1x128xi32, #tpu.memory_space<vmem>>
      %dma_wait3A_272 = tpu.memref_squeeze %dma_wait3A_271 : memref<1x128xi32, #tpu.memory_space<vmem>> -> memref<128xi32, #tpu.memory_space<vmem>>
      %dma_wait3A_273 = arith.constant 0 : i32
      %dma_wait3A_274 = arith.constant 0 : i32
      %dma_wait3A_275 = tpu.memref_slice %arg2[%dma_wait3A_273, %dma_wait3A_274] : memref<10240x128xf32, #tpu.memory_space<hbm>> -> memref<10240x128xf32, #tpu.memory_space<hbm>>
      tpu.wait_indirect_dma semaphore(%arg12 : memref<!tpu.dma_semaphore, #tpu.memory_space<semaphore_mem>>) src(%dma_wait3A_275 : memref<10240x128xf32, #tpu.memory_space<hbm>>) dst(%arg10 : memref<128x128xf32, #tpu.memory_space<vmem>>)
      %add3A_276 = arith.constant 6 : i32
      %add3A_277 = arith.addi %mul3A_49, %add3A_276 : i32
      %dma_start3A_278 = arith.constant 0 : i32
      %dma_start3A_279 = tpu.memref_slice %arg9[%add3A_277, %dma_start3A_278] : memref<16x128xi32, #tpu.memory_space<vmem>> -> memref<1x128xi32, #tpu.memory_space<vmem>>
      %dma_start3A_280 = tpu.memref_squeeze %dma_start3A_279 : memref<1x128xi32, #tpu.memory_space<vmem>> -> memref<128xi32, #tpu.memory_space<vmem>>
      %dma_start3A_281 = arith.constant 0 : i32
      %dma_start3A_282 = arith.constant 0 : i32
      %dma_start3A_283 = tpu.memref_slice %arg7[%dma_start3A_281, %dma_start3A_282] : memref<10240x128xf32, #tpu.memory_space<vmem_shared>> -> memref<10240x128xf32, #tpu.memory_space<vmem_shared>>
      tpu.enqueue_indirect_dma source(%arg10 : memref<128x128xf32, #tpu.memory_space<vmem>>) target(%dma_start3A_283 : memref<10240x128xf32, #tpu.memory_space<vmem_shared>>) offsets(%dma_start3A_280 : memref<128xi32, #tpu.memory_space<vmem>>) semaphore(%arg14 : memref<!tpu.dma_semaphore, #tpu.memory_space<semaphore_mem>>) {add = true}
      %add3A_284 = arith.constant 1 : i32
      %add3A_285 = arith.addi %scan3A_37, %add3A_284 : i32
      %lt3A_286 = arith.constant 5 : i32
      %lt3A_287 = arith.cmpi slt, %add3A_285, %lt3A_286 : i32
      %convert_element_type3A_288 = arith.extui %lt3A_287 : i1 to i32
      %cond3A_289 = arith.constant 0 : i32
      %cond3A_290 = arith.cmpi ne, %convert_element_type3A_288, %cond3A_289 : i32
      scf.if %cond3A_290 {
        %dma_wait3A_307 = arith.constant 0 : i32
        %dma_wait3A_308 = arith.constant 0 : i32
        %dma_wait3A_309 = tpu.memref_slice %arg9[%dma_wait3A_307, %dma_wait3A_308] : memref<16x128xi32, #tpu.memory_space<vmem>> -> memref<1x128xi32, #tpu.memory_space<vmem>>
        %dma_wait3A_310 = tpu.memref_squeeze %dma_wait3A_309 : memref<1x128xi32, #tpu.memory_space<vmem>> -> memref<128xi32, #tpu.memory_space<vmem>>
        %dma_wait3A_311 = arith.constant 0 : i32
        %dma_wait3A_312 = arith.constant 0 : i32
        %dma_wait3A_313 = tpu.memref_slice %arg7[%dma_wait3A_311, %dma_wait3A_312] : memref<10240x128xf32, #tpu.memory_space<vmem_shared>> -> memref<10240x128xf32, #tpu.memory_space<vmem_shared>>
        tpu.wait_indirect_dma semaphore(%arg14 : memref<!tpu.dma_semaphore, #tpu.memory_space<semaphore_mem>>) src(%arg10 : memref<128x128xf32, #tpu.memory_space<vmem>>) dst(%dma_wait3A_313 : memref<10240x128xf32, #tpu.memory_space<vmem_shared>>)
        %add3A_314 = arith.constant 1 : i32
        %add3A_315 = arith.addi %scan3A_37, %add3A_314 : i32
        %mul3A_316 = arith.constant 8 : i32
        %mul3A_317 = arith.muli %add3A_315, %mul3A_316 : i32
        %dma_wait3A_318 = arith.constant 0 : i32
        %dma_wait3A_319 = tpu.memref_slice %arg8[%sub3A_50, %dma_wait3A_318] : memref<16x128xi32, #tpu.memory_space<vmem>> -> memref<8x128xi32, #tpu.memory_space<vmem>>
        %dma_wait3A_320 = arith.constant 0 : i32
        %dma_wait3A_321 = arith.constant 0 : i32
        %dma_wait3A_322 = tpu.memref_slice %arg3[%add3A, %dma_wait3A_320, %dma_wait3A_321] : memref<32x40x128xi32, #tpu.memory_space<hbm>> -> memref<1x40x128xi32, #tpu.memory_space<hbm>>
        %dma_wait3A_323 = tpu.memref_squeeze %dma_wait3A_322 : memref<1x40x128xi32, #tpu.memory_space<hbm>> -> memref<40x128xi32, #tpu.memory_space<hbm>>
        %dma_wait3A_324 = arith.constant 0 : i32
        %dma_wait3A_325 = tpu.memref_slice %dma_wait3A_323[%mul3A_317, %dma_wait3A_324] : memref<40x128xi32, #tpu.memory_space<hbm>> -> memref<8x128xi32, #tpu.memory_space<hbm>>
        %dma_wait3A_326 = arith.constant 0 : i32
        %dma_wait3A_327 = tpu.memref_slice %arg8[%sub3A_50, %dma_wait3A_326] : memref<16x128xi32, #tpu.memory_space<vmem>> -> memref<8x128xi32, #tpu.memory_space<vmem>>
        %dma_wait3A_328 = arith.constant 0 : i32
        %dma_wait3A_329 = arith.constant 0 : i32
        %dma_wait3A_330 = tpu.memref_slice %arg3[%add3A, %dma_wait3A_328, %dma_wait3A_329] : memref<32x40x128xi32, #tpu.memory_space<hbm>> -> memref<1x40x128xi32, #tpu.memory_space<hbm>>
        %dma_wait3A_331 = tpu.memref_squeeze %dma_wait3A_330 : memref<1x40x128xi32, #tpu.memory_space<hbm>> -> memref<40x128xi32, #tpu.memory_space<hbm>>
        %dma_wait3A_332 = arith.constant 0 : i32
        %dma_wait3A_333 = tpu.memref_slice %dma_wait3A_331[%mul3A_317, %dma_wait3A_332] : memref<40x128xi32, #tpu.memory_space<hbm>> -> memref<8x128xi32, #tpu.memory_space<hbm>>
        tpu.wait_dma2 semaphore(%arg16 : memref<!tpu.dma_semaphore, #tpu.memory_space<semaphore_mem>>) src(%dma_wait3A_333 : memref<8x128xi32, #tpu.memory_space<hbm>>) dst(%dma_wait3A_327 : memref<8x128xi32, #tpu.memory_space<vmem>>)
        %add3A_334 = arith.constant 1 : i32
        %add3A_335 = arith.addi %scan3A_37, %add3A_334 : i32
        %mul3A_336 = arith.constant 8 : i32
        %mul3A_337 = arith.muli %add3A_335, %mul3A_336 : i32
        %dma_wait3A_338 = arith.constant 0 : i32
        %dma_wait3A_339 = tpu.memref_slice %arg9[%sub3A_50, %dma_wait3A_338] : memref<16x128xi32, #tpu.memory_space<vmem>> -> memref<8x128xi32, #tpu.memory_space<vmem>>
        %dma_wait3A_340 = arith.constant 0 : i32
        %dma_wait3A_341 = arith.constant 0 : i32
        %dma_wait3A_342 = tpu.memref_slice %arg4[%add3A, %dma_wait3A_340, %dma_wait3A_341] : memref<32x40x128xi32, #tpu.memory_space<hbm>> -> memref<1x40x128xi32, #tpu.memory_space<hbm>>
        %dma_wait3A_343 = tpu.memref_squeeze %dma_wait3A_342 : memref<1x40x128xi32, #tpu.memory_space<hbm>> -> memref<40x128xi32, #tpu.memory_space<hbm>>
        %dma_wait3A_344 = arith.constant 0 : i32
        %dma_wait3A_345 = tpu.memref_slice %dma_wait3A_343[%mul3A_337, %dma_wait3A_344] : memref<40x128xi32, #tpu.memory_space<hbm>> -> memref<8x128xi32, #tpu.memory_space<hbm>>
        %dma_wait3A_346 = arith.constant 0 : i32
        %dma_wait3A_347 = tpu.memref_slice %arg9[%sub3A_50, %dma_wait3A_346] : memref<16x128xi32, #tpu.memory_space<vmem>> -> memref<8x128xi32, #tpu.memory_space<vmem>>
        %dma_wait3A_348 = arith.constant 0 : i32
        %dma_wait3A_349 = arith.constant 0 : i32
        %dma_wait3A_350 = tpu.memref_slice %arg4[%add3A, %dma_wait3A_348, %dma_wait3A_349] : memref<32x40x128xi32, #tpu.memory_space<hbm>> -> memref<1x40x128xi32, #tpu.memory_space<hbm>>
        %dma_wait3A_351 = tpu.memref_squeeze %dma_wait3A_350 : memref<1x40x128xi32, #tpu.memory_space<hbm>> -> memref<40x128xi32, #tpu.memory_space<hbm>>
        %dma_wait3A_352 = arith.constant 0 : i32
        %dma_wait3A_353 = tpu.memref_slice %dma_wait3A_351[%mul3A_337, %dma_wait3A_352] : memref<40x128xi32, #tpu.memory_space<hbm>> -> memref<8x128xi32, #tpu.memory_space<hbm>>
        tpu.wait_dma2 semaphore(%arg17 : memref<!tpu.dma_semaphore, #tpu.memory_space<semaphore_mem>>) src(%dma_wait3A_353 : memref<8x128xi32, #tpu.memory_space<hbm>>) dst(%dma_wait3A_347 : memref<8x128xi32, #tpu.memory_space<vmem>>)
        %dma_start3A_354 = arith.constant 0 : i32
        %dma_start3A_355 = tpu.memref_slice %arg8[%sub3A_50, %dma_start3A_354] : memref<16x128xi32, #tpu.memory_space<vmem>> -> memref<1x128xi32, #tpu.memory_space<vmem>>
        %dma_start3A_356 = tpu.memref_squeeze %dma_start3A_355 : memref<1x128xi32, #tpu.memory_space<vmem>> -> memref<128xi32, #tpu.memory_space<vmem>>
        %dma_start3A_357 = arith.constant 0 : i32
        %dma_start3A_358 = arith.constant 0 : i32
        %dma_start3A_359 = tpu.memref_slice %arg2[%dma_start3A_357, %dma_start3A_358] : memref<10240x128xf32, #tpu.memory_space<hbm>> -> memref<10240x128xf32, #tpu.memory_space<hbm>>
        tpu.enqueue_indirect_dma source(%dma_start3A_359 : memref<10240x128xf32, #tpu.memory_space<hbm>>) target(%arg10 : memref<128x128xf32, #tpu.memory_space<vmem>>) offsets(%dma_start3A_356 : memref<128xi32, #tpu.memory_space<vmem>>) semaphore(%arg12 : memref<!tpu.dma_semaphore, #tpu.memory_space<semaphore_mem>>)
      } else {
      }
      %add3A_291 = arith.constant 7 : i32
      %add3A_292 = arith.addi %mul3A_49, %add3A_291 : i32
      %dma_wait3A_293 = arith.constant 0 : i32
      %dma_wait3A_294 = tpu.memref_slice %arg8[%add3A_292, %dma_wait3A_293] : memref<16x128xi32, #tpu.memory_space<vmem>> -> memref<1x128xi32, #tpu.memory_space<vmem>>
      %dma_wait3A_295 = tpu.memref_squeeze %dma_wait3A_294 : memref<1x128xi32, #tpu.memory_space<vmem>> -> memref<128xi32, #tpu.memory_space<vmem>>
      %dma_wait3A_296 = arith.constant 0 : i32
      %dma_wait3A_297 = arith.constant 0 : i32
      %dma_wait3A_298 = tpu.memref_slice %arg2[%dma_wait3A_296, %dma_wait3A_297] : memref<10240x128xf32, #tpu.memory_space<hbm>> -> memref<10240x128xf32, #tpu.memory_space<hbm>>
      tpu.wait_indirect_dma semaphore(%arg13 : memref<!tpu.dma_semaphore, #tpu.memory_space<semaphore_mem>>) src(%dma_wait3A_298 : memref<10240x128xf32, #tpu.memory_space<hbm>>) dst(%arg11 : memref<128x128xf32, #tpu.memory_space<vmem>>)
      %add3A_299 = arith.constant 7 : i32
      %add3A_300 = arith.addi %mul3A_49, %add3A_299 : i32
      %dma_start3A_301 = arith.constant 0 : i32
      %dma_start3A_302 = tpu.memref_slice %arg9[%add3A_300, %dma_start3A_301] : memref<16x128xi32, #tpu.memory_space<vmem>> -> memref<1x128xi32, #tpu.memory_space<vmem>>
      %dma_start3A_303 = tpu.memref_squeeze %dma_start3A_302 : memref<1x128xi32, #tpu.memory_space<vmem>> -> memref<128xi32, #tpu.memory_space<vmem>>
      %dma_start3A_304 = arith.constant 0 : i32
      %dma_start3A_305 = arith.constant 0 : i32
      %dma_start3A_306 = tpu.memref_slice %arg7[%dma_start3A_304, %dma_start3A_305] : memref<10240x128xf32, #tpu.memory_space<vmem_shared>> -> memref<10240x128xf32, #tpu.memory_space<vmem_shared>>
      tpu.enqueue_indirect_dma source(%arg11 : memref<128x128xf32, #tpu.memory_space<vmem>>) target(%dma_start3A_306 : memref<10240x128xf32, #tpu.memory_space<vmem_shared>>) offsets(%dma_start3A_303 : memref<128xi32, #tpu.memory_space<vmem>>) semaphore(%arg15 : memref<!tpu.dma_semaphore, #tpu.memory_space<semaphore_mem>>) {add = true}
    }
    %scan3A_15 = arith.constant 5 : i32
    %dma_wait3A = arith.constant 0 : i32
    %dma_wait3A_16 = arith.constant 0 : i32
    %dma_wait3A_17 = tpu.memref_slice %arg9[%dma_wait3A, %dma_wait3A_16] : memref<16x128xi32, #tpu.memory_space<vmem>> -> memref<1x128xi32, #tpu.memory_space<vmem>>
    %dma_wait3A_18 = tpu.memref_squeeze %dma_wait3A_17 : memref<1x128xi32, #tpu.memory_space<vmem>> -> memref<128xi32, #tpu.memory_space<vmem>>
    %dma_wait3A_19 = arith.constant 0 : i32
    %dma_wait3A_20 = arith.constant 0 : i32
    %dma_wait3A_21 = tpu.memref_slice %arg7[%dma_wait3A_19, %dma_wait3A_20] : memref<10240x128xf32, #tpu.memory_space<vmem_shared>> -> memref<10240x128xf32, #tpu.memory_space<vmem_shared>>
    tpu.wait_indirect_dma semaphore(%arg14 : memref<!tpu.dma_semaphore, #tpu.memory_space<semaphore_mem>>) src(%arg10 : memref<128x128xf32, #tpu.memory_space<vmem>>) dst(%dma_wait3A_21 : memref<10240x128xf32, #tpu.memory_space<vmem_shared>>)
    %dma_wait3A_22 = arith.constant 0 : i32
    %dma_wait3A_23 = arith.constant 0 : i32
    %dma_wait3A_24 = tpu.memref_slice %arg9[%dma_wait3A_22, %dma_wait3A_23] : memref<16x128xi32, #tpu.memory_space<vmem>> -> memref<1x128xi32, #tpu.memory_space<vmem>>
    %dma_wait3A_25 = tpu.memref_squeeze %dma_wait3A_24 : memref<1x128xi32, #tpu.memory_space<vmem>> -> memref<128xi32, #tpu.memory_space<vmem>>
    %dma_wait3A_26 = arith.constant 0 : i32
    %dma_wait3A_27 = arith.constant 0 : i32
    %dma_wait3A_28 = tpu.memref_slice %arg7[%dma_wait3A_26, %dma_wait3A_27] : memref<10240x128xf32, #tpu.memory_space<vmem_shared>> -> memref<10240x128xf32, #tpu.memory_space<vmem_shared>>
    tpu.wait_indirect_dma semaphore(%arg15 : memref<!tpu.dma_semaphore, #tpu.memory_space<semaphore_mem>>) src(%arg11 : memref<128x128xf32, #tpu.memory_space<vmem>>) dst(%dma_wait3A_28 : memref<10240x128xf32, #tpu.memory_space<vmem_shared>>)
    %barrier3A_29 = arith.constant 0 : index
    tpu.barrier barrier_id(%barrier3A_29)
    %eq3A = arith.constant 0 : i32
    %eq3A_30 = arith.cmpi eq, %arg0, %eq3A : i32
    %convert_element_type3A = arith.extui %eq3A_30 : i1 to i32
    %cond3A = arith.constant 0 : i32
    %cond3A_31 = arith.cmpi ne, %convert_element_type3A, %cond3A : i32
    scf.if %cond3A_31 {
      %mul3A_37 = arith.constant 640 : i32
      %mul3A_38 = arith.muli %arg1, %mul3A_37 : i32
      %mul3A_39 = arith.constant 640 : i32
      %mul3A_40 = arith.muli %arg1, %mul3A_39 : i32
      "tpu.region"() ({
        %run_scoped3A = tpu.sem_alloc : memref<!tpu.dma_semaphore, #tpu.memory_space<semaphore_mem>>
        %dma_start3A_41 = arith.constant 0 : i32
        %dma_start3A_42 = tpu.memref_slice %arg5[%mul3A_40, %dma_start3A_41] : memref<10240x128xf32, #tpu.memory_space<hbm>> -> memref<640x128xf32, #tpu.memory_space<hbm>>
        %dma_start3A_43 = arith.constant 0 : i32
        %dma_start3A_44 = tpu.memref_slice %arg7[%mul3A_38, %dma_start3A_43] : memref<10240x128xf32, #tpu.memory_space<vmem_shared>> -> memref<640x128xf32, #tpu.memory_space<vmem_shared>>
        tpu.enqueue_dma source(%dma_start3A_44 : memref<640x128xf32, #tpu.memory_space<vmem_shared>>) target(%dma_start3A_42 : memref<640x128xf32, #tpu.memory_space<hbm>>) target_semaphore(%run_scoped3A : memref<!tpu.dma_semaphore, #tpu.memory_space<semaphore_mem>>)
        %dma_wait3A_45 = arith.constant 0 : i32
        %dma_wait3A_46 = tpu.memref_slice %arg5[%mul3A_40, %dma_wait3A_45] : memref<10240x128xf32, #tpu.memory_space<hbm>> -> memref<640x128xf32, #tpu.memory_space<hbm>>
        %dma_wait3A_47 = arith.constant 0 : i32
        %dma_wait3A_48 = tpu.memref_slice %arg7[%mul3A_38, %dma_wait3A_47] : memref<10240x128xf32, #tpu.memory_space<vmem_shared>> -> memref<640x128xf32, #tpu.memory_space<vmem_shared>>
        tpu.wait_dma2 semaphore(%run_scoped3A : memref<!tpu.dma_semaphore, #tpu.memory_space<semaphore_mem>>) src(%dma_wait3A_48 : memref<640x128xf32, #tpu.memory_space<vmem_shared>>) dst(%dma_wait3A_46 : memref<640x128xf32, #tpu.memory_space<hbm>>)
        tpu.yield
      }) : () -> ()
    } else {
    }
    %eq3A_32 = arith.constant 1 : i32
    %eq3A_33 = arith.cmpi eq, %arg0, %eq3A_32 : i32
    %convert_element_type3A_34 = arith.extui %eq3A_33 : i1 to i32
    %cond3A_35 = arith.constant 0 : i32
    %cond3A_36 = arith.cmpi ne, %convert_element_type3A_34, %cond3A_35 : i32
    scf.if %cond3A_36 {
      %mul3A_37 = arith.constant 640 : i32
      %mul3A_38 = arith.muli %arg1, %mul3A_37 : i32
      %mul3A_39 = arith.constant 640 : i32
      %mul3A_40 = arith.muli %arg1, %mul3A_39 : i32
      "tpu.region"() ({
        %run_scoped3A = tpu.sem_alloc : memref<!tpu.dma_semaphore, #tpu.memory_space<semaphore_mem>>
        %dma_start3A_41 = arith.constant 0 : i32
        %dma_start3A_42 = tpu.memref_slice %arg6[%mul3A_40, %dma_start3A_41] : memref<10240x128xf32, #tpu.memory_space<hbm>> -> memref<640x128xf32, #tpu.memory_space<hbm>>
        %dma_start3A_43 = arith.constant 0 : i32
        %dma_start3A_44 = tpu.memref_slice %arg7[%mul3A_38, %dma_start3A_43] : memref<10240x128xf32, #tpu.memory_space<vmem_shared>> -> memref<640x128xf32, #tpu.memory_space<vmem_shared>>
        tpu.enqueue_dma source(%dma_start3A_44 : memref<640x128xf32, #tpu.memory_space<vmem_shared>>) target(%dma_start3A_42 : memref<640x128xf32, #tpu.memory_space<hbm>>) target_semaphore(%run_scoped3A : memref<!tpu.dma_semaphore, #tpu.memory_space<semaphore_mem>>)
        %dma_wait3A_45 = arith.constant 0 : i32
        %dma_wait3A_46 = tpu.memref_slice %arg6[%mul3A_40, %dma_wait3A_45] : memref<10240x128xf32, #tpu.memory_space<hbm>> -> memref<640x128xf32, #tpu.memory_space<hbm>>
        %dma_wait3A_47 = arith.constant 0 : i32
        %dma_wait3A_48 = tpu.memref_slice %arg7[%mul3A_38, %dma_wait3A_47] : memref<10240x128xf32, #tpu.memory_space<vmem_shared>> -> memref<640x128xf32, #tpu.memory_space<vmem_shared>>
        tpu.wait_dma2 semaphore(%run_scoped3A : memref<!tpu.dma_semaphore, #tpu.memory_space<semaphore_mem>>) src(%dma_wait3A_48 : memref<640x128xf32, #tpu.memory_space<vmem_shared>>) dst(%dma_wait3A_46 : memref<640x128xf32, #tpu.memory_space<hbm>>)
        tpu.yield
      }) : () -> ()
    } else {
    }
    return
  }
}

module attributes {stable_mosaic.version = 14 : i64} {
  func.func @_mlp0_body(%arg0: i32, %arg1: memref<1024x128xf32, #tpu.memory_space<vmem>>, %arg2: memref<1024x128xf32, #tpu.memory_space<vmem>>, %arg3: memref<1024x128xf32, #tpu.memory_space<vmem>>, %arg4: memref<1024x128xf32, #tpu.memory_space<vmem>>, %arg5: memref<1024x128xf32, #tpu.memory_space<vmem>>, %arg6: memref<128x256xf32, #tpu.memory_space<vmem>>, %arg7: memref<128x256xf32, #tpu.memory_space<vmem>>, %arg8: memref<128x256xf32, #tpu.memory_space<vmem>>, %arg9: memref<1x256xf32, #tpu.memory_space<vmem>>, %arg10: memref<256x256xf32, #tpu.memory_space<vmem>>, %arg11: memref<1x256xf32, #tpu.memory_space<vmem>>, %arg12: memref<1024x128xf32, #tpu.memory_space<vmem>>, %arg13: memref<1024x128xf32, #tpu.memory_space<vmem>>) attributes {dimension_semantics = [#tpu.dimension_semantics<arbitrary>], iteration_bounds = array<i64: 10>, scalar_prefetch = 0 : i64, scratch_operands = 0 : i64, tpu.core_type = #tpu.core_type<tc>, window_params = [{transform_indices = @transform_0, window_bounds = array<i64: 1024, 128>}, {transform_indices = @transform_1, window_bounds = array<i64: 1024, 128>}, {transform_indices = @transform_2, window_bounds = array<i64: 1024, 128>}, {transform_indices = @transform_3, window_bounds = array<i64: 1024, 128>}, {transform_indices = @transform_4, window_bounds = array<i64: 1024, 128>}, {pipeline_mode = #tpu.pipeline_mode<synchronous>, transform_indices = @transform_5, window_bounds = array<i64: 128, 256>}, {pipeline_mode = #tpu.pipeline_mode<synchronous>, transform_indices = @transform_6, window_bounds = array<i64: 128, 256>}, {pipeline_mode = #tpu.pipeline_mode<synchronous>, transform_indices = @transform_7, window_bounds = array<i64: 128, 256>}, {pipeline_mode = #tpu.pipeline_mode<synchronous>, transform_indices = @transform_8, window_bounds = array<i64: 1, 256>}, {pipeline_mode = #tpu.pipeline_mode<synchronous>, transform_indices = @transform_9, window_bounds = array<i64: 256, 256>}, {pipeline_mode = #tpu.pipeline_mode<synchronous>, transform_indices = @transform_10, window_bounds = array<i64: 1, 256>}, {transform_indices = @transform_11, window_bounds = array<i64: 1024, 128>}, {transform_indices = @transform_12, window_bounds = array<i64: 1024, 128>}]} {
    %get3A = arith.constant 0 : index
    %get3A_0 = arith.constant 0 : index
    %get3A_1 = vector.load %arg1[%get3A, %get3A_0] : memref<1024x128xf32, #tpu.memory_space<vmem>>, vector<1024x128xf32>
    %get3A_2 = arith.constant 0 : index
    %get3A_3 = arith.constant 0 : index
    %get3A_4 = vector.load %arg6[%get3A_2, %get3A_3] : memref<128x256xf32, #tpu.memory_space<vmem>>, vector<128x256xf32>
    %dot_general3A = arith.constant dense<0.000000e+00> : vector<1024x256xf32>
    %dot_general3A_5 = tpu.matmul %get3A_1, %get3A_4, %dot_general3A {dimension_numbers = #tpu.dot_dimension_numbers<[1], [0], [0], [1], [0, 0, 1, 1], [], []>, transpose_lhs_hint = false} : vector<1024x128xf32>, vector<128x256xf32>, vector<1024x256xf32> -> vector<1024x256xf32>
    %get3A_6 = arith.constant 0 : index
    %get3A_7 = arith.constant 0 : index
    %get3A_8 = vector.load %arg2[%get3A_6, %get3A_7] : memref<1024x128xf32, #tpu.memory_space<vmem>>, vector<1024x128xf32>
    %get3A_9 = arith.constant 0 : index
    %get3A_10 = arith.constant 0 : index
    %get3A_11 = vector.load %arg7[%get3A_9, %get3A_10] : memref<128x256xf32, #tpu.memory_space<vmem>>, vector<128x256xf32>
    %dot_general3A_12 = arith.constant dense<0.000000e+00> : vector<1024x256xf32>
    %dot_general3A_13 = tpu.matmul %get3A_8, %get3A_11, %dot_general3A_12 {dimension_numbers = #tpu.dot_dimension_numbers<[1], [0], [0], [1], [0, 0, 1, 1], [], []>, transpose_lhs_hint = false} : vector<1024x128xf32>, vector<128x256xf32>, vector<1024x256xf32> -> vector<1024x256xf32>
    %add3A = arith.addf %dot_general3A_5, %dot_general3A_13 : vector<1024x256xf32>
    %get3A_14 = arith.constant 0 : index
    %get3A_15 = arith.constant 0 : index
    %get3A_16 = vector.load %arg3[%get3A_14, %get3A_15] : memref<1024x128xf32, #tpu.memory_space<vmem>>, vector<1024x128xf32>
    %get3A_17 = arith.constant 0 : index
    %get3A_18 = arith.constant 0 : index
    %get3A_19 = vector.load %arg4[%get3A_17, %get3A_18] : memref<1024x128xf32, #tpu.memory_space<vmem>>, vector<1024x128xf32>
    %add3A_20 = arith.addf %get3A_16, %get3A_19 : vector<1024x128xf32>
    %get3A_21 = arith.constant 0 : index
    %get3A_22 = arith.constant 0 : index
    %get3A_23 = vector.load %arg5[%get3A_21, %get3A_22] : memref<1024x128xf32, #tpu.memory_space<vmem>>, vector<1024x128xf32>
    %sub3A = arith.subf %add3A_20, %get3A_23 : vector<1024x128xf32>
    %get3A_24 = arith.constant 0 : index
    %get3A_25 = arith.constant 0 : index
    %get3A_26 = vector.load %arg8[%get3A_24, %get3A_25] : memref<128x256xf32, #tpu.memory_space<vmem>>, vector<128x256xf32>
    %dot_general3A_27 = arith.constant dense<0.000000e+00> : vector<1024x256xf32>
    %dot_general3A_28 = tpu.matmul %sub3A, %get3A_26, %dot_general3A_27 {dimension_numbers = #tpu.dot_dimension_numbers<[1], [0], [0], [1], [0, 0, 1, 1], [], []>, transpose_lhs_hint = false} : vector<1024x128xf32>, vector<128x256xf32>, vector<1024x256xf32> -> vector<1024x256xf32>
    %add3A_29 = arith.addf %add3A, %dot_general3A_28 : vector<1024x256xf32>
    %get3A_30 = arith.constant 0 : index
    %get3A_31 = arith.constant 0 : index
    %get3A_32 = vector.load %arg9[%get3A_30, %get3A_31] : memref<1x256xf32, #tpu.memory_space<vmem>>, vector<1x256xf32>
    %add3A_33 = vector.broadcast %get3A_32 : vector<1x256xf32> to vector<1024x256xf32>
    %add3A_34 = arith.addf %add3A_29, %add3A_33 : vector<1024x256xf32>
    %max3A = arith.constant 0.000000e+00 : f32
    %max3A_35 = vector.broadcast %max3A : f32 to vector<1024x256xf32>
    %max3A_36 = arith.maximumf %add3A_34, %max3A_35 : vector<1024x256xf32>
    %get3A_37 = arith.constant 0 : index
    %get3A_38 = arith.constant 0 : index
    %get3A_39 = vector.load %arg10[%get3A_37, %get3A_38] : memref<256x256xf32, #tpu.memory_space<vmem>>, vector<256x256xf32>
    %dot_general3A_40 = arith.constant dense<0.000000e+00> : vector<1024x256xf32>
    %dot_general3A_41 = tpu.matmul %max3A_36, %get3A_39, %dot_general3A_40 {dimension_numbers = #tpu.dot_dimension_numbers<[1], [0], [0], [1], [0, 0, 1, 1], [], []>, transpose_lhs_hint = false} : vector<1024x256xf32>, vector<256x256xf32>, vector<1024x256xf32> -> vector<1024x256xf32>
    %get3A_42 = arith.constant 0 : index
    %get3A_43 = arith.constant 0 : index
    %get3A_44 = vector.load %arg11[%get3A_42, %get3A_43] : memref<1x256xf32, #tpu.memory_space<vmem>>, vector<1x256xf32>
    %add3A_45 = vector.broadcast %get3A_44 : vector<1x256xf32> to vector<1024x256xf32>
    %add3A_46 = arith.addf %dot_general3A_41, %add3A_45 : vector<1024x256xf32>
    %max3A_47 = arith.constant 0.000000e+00 : f32
    %max3A_48 = vector.broadcast %max3A_47 : f32 to vector<1024x256xf32>
    %max3A_49 = arith.maximumf %add3A_46, %max3A_48 : vector<1024x256xf32>
    %slice3A = vector.extract_strided_slice %max3A_49 {offsets = [0, 0], sizes = [1024, 128], strides = [1, 1]} : vector<1024x256xf32> to vector<1024x128xf32>
    %swap3A = arith.constant 0 : index
    %swap3A_50 = arith.constant 0 : index
    %swap3A_51 = vector.load %arg12[%swap3A, %swap3A_50] : memref<1024x128xf32, #tpu.memory_space<vmem>>, vector<1024x128xf32>
    tpu.vector_store %arg12[%swap3A, %swap3A_50], %slice3A {strides = array<i32>} : memref<1024x128xf32, #tpu.memory_space<vmem>>, vector<1024x128xf32>,
    %slice3A_52 = vector.extract_strided_slice %max3A_49 {offsets = [0, 128], sizes = [1024, 128], strides = [1, 1]} : vector<1024x256xf32> to vector<1024x128xf32>
    %swap3A_53 = arith.constant 0 : index
    %swap3A_54 = arith.constant 0 : index
    %swap3A_55 = vector.load %arg13[%swap3A_53, %swap3A_54] : memref<1024x128xf32, #tpu.memory_space<vmem>>, vector<1024x128xf32>
    tpu.vector_store %arg13[%swap3A_53, %swap3A_54], %slice3A_52 {strides = array<i32>} : memref<1024x128xf32, #tpu.memory_space<vmem>>, vector<1024x128xf32>,
    return
  }
  func.func @transform_0(%arg0: i32) -> (i32, i32) {
    %c0_i32 = arith.constant 0 : i32
    %c0_i32_0 = arith.constant 0 : i32
    return %arg0, %c0_i32 : i32, i32
  }
  func.func @transform_1(%arg0: i32) -> (i32, i32) {
    %c0_i32 = arith.constant 0 : i32
    %c0_i32_0 = arith.constant 0 : i32
    return %arg0, %c0_i32 : i32, i32
  }
  func.func @transform_2(%arg0: i32) -> (i32, i32) {
    %c0_i32 = arith.constant 0 : i32
    %c0_i32_0 = arith.constant 0 : i32
    return %arg0, %c0_i32 : i32, i32
  }
  func.func @transform_3(%arg0: i32) -> (i32, i32) {
    %c0_i32 = arith.constant 0 : i32
    %c0_i32_0 = arith.constant 0 : i32
    return %arg0, %c0_i32 : i32, i32
  }
  func.func @transform_4(%arg0: i32) -> (i32, i32) {
    %c0_i32 = arith.constant 0 : i32
    %c0_i32_0 = arith.constant 0 : i32
    return %arg0, %c0_i32 : i32, i32
  }
  func.func @transform_5(%arg0: i32) -> (i32, i32) {
    %c0_i32 = arith.constant 0 : i32
    %c0_i32_0 = arith.constant 0 : i32
    %c0_i32_1 = arith.constant 0 : i32
    return %c0_i32, %c0_i32_0 : i32, i32
  }
  func.func @transform_6(%arg0: i32) -> (i32, i32) {
    %c0_i32 = arith.constant 0 : i32
    %c0_i32_0 = arith.constant 0 : i32
    %c0_i32_1 = arith.constant 0 : i32
    return %c0_i32, %c0_i32_0 : i32, i32
  }
  func.func @transform_7(%arg0: i32) -> (i32, i32) {
    %c0_i32 = arith.constant 0 : i32
    %c0_i32_0 = arith.constant 0 : i32
    %c0_i32_1 = arith.constant 0 : i32
    return %c0_i32, %c0_i32_0 : i32, i32
  }
  func.func @transform_8(%arg0: i32) -> (i32, i32) {
    %c0_i32 = arith.constant 0 : i32
    %c0_i32_0 = arith.constant 0 : i32
    %c0_i32_1 = arith.constant 0 : i32
    return %c0_i32, %c0_i32_0 : i32, i32
  }
  func.func @transform_9(%arg0: i32) -> (i32, i32) {
    %c0_i32 = arith.constant 0 : i32
    %c0_i32_0 = arith.constant 0 : i32
    %c0_i32_1 = arith.constant 0 : i32
    return %c0_i32, %c0_i32_0 : i32, i32
  }
  func.func @transform_10(%arg0: i32) -> (i32, i32) {
    %c0_i32 = arith.constant 0 : i32
    %c0_i32_0 = arith.constant 0 : i32
    %c0_i32_1 = arith.constant 0 : i32
    return %c0_i32, %c0_i32_0 : i32, i32
  }
  func.func @transform_11(%arg0: i32) -> (i32, i32) {
    %c0_i32 = arith.constant 0 : i32
    %c0_i32_0 = arith.constant 0 : i32
    return %arg0, %c0_i32 : i32, i32
  }
  func.func @transform_12(%arg0: i32) -> (i32, i32) {
    %c0_i32 = arith.constant 0 : i32
    %c0_i32_0 = arith.constant 0 : i32
    return %arg0, %c0_i32 : i32, i32
  }
}

module attributes {stable_mosaic.version = 14 : i64} {
  func.func @_mlp1_pool_body(%arg0: i32, %arg1: memref<1024x128xf32, #tpu.memory_space<vmem>>, %arg2: memref<1024x128xf32, #tpu.memory_space<vmem>>, %arg3: memref<128x256xf32, #tpu.memory_space<vmem>>, %arg4: memref<128x256xf32, #tpu.memory_space<vmem>>, %arg5: memref<1x256xf32, #tpu.memory_space<vmem>>, %arg6: memref<256x256xf32, #tpu.memory_space<vmem>>, %arg7: memref<1x256xf32, #tpu.memory_space<vmem>>, %arg8: memref<1x1x1024xi32, #tpu.memory_space<vmem>>, %arg9: memref<64x256xf32, #tpu.memory_space<vmem>>, %arg10: memref<64x256xf32, #tpu.memory_space<vmem>>, %arg11: memref<64x128xf32, #tpu.memory_space<vmem>>) attributes {dimension_semantics = [#tpu.dimension_semantics<arbitrary>], iteration_bounds = array<i64: 10>, scalar_prefetch = 0 : i64, scratch_operands = 2 : i64, tpu.core_type = #tpu.core_type<tc>, window_params = [{transform_indices = @transform_0, window_bounds = array<i64: 1024, 128>}, {transform_indices = @transform_1, window_bounds = array<i64: 1024, 128>}, {pipeline_mode = #tpu.pipeline_mode<synchronous>, transform_indices = @transform_2, window_bounds = array<i64: 128, 256>}, {pipeline_mode = #tpu.pipeline_mode<synchronous>, transform_indices = @transform_3, window_bounds = array<i64: 128, 256>}, {pipeline_mode = #tpu.pipeline_mode<synchronous>, transform_indices = @transform_4, window_bounds = array<i64: 1, 256>}, {pipeline_mode = #tpu.pipeline_mode<synchronous>, transform_indices = @transform_5, window_bounds = array<i64: 256, 256>}, {pipeline_mode = #tpu.pipeline_mode<synchronous>, transform_indices = @transform_6, window_bounds = array<i64: 1, 256>}, {transform_indices = @transform_7, window_bounds = array<i64: 1, 1, 1024>}, {pipeline_mode = #tpu.pipeline_mode<synchronous>, transform_indices = @transform_8, window_bounds = array<i64: 64, 256>}]} {
    %eq3A = arith.constant 0 : i32
    %eq3A_0 = arith.cmpi eq, %arg0, %eq3A : i32
    %convert_element_type3A = arith.extui %eq3A_0 : i1 to i32
    %cond3A = arith.constant 0 : i32
    %cond3A_1 = arith.cmpi ne, %convert_element_type3A, %cond3A : i32
    scf.if %cond3A_1 {
      %broadcast_in_dim3A_67 = arith.constant 0.000000e+00 : f32
      %broadcast_in_dim3A_68 = vector.broadcast %broadcast_in_dim3A_67 : f32 to vector<64x256xf32>
      %swap3A_69 = arith.constant 0 : index
      %swap3A_70 = arith.constant 0 : index
      %swap3A_71 = vector.load %arg10[%swap3A_69, %swap3A_70] : memref<64x256xf32, #tpu.memory_space<vmem>>, vector<64x256xf32>
      tpu.vector_store %arg10[%swap3A_69, %swap3A_70], %broadcast_in_dim3A_68 {strides = array<i32>} : memref<64x256xf32, #tpu.memory_space<vmem>>, vector<64x256xf32>,
      %broadcast_in_dim3A_72 = arith.constant 0.000000e+00 : f32
      %broadcast_in_dim3A_73 = vector.broadcast %broadcast_in_dim3A_72 : f32 to vector<64x128xf32>
      %swap3A_74 = arith.constant 0 : index
      %swap3A_75 = arith.constant 0 : index
      %swap3A_76 = vector.load %arg11[%swap3A_74, %swap3A_75] : memref<64x128xf32, #tpu.memory_space<vmem>>, vector<64x128xf32>
      tpu.vector_store %arg11[%swap3A_74, %swap3A_75], %broadcast_in_dim3A_73 {strides = array<i32>} : memref<64x128xf32, #tpu.memory_space<vmem>>, vector<64x128xf32>,
    } else {
    }
    %get3A = arith.constant 0 : index
    %get3A_2 = arith.constant 0 : index
    %get3A_3 = vector.load %arg1[%get3A, %get3A_2] : memref<1024x128xf32, #tpu.memory_space<vmem>>, vector<1024x128xf32>
    %get3A_4 = arith.constant 0 : index
    %get3A_5 = arith.constant 0 : index
    %get3A_6 = vector.load %arg3[%get3A_4, %get3A_5] : memref<128x256xf32, #tpu.memory_space<vmem>>, vector<128x256xf32>
    %dot_general3A = arith.constant dense<0.000000e+00> : vector<1024x256xf32>
    %dot_general3A_7 = tpu.matmul %get3A_3, %get3A_6, %dot_general3A {dimension_numbers = #tpu.dot_dimension_numbers<[1], [0], [0], [1], [0, 0, 1, 1], [], []>, transpose_lhs_hint = false} : vector<1024x128xf32>, vector<128x256xf32>, vector<1024x256xf32> -> vector<1024x256xf32>
    %get3A_8 = arith.constant 0 : index
    %get3A_9 = arith.constant 0 : index
    %get3A_10 = vector.load %arg2[%get3A_8, %get3A_9] : memref<1024x128xf32, #tpu.memory_space<vmem>>, vector<1024x128xf32>
    %get3A_11 = arith.constant 0 : index
    %get3A_12 = arith.constant 0 : index
    %get3A_13 = vector.load %arg4[%get3A_11, %get3A_12] : memref<128x256xf32, #tpu.memory_space<vmem>>, vector<128x256xf32>
    %dot_general3A_14 = arith.constant dense<0.000000e+00> : vector<1024x256xf32>
    %dot_general3A_15 = tpu.matmul %get3A_10, %get3A_13, %dot_general3A_14 {dimension_numbers = #tpu.dot_dimension_numbers<[1], [0], [0], [1], [0, 0, 1, 1], [], []>, transpose_lhs_hint = false} : vector<1024x128xf32>, vector<128x256xf32>, vector<1024x256xf32> -> vector<1024x256xf32>
    %add3A = arith.addf %dot_general3A_7, %dot_general3A_15 : vector<1024x256xf32>
    %get3A_16 = arith.constant 0 : index
    %get3A_17 = arith.constant 0 : index
    %get3A_18 = vector.load %arg5[%get3A_16, %get3A_17] : memref<1x256xf32, #tpu.memory_space<vmem>>, vector<1x256xf32>
    %add3A_19 = vector.broadcast %get3A_18 : vector<1x256xf32> to vector<1024x256xf32>
    %add3A_20 = arith.addf %add3A, %add3A_19 : vector<1024x256xf32>
    %max3A = arith.constant 0.000000e+00 : f32
    %max3A_21 = vector.broadcast %max3A : f32 to vector<1024x256xf32>
    %max3A_22 = arith.maximumf %add3A_20, %max3A_21 : vector<1024x256xf32>
    %get3A_23 = arith.constant 0 : index
    %get3A_24 = arith.constant 0 : index
    %get3A_25 = vector.load %arg6[%get3A_23, %get3A_24] : memref<256x256xf32, #tpu.memory_space<vmem>>, vector<256x256xf32>
    %dot_general3A_26 = arith.constant dense<0.000000e+00> : vector<1024x256xf32>
    %dot_general3A_27 = tpu.matmul %max3A_22, %get3A_25, %dot_general3A_26 {dimension_numbers = #tpu.dot_dimension_numbers<[1], [0], [0], [1], [0, 0, 1, 1], [], []>, transpose_lhs_hint = false} : vector<1024x256xf32>, vector<256x256xf32>, vector<1024x256xf32> -> vector<1024x256xf32>
    %get3A_28 = arith.constant 0 : index
    %get3A_29 = arith.constant 0 : index
    %get3A_30 = vector.load %arg7[%get3A_28, %get3A_29] : memref<1x256xf32, #tpu.memory_space<vmem>>, vector<1x256xf32>
    %add3A_31 = vector.broadcast %get3A_30 : vector<1x256xf32> to vector<1024x256xf32>
    %add3A_32 = arith.addf %dot_general3A_27, %add3A_31 : vector<1024x256xf32>
    %max3A_33 = arith.constant 0.000000e+00 : f32
    %max3A_34 = vector.broadcast %max3A_33 : f32 to vector<1024x256xf32>
    %max3A_35 = arith.maximumf %add3A_32, %max3A_34 : vector<1024x256xf32>
    %get3A_36 = arith.constant 0 : index
    %get3A_37 = arith.constant 0 : index
    %get3A_38 = arith.constant 0 : index
    %get3A_39 = vector.load %arg8[%get3A_36, %get3A_37, %get3A_38] : memref<1x1x1024xi32, #tpu.memory_space<vmem>>, vector<1x1x1024xi32>
    %get3A_40 = vector.shape_cast %get3A_39 : vector<1x1x1024xi32> to vector<1x1024xi32>
    %iota3A = tpu.iota {dimensions = array<i32: 0>} : vector<64x1024xi32>
    %eq3A_41 = vector.broadcast %get3A_40 : vector<1x1024xi32> to vector<64x1024xi32>
    %eq3A_42 = arith.cmpi eq, %iota3A, %eq3A_41 : vector<64x1024xi32>
    %convert_element_type3A_43 = arith.extui %eq3A_42 : vector<64x1024xi1> to vector<64x1024xi32>
    %convert_element_type3A_44 = arith.sitofp %convert_element_type3A_43 : vector<64x1024xi32> to vector<64x1024xf32>
    %get3A_45 = arith.constant 0 : index
    %get3A_46 = arith.constant 0 : index
    %get3A_47 = vector.load %arg10[%get3A_45, %get3A_46] : memref<64x256xf32, #tpu.memory_space<vmem>>, vector<64x256xf32>
    %dot_general3A_48 = arith.constant dense<0.000000e+00> : vector<64x256xf32>
    %dot_general3A_49 = tpu.matmul %convert_element_type3A_44, %max3A_35, %dot_general3A_48 {dimension_numbers = #tpu.dot_dimension_numbers<[1], [0], [0], [1], [0, 0, 1, 1], [], []>, transpose_lhs_hint = false} : vector<64x1024xf32>, vector<1024x256xf32>, vector<64x256xf32> -> vector<64x256xf32>
    %add3A_50 = arith.addf %get3A_47, %dot_general3A_49 : vector<64x256xf32>
    %swap3A = arith.constant 0 : index
    %swap3A_51 = arith.constant 0 : index
    %swap3A_52 = vector.load %arg10[%swap3A, %swap3A_51] : memref<64x256xf32, #tpu.memory_space<vmem>>, vector<64x256xf32>
    tpu.vector_store %arg10[%swap3A, %swap3A_51], %add3A_50 {strides = array<i32>} : memref<64x256xf32, #tpu.memory_space<vmem>>, vector<64x256xf32>,
    %get3A_53 = arith.constant 0 : index
    %get3A_54 = arith.constant 0 : index
    %get3A_55 = vector.load %arg11[%get3A_53, %get3A_54] : memref<64x128xf32, #tpu.memory_space<vmem>>, vector<64x128xf32>
    %reduce_sum3A = arith.constant dense<0.000000e+00> : vector<64xf32>
    %reduce_sum3A_56 = vector.multi_reduction <add>, %convert_element_type3A_44, %reduce_sum3A [1] : vector<64x1024xf32> to vector<64xf32>
    %broadcast_in_dim3A = vector.shape_cast %reduce_sum3A_56 : vector<64xf32> to vector<64x1xf32>
    %add3A_57 = vector.broadcast %broadcast_in_dim3A : vector<64x1xf32> to vector<64x128xf32>
    %add3A_58 = arith.addf %get3A_55, %add3A_57 : vector<64x128xf32>
    %swap3A_59 = arith.constant 0 : index
    %swap3A_60 = arith.constant 0 : index
    %swap3A_61 = vector.load %arg11[%swap3A_59, %swap3A_60] : memref<64x128xf32, #tpu.memory_space<vmem>>, vector<64x128xf32>
    tpu.vector_store %arg11[%swap3A_59, %swap3A_60], %add3A_58 {strides = array<i32>} : memref<64x128xf32, #tpu.memory_space<vmem>>, vector<64x128xf32>,
    %eq3A_62 = arith.constant 9 : i32
    %eq3A_63 = arith.cmpi eq, %arg0, %eq3A_62 : i32
    %convert_element_type3A_64 = arith.extui %eq3A_63 : i1 to i32
    %cond3A_65 = arith.constant 0 : i32
    %cond3A_66 = arith.cmpi ne, %convert_element_type3A_64, %cond3A_65 : i32
    scf.if %cond3A_66 {
      %get3A_67 = arith.constant 0 : index
      %get3A_68 = arith.constant 0 : index
      %get3A_69 = vector.load %arg10[%get3A_67, %get3A_68] : memref<64x256xf32, #tpu.memory_space<vmem>>, vector<64x256xf32>
      %get3A_70 = arith.constant 0 : index
      %get3A_71 = arith.constant 0 : index
      %get3A_72 = vector.load %arg11[%get3A_70, %get3A_71] : memref<64x128xf32, #tpu.memory_space<vmem>>, vector<64x1xf32>
      %max3A_73 = arith.constant 1.000000e+00 : f32
      %max3A_74 = vector.broadcast %max3A_73 : f32 to vector<64x1xf32>
      %max3A_75 = arith.maximumf %get3A_72, %max3A_74 : vector<64x1xf32>
      %div3A = vector.broadcast %max3A_75 : vector<64x1xf32> to vector<64x256xf32>
      %div3A_76 = arith.divf %get3A_69, %div3A : vector<64x256xf32>
      %swap3A_77 = arith.constant 0 : index
      %swap3A_78 = arith.constant 0 : index
      %swap3A_79 = vector.load %arg9[%swap3A_77, %swap3A_78] : memref<64x256xf32, #tpu.memory_space<vmem>>, vector<64x256xf32>
      tpu.vector_store %arg9[%swap3A_77, %swap3A_78], %div3A_76 {strides = array<i32>} : memref<64x256xf32, #tpu.memory_space<vmem>>, vector<64x256xf32>,
    } else {
    }
    return
  }
  func.func @transform_0(%arg0: i32) -> (i32, i32) {
    %c0_i32 = arith.constant 0 : i32
    %c0_i32_0 = arith.constant 0 : i32
    return %arg0, %c0_i32 : i32, i32
  }
  func.func @transform_1(%arg0: i32) -> (i32, i32) {
    %c0_i32 = arith.constant 0 : i32
    %c0_i32_0 = arith.constant 0 : i32
    return %arg0, %c0_i32 : i32, i32
  }
  func.func @transform_2(%arg0: i32) -> (i32, i32) {
    %c0_i32 = arith.constant 0 : i32
    %c0_i32_0 = arith.constant 0 : i32
    %c0_i32_1 = arith.constant 0 : i32
    return %c0_i32, %c0_i32_0 : i32, i32
  }
  func.func @transform_3(%arg0: i32) -> (i32, i32) {
    %c0_i32 = arith.constant 0 : i32
    %c0_i32_0 = arith.constant 0 : i32
    %c0_i32_1 = arith.constant 0 : i32
    return %c0_i32, %c0_i32_0 : i32, i32
  }
  func.func @transform_4(%arg0: i32) -> (i32, i32) {
    %c0_i32 = arith.constant 0 : i32
    %c0_i32_0 = arith.constant 0 : i32
    %c0_i32_1 = arith.constant 0 : i32
    return %c0_i32, %c0_i32_0 : i32, i32
  }
  func.func @transform_5(%arg0: i32) -> (i32, i32) {
    %c0_i32 = arith.constant 0 : i32
    %c0_i32_0 = arith.constant 0 : i32
    %c0_i32_1 = arith.constant 0 : i32
    return %c0_i32, %c0_i32_0 : i32, i32
  }
  func.func @transform_6(%arg0: i32) -> (i32, i32) {
    %c0_i32 = arith.constant 0 : i32
    %c0_i32_0 = arith.constant 0 : i32
    %c0_i32_1 = arith.constant 0 : i32
    return %c0_i32, %c0_i32_0 : i32, i32
  }
  func.func @transform_7(%arg0: i32) -> (i32, i32, i32) {
    %c0_i32 = arith.constant 0 : i32
    %c0_i32_0 = arith.constant 0 : i32
    %c0_i32_1 = arith.constant 0 : i32
    return %arg0, %c0_i32, %c0_i32_0 : i32, i32, i32
  }
  func.func @transform_8(%arg0: i32) -> (i32, i32) {
    %c0_i32 = arith.constant 0 : i32
    %c0_i32_0 = arith.constant 0 : i32
    %c0_i32_1 = arith.constant 0 : i32
    return %c0_i32, %c0_i32_0 : i32, i32
  }
}

</mosaic_0001>

<sc_bundles>
// kernel: kernel.11.cloned.1.call-start
scs
__scs_entry_jumppad:
0x0: {  	(pc) =	sbr.rel $0x88, $3  }
0x1: {  	(tag) =	ssettag $0x0;
	lr =	simm.s32 $0x1  }
0x2: {  	[smem:$0x3F94] =	sst lr;
	_ =	strace $0xD0000000  }
0x3: {  	_ = 	snop  }
0x4: {  	_ = 	snop  }
0x5: {  	_ = 	snop  }
0x6: {  	_ = 	snop  }
0x7: {  	_ = 	snop  }
__scs_overlays_trampoline_lowered:
0x8: {  	[smem:$0x3FA3] =	sst s0  }
0x9: {  	[smem:$0x3FA4] =	sst s1  }
0xa: {  	[smem:$0x3FA5] =	sst s2  }
0xb: {  	[smem:$0x3FA6] =	sst s3  }
0xc: {  	[smem:$0x3FA7] =	sst s4  }
0xd: {  	[smem:$0x3FA8] =	sst s5  }
0xe: {  	[smem:$0x3FA9] =	sst s6  }
0xf: {  	[smem:$0x3FAA] =	sst s7  }
0x10: {  	[smem:$0x3FAB] =	sst s8  }
0x11: {  	[smem:$0x3FAC] =	sst s9;
	s0 =	simm.s32 @!p0 $0x0  }
0x12: {  	s1 =	sld [smem:$0x3F92];
	s0 =	simm.s32 @p0 $0x1  }
0x13: {  	[smem:$0x3FAD] =	sst s0;
	s0 =	simm.s32 @!p1 $0x0  }
0x14: {  	s2 =	sld [smem:$0x3F91];
	s0 =	simm.s32 @p1 $0x1  }
0x15: {  	[smem:$0x3FAE] =	sst s0;
	s0 =	simm.s32 @!p2 $0x0  }
0x16: {  	s3 =	sld [smem:$0x3FDB];
	s0 =	simm.s32 @p2 $0x1  }
0x17: {  	s4 =	simm.s32 $0x1BF5;
	[smem:$0x3FB0] =	sst s0  }
0x18: {  	s0 =	sld [smem:$0x3F93];
	_ =	swait.ge [sflag:s4], $0x0  }
0x19: {  	s7 =	sld [smem:$0x3F94]  }
0x1a: {  	s8 =	sadd.s32 $0xFFFFE003, lr  }
0x1b: {  	s9 =	sadd.s32 $0xFFFFFEF7, lr;
	s5 =	simm.s32 $0xFFFFFFFF;
	p2 =	slt.u32 s8, $0xFFFFF086  }
0x1c: {  	p1 =	slt.u32 s9, $0xF7A;
	s5 =	simm.s32 @!p2 $0x0  }
0x1d: {  	s5 =	simm.s32 @p1 $0x1;
	p0 =	seq.s32 s7, s2  }
0x1e: {  	s7 =	smul.u32 @!p0 $0xF7A, s2;
	p2 =	seq.s32 @!p0 s5, $0x0  }
0x1f: {  	s9 =	smul.u32 $0xF7A, s1;
	s8 =	simm.s32 @!p0 $0x1BF5;
	p2 =	por !p2, p0  }
0x20: {  	[sflag:s8] =	ssyncset.s32 @!p0 $0xFFFFF086;
	s6 =	sadd.s32 @!p0 s3, s7;
	s7 =	simm.s32 @!p0 $0x108  }
0x21: {  	s3 =	sadd.s32 s3, s9;
	s6 =	sadd.s32 @!p0 $0x88, s6;
	s7 =	simm.s32 @p2 $0x1082  }
0x22: {  	[simem:s7], [sflag:s8] =	dma.local @!p0 [hbm:s6], $0xF7A  }
0x23: {  	s9 =	sor.u32 $0xD0000000, s2;
	s6 =	simm.s32 $0x108;
	_ =	swait.ge @!p0 [sflag:s8], $0x0  }
0x24: {  	s3 =	sadd.s32 $0x88, s3;
	s6 =	simm.s32 @!p1 $0x1082;
	[sflag:s4] =	ssyncset.s32 $0xFFFFF086  }
0x25: {  	[simem:s6], [sflag:s4] =	dma.local [hbm:s3], $0xF7A  }
0x26: {  	[smem:$0x3F94] =	sst s1;
	(tag) =	ssettag s2;
	_ =	strace s9  }
0x27: {  	s1 =	sld [smem:$0x3FA4]  }
0x28: {  	s2 =	sld [smem:$0x3FA5]  }
0x29: {  	s4 =	sld [smem:$0x3FA7]  }
0x2a: {  	p0 =	seq.s32 s5, $0x0;
	s5 =	sld [smem:$0x3FA8]  }
0x2b: {  	s6 =	sld [smem:$0x3FA9]  }
0x2c: {  	s7 =	sld [smem:$0x3FAA]  }
0x2d: {  	s3 =	simm.s32 $0x108;
	s8 =	sld [smem:$0x3FAB]  }
0x2e: {  	s3 =	simm.s32 @!p0 $0x1082;
	s9 =	sld [smem:$0x3FAC]  }
0x2f: {  	lr =	sadd.s32 s0, s3;
	s0 =	sld [smem:$0x3FA3]  }
0x30: {  	s3 =	sld [smem:$0x3FA6]  }
0x31: {  	[smem:$0x3FAF] =	sst s10  }
0x32: {  	s10 =	sld [smem:$0x3FAD];
	_ =	sdelay $0x3  }
0x33: {  	p0 =	seq.s32 s10, $0x1;
	s10 =	sld [smem:$0x3FAF];
	_ =	sdelay $0x3  }
0x34: {  	[smem:$0x3FAF] =	sst s10  }
0x35: {  	s10 =	sld [smem:$0x3FAE];
	_ =	sdelay $0x3  }
0x36: {  	p1 =	seq.s32 s10, $0x1;
	s10 =	sld [smem:$0x3FAF];
	_ =	sdelay $0x3  }
0x37: {  	[smem:$0x3FAF] =	sst s10  }
0x38: {  	s10 =	sld [smem:$0x3FB0]  }
0x39: {  	_ = 	snop;
	(pc) =	sbr.ind lr, $3  }
0x3a: {  	_ = 	snop  }
0x3b: {  	_ = 	snop  }
0x3c: {  	p2 =	seq.s32 s10, $0x1;
	s10 =	sld [smem:$0x3FAF]  }
0x3d: {  	_ =	shalt  }
0x3e: {  	_ =	shalt  }
0x3f: {  	_ =	shalt  }
0x40: {  	_ =	shalt  }
0x41: {  	_ =	shalt  }
0x42: {  	_ =	shalt  }
0x43: {  	_ =	shalt  }
0x44: {  	_ =	shalt  }
0x45: {  	_ =	shalt  }
0x46: {  	_ =	shalt  }
0x47: {  	_ =	shalt  }
0x48: {  	_ =	shalt  }
0x49: {  	_ =	shalt  }
0x4a: {  	_ =	shalt  }
0x4b: {  	_ =	shalt  }
0x4c: {  	_ =	shalt  }
0x4d: {  	_ =	shalt  }
0x4e: {  	_ =	shalt  }
0x4f: {  	_ =	shalt  }
0x50: {  	_ =	shalt  }
0x51: {  	_ =	shalt  }
0x52: {  	_ =	shalt  }
0x53: {  	_ =	shalt  }
0x54: {  	_ =	shalt  }
0x55: {  	_ =	shalt  }
0x56: {  	_ =	shalt  }
0x57: {  	_ =	shalt  }
0x58: {  	_ =	shalt  }
0x59: {  	_ =	shalt  }
0x5a: {  	_ =	shalt  }
0x5b: {  	_ =	shalt  }
0x5c: {  	_ =	shalt  }
0x5d: {  	_ =	shalt  }
0x5e: {  	_ =	shalt  }
0x5f: {  	_ =	shalt  }
0x60: {  	_ =	shalt  }
0x61: {  	_ =	shalt  }
0x62: {  	_ =	shalt  }
0x63: {  	_ =	shalt  }
0x64: {  	_ =	shalt  }
0x65: {  	_ =	shalt  }
0x66: {  	_ =	shalt  }
0x67: {  	_ =	shalt  }
0x68: {  	_ =	shalt  }
0x69: {  	_ =	shalt  }
0x6a: {  	_ =	shalt  }
0x6b: {  	_ =	shalt  }
0x6c: {  	_ =	shalt  }
0x6d: {  	_ =	shalt  }
0x6e: {  	_ =	shalt  }
0x6f: {  	_ =	shalt  }
0x70: {  	_ =	shalt  }
0x71: {  	_ =	shalt  }
0x72: {  	_ =	shalt  }
0x73: {  	_ =	shalt  }
0x74: {  	_ =	shalt  }
0x75: {  	_ =	shalt  }
0x76: {  	_ =	shalt  }
0x77: {  	_ =	shalt  }
0x78: {  	_ =	shalt  }
0x79: {  	_ =	shalt  }
0x7a: {  	_ =	shalt  }
0x7b: {  	_ =	shalt  }
0x7c: {  	_ =	shalt  }
0x7d: {  	_ =	shalt  }
0x7e: {  	_ =	shalt  }
0x7f: {  	_ =	shalt  }
0x80: {  	_ =	shalt  }
0x81: {  	_ =	shalt  }
0x82: {  	_ =	shalt  }
0x83: {  	_ =	shalt  }
0x84: {  	_ =	shalt  }
0x85: {  	_ =	shalt  }
0x86: {  	_ =	shalt  }
0x87: {  	_ =	shalt  }
.Lfunc_end0:
.L_simem_size_0:
called_computation.1_lowered:
.L_overlay_start_0:
0x88: {  	s2 =	sld [smem:$0x3FD9]  }
0x89: {  	s3 =	sld [smem:$0x3FFE];
	_ =	sdelay $0x1  }
0x8a: {  	s1 =	srdreg.scid  }
0x8b: {  	s0 =	sand.u32 $0x1, s1  }
0x8c: {  	s17 =	sshll.u32 s0, $0xA;
	s2 =	sadd.s32 s3, s2  }
0x8d: {  	s2 =	sadd.s32 s2, s17  }
0x8e: {  	[smem:$0x3FBB] =	sst s2  }
0x8f: {  	_ = 	snop  }
0x90: {  	(tm) =	ssettm $0x1  }
0x91: {  	s18 =	sld [smem:$0x3FFB];
	_ =	sdelay $0x3  }
0x92: {  	_ =	strace s18  }
0x93: {  	s2 =	sld [smem:$0x3FFC];
	_ =	sdelay $0x3  }
0x94: {  	_ =	strace s2  }
0x95: {  	s2 =	sld [smem:$0x3FFD];
	_ =	sdelay $0x3  }
0x96: {  	_ =	strace s2  }
0x97: {  	_ =	strace $0x8FFFFFFF  }
0x98: {  	s19 =	sld [smem:$0x3FDB];
	_ =	sdelay $0x1  }
0x99: {  	s20 =	simm.s32 $_scs_section_size  }
0x9a: {  	s4 =	simm.s32 $_size__tile_overlayer_lowered;
	s5 =	simm.s32 $_tile_overlayer_lowered  }
0x9b: {  	s6 =	simm.s32 $0x1BFF;
	s21 =	sshll.u32 s5, $0x1;
	s3 =	sadd.s32 s20, s19  }
0x9c: {  	s22 =	simm.s32 $0x0;
	s4 =	sshll.u32 s4, $0x1;
	s5 =	sadd.s32 s21, s3  }
0x9d: {  	[timem:s22], [sflag:s6] =	dma.local [hbm:s5], s4  }
0x9e: {  	_ =	swait.ge [sflag:s6], s4  }
0x9f: {  	s4 =	ssub.s32 $0x0, s4;
	[sflag:s6] =	ssyncset.done $0x0  }
0xa0: {  	[sflag:s6] =	ssyncadd.s32 s4;
	_ =	sdelay $0x1  }
0xa1: {  	s23 =	simm.s32 $0x1B8B  }
0xa2: {  	_ =	swait.ge [sflag:s23], $0x1  }
0xa3: {  	[sflag:s23] =	ssyncset.done $0x0  }
0xa4: {  	[sflag:s23] =	ssyncadd.s32 $0xFFFFFFFF  }
0xa5: {  	s4 =	sld [smem:$0x0]  }
0xa6: {  	s5 =	sand.u32 $0xFFFFFFFE, s1  }
0xa7: {  	p0 =	sne.s32 s1, s5  }
0xa8: {  	s5 =	sshll.u32 @p0 s5, $0xE  }
0xa9: {  	s5 =	sadd.s32 @p0 $0x11B8D, s5;
	s6 =	sshll.u32 @p0 s4, $0x11  }
0xaa: {  	s5 =	sor.u32 @p0 s6, s5  }
0xab: {  	[sflag:s5] =	ssyncadd.remote.s32 @p0 $0x1;
	_ =	sdelay $0x1  }
0xac: {  	s5 =	simm.s32 @p0 $0x1B8D  }
0xad: {  	_ =	swait.eq @p0 [sflag:s5], $0x1  }
0xae: {  	[sflag:s5] =	ssyncadd.s32 @p0 $0xFFFFFFFF  }
0xaf: {  	s6 =	sshll.u32 @!p0 s1, $0xE  }
0xb0: {  	s6 =	sor.u32 @!p0 $0x4000, s6;
	s5 =	simm.s32 @!p0 $0x1B8D  }
0xb1: {  	s4 =	sshll.u32 @!p0 s4, $0x11;
	s6 =	sadd.s32 @!p0 $0x11B8D, s6;
	_ =	swait.eq @!p0 [sflag:s5], $0x1  }
0xb2: {  	s4 =	sor.u32 @!p0 s4, s6;
	[sflag:s5] =	ssyncadd.s32 @!p0 $0xFFFFFFFF  }
0xb3: {  	s25 =	simm.s32 $0x1B8E;
	s24 =	sld [smem:$0x3FFE];
	[sflag:s4] =	ssyncadd.remote.s32 @!p0 $0x1  }
0xb4: {  	s26 =	simm.s32 $execute0_lowered;
	[smem:$0x3FD2] =	sst s25  }
0xb5: {  	s5 =	sshll.u32 s26, $0x1;
	_ =	strace $0x80000049;
	[dreg:$0x1] =	wrdreg $0xFFFFFFFF  }
0xb6: {  	s28 =	simm.s32 $_size_execute0_lowered;
	s3 =	sadd.s32 s3, s5;
	[dreg:$0x0] =	wrdreg $0x0  }
0xb7: {  	s5 =	sshll.u32 s28, $0x1;
	[dreg:$0x2] =	wrdreg s3  }
0xb8: {  	[dreg:$0x3] =	wrdreg s5  }
0xb9: {  	[dreg:$0x4] =	wrdreg $0xC0  }
0xba: {  	_ =	task [dreg:s22], $0x5FFFF  }
0xbb: {  	[dreg:$0x1] =	wrdreg $0xFFFFFFFF  }
0xbc: {  	[dreg:$0x0] =	wrdreg $0x60  }
0xbd: {  	[dreg:$0x2] =	wrdreg s24  }
0xbe: {  	[dreg:$0x3] =	wrdreg $0x0  }
0xbf: {  	[dreg:$0x4] =	wrdreg $0x9  }
0xc0: {  	_ =	task.clear_ibuf [dreg:s22], $0x5FFFF;
	_ =	strace $0x90000049  }
0xc1: {  	s29 =	simm.s32 $0x9;
	_ =	strace $0x8000004B  }
0xc2: {  	_ =	swait.ge [sflag:s29], $0x1  }
0xc3: {  	[sflag:s29] =	ssyncadd.s32 $0xFFFFFFFF  }
0xc4: {  	_ =	strace $0x9000004B  }
0xc5: {  	_ =	sfence  }
0xc6: {  	s30 =	sld [smem:$0x0];
	_ =	sdelay $0x2  }
0xc7: {  	s31 =	sshll.u32 s1, $0xD;
	s1 =	sshrl.u32 s1, $0x2  }
0xc8: {  	s4 =	sand.u32 $0x4000, s31;
	s1 =	sadd.s32 s1, s30  }
0xc9: {  	s0 =	sor.u32 s4, s0;
	s1 =	sshll.u32 s1, $0x11  }
0xca: {  	s0 =	sor.u32 s1, s0  }
0xcb: {  	s0 =	sadd.s32 $0x8F2B, s0  }
0xcc: {  	[sflag:s0] =	ssyncadd.remote.s32 $0x1  }
0xcd: {  	_ =	sfence.sel $0xFFFF  }
0xce: {  	[dreg:$0x0] =	wrdreg $0xFFFFFFFF;
	(pc) =	sbr.abs _section_cstart, $3  }
0xcf: {  	[dreg:$0x1] =	wrdreg $0xFFFFFFFF  }
0xd0: {  	_ =	task.clear_ibuf [dreg:s22], $0x2FFFF;
	_ =	strace $0x9FFFFFFF  }
0xd1: {  	(tm) =	ssettm $0x7FFFFFFF  }
tec
execute0_lowered:
.L_overlay_start_1:
0x0: {  	(tag) =	ssettag $0x1  }
0x1: {  	s0 =	rddreg [dreg:$0x0]  }
0x2: {  	s2 =	rddreg [dreg:$0x1];
	s3 =	simm.s32 $0x0  }
0x3: {  	s7 =	stileid.u32;
	s6 =	srdreg.scid;
	s17 =	simm.s32 $0x7  }
0x4: {  	s18 =	simm.s32 $0x14000;
	s20 =	simm.s32 $0x80;
	s21 =	simm.s32 $0x15000  }
0x5: {  	s24 =	simm.s32 $0x19000;
	s25 =	simm.s32 $0x1;
	s28 =	simm.s32 $0x2  }
0x6: {  	s29 =	simm.s32 $0x4;
	[smem:$0x7FF] =	sst s3;
	s1 =	smul.u32 $0x500, s7  }
0x7: {  	s4 =	sadd.s32 $0x54A00, s0;
	s5 =	sadd.s32 $0x2CA00, s0;
	s6 =	sand.u32 $0x1, s6  }
0x8: {  	s8 =	sadd.s32 $0x86A00, s0;
	s10 =	smul.u32 $0x50000, s7;
	s13 =	sshll.u32 s7, $0x6  }
0x9: {  	_ =	strace $0x8000004A;
	[dreg:$0x3] =	wrdreg s8;
	s9 =	ssub.s32 $0x2, s6  }
0xa: {  	s8 =	smul.u32 $0x2800, s7;
	p0 =	seq.s32 s6, $0x1;
	s15 =	sor.u32 $0x1C07, s13  }
0xb: {  	s1 =	sadd.s32 s1, s0;
	s0 =	sadd.s32 $0xAEA00, s0;
	s26 =	sshrl.u32 s9, $0x1  }
.Ltmp0:
0xc: {  	s30 =	sshrl.u32 s10, $0x2;
	[dreg:$0x4] =	wrdreg s0;
	(pc) =	sbr.rel .LBB2_1-.Ltmp0, $4  }
0xd: {  	s0 =	ssub.s32 s9, s26;
	s6 =	sadd.s32 s30, s2;
	s31 =	sadd.s32 s4, s8  }
0xe: {  	s10 =	sadd.s32 $0x7CA00, s1;
	s11 =	sadd.s32 $0x81A00, s1;
	s12 =	sadd.s32 s5, s8  }
0xf: {  	s26 =	simm.s32 $0x3;
	[dreg:$0x5] =	wrdreg s31;
	s14 =	smax.u32 s0, $0x1  }
0x10: {  	s16 =	sshrl.u32 s6, $0x3;
	s22 =	sadd.s32 $0x80, s11;
	s23 =	sadd.s32 $0x80, s10  }
.LBB2_4:
0x11: {  	s0 =	rddreg [dreg:$0x3]  }
.LBB2_8:
0x12: {  	_ =	swait.ge [sflag:s26], $0x4000  }
0x13: {  	[sflag:s26] =	ssyncset.done $0x0  }
0x14: {  	[sflag:s26] =	ssyncadd.s32 $0xFFFFC000  }
0x15: {  	_ =	swait.ge [sflag:s29], $0x4000  }
0x16: {  	s3 =	sadd.s32 $0x1, s3;
	[sflag:s29] =	ssyncset.done $0x0  }
0x17: {  	p1 =	sne.s32 s3, s14;
	[sflag:s29] =	ssyncadd.s32 $0xFFFFC000  }
.Ltmp1:
0x18: {  	s0 =	sadd.s32 s0, s8;
	[bflag:$0x0] =	sbarrier.arrive $0xFFFF;
	(pc) =	sbr.rel @!p1 .LBB2_9-.Ltmp1, $4  }
0x19: {  	[hbm:s0], [sflag:s30] =	dma.local [spmem:s16], $0x2800  }
0x1a: {  	_ =	swait.ge [sflag:s17], $0x2800  }
0x1b: {  	[sflag:s17] =	ssyncset.done $0x0  }
0x1c: {  	[sflag:s17] =	ssyncadd.s32 $0xFFFFD800  }
.LBB2_1:
.Ltmp2:
0x1d: {  	(pc) =	sbr.rel @!p0 .LBB2_2-.Ltmp2, $1  }
0x1e: {  	_ =	sdelay $0x3  }
0x1f: {  	[spmem:s16], [sflag:s15] =	dma.local [hbm:s12], $0x2800  }
0x20: {  	_ =	swait.ge [sflag:s17], $0x2800  }
0x21: {  	[sflag:s17] =	ssyncset.done $0x0  }
0x22: {  	[sflag:s17] =	ssyncadd.s32 $0xFFFFD800  }
0x23: {  	s30 =	simm.s32 $0x0;
	[bflag:$0x0] =	sbarrier.arrive $0xFFFF  }
0x24: {  	[tilespmem:s18], [sflag:$0x7] =	stream.linear.gather [hbm4b:s10+s30], $0x400, $0x38;
	[tilespmem:$0x1D000] =	vst v63  }
0x25: {  	_ =	swait.ge [sflag:s17], $0x400  }
0x26: {  	[sflag:s17] =	ssyncset.done $0x0  }
0x27: {  	s0 =	simm.s32 $0x14800;
	[sflag:s17] =	ssyncadd.s32 $0xFFFFFC00  }
0x28: {  	[tilespmem:s0], [sflag:$0x7] =	stream.linear.gather [hbm4b:s11+s30], $0x400, $0x38;
	[tilespmem:$0x1D000] =	vst v63  }
0x29: {  	_ =	swait.ge [sflag:s17], $0x400  }
0x2a: {  	[sflag:s17] =	ssyncset.done $0x0  }
0x2b: {  	s0 =	simm.s32 $0x0;
	[sflag:s17] =	ssyncadd.s32 $0xFFFFFC00  }
0x2c: {  	[tilespmem:s21], [sflag:$0x1] =	stream.indirect.gather [hbm4b:s5+s20], $0x80, s18, s20, $0xb8;
	[tilespmem:$0x1D000] =	vst v63  }
.LBB2_6:
0x2d: {  	s6 =	sand.u32 $0x8, s30  }
0x2e: {  	p1 =	seq.s32 s0, $0x480;
	s1 =	sxor.u32 $0x8, s6  }
0x2f: {  	s9 =	sadd.s32 @!p1 s0, s23;
	s7 =	sshll.u32 @!p1 s1, $0x7  }
0x30: {  	s19 =	simm.s32 @!p1 $0x0;
	p2 =	seq.s32 @!p1 s0, $0x0;
	s1 =	sor.u32 @!p1 $0x14000, s7  }
0x31: {  	[tilespmem:s1], [sflag:$0x5] =	stream.linear.gather @!p1 [hbm4b:s9+s19], $0x400, $0x38;
	[tilespmem:$0x1D000] =	vst v63  }
0x32: {  	p2 =	por p1, !p2;
	s7 =	sor.u32 @!p1 $0x14800, s7;
	s9 =	sadd.s32 @!p1 s0, s22  }
0x33: {  	[tilespmem:s7], [sflag:$0x6] =	stream.linear.gather @!p1 [hbm4b:s9+s19], $0x400, $0x38;
	[tilespmem:$0x1D000] =	vst v63  }
0x34: {  	_ =	swait.ge @p2 [sflag:s29], $0x4000  }
0x35: {  	s6 =	sshll.u32 s6, $0x7;
	[sflag:s29] =	ssyncset.done @p2 $0x0  }
0x36: {  	s9 =	sor.u32 $0x14080, s6;
	[sflag:s29] =	ssyncadd.s32 @p2 $0xFFFFC000  }
0x37: {  	[tilespmem:s24], [sflag:$0x2] =	stream.indirect.gather [hbm4b:s5+s20], $0x80, s9, s20, $0xb8;
	[tilespmem:$0x1D000] =	vst v63  }
0x38: {  	_ =	swait.ge [sflag:s25], $0x4000  }
0x39: {  	[sflag:s25] =	ssyncset.done $0x0  }
0x3a: {  	s19 =	sor.u32 $0x14800, s6;
	[sflag:s25] =	ssyncadd.s32 $0xFFFFC000  }
0x3b: {  	[spmem:s2] =	stream.indirect.scatter.add.f32 [tilespmem:s21], [sflag:$0x3], $0x80, s19, s20, $0xb8;
	[tilespmem:$0x1D000] =	vst v63  }
0x3c: {  	_ =	swait.ge [sflag:s26], $0x4000  }
0x3d: {  	[sflag:s26] =	ssyncset.done $0x0  }
0x3e: {  	s31 =	sor.u32 $0x14100, s6;
	[sflag:s26] =	ssyncadd.s32 $0xFFFFC000  }
0x3f: {  	[tilespmem:s21], [sflag:$0x1] =	stream.indirect.gather [hbm4b:s5+s20], $0x80, s31, s20, $0xb8;
	[tilespmem:$0x1D000] =	vst v63  }
0x40: {  	_ =	swait.ge [sflag:s28], $0x4000  }
0x41: {  	[sflag:s28] =	ssyncset.done $0x0  }
0x42: {  	s9 =	sor.u32 $0x14880, s6;
	[sflag:s28] =	ssyncadd.s32 $0xFFFFC000  }
0x43: {  	[spmem:s2] =	stream.indirect.scatter.add.f32 [tilespmem:s24], [sflag:$0x4], $0x80, s9, s20, $0xb8;
	[tilespmem:$0x1D000] =	vst v63  }
0x44: {  	_ =	swait.ge [sflag:s29], $0x4000  }
0x45: {  	[sflag:s29] =	ssyncset.done $0x0  }
0x46: {  	s19 =	sor.u32 $0x14180, s6;
	[sflag:s29] =	ssyncadd.s32 $0xFFFFC000  }
0x47: {  	[tilespmem:s24], [sflag:$0x2] =	stream.indirect.gather [hbm4b:s5+s20], $0x80, s19, s20, $0xb8;
	[tilespmem:$0x1D000] =	vst v63  }
0x48: {  	_ =	swait.ge [sflag:s25], $0x4000  }
0x49: {  	[sflag:s25] =	ssyncset.done $0x0  }
0x4a: {  	s31 =	sor.u32 $0x14900, s6;
	[sflag:s25] =	ssyncadd.s32 $0xFFFFC000  }
0x4b: {  	[spmem:s2] =	stream.indirect.scatter.add.f32 [tilespmem:s21], [sflag:$0x3], $0x80, s31, s20, $0xb8;
	[tilespmem:$0x1D000] =	vst v63  }
0x4c: {  	_ =	swait.ge [sflag:s26], $0x4000  }
0x4d: {  	[sflag:s26] =	ssyncset.done $0x0  }
0x4e: {  	s9 =	sor.u32 $0x14200, s6;
	[sflag:s26] =	ssyncadd.s32 $0xFFFFC000  }
0x4f: {  	[tilespmem:s21], [sflag:$0x1] =	stream.indirect.gather [hbm4b:s5+s20], $0x80, s9, s20, $0xb8;
	[tilespmem:$0x1D000] =	vst v63  }
0x50: {  	_ =	swait.ge [sflag:s28], $0x4000  }
0x51: {  	[sflag:s28] =	ssyncset.done $0x0  }
0x52: {  	s19 =	sor.u32 $0x14980, s6;
	[sflag:s28] =	ssyncadd.s32 $0xFFFFC000  }
0x53: {  	[spmem:s2] =	stream.indirect.scatter.add.f32 [tilespmem:s24], [sflag:$0x4], $0x80, s19, s20, $0xb8;
	[tilespmem:$0x1D000] =	vst v63  }
0x54: {  	_ =	swait.ge [sflag:s29], $0x4000  }
0x55: {  	[sflag:s29] =	ssyncset.done $0x0  }
0x56: {  	s31 =	sor.u32 $0x14280, s6;
	[sflag:s29] =	ssyncadd.s32 $0xFFFFC000  }
0x57: {  	[tilespmem:s24], [sflag:$0x2] =	stream.indirect.gather [hbm4b:s5+s20], $0x80, s31, s20, $0xb8;
	[tilespmem:$0x1D000] =	vst v63  }
0x58: {  	_ =	swait.ge [sflag:s25], $0x4000  }
0x59: {  	[sflag:s25] =	ssyncset.done $0x0  }
0x5a: {  	s9 =	sor.u32 $0x14A00, s6;
	[sflag:s25] =	ssyncadd.s32 $0xFFFFC000  }
0x5b: {  	[spmem:s2] =	stream.indirect.scatter.add.f32 [tilespmem:s21], [sflag:$0x3], $0x80, s9, s20, $0xb8;
	[tilespmem:$0x1D000] =	vst v63  }
0x5c: {  	_ =	swait.ge [sflag:s26], $0x4000  }
0x5d: {  	[sflag:s26] =	ssyncset.done $0x0  }
0x5e: {  	s19 =	sor.u32 $0x14300, s6;
	[sflag:s26] =	ssyncadd.s32 $0xFFFFC000  }
0x5f: {  	[tilespmem:s21], [sflag:$0x1] =	stream.indirect.gather [hbm4b:s5+s20], $0x80, s19, s20, $0xb8;
	[tilespmem:$0x1D000] =	vst v63  }
0x60: {  	_ =	swait.ge [sflag:s28], $0x4000  }
0x61: {  	[sflag:s28] =	ssyncset.done $0x0  }
0x62: {  	s31 =	sor.u32 $0x14A80, s6;
	[sflag:s28] =	ssyncadd.s32 $0xFFFFC000  }
0x63: {  	[spmem:s2] =	stream.indirect.scatter.add.f32 [tilespmem:s24], [sflag:$0x4], $0x80, s31, s20, $0xb8;
	[tilespmem:$0x1D000] =	vst v63  }
0x64: {  	_ =	swait.ge [sflag:s29], $0x4000  }
0x65: {  	[sflag:s29] =	ssyncset.done $0x0  }
0x66: {  	s9 =	sor.u32 $0x14380, s6;
	[sflag:s29] =	ssyncadd.s32 $0xFFFFC000  }
0x67: {  	[tilespmem:s24], [sflag:$0x2] =	stream.indirect.gather [hbm4b:s5+s20], $0x80, s9, s20, $0xb8;
	[tilespmem:$0x1D000] =	vst v63  }
0x68: {  	_ =	swait.ge [sflag:s25], $0x4000  }
0x69: {  	[sflag:s25] =	ssyncset.done $0x0  }
0x6a: {  	s7 =	simm.s32 @!p1 $0x3;
	s19 =	sor.u32 $0x14B00, s6;
	[sflag:s25] =	ssyncadd.s32 $0xFFFFC000  }
0x6b: {  	[spmem:s2] =	stream.indirect.scatter.add.f32 [tilespmem:s21], [sflag:$0x3], $0x80, s19, s20, $0xb8;
	[tilespmem:$0x1D000] =	vst v63  }
0x6c: {  	_ =	swait.ge @!p1 [sflag:s7], $0x4000  }
0x6d: {  	[sflag:s7] =	ssyncset.done @!p1 $0x0  }
0x6e: {  	[sflag:s7] =	ssyncadd.s32 @!p1 $0xFFFFC000;
	s7 =	simm.s32 @!p1 $0x5  }
0x6f: {  	_ =	swait.ge @!p1 [sflag:s7], $0x400  }
0x70: {  	[sflag:s7] =	ssyncset.done @!p1 $0x0  }
0x71: {  	[sflag:s7] =	ssyncadd.s32 @!p1 $0xFFFFFC00;
	s7 =	simm.s32 @!p1 $0x6  }
0x72: {  	_ =	swait.ge @!p1 [sflag:s7], $0x400  }
0x73: {  	s0 =	sadd.s32 $0x80, s0;
	[sflag:s7] =	ssyncset.done @!p1 $0x0  }
0x74: {  	s9 =	simm.s32 @!p1 $0x15000;
	[sflag:s7] =	ssyncadd.s32 @!p1 $0xFFFFFC00;
	s7 =	simm.s32 @!p1 $0x80  }
0x75: {  	[tilespmem:s9], [sflag:$0x1] =	stream.indirect.gather @!p1 [hbm4b:s5+s7], $0x80, s1, s7, $0xb8;
	[tilespmem:$0x1D000] =	vst v63  }
0x76: {  	p1 =	sne.s32 s0, $0x500  }
.Ltmp3:
0x77: {  	_ = 	snop;
	(pc) =	sbr.rel @p1 .LBB2_6-.Ltmp3, $4  }
0x78: {  	_ =	swait.ge [sflag:s28], $0x4000  }
0x79: {  	s31 =	sor.u32 $0x380, s6;
	[sflag:s28] =	ssyncset.done $0x0  }
0x7a: {  	s30 =	sadd.s32 $0x8, s30;
	s1 =	sor.u32 $0x14800, s31;
	[sflag:s28] =	ssyncadd.s32 $0xFFFFC000  }
0x7b: {  	[spmem:s2] =	stream.indirect.scatter.add.f32 [tilespmem:s24], [sflag:$0x4], $0x80, s1, s20, $0xb8;
	[tilespmem:$0x1D000] =	vst v63  }
.Ltmp4:
0x7c: {  	(pc) =	sbr.rel .LBB2_8-.Ltmp4, $2  }
0x7d: {  	_ =	sdelay $0x2  }
0x7e: {  	s0 =	rddreg [dreg:$0x4];
	s30 =	smov.u32 s15  }
.LBB2_2:
0x7f: {  	s30 =	sor.u32 $0x1C07, s13;
	s0 =	rddreg [dreg:$0x5]  }
0x80: {  	[spmem:s16], [sflag:s30] =	dma.local [hbm:s0], $0x2800  }
0x81: {  	_ =	swait.ge [sflag:s17], $0x2800  }
0x82: {  	[sflag:s17] =	ssyncset.done $0x0  }
0x83: {  	[sflag:s17] =	ssyncadd.s32 $0xFFFFD800  }
0x84: {  	s31 =	simm.s32 $0x0;
	[bflag:$0x0] =	sbarrier.arrive $0xFFFF  }
0x85: {  	[tilespmem:s18], [sflag:$0x7] =	stream.linear.gather [hbm4b:s10+s31], $0x400, $0x38;
	[tilespmem:$0x1D000] =	vst v63  }
0x86: {  	_ =	swait.ge [sflag:s17], $0x400  }
0x87: {  	[sflag:s17] =	ssyncset.done $0x0  }
0x88: {  	s19 =	simm.s32 $0x14800;
	[sflag:s17] =	ssyncadd.s32 $0xFFFFFC00  }
0x89: {  	[tilespmem:s19], [sflag:$0x7] =	stream.linear.gather [hbm4b:s11+s31], $0x400, $0x38;
	[tilespmem:$0x1D000] =	vst v63  }
0x8a: {  	_ =	swait.ge [sflag:s17], $0x400  }
0x8b: {  	[sflag:s17] =	ssyncset.done $0x0  }
0x8c: {  	s0 =	simm.s32 $0x0;
	[sflag:s17] =	ssyncadd.s32 $0xFFFFFC00  }
0x8d: {  	[tilespmem:s21], [sflag:$0x1] =	stream.indirect.gather [hbm4b:s4+s20], $0x80, s18, s20, $0xb8;
	[tilespmem:$0x1D000] =	vst v63  }
.LBB2_3:
0x8e: {  	s6 =	sand.u32 $0x8, s31  }
0x8f: {  	p1 =	seq.s32 s0, $0x480;
	s1 =	sxor.u32 $0x8, s6  }
0x90: {  	s9 =	sadd.s32 @!p1 s0, s23;
	s7 =	sshll.u32 @!p1 s1, $0x7  }
0x91: {  	s19 =	simm.s32 @!p1 $0x0;
	p2 =	seq.s32 @!p1 s0, $0x0;
	s1 =	sor.u32 @!p1 $0x14000, s7  }
0x92: {  	[tilespmem:s1], [sflag:$0x5] =	stream.linear.gather @!p1 [hbm4b:s9+s19], $0x400, $0x38;
	[tilespmem:$0x1D000] =	vst v63  }
0x93: {  	p2 =	por p1, !p2;
	s7 =	sor.u32 @!p1 $0x14800, s7;
	s9 =	sadd.s32 @!p1 s0, s22  }
0x94: {  	[tilespmem:s7], [sflag:$0x6] =	stream.linear.gather @!p1 [hbm4b:s9+s19], $0x400, $0x38;
	[tilespmem:$0x1D000] =	vst v63  }
0x95: {  	_ =	swait.ge @p2 [sflag:s29], $0x4000  }
0x96: {  	s6 =	sshll.u32 s6, $0x7;
	[sflag:s29] =	ssyncset.done @p2 $0x0  }
0x97: {  	s19 =	sor.u32 $0x14080, s6;
	[sflag:s29] =	ssyncadd.s32 @p2 $0xFFFFC000  }
0x98: {  	[tilespmem:s24], [sflag:$0x2] =	stream.indirect.gather [hbm4b:s4+s20], $0x80, s19, s20, $0xb8;
	[tilespmem:$0x1D000] =	vst v63  }
0x99: {  	_ =	swait.ge [sflag:s25], $0x4000  }
0x9a: {  	[sflag:s25] =	ssyncset.done $0x0  }
0x9b: {  	s9 =	sor.u32 $0x14800, s6;
	[sflag:s25] =	ssyncadd.s32 $0xFFFFC000  }
0x9c: {  	[spmem:s2] =	stream.indirect.scatter.add.f32 [tilespmem:s21], [sflag:$0x3], $0x80, s9, s20, $0xb8;
	[tilespmem:$0x1D000] =	vst v63  }
0x9d: {  	_ =	swait.ge [sflag:s26], $0x4000  }
0x9e: {  	[sflag:s26] =	ssyncset.done $0x0  }
0x9f: {  	s19 =	sor.u32 $0x14100, s6;
	[sflag:s26] =	ssyncadd.s32 $0xFFFFC000  }
0xa0: {  	[tilespmem:s21], [sflag:$0x1] =	stream.indirect.gather [hbm4b:s4+s20], $0x80, s19, s20, $0xb8;
	[tilespmem:$0x1D000] =	vst v63  }
0xa1: {  	_ =	swait.ge [sflag:s28], $0x4000  }
0xa2: {  	[sflag:s28] =	ssyncset.done $0x0  }
0xa3: {  	s9 =	sor.u32 $0x14880, s6;
	[sflag:s28] =	ssyncadd.s32 $0xFFFFC000  }
0xa4: {  	[spmem:s2] =	stream.indirect.scatter.add.f32 [tilespmem:s24], [sflag:$0x4], $0x80, s9, s20, $0xb8;
	[tilespmem:$0x1D000] =	vst v63  }
0xa5: {  	_ =	swait.ge [sflag:s29], $0x4000  }
0xa6: {  	[sflag:s29] =	ssyncset.done $0x0  }
0xa7: {  	s19 =	sor.u32 $0x14180, s6;
	[sflag:s29] =	ssyncadd.s32 $0xFFFFC000  }
0xa8: {  	[tilespmem:s24], [sflag:$0x2] =	stream.indirect.gather [hbm4b:s4+s20], $0x80, s19, s20, $0xb8;
	[tilespmem:$0x1D000] =	vst v63  }
0xa9: {  	_ =	swait.ge [sflag:s25], $0x4000  }
0xaa: {  	[sflag:s25] =	ssyncset.done $0x0  }
0xab: {  	s9 =	sor.u32 $0x14900, s6;
	[sflag:s25] =	ssyncadd.s32 $0xFFFFC000  }
0xac: {  	[spmem:s2] =	stream.indirect.scatter.add.f32 [tilespmem:s21], [sflag:$0x3], $0x80, s9, s20, $0xb8;
	[tilespmem:$0x1D000] =	vst v63  }
0xad: {  	_ =	swait.ge [sflag:s26], $0x4000  }
0xae: {  	[sflag:s26] =	ssyncset.done $0x0  }
0xaf: {  	s19 =	sor.u32 $0x14200, s6;
	[sflag:s26] =	ssyncadd.s32 $0xFFFFC000  }
0xb0: {  	[tilespmem:s21], [sflag:$0x1] =	stream.indirect.gather [hbm4b:s4+s20], $0x80, s19, s20, $0xb8;
	[tilespmem:$0x1D000] =	vst v63  }
0xb1: {  	_ =	swait.ge [sflag:s28], $0x4000  }
0xb2: {  	[sflag:s28] =	ssyncset.done $0x0  }
0xb3: {  	s9 =	sor.u32 $0x14980, s6;
	[sflag:s28] =	ssyncadd.s32 $0xFFFFC000  }
0xb4: {  	[spmem:s2] =	stream.indirect.scatter.add.f32 [tilespmem:s24], [sflag:$0x4], $0x80, s9, s20, $0xb8;
	[tilespmem:$0x1D000] =	vst v63  }
0xb5: {  	_ =	swait.ge [sflag:s29], $0x4000  }
0xb6: {  	[sflag:s29] =	ssyncset.done $0x0  }
0xb7: {  	s19 =	sor.u32 $0x14280, s6;
	[sflag:s29] =	ssyncadd.s32 $0xFFFFC000  }
0xb8: {  	[tilespmem:s24], [sflag:$0x2] =	stream.indirect.gather [hbm4b:s4+s20], $0x80, s19, s20, $0xb8;
	[tilespmem:$0x1D000] =	vst v63  }
0xb9: {  	_ =	swait.ge [sflag:s25], $0x4000  }
0xba: {  	[sflag:s25] =	ssyncset.done $0x0  }
0xbb: {  	s9 =	sor.u32 $0x14A00, s6;
	[sflag:s25] =	ssyncadd.s32 $0xFFFFC000  }
0xbc: {  	[spmem:s2] =	stream.indirect.scatter.add.f32 [tilespmem:s21], [sflag:$0x3], $0x80, s9, s20, $0xb8;
	[tilespmem:$0x1D000] =	vst v63  }
0xbd: {  	_ =	swait.ge [sflag:s26], $0x4000  }
0xbe: {  	[sflag:s26] =	ssyncset.done $0x0  }
0xbf: {  	s19 =	sor.u32 $0x14300, s6;
	[sflag:s26] =	ssyncadd.s32 $0xFFFFC000  }
0xc0: {  	[tilespmem:s21], [sflag:$0x1] =	stream.indirect.gather [hbm4b:s4+s20], $0x80, s19, s20, $0xb8;
	[tilespmem:$0x1D000] =	vst v63  }
0xc1: {  	_ =	swait.ge [sflag:s28], $0x4000  }
0xc2: {  	[sflag:s28] =	ssyncset.done $0x0  }
0xc3: {  	s9 =	sor.u32 $0x14A80, s6;
	[sflag:s28] =	ssyncadd.s32 $0xFFFFC000  }
0xc4: {  	[spmem:s2] =	stream.indirect.scatter.add.f32 [tilespmem:s24], [sflag:$0x4], $0x80, s9, s20, $0xb8;
	[tilespmem:$0x1D000] =	vst v63  }
0xc5: {  	_ =	swait.ge [sflag:s29], $0x4000  }
0xc6: {  	[sflag:s29] =	ssyncset.done $0x0  }
0xc7: {  	s19 =	sor.u32 $0x14380, s6;
	[sflag:s29] =	ssyncadd.s32 $0xFFFFC000  }
0xc8: {  	[tilespmem:s24], [sflag:$0x2] =	stream.indirect.gather [hbm4b:s4+s20], $0x80, s19, s20, $0xb8;
	[tilespmem:$0x1D000] =	vst v63  }
0xc9: {  	_ =	swait.ge [sflag:s25], $0x4000  }
0xca: {  	[sflag:s25] =	ssyncset.done $0x0  }
0xcb: {  	s7 =	simm.s32 @!p1 $0x3;
	s9 =	sor.u32 $0x14B00, s6;
	[sflag:s25] =	ssyncadd.s32 $0xFFFFC000  }
0xcc: {  	[spmem:s2] =	stream.indirect.scatter.add.f32 [tilespmem:s21], [sflag:$0x3], $0x80, s9, s20, $0xb8;
	[tilespmem:$0x1D000] =	vst v63  }
0xcd: {  	_ =	swait.ge @!p1 [sflag:s7], $0x4000  }
0xce: {  	[sflag:s7] =	ssyncset.done @!p1 $0x0  }
0xcf: {  	[sflag:s7] =	ssyncadd.s32 @!p1 $0xFFFFC000;
	s7 =	simm.s32 @!p1 $0x5  }
0xd0: {  	_ =	swait.ge @!p1 [sflag:s7], $0x400  }
0xd1: {  	[sflag:s7] =	ssyncset.done @!p1 $0x0  }
0xd2: {  	[sflag:s7] =	ssyncadd.s32 @!p1 $0xFFFFFC00;
	s7 =	simm.s32 @!p1 $0x6  }
0xd3: {  	_ =	swait.ge @!p1 [sflag:s7], $0x400  }
0xd4: {  	s0 =	sadd.s32 $0x80, s0;
	[sflag:s7] =	ssyncset.done @!p1 $0x0  }
0xd5: {  	s9 =	simm.s32 @!p1 $0x15000;
	[sflag:s7] =	ssyncadd.s32 @!p1 $0xFFFFFC00;
	s7 =	simm.s32 @!p1 $0x80  }
0xd6: {  	[tilespmem:s9], [sflag:$0x1] =	stream.indirect.gather @!p1 [hbm4b:s4+s7], $0x80, s1, s7, $0xb8;
	[tilespmem:$0x1D000] =	vst v63  }
0xd7: {  	p1 =	seq.s32 s0, $0x500  }
.Ltmp5:
0xd8: {  	_ = 	snop;
	(pc) =	sbr.rel @!p1 .LBB2_3-.Ltmp5, $4  }
0xd9: {  	_ =	swait.ge [sflag:s28], $0x4000  }
0xda: {  	s19 =	sor.u32 $0x380, s6;
	[sflag:s28] =	ssyncset.done $0x0  }
0xdb: {  	s31 =	sadd.s32 $0x8, s31;
	s1 =	sor.u32 $0x14800, s19;
	[sflag:s28] =	ssyncadd.s32 $0xFFFFC000  }
0xdc: {  	[spmem:s2] =	stream.indirect.scatter.add.f32 [tilespmem:s24], [sflag:$0x4], $0x80, s1, s20, $0xb8;
	[tilespmem:$0x1D000] =	vst v63  }
.Ltmp6:
0xdd: {  	_ = 	snop;
	(pc) =	sbr.rel .LBB2_4-.Ltmp6, $1  }
0xde: {  	_ =	sdelay $0x3  }
.LBB2_9:
0xdf: {  	_ =	sfence.sel $0x180000  }
0xe0: {  	[bflag:$0x0] =	sbarrier.arrive $0xFFFF  }
0xe1: {  	_ =	strace $0x9000004A  }
0xe2: {  	s0 =	stileid.u32;
	[bflag:$0x2] =	sbarrier.arrive $0xFFFF  }
0xe3: {  	p0 =	sne.s32 s0, $0x0;
	s0 =	rddreg [dreg:$0x2]  }
0xe4: {  	s0 =	sadd.s32 @!p0 $0x100000, s0  }
0xe5: {  	[sflag:s0] =	ssyncadd.tile.s32 @!p0 $0x1;
	_ =	shalt  }
.Lfunc_end2:
_tile_overlayer_lowered:
.L_overlay_start_2:
0xe6: {  	(tag) =	ssettag $0x2  }
0xe7: {  	s0 =	rddreg [dreg:$0x0];
	s2 =	stileid.u32  }
0xe8: {  	s1 =	rddreg [dreg:$0x1];
	p0 =	sne.s32 s2, $0x0  }
0xe9: {  	s3 =	rddreg [dreg:$0x2];
	[bflag:$0x3] =	sbarrier.arrive $0xFFFF;
	s2 =	simm.s32 @!p0 $0x1C07  }
0xea: {  	[timem:s3], [sflag:s2] =	dma.local @!p0 [hbm:s0], s1  }
0xeb: {  	s0 =	simm.s32 @!p0 $0x7  }
0xec: {  	_ =	swait.ge @!p0 [sflag:s0], s1  }
0xed: {  	s1 =	ssub.s32 @!p0 $0x0, s1;
	[sflag:s0] =	ssyncset.done @!p0 $0x0  }
0xee: {  	[sflag:s0] =	ssyncadd.s32 @!p0 s1  }
0xef: {  	[bflag:$0x3] =	sbarrier.arrive $0xFFFF  }
0xf0: {  	_ =	shalt  }

// kernel: kernel.14.cloned.1.call-start
scs
__scs_entry_jumppad:
0x0: {  	(pc) =	sbr.rel $0x88, $3  }
0x1: {  	(tag) =	ssettag $0x0;
	lr =	simm.s32 $0x1  }
0x2: {  	[smem:$0x3F94] =	sst lr;
	_ =	strace $0xD0000000  }
0x3: {  	_ = 	snop  }
0x4: {  	_ = 	snop  }
0x5: {  	_ = 	snop  }
0x6: {  	_ = 	snop  }
0x7: {  	_ = 	snop  }
__scs_overlays_trampoline_lowered:
0x8: {  	[smem:$0x3FA3] =	sst s0  }
0x9: {  	[smem:$0x3FA4] =	sst s1  }
0xa: {  	[smem:$0x3FA5] =	sst s2  }
0xb: {  	[smem:$0x3FA6] =	sst s3  }
0xc: {  	[smem:$0x3FA7] =	sst s4  }
0xd: {  	[smem:$0x3FA8] =	sst s5  }
0xe: {  	[smem:$0x3FA9] =	sst s6  }
0xf: {  	[smem:$0x3FAA] =	sst s7  }
0x10: {  	[smem:$0x3FAB] =	sst s8  }
0x11: {  	[smem:$0x3FAC] =	sst s9;
	s0 =	simm.s32 @!p0 $0x0  }
0x12: {  	s1 =	sld [smem:$0x3F92];
	s0 =	simm.s32 @p0 $0x1  }
0x13: {  	[smem:$0x3FAD] =	sst s0;
	s0 =	simm.s32 @!p1 $0x0  }
0x14: {  	s2 =	sld [smem:$0x3F91];
	s0 =	simm.s32 @p1 $0x1  }
0x15: {  	[smem:$0x3FAE] =	sst s0;
	s0 =	simm.s32 @!p2 $0x0  }
0x16: {  	s3 =	sld [smem:$0x3FDB];
	s0 =	simm.s32 @p2 $0x1  }
0x17: {  	s4 =	simm.s32 $0x1BF5;
	[smem:$0x3FB0] =	sst s0  }
0x18: {  	s0 =	sld [smem:$0x3F93];
	_ =	swait.ge [sflag:s4], $0x0  }
0x19: {  	s7 =	sld [smem:$0x3F94]  }
0x1a: {  	s8 =	sadd.s32 $0xFFFFE003, lr  }
0x1b: {  	s9 =	sadd.s32 $0xFFFFFEF7, lr;
	s5 =	simm.s32 $0xFFFFFFFF;
	p2 =	slt.u32 s8, $0xFFFFF086  }
0x1c: {  	p1 =	slt.u32 s9, $0xF7A;
	s5 =	simm.s32 @!p2 $0x0  }
0x1d: {  	s5 =	simm.s32 @p1 $0x1;
	p0 =	seq.s32 s7, s2  }
0x1e: {  	s7 =	smul.u32 @!p0 $0xF7A, s2;
	p2 =	seq.s32 @!p0 s5, $0x0  }
0x1f: {  	s9 =	smul.u32 $0xF7A, s1;
	s8 =	simm.s32 @!p0 $0x1BF5;
	p2 =	por !p2, p0  }
0x20: {  	[sflag:s8] =	ssyncset.s32 @!p0 $0xFFFFF086;
	s6 =	sadd.s32 @!p0 s3, s7;
	s7 =	simm.s32 @!p0 $0x108  }
0x21: {  	s3 =	sadd.s32 s3, s9;
	s6 =	sadd.s32 @!p0 $0x88, s6;
	s7 =	simm.s32 @p2 $0x1082  }
0x22: {  	[simem:s7], [sflag:s8] =	dma.local @!p0 [hbm:s6], $0xF7A  }
0x23: {  	s9 =	sor.u32 $0xD0000000, s2;
	s6 =	simm.s32 $0x108;
	_ =	swait.ge @!p0 [sflag:s8], $0x0  }
0x24: {  	s3 =	sadd.s32 $0x88, s3;
	s6 =	simm.s32 @!p1 $0x1082;
	[sflag:s4] =	ssyncset.s32 $0xFFFFF086  }
0x25: {  	[simem:s6], [sflag:s4] =	dma.local [hbm:s3], $0xF7A  }
0x26: {  	[smem:$0x3F94] =	sst s1;
	(tag) =	ssettag s2;
	_ =	strace s9  }
0x27: {  	s1 =	sld [smem:$0x3FA4]  }
0x28: {  	s2 =	sld [smem:$0x3FA5]  }
0x29: {  	s4 =	sld [smem:$0x3FA7]  }
0x2a: {  	p0 =	seq.s32 s5, $0x0;
	s5 =	sld [smem:$0x3FA8]  }
0x2b: {  	s6 =	sld [smem:$0x3FA9]  }
0x2c: {  	s7 =	sld [smem:$0x3FAA]  }
0x2d: {  	s3 =	simm.s32 $0x108;
	s8 =	sld [smem:$0x3FAB]  }
0x2e: {  	s3 =	simm.s32 @!p0 $0x1082;
	s9 =	sld [smem:$0x3FAC]  }
0x2f: {  	lr =	sadd.s32 s0, s3;
	s0 =	sld [smem:$0x3FA3]  }
0x30: {  	s3 =	sld [smem:$0x3FA6]  }
0x31: {  	[smem:$0x3FAF] =	sst s10  }
0x32: {  	s10 =	sld [smem:$0x3FAD];
	_ =	sdelay $0x3  }
0x33: {  	p0 =	seq.s32 s10, $0x1;
	s10 =	sld [smem:$0x3FAF];
	_ =	sdelay $0x3  }
0x34: {  	[smem:$0x3FAF] =	sst s10  }
0x35: {  	s10 =	sld [smem:$0x3FAE];
	_ =	sdelay $0x3  }
0x36: {  	p1 =	seq.s32 s10, $0x1;
	s10 =	sld [smem:$0x3FAF];
	_ =	sdelay $0x3  }
0x37: {  	[smem:$0x3FAF] =	sst s10  }
0x38: {  	s10 =	sld [smem:$0x3FB0]  }
0x39: {  	_ = 	snop;
	(pc) =	sbr.ind lr, $3  }
0x3a: {  	_ = 	snop  }
0x3b: {  	_ = 	snop  }
0x3c: {  	p2 =	seq.s32 s10, $0x1;
	s10 =	sld [smem:$0x3FAF]  }
0x3d: {  	_ =	shalt  }
0x3e: {  	_ =	shalt  }
0x3f: {  	_ =	shalt  }
0x40: {  	_ =	shalt  }
0x41: {  	_ =	shalt  }
0x42: {  	_ =	shalt  }
0x43: {  	_ =	shalt  }
0x44: {  	_ =	shalt  }
0x45: {  	_ =	shalt  }
0x46: {  	_ =	shalt  }
0x47: {  	_ =	shalt  }
0x48: {  	_ =	shalt  }
0x49: {  	_ =	shalt  }
0x4a: {  	_ =	shalt  }
0x4b: {  	_ =	shalt  }
0x4c: {  	_ =	shalt  }
0x4d: {  	_ =	shalt  }
0x4e: {  	_ =	shalt  }
0x4f: {  	_ =	shalt  }
0x50: {  	_ =	shalt  }
0x51: {  	_ =	shalt  }
0x52: {  	_ =	shalt  }
0x53: {  	_ =	shalt  }
0x54: {  	_ =	shalt  }
0x55: {  	_ =	shalt  }
0x56: {  	_ =	shalt  }
0x57: {  	_ =	shalt  }
0x58: {  	_ =	shalt  }
0x59: {  	_ =	shalt  }
0x5a: {  	_ =	shalt  }
0x5b: {  	_ =	shalt  }
0x5c: {  	_ =	shalt  }
0x5d: {  	_ =	shalt  }
0x5e: {  	_ =	shalt  }
0x5f: {  	_ =	shalt  }
0x60: {  	_ =	shalt  }
0x61: {  	_ =	shalt  }
0x62: {  	_ =	shalt  }
0x63: {  	_ =	shalt  }
0x64: {  	_ =	shalt  }
0x65: {  	_ =	shalt  }
0x66: {  	_ =	shalt  }
0x67: {  	_ =	shalt  }
0x68: {  	_ =	shalt  }
0x69: {  	_ =	shalt  }
0x6a: {  	_ =	shalt  }
0x6b: {  	_ =	shalt  }
0x6c: {  	_ =	shalt  }
0x6d: {  	_ =	shalt  }
0x6e: {  	_ =	shalt  }
0x6f: {  	_ =	shalt  }
0x70: {  	_ =	shalt  }
0x71: {  	_ =	shalt  }
0x72: {  	_ =	shalt  }
0x73: {  	_ =	shalt  }
0x74: {  	_ =	shalt  }
0x75: {  	_ =	shalt  }
0x76: {  	_ =	shalt  }
0x77: {  	_ =	shalt  }
0x78: {  	_ =	shalt  }
0x79: {  	_ =	shalt  }
0x7a: {  	_ =	shalt  }
0x7b: {  	_ =	shalt  }
0x7c: {  	_ =	shalt  }
0x7d: {  	_ =	shalt  }
0x7e: {  	_ =	shalt  }
0x7f: {  	_ =	shalt  }
0x80: {  	_ =	shalt  }
0x81: {  	_ =	shalt  }
0x82: {  	_ =	shalt  }
0x83: {  	_ =	shalt  }
0x84: {  	_ =	shalt  }
0x85: {  	_ =	shalt  }
0x86: {  	_ =	shalt  }
0x87: {  	_ =	shalt  }
.Lfunc_end0:
.L_simem_size_0:
called_computation.2_lowered:
.L_overlay_start_0:
0x88: {  	s2 =	sld [smem:$0x3FD9]  }
0x89: {  	s3 =	sld [smem:$0x3FFE];
	_ =	sdelay $0x1  }
0x8a: {  	s1 =	srdreg.scid  }
0x8b: {  	s0 =	sand.u32 $0x1, s1  }
0x8c: {  	s17 =	sshll.u32 s0, $0xA;
	s2 =	sadd.s32 s3, s2  }
0x8d: {  	s2 =	sadd.s32 s2, s17  }
0x8e: {  	[smem:$0x3FBB] =	sst s2  }
0x8f: {  	_ = 	snop  }
0x90: {  	(tm) =	ssettm $0x1  }
0x91: {  	s18 =	sld [smem:$0x3FFB];
	_ =	sdelay $0x3  }
0x92: {  	_ =	strace s18  }
0x93: {  	s2 =	sld [smem:$0x3FFC];
	_ =	sdelay $0x3  }
0x94: {  	_ =	strace s2  }
0x95: {  	s2 =	sld [smem:$0x3FFD];
	_ =	sdelay $0x3  }
0x96: {  	_ =	strace s2  }
0x97: {  	_ =	strace $0x8FFFFFFF  }
0x98: {  	s19 =	sld [smem:$0x3FDB];
	_ =	sdelay $0x1  }
0x99: {  	s20 =	simm.s32 $_scs_section_size  }
0x9a: {  	s4 =	simm.s32 $_size__tile_overlayer_lowered;
	s5 =	simm.s32 $_tile_overlayer_lowered  }
0x9b: {  	s6 =	simm.s32 $0x1BFF;
	s21 =	sshll.u32 s5, $0x1;
	s3 =	sadd.s32 s20, s19  }
0x9c: {  	s22 =	simm.s32 $0x0;
	s4 =	sshll.u32 s4, $0x1;
	s5 =	sadd.s32 s21, s3  }
0x9d: {  	[timem:s22], [sflag:s6] =	dma.local [hbm:s5], s4  }
0x9e: {  	_ =	swait.ge [sflag:s6], s4  }
0x9f: {  	s4 =	ssub.s32 $0x0, s4;
	[sflag:s6] =	ssyncset.done $0x0  }
0xa0: {  	[sflag:s6] =	ssyncadd.s32 s4;
	_ =	sdelay $0x1  }
0xa1: {  	s23 =	simm.s32 $0x1B8B  }
0xa2: {  	_ =	swait.ge [sflag:s23], $0x1  }
0xa3: {  	[sflag:s23] =	ssyncset.done $0x0  }
0xa4: {  	[sflag:s23] =	ssyncadd.s32 $0xFFFFFFFF  }
0xa5: {  	s4 =	sld [smem:$0x0]  }
0xa6: {  	s5 =	sand.u32 $0xFFFFFFFE, s1  }
0xa7: {  	p0 =	sne.s32 s1, s5  }
0xa8: {  	s5 =	sshll.u32 @p0 s5, $0xE  }
0xa9: {  	s5 =	sadd.s32 @p0 $0x11B8D, s5;
	s6 =	sshll.u32 @p0 s4, $0x11  }
0xaa: {  	s5 =	sor.u32 @p0 s6, s5  }
0xab: {  	[sflag:s5] =	ssyncadd.remote.s32 @p0 $0x1;
	_ =	sdelay $0x1  }
0xac: {  	s5 =	simm.s32 @p0 $0x1B8D  }
0xad: {  	_ =	swait.eq @p0 [sflag:s5], $0x1  }
0xae: {  	[sflag:s5] =	ssyncadd.s32 @p0 $0xFFFFFFFF  }
0xaf: {  	s6 =	sshll.u32 @!p0 s1, $0xE  }
0xb0: {  	s6 =	sor.u32 @!p0 $0x4000, s6;
	s5 =	simm.s32 @!p0 $0x1B8D  }
0xb1: {  	s4 =	sshll.u32 @!p0 s4, $0x11;
	s6 =	sadd.s32 @!p0 $0x11B8D, s6;
	_ =	swait.eq @!p0 [sflag:s5], $0x1  }
0xb2: {  	s4 =	sor.u32 @!p0 s4, s6;
	[sflag:s5] =	ssyncadd.s32 @!p0 $0xFFFFFFFF  }
0xb3: {  	s25 =	simm.s32 $0x1B8E;
	s24 =	sld [smem:$0x3FFE];
	[sflag:s4] =	ssyncadd.remote.s32 @!p0 $0x1  }
0xb4: {  	s26 =	simm.s32 $execute0_lowered;
	[smem:$0x3FD2] =	sst s25  }
0xb5: {  	s5 =	sshll.u32 s26, $0x1;
	_ =	strace $0x8000004C;
	[dreg:$0x1] =	wrdreg $0xFFFFFFFF  }
0xb6: {  	s28 =	simm.s32 $_size_execute0_lowered;
	s3 =	sadd.s32 s3, s5;
	[dreg:$0x0] =	wrdreg $0x0  }
0xb7: {  	s5 =	sshll.u32 s28, $0x1;
	[dreg:$0x2] =	wrdreg s3  }
0xb8: {  	[dreg:$0x3] =	wrdreg s5  }
0xb9: {  	[dreg:$0x4] =	wrdreg $0xC0  }
0xba: {  	_ =	task [dreg:s22], $0x5FFFF  }
0xbb: {  	[dreg:$0x1] =	wrdreg $0xFFFFFFFF  }
0xbc: {  	[dreg:$0x0] =	wrdreg $0x60  }
0xbd: {  	[dreg:$0x2] =	wrdreg s24  }
0xbe: {  	[dreg:$0x3] =	wrdreg $0x0  }
0xbf: {  	[dreg:$0x4] =	wrdreg $0xA  }
0xc0: {  	_ =	task.clear_ibuf [dreg:s22], $0x5FFFF;
	_ =	strace $0x9000004C  }
0xc1: {  	s29 =	simm.s32 $0xA;
	_ =	strace $0x8000004E  }
0xc2: {  	_ =	swait.ge [sflag:s29], $0x1  }
0xc3: {  	[sflag:s29] =	ssyncadd.s32 $0xFFFFFFFF  }
0xc4: {  	_ =	strace $0x9000004E  }
0xc5: {  	_ =	sfence  }
0xc6: {  	s30 =	sld [smem:$0x0];
	_ =	sdelay $0x2  }
0xc7: {  	s31 =	sshll.u32 s1, $0xD;
	s1 =	sshrl.u32 s1, $0x2  }
0xc8: {  	s4 =	sand.u32 $0x4000, s31;
	s1 =	sadd.s32 s1, s30  }
0xc9: {  	s0 =	sor.u32 s4, s0;
	s1 =	sshll.u32 s1, $0x11  }
0xca: {  	s0 =	sor.u32 s1, s0  }
0xcb: {  	s0 =	sadd.s32 $0x8F2B, s0  }
0xcc: {  	[sflag:s0] =	ssyncadd.remote.s32 $0x1  }
0xcd: {  	_ =	sfence.sel $0xFFFF  }
0xce: {  	[dreg:$0x0] =	wrdreg $0xFFFFFFFF;
	(pc) =	sbr.abs _section_cstart, $3  }
0xcf: {  	[dreg:$0x1] =	wrdreg $0xFFFFFFFF  }
0xd0: {  	_ =	task.clear_ibuf [dreg:s22], $0x2FFFF;
	_ =	strace $0x9FFFFFFF  }
0xd1: {  	(tm) =	ssettm $0x7FFFFFFF  }
tec
execute0_lowered:
.L_overlay_start_1:
0x0: {  	(tag) =	ssettag $0x1  }
0x1: {  	s10 =	rddreg [dreg:$0x0]  }
0x2: {  	s0 =	srdreg.scid;
	s2 =	rddreg [dreg:$0x1]  }
0x3: {  	s1 =	stileid.u32;
	s3 =	simm.s32 $0x0;
	s14 =	simm.s32 $0xFEA00  }
0x4: {  	s15 =	simm.s32 $0x80;
	s16 =	simm.s32 $0x15000;
	s19 =	simm.s32 $0x19000  }
0x5: {  	s20 =	simm.s32 $0x1;
	s21 =	simm.s32 $0x3;
	s22 =	simm.s32 $0x2  }
0x6: {  	s23 =	simm.s32 $0x4;
	s24 =	simm.s32 $0x0;
	s7 =	smul.u32 $0x50000, s1  }
0x7: {  	s6 =	sand.u32 $0x1, s0;
	[smem:$0x7FF] =	sst s3;
	s11 =	smul.u32 $0x2800, s1  }
0x8: {  	s31 =	sshll.u32 s1, $0x6;
	s4 =	sshll.u32 s6, $0x4;
	_ =	strace $0x8000004D  }
0x9: {  	s8 =	ssub.s32 $0x2, s6;
	p0 =	seq.s32 s6, $0x1;
	s4 =	sor.u32 s1, s4  }
0xa: {  	s6 =	sor.u32 $0x1C07, s31;
	s30 =	sshrl.u32 s8, $0x1;
	s5 =	smul.u32 $0x280, s4  }
0xb: {  	s7 =	sshrl.u32 s7, $0x2;
	s14 =	simm.s32 @!p0 $0xD6A00;
	s4 =	sadd.s32 $0x4A00, s10  }
0xc: {  	s12 =	ssub.s32 s8, s30;
	s13 =	sadd.s32 s7, s2;
	s9 =	sadd.s32 s5, s10  }
0xd: {  	s5 =	sadd.s32 s4, s11;
	s10 =	sadd.s32 s14, s10;
	s14 =	simm.s32 $0x14800  }
0xe: {  	s7 =	sadd.s32 $0x7CA00, s9;
	s8 =	sadd.s32 $0x81A00, s9;
	s9 =	smax.u32 s12, $0x1  }
0xf: {  	s10 =	sadd.s32 s10, s11;
	s11 =	sshrl.u32 s13, $0x3;
	s12 =	simm.s32 $0x7  }
0x10: {  	s13 =	simm.s32 $0x14000;
	s17 =	sadd.s32 $0x80, s8;
	s18 =	sadd.s32 $0x80, s7  }
.LBB2_1:
0x11: {  	[spmem:s11], [sflag:s6] =	dma.local [hbm:s5], $0x2800  }
0x12: {  	_ =	swait.ge [sflag:s12], $0x2800  }
0x13: {  	[sflag:s12] =	ssyncset.done $0x0  }
0x14: {  	[sflag:s12] =	ssyncadd.s32 $0xFFFFD800  }
0x15: {  	[bflag:$0x0] =	sbarrier.arrive $0xFFFF  }
0x16: {  	[tilespmem:s13], [sflag:$0x7] =	stream.linear.gather [hbm4b:s7+s3], $0x400, $0x38;
	[tilespmem:$0x1D000] =	vst v63  }
0x17: {  	_ =	swait.ge [sflag:s12], $0x400  }
0x18: {  	[sflag:s12] =	ssyncset.done $0x0  }
0x19: {  	[sflag:s12] =	ssyncadd.s32 $0xFFFFFC00  }
0x1a: {  	[tilespmem:s14], [sflag:$0x7] =	stream.linear.gather [hbm4b:s8+s3], $0x400, $0x38;
	[tilespmem:$0x1D000] =	vst v63  }
0x1b: {  	_ =	swait.ge [sflag:s12], $0x400  }
0x1c: {  	[sflag:s12] =	ssyncset.done $0x0  }
0x1d: {  	s25 =	simm.s32 $0x0;
	s26 =	simm.s32 $0x0;
	[sflag:s12] =	ssyncadd.s32 $0xFFFFFC00  }
0x1e: {  	[tilespmem:s16], [sflag:$0x1] =	stream.indirect.gather [hbm4b:s4+s15], $0x80, s13, s15, $0xb8;
	[tilespmem:$0x1D000] =	vst v63  }
.LBB2_2:
0x1f: {  	s29 =	sand.u32 $0x8, s25  }
0x20: {  	p0 =	seq.s32 s26, $0x200;
	s28 =	sxor.u32 $0x8, s29  }
0x21: {  	s31 =	sadd.s32 @!p0 s26, s18;
	s30 =	sshll.u32 @!p0 s28, $0x7  }
0x22: {  	s0 =	simm.s32 @!p0 $0x0;
	p1 =	seq.s32 @!p0 s26, $0x0;
	s28 =	sor.u32 @!p0 $0x14000, s30  }
0x23: {  	[tilespmem:s28], [sflag:$0x5] =	stream.linear.gather @!p0 [hbm4b:s31+s0], $0x400, $0x38;
	[tilespmem:$0x1D000] =	vst v63  }
0x24: {  	p1 =	por p0, !p1;
	s30 =	sor.u32 @!p0 $0x14800, s30;
	s31 =	sadd.s32 @!p0 s26, s17  }
0x25: {  	[tilespmem:s30], [sflag:$0x6] =	stream.linear.gather @!p0 [hbm4b:s31+s0], $0x400, $0x38;
	[tilespmem:$0x1D000] =	vst v63  }
0x26: {  	_ =	swait.ge @p1 [sflag:s23], $0x4000  }
0x27: {  	s29 =	sshll.u32 s29, $0x7;
	[sflag:s23] =	ssyncset.done @p1 $0x0  }
0x28: {  	s31 =	sor.u32 $0x14080, s29;
	[sflag:s23] =	ssyncadd.s32 @p1 $0xFFFFC000  }
0x29: {  	[tilespmem:s19], [sflag:$0x2] =	stream.indirect.gather [hbm4b:s4+s15], $0x80, s31, s15, $0xb8;
	[tilespmem:$0x1D000] =	vst v63  }
0x2a: {  	_ =	swait.ge [sflag:s20], $0x4000  }
0x2b: {  	[sflag:s20] =	ssyncset.done $0x0  }
0x2c: {  	s30 =	sor.u32 $0x14800, s29;
	[sflag:s20] =	ssyncadd.s32 $0xFFFFC000  }
0x2d: {  	[spmem:s2] =	stream.indirect.scatter.add.f32 [tilespmem:s16], [sflag:$0x3], $0x80, s30, s15, $0xb8;
	[tilespmem:$0x1D000] =	vst v63  }
0x2e: {  	_ =	swait.ge [sflag:s21], $0x4000  }
0x2f: {  	[sflag:s21] =	ssyncset.done $0x0  }
0x30: {  	s31 =	sor.u32 $0x14100, s29;
	[sflag:s21] =	ssyncadd.s32 $0xFFFFC000  }
0x31: {  	[tilespmem:s16], [sflag:$0x1] =	stream.indirect.gather [hbm4b:s4+s15], $0x80, s31, s15, $0xb8;
	[tilespmem:$0x1D000] =	vst v63  }
0x32: {  	_ =	swait.ge [sflag:s22], $0x4000  }
0x33: {  	[sflag:s22] =	ssyncset.done $0x0  }
0x34: {  	s30 =	sor.u32 $0x14880, s29;
	[sflag:s22] =	ssyncadd.s32 $0xFFFFC000  }
0x35: {  	[spmem:s2] =	stream.indirect.scatter.add.f32 [tilespmem:s19], [sflag:$0x4], $0x80, s30, s15, $0xb8;
	[tilespmem:$0x1D000] =	vst v63  }
0x36: {  	_ =	swait.ge [sflag:s23], $0x4000  }
0x37: {  	[sflag:s23] =	ssyncset.done $0x0  }
0x38: {  	s31 =	sor.u32 $0x14180, s29;
	[sflag:s23] =	ssyncadd.s32 $0xFFFFC000  }
0x39: {  	[tilespmem:s19], [sflag:$0x2] =	stream.indirect.gather [hbm4b:s4+s15], $0x80, s31, s15, $0xb8;
	[tilespmem:$0x1D000] =	vst v63  }
0x3a: {  	_ =	swait.ge [sflag:s20], $0x4000  }
0x3b: {  	[sflag:s20] =	ssyncset.done $0x0  }
0x3c: {  	s30 =	sor.u32 $0x14900, s29;
	[sflag:s20] =	ssyncadd.s32 $0xFFFFC000  }
0x3d: {  	[spmem:s2] =	stream.indirect.scatter.add.f32 [tilespmem:s16], [sflag:$0x3], $0x80, s30, s15, $0xb8;
	[tilespmem:$0x1D000] =	vst v63  }
0x3e: {  	_ =	swait.ge [sflag:s21], $0x4000  }
0x3f: {  	[sflag:s21] =	ssyncset.done $0x0  }
0x40: {  	s31 =	sor.u32 $0x14200, s29;
	[sflag:s21] =	ssyncadd.s32 $0xFFFFC000  }
0x41: {  	[tilespmem:s16], [sflag:$0x1] =	stream.indirect.gather [hbm4b:s4+s15], $0x80, s31, s15, $0xb8;
	[tilespmem:$0x1D000] =	vst v63  }
0x42: {  	_ =	swait.ge [sflag:s22], $0x4000  }
0x43: {  	[sflag:s22] =	ssyncset.done $0x0  }
0x44: {  	s30 =	sor.u32 $0x14980, s29;
	[sflag:s22] =	ssyncadd.s32 $0xFFFFC000  }
0x45: {  	[spmem:s2] =	stream.indirect.scatter.add.f32 [tilespmem:s19], [sflag:$0x4], $0x80, s30, s15, $0xb8;
	[tilespmem:$0x1D000] =	vst v63  }
0x46: {  	_ =	swait.ge [sflag:s23], $0x4000  }
0x47: {  	[sflag:s23] =	ssyncset.done $0x0  }
0x48: {  	s31 =	sor.u32 $0x14280, s29;
	[sflag:s23] =	ssyncadd.s32 $0xFFFFC000  }
0x49: {  	[tilespmem:s19], [sflag:$0x2] =	stream.indirect.gather [hbm4b:s4+s15], $0x80, s31, s15, $0xb8;
	[tilespmem:$0x1D000] =	vst v63  }
0x4a: {  	_ =	swait.ge [sflag:s20], $0x4000  }
0x4b: {  	[sflag:s20] =	ssyncset.done $0x0  }
0x4c: {  	s30 =	sor.u32 $0x14A00, s29;
	[sflag:s20] =	ssyncadd.s32 $0xFFFFC000  }
0x4d: {  	[spmem:s2] =	stream.indirect.scatter.add.f32 [tilespmem:s16], [sflag:$0x3], $0x80, s30, s15, $0xb8;
	[tilespmem:$0x1D000] =	vst v63  }
0x4e: {  	_ =	swait.ge [sflag:s21], $0x4000  }
0x4f: {  	[sflag:s21] =	ssyncset.done $0x0  }
0x50: {  	s31 =	sor.u32 $0x14300, s29;
	[sflag:s21] =	ssyncadd.s32 $0xFFFFC000  }
0x51: {  	[tilespmem:s16], [sflag:$0x1] =	stream.indirect.gather [hbm4b:s4+s15], $0x80, s31, s15, $0xb8;
	[tilespmem:$0x1D000] =	vst v63  }
0x52: {  	_ =	swait.ge [sflag:s22], $0x4000  }
0x53: {  	[sflag:s22] =	ssyncset.done $0x0  }
0x54: {  	s30 =	sor.u32 $0x14A80, s29;
	[sflag:s22] =	ssyncadd.s32 $0xFFFFC000  }
0x55: {  	[spmem:s2] =	stream.indirect.scatter.add.f32 [tilespmem:s19], [sflag:$0x4], $0x80, s30, s15, $0xb8;
	[tilespmem:$0x1D000] =	vst v63  }
0x56: {  	_ =	swait.ge [sflag:s23], $0x4000  }
0x57: {  	[sflag:s23] =	ssyncset.done $0x0  }
0x58: {  	s31 =	sor.u32 $0x14380, s29;
	[sflag:s23] =	ssyncadd.s32 $0xFFFFC000  }
0x59: {  	[tilespmem:s19], [sflag:$0x2] =	stream.indirect.gather [hbm4b:s4+s15], $0x80, s31, s15, $0xb8;
	[tilespmem:$0x1D000] =	vst v63  }
0x5a: {  	_ =	swait.ge [sflag:s20], $0x4000  }
0x5b: {  	[sflag:s20] =	ssyncset.done $0x0  }
0x5c: {  	s0 =	simm.s32 @!p0 $0x3;
	s30 =	sor.u32 $0x14B00, s29;
	[sflag:s20] =	ssyncadd.s32 $0xFFFFC000  }
0x5d: {  	[spmem:s2] =	stream.indirect.scatter.add.f32 [tilespmem:s16], [sflag:$0x3], $0x80, s30, s15, $0xb8;
	[tilespmem:$0x1D000] =	vst v63  }
0x5e: {  	_ =	swait.ge @!p0 [sflag:s0], $0x4000  }
0x5f: {  	[sflag:s0] =	ssyncset.done @!p0 $0x0  }
0x60: {  	[sflag:s0] =	ssyncadd.s32 @!p0 $0xFFFFC000;
	s0 =	simm.s32 @!p0 $0x5  }
0x61: {  	_ =	swait.ge @!p0 [sflag:s0], $0x400  }
0x62: {  	[sflag:s0] =	ssyncset.done @!p0 $0x0  }
0x63: {  	[sflag:s0] =	ssyncadd.s32 @!p0 $0xFFFFFC00;
	s0 =	simm.s32 @!p0 $0x6  }
0x64: {  	_ =	swait.ge @!p0 [sflag:s0], $0x400  }
0x65: {  	s26 =	sadd.s32 $0x80, s26;
	[sflag:s0] =	ssyncset.done @!p0 $0x0  }
0x66: {  	s30 =	simm.s32 @!p0 $0x15000;
	[sflag:s0] =	ssyncadd.s32 @!p0 $0xFFFFFC00;
	s0 =	simm.s32 @!p0 $0x80  }
0x67: {  	[tilespmem:s30], [sflag:$0x1] =	stream.indirect.gather @!p0 [hbm4b:s4+s0], $0x80, s28, s0, $0xb8;
	[tilespmem:$0x1D000] =	vst v63  }
0x68: {  	p0 =	sne.s32 s26, $0x280  }
.Ltmp0:
0x69: {  	_ = 	snop;
	(pc) =	sbr.rel @p0 .LBB2_2-.Ltmp0, $4  }
0x6a: {  	_ =	swait.ge [sflag:s22], $0x4000  }
0x6b: {  	s31 =	sor.u32 $0x380, s29;
	[sflag:s22] =	ssyncset.done $0x0  }
0x6c: {  	s25 =	sadd.s32 $0x8, s25;
	s0 =	sor.u32 $0x14800, s31;
	[sflag:s22] =	ssyncadd.s32 $0xFFFFC000  }
0x6d: {  	[spmem:s2] =	stream.indirect.scatter.add.f32 [tilespmem:s19], [sflag:$0x4], $0x80, s0, s15, $0xb8;
	[tilespmem:$0x1D000] =	vst v63  }
0x6e: {  	_ =	swait.ge [sflag:s21], $0x4000  }
0x6f: {  	[sflag:s21] =	ssyncset.done $0x0  }
0x70: {  	[sflag:s21] =	ssyncadd.s32 $0xFFFFC000  }
0x71: {  	_ =	swait.ge [sflag:s23], $0x4000  }
0x72: {  	s24 =	sadd.s32 $0x1, s24;
	[sflag:s23] =	ssyncset.done $0x0  }
0x73: {  	p0 =	sne.s32 s24, s9;
	[sflag:s23] =	ssyncadd.s32 $0xFFFFC000  }
.Ltmp1:
0x74: {  	[bflag:$0x0] =	sbarrier.arrive $0xFFFF;
	(pc) =	sbr.rel @p0 .LBB2_1-.Ltmp1, $4  }
0x75: {  	[hbm:s10], [sflag:s6] =	dma.local [spmem:s11], $0x2800  }
0x76: {  	_ =	swait.ge [sflag:s12], $0x2800  }
0x77: {  	[sflag:s12] =	ssyncset.done $0x0  }
0x78: {  	[sflag:s12] =	ssyncadd.s32 $0xFFFFD800  }
0x79: {  	_ =	sfence.sel $0x180000  }
0x7a: {  	[bflag:$0x0] =	sbarrier.arrive $0xFFFF  }
0x7b: {  	_ =	strace $0x9000004D  }
0x7c: {  	[bflag:$0x2] =	sbarrier.arrive $0xFFFF  }
0x7d: {  	p0 =	sne.s32 s1, $0x0;
	s0 =	rddreg [dreg:$0x2]  }
0x7e: {  	s0 =	sadd.s32 @!p0 $0x100000, s0  }
0x7f: {  	[sflag:s0] =	ssyncadd.tile.s32 @!p0 $0x1;
	_ =	shalt  }
.Lfunc_end2:
_tile_overlayer_lowered:
.L_overlay_start_2:
0x80: {  	(tag) =	ssettag $0x2  }
0x81: {  	s0 =	rddreg [dreg:$0x0];
	s2 =	stileid.u32  }
0x82: {  	s1 =	rddreg [dreg:$0x1];
	p0 =	sne.s32 s2, $0x0  }
0x83: {  	s3 =	rddreg [dreg:$0x2];
	[bflag:$0x3] =	sbarrier.arrive $0xFFFF;
	s2 =	simm.s32 @!p0 $0x1C07  }
0x84: {  	[timem:s3], [sflag:s2] =	dma.local @!p0 [hbm:s0], s1  }
0x85: {  	s0 =	simm.s32 @!p0 $0x7  }
0x86: {  	_ =	swait.ge @!p0 [sflag:s0], s1  }
0x87: {  	s1 =	ssub.s32 @!p0 $0x0, s1;
	[sflag:s0] =	ssyncset.done @!p0 $0x0  }
0x88: {  	[sflag:s0] =	ssyncadd.s32 @!p0 s1  }
0x89: {  	[bflag:$0x3] =	sbarrier.arrive $0xFFFF  }
0x8a: {  	_ =	shalt  }

// kernel: kernel.17.cloned.1.call-start
scs
__scs_entry_jumppad:
0x0: {  	(pc) =	sbr.rel $0x88, $3  }
0x1: {  	(tag) =	ssettag $0x0;
	lr =	simm.s32 $0x1  }
0x2: {  	[smem:$0x3F94] =	sst lr;
	_ =	strace $0xD0000000  }
0x3: {  	_ = 	snop  }
0x4: {  	_ = 	snop  }
0x5: {  	_ = 	snop  }
0x6: {  	_ = 	snop  }
0x7: {  	_ = 	snop  }
__scs_overlays_trampoline_lowered:
0x8: {  	[smem:$0x3FA3] =	sst s0  }
0x9: {  	[smem:$0x3FA4] =	sst s1  }
0xa: {  	[smem:$0x3FA5] =	sst s2  }
0xb: {  	[smem:$0x3FA6] =	sst s3  }
0xc: {  	[smem:$0x3FA7] =	sst s4  }
0xd: {  	[smem:$0x3FA8] =	sst s5  }
0xe: {  	[smem:$0x3FA9] =	sst s6  }
0xf: {  	[smem:$0x3FAA] =	sst s7  }
0x10: {  	[smem:$0x3FAB] =	sst s8  }
0x11: {  	[smem:$0x3FAC] =	sst s9;
	s0 =	simm.s32 @!p0 $0x0  }
0x12: {  	s1 =	sld [smem:$0x3F92];
	s0 =	simm.s32 @p0 $0x1  }
0x13: {  	[smem:$0x3FAD] =	sst s0;
	s0 =	simm.s32 @!p1 $0x0  }
0x14: {  	s2 =	sld [smem:$0x3F91];
	s0 =	simm.s32 @p1 $0x1  }
0x15: {  	[smem:$0x3FAE] =	sst s0;
	s0 =	simm.s32 @!p2 $0x0  }
0x16: {  	s3 =	sld [smem:$0x3FDB];
	s0 =	simm.s32 @p2 $0x1  }
0x17: {  	s4 =	simm.s32 $0x1BF5;
	[smem:$0x3FB0] =	sst s0  }
0x18: {  	s0 =	sld [smem:$0x3F93];
	_ =	swait.ge [sflag:s4], $0x0  }
0x19: {  	s7 =	sld [smem:$0x3F94]  }
0x1a: {  	s8 =	sadd.s32 $0xFFFFE003, lr  }
0x1b: {  	s9 =	sadd.s32 $0xFFFFFEF7, lr;
	s5 =	simm.s32 $0xFFFFFFFF;
	p2 =	slt.u32 s8, $0xFFFFF086  }
0x1c: {  	p1 =	slt.u32 s9, $0xF7A;
	s5 =	simm.s32 @!p2 $0x0  }
0x1d: {  	s5 =	simm.s32 @p1 $0x1;
	p0 =	seq.s32 s7, s2  }
0x1e: {  	s7 =	smul.u32 @!p0 $0xF7A, s2;
	p2 =	seq.s32 @!p0 s5, $0x0  }
0x1f: {  	s9 =	smul.u32 $0xF7A, s1;
	s8 =	simm.s32 @!p0 $0x1BF5;
	p2 =	por !p2, p0  }
0x20: {  	[sflag:s8] =	ssyncset.s32 @!p0 $0xFFFFF086;
	s6 =	sadd.s32 @!p0 s3, s7;
	s7 =	simm.s32 @!p0 $0x108  }
0x21: {  	s3 =	sadd.s32 s3, s9;
	s6 =	sadd.s32 @!p0 $0x88, s6;
	s7 =	simm.s32 @p2 $0x1082  }
0x22: {  	[simem:s7], [sflag:s8] =	dma.local @!p0 [hbm:s6], $0xF7A  }
0x23: {  	s9 =	sor.u32 $0xD0000000, s2;
	s6 =	simm.s32 $0x108;
	_ =	swait.ge @!p0 [sflag:s8], $0x0  }
0x24: {  	s3 =	sadd.s32 $0x88, s3;
	s6 =	simm.s32 @!p1 $0x1082;
	[sflag:s4] =	ssyncset.s32 $0xFFFFF086  }
0x25: {  	[simem:s6], [sflag:s4] =	dma.local [hbm:s3], $0xF7A  }
0x26: {  	[smem:$0x3F94] =	sst s1;
	(tag) =	ssettag s2;
	_ =	strace s9  }
0x27: {  	s1 =	sld [smem:$0x3FA4]  }
0x28: {  	s2 =	sld [smem:$0x3FA5]  }
0x29: {  	s4 =	sld [smem:$0x3FA7]  }
0x2a: {  	p0 =	seq.s32 s5, $0x0;
	s5 =	sld [smem:$0x3FA8]  }
0x2b: {  	s6 =	sld [smem:$0x3FA9]  }
0x2c: {  	s7 =	sld [smem:$0x3FAA]  }
0x2d: {  	s3 =	simm.s32 $0x108;
	s8 =	sld [smem:$0x3FAB]  }
0x2e: {  	s3 =	simm.s32 @!p0 $0x1082;
	s9 =	sld [smem:$0x3FAC]  }
0x2f: {  	lr =	sadd.s32 s0, s3;
	s0 =	sld [smem:$0x3FA3]  }
0x30: {  	s3 =	sld [smem:$0x3FA6]  }
0x31: {  	[smem:$0x3FAF] =	sst s10  }
0x32: {  	s10 =	sld [smem:$0x3FAD];
	_ =	sdelay $0x3  }
0x33: {  	p0 =	seq.s32 s10, $0x1;
	s10 =	sld [smem:$0x3FAF];
	_ =	sdelay $0x3  }
0x34: {  	[smem:$0x3FAF] =	sst s10  }
0x35: {  	s10 =	sld [smem:$0x3FAE];
	_ =	sdelay $0x3  }
0x36: {  	p1 =	seq.s32 s10, $0x1;
	s10 =	sld [smem:$0x3FAF];
	_ =	sdelay $0x3  }
0x37: {  	[smem:$0x3FAF] =	sst s10  }
0x38: {  	s10 =	sld [smem:$0x3FB0]  }
0x39: {  	_ = 	snop;
	(pc) =	sbr.ind lr, $3  }
0x3a: {  	_ = 	snop  }
0x3b: {  	_ = 	snop  }
0x3c: {  	p2 =	seq.s32 s10, $0x1;
	s10 =	sld [smem:$0x3FAF]  }
0x3d: {  	_ =	shalt  }
0x3e: {  	_ =	shalt  }
0x3f: {  	_ =	shalt  }
0x40: {  	_ =	shalt  }
0x41: {  	_ =	shalt  }
0x42: {  	_ =	shalt  }
0x43: {  	_ =	shalt  }
0x44: {  	_ =	shalt  }
0x45: {  	_ =	shalt  }
0x46: {  	_ =	shalt  }
0x47: {  	_ =	shalt  }
0x48: {  	_ =	shalt  }
0x49: {  	_ =	shalt  }
0x4a: {  	_ =	shalt  }
0x4b: {  	_ =	shalt  }
0x4c: {  	_ =	shalt  }
0x4d: {  	_ =	shalt  }
0x4e: {  	_ =	shalt  }
0x4f: {  	_ =	shalt  }
0x50: {  	_ =	shalt  }
0x51: {  	_ =	shalt  }
0x52: {  	_ =	shalt  }
0x53: {  	_ =	shalt  }
0x54: {  	_ =	shalt  }
0x55: {  	_ =	shalt  }
0x56: {  	_ =	shalt  }
0x57: {  	_ =	shalt  }
0x58: {  	_ =	shalt  }
0x59: {  	_ =	shalt  }
0x5a: {  	_ =	shalt  }
0x5b: {  	_ =	shalt  }
0x5c: {  	_ =	shalt  }
0x5d: {  	_ =	shalt  }
0x5e: {  	_ =	shalt  }
0x5f: {  	_ =	shalt  }
0x60: {  	_ =	shalt  }
0x61: {  	_ =	shalt  }
0x62: {  	_ =	shalt  }
0x63: {  	_ =	shalt  }
0x64: {  	_ =	shalt  }
0x65: {  	_ =	shalt  }
0x66: {  	_ =	shalt  }
0x67: {  	_ =	shalt  }
0x68: {  	_ =	shalt  }
0x69: {  	_ =	shalt  }
0x6a: {  	_ =	shalt  }
0x6b: {  	_ =	shalt  }
0x6c: {  	_ =	shalt  }
0x6d: {  	_ =	shalt  }
0x6e: {  	_ =	shalt  }
0x6f: {  	_ =	shalt  }
0x70: {  	_ =	shalt  }
0x71: {  	_ =	shalt  }
0x72: {  	_ =	shalt  }
0x73: {  	_ =	shalt  }
0x74: {  	_ =	shalt  }
0x75: {  	_ =	shalt  }
0x76: {  	_ =	shalt  }
0x77: {  	_ =	shalt  }
0x78: {  	_ =	shalt  }
0x79: {  	_ =	shalt  }
0x7a: {  	_ =	shalt  }
0x7b: {  	_ =	shalt  }
0x7c: {  	_ =	shalt  }
0x7d: {  	_ =	shalt  }
0x7e: {  	_ =	shalt  }
0x7f: {  	_ =	shalt  }
0x80: {  	_ =	shalt  }
0x81: {  	_ =	shalt  }
0x82: {  	_ =	shalt  }
0x83: {  	_ =	shalt  }
0x84: {  	_ =	shalt  }
0x85: {  	_ =	shalt  }
0x86: {  	_ =	shalt  }
0x87: {  	_ =	shalt  }
.Lfunc_end0:
.L_simem_size_0:
called_computation.3_lowered:
.L_overlay_start_0:
0x88: {  	s2 =	sld [smem:$0x3FD9]  }
0x89: {  	s3 =	sld [smem:$0x3FFE];
	_ =	sdelay $0x1  }
0x8a: {  	s1 =	srdreg.scid  }
0x8b: {  	s0 =	sand.u32 $0x1, s1  }
0x8c: {  	s16 =	sshll.u32 s0, $0xA;
	s2 =	sadd.s32 s3, s2  }
0x8d: {  	s2 =	sadd.s32 s2, s16  }
0x8e: {  	[smem:$0x3FBB] =	sst s2  }
0x8f: {  	_ = 	snop  }
0x90: {  	(tm) =	ssettm $0x1  }
0x91: {  	s17 =	sld [smem:$0x3FFB];
	_ =	sdelay $0x3  }
0x92: {  	_ =	strace s17  }
0x93: {  	s2 =	sld [smem:$0x3FFC];
	_ =	sdelay $0x3  }
0x94: {  	_ =	strace s2  }
0x95: {  	s2 =	sld [smem:$0x3FFD];
	_ =	sdelay $0x3  }
0x96: {  	_ =	strace s2  }
0x97: {  	_ =	strace $0x8FFFFFFF  }
0x98: {  	s18 =	sld [smem:$0x3FDB];
	_ =	sdelay $0x1  }
0x99: {  	s19 =	simm.s32 $_scs_section_size  }
0x9a: {  	s4 =	simm.s32 $_size__tile_overlayer_lowered;
	s5 =	simm.s32 $_tile_overlayer_lowered  }
0x9b: {  	s22 =	simm.s32 $0x1BFF;
	s21 =	sshll.u32 s5, $0x1;
	s2 =	sadd.s32 s19, s18  }
0x9c: {  	s6 =	simm.s32 $0x0;
	s20 =	sshll.u32 s4, $0x1;
	s4 =	sadd.s32 s21, s2  }
0x9d: {  	[timem:s6], [sflag:s22] =	dma.local [hbm:s4], s20  }
0x9e: {  	_ =	swait.ge [sflag:s22], s20  }
0x9f: {  	s3 =	ssub.s32 $0x0, s20;
	[sflag:s22] =	ssyncset.done $0x0  }
0xa0: {  	[sflag:s22] =	ssyncadd.s32 s3;
	_ =	sdelay $0x1  }
0xa1: {  	s23 =	simm.s32 $0x1B8B  }
0xa2: {  	_ =	swait.ge [sflag:s23], $0x1  }
0xa3: {  	[sflag:s23] =	ssyncset.done $0x0  }
0xa4: {  	s25 =	simm.s32 $0x1B8E;
	s24 =	sld [smem:$0x3FFE];
	[sflag:s23] =	ssyncadd.s32 $0xFFFFFFFF  }
0xa5: {  	s26 =	simm.s32 $execute0_lowered;
	[smem:$0x3FD2] =	sst s25  }
0xa6: {  	s4 =	sshll.u32 s26, $0x1;
	_ =	strace $0x8000004F;
	[dreg:$0x1] =	wrdreg $0xFFFFFFFF  }
0xa7: {  	s28 =	simm.s32 $_size_execute0_lowered;
	s2 =	sadd.s32 s2, s4;
	[dreg:$0x0] =	wrdreg $0x0  }
0xa8: {  	s4 =	sshll.u32 s28, $0x1;
	[dreg:$0x2] =	wrdreg s2  }
0xa9: {  	[dreg:$0x3] =	wrdreg s4  }
0xaa: {  	[dreg:$0x4] =	wrdreg $0xC0  }
0xab: {  	_ =	task [dreg:s6], $0x5FFFF  }
0xac: {  	[dreg:$0x1] =	wrdreg $0xFFFFFFFF  }
0xad: {  	[dreg:$0x0] =	wrdreg $0x60  }
0xae: {  	[dreg:$0x2] =	wrdreg s24  }
0xaf: {  	[dreg:$0x3] =	wrdreg $0x0  }
0xb0: {  	[dreg:$0x4] =	wrdreg $0x9  }
0xb1: {  	_ =	task.clear_ibuf [dreg:s6], $0x5FFFF;
	_ =	strace $0x9000004F  }
0xb2: {  	s29 =	simm.s32 $0x9;
	_ =	strace $0x80000051  }
0xb3: {  	_ =	swait.ge [sflag:s29], $0x1  }
0xb4: {  	[sflag:s29] =	ssyncadd.s32 $0xFFFFFFFF  }
0xb5: {  	_ =	strace $0x90000051  }
0xb6: {  	_ =	sfence  }
0xb7: {  	s30 =	sld [smem:$0x0];
	_ =	sdelay $0x2  }
0xb8: {  	s31 =	sshll.u32 s1, $0xD;
	s1 =	sshrl.u32 s1, $0x2  }
0xb9: {  	s3 =	sand.u32 $0x4000, s31;
	s1 =	sadd.s32 s1, s30  }
0xba: {  	s0 =	sor.u32 s3, s0;
	s1 =	sshll.u32 s1, $0x11  }
0xbb: {  	s0 =	sor.u32 s1, s0  }
0xbc: {  	s0 =	sadd.s32 $0x8F2B, s0  }
0xbd: {  	[sflag:s0] =	ssyncadd.remote.s32 $0x1  }
0xbe: {  	_ =	sfence.sel $0xFFFF  }
0xbf: {  	[dreg:$0x0] =	wrdreg $0xFFFFFFFF;
	(pc) =	sbr.abs _section_cstart, $3  }
0xc0: {  	[dreg:$0x1] =	wrdreg $0xFFFFFFFF  }
0xc1: {  	_ =	task.clear_ibuf [dreg:s6], $0x2FFFF;
	_ =	strace $0x9FFFFFFF  }
0xc2: {  	(tm) =	ssettm $0x7FFFFFFF  }
0xc3: {  	_ =	shalt  }
tec
execute0_lowered:
.L_overlay_start_1:
0x0: {  	(tag) =	ssettag $0x1  }
0x1: {  	s0 =	rddreg [dreg:$0x0]  }
0x2: {  	s2 =	rddreg [dreg:$0x1];
	s3 =	simm.s32 $0x0  }
0x3: {  	s7 =	stileid.u32;
	s6 =	srdreg.scid;
	s17 =	simm.s32 $0x7  }
0x4: {  	s18 =	simm.s32 $0x14000;
	s20 =	simm.s32 $0x80;
	s21 =	simm.s32 $0x15000  }
0x5: {  	s24 =	simm.s32 $0x19000;
	s25 =	simm.s32 $0x1;
	s28 =	simm.s32 $0x2  }
0x6: {  	s29 =	simm.s32 $0x4;
	[smem:$0x7FF] =	sst s3;
	s1 =	smul.u32 $0x500, s7  }
0x7: {  	s4 =	sadd.s32 $0x4A00, s0;
	s5 =	sadd.s32 $0x2CA00, s0;
	s6 =	sand.u32 $0x1, s6  }
0x8: {  	s8 =	sadd.s32 $0x54A00, s0;
	s10 =	smul.u32 $0x50000, s7;
	s13 =	sshll.u32 s7, $0x6  }
0x9: {  	_ =	strace $0x80000050;
	[dreg:$0x3] =	wrdreg s8;
	s9 =	ssub.s32 $0x2, s6  }
0xa: {  	s8 =	smul.u32 $0x2800, s7;
	p0 =	seq.s32 s6, $0x1;
	s15 =	sor.u32 $0x1C07, s13  }
0xb: {  	s1 =	sadd.s32 s1, s0;
	s0 =	sadd.s32 $0x86A00, s0;
	s26 =	sshrl.u32 s9, $0x1  }
.Ltmp0:
0xc: {  	s30 =	sshrl.u32 s10, $0x2;
	[dreg:$0x4] =	wrdreg s0;
	(pc) =	sbr.rel .LBB2_1-.Ltmp0, $4  }
0xd: {  	s0 =	ssub.s32 s9, s26;
	s6 =	sadd.s32 s30, s2;
	s31 =	sadd.s32 s4, s8  }
0xe: {  	s10 =	sadd.s32 $0x7CA00, s1;
	s11 =	sadd.s32 $0x81A00, s1;
	s12 =	sadd.s32 s5, s8  }
0xf: {  	s26 =	simm.s32 $0x3;
	[dreg:$0x5] =	wrdreg s31;
	s14 =	smax.u32 s0, $0x1  }
0x10: {  	s16 =	sshrl.u32 s6, $0x3;
	s22 =	sadd.s32 $0x80, s11;
	s23 =	sadd.s32 $0x80, s10  }
.LBB2_4:
0x11: {  	s0 =	rddreg [dreg:$0x3]  }
.LBB2_8:
0x12: {  	_ =	swait.ge [sflag:s26], $0x4000  }
0x13: {  	[sflag:s26] =	ssyncset.done $0x0  }
0x14: {  	[sflag:s26] =	ssyncadd.s32 $0xFFFFC000  }
0x15: {  	_ =	swait.ge [sflag:s29], $0x4000  }
0x16: {  	s3 =	sadd.s32 $0x1, s3;
	[sflag:s29] =	ssyncset.done $0x0  }
0x17: {  	p1 =	sne.s32 s3, s14;
	[sflag:s29] =	ssyncadd.s32 $0xFFFFC000  }
.Ltmp1:
0x18: {  	s0 =	sadd.s32 s0, s8;
	[bflag:$0x0] =	sbarrier.arrive $0xFFFF;
	(pc) =	sbr.rel @!p1 .LBB2_9-.Ltmp1, $4  }
0x19: {  	[hbm:s0], [sflag:s30] =	dma.local [spmem:s16], $0x2800  }
0x1a: {  	_ =	swait.ge [sflag:s17], $0x2800  }
0x1b: {  	[sflag:s17] =	ssyncset.done $0x0  }
0x1c: {  	[sflag:s17] =	ssyncadd.s32 $0xFFFFD800  }
.LBB2_1:
.Ltmp2:
0x1d: {  	(pc) =	sbr.rel @!p0 .LBB2_2-.Ltmp2, $1  }
0x1e: {  	_ =	sdelay $0x3  }
0x1f: {  	[spmem:s16], [sflag:s15] =	dma.local [hbm:s12], $0x2800  }
0x20: {  	_ =	swait.ge [sflag:s17], $0x2800  }
0x21: {  	[sflag:s17] =	ssyncset.done $0x0  }
0x22: {  	[sflag:s17] =	ssyncadd.s32 $0xFFFFD800  }
0x23: {  	s30 =	simm.s32 $0x0;
	[bflag:$0x0] =	sbarrier.arrive $0xFFFF  }
0x24: {  	[tilespmem:s18], [sflag:$0x7] =	stream.linear.gather [hbm4b:s10+s30], $0x400, $0x38;
	[tilespmem:$0x1D000] =	vst v63  }
0x25: {  	_ =	swait.ge [sflag:s17], $0x400  }
0x26: {  	[sflag:s17] =	ssyncset.done $0x0  }
0x27: {  	s0 =	simm.s32 $0x14800;
	[sflag:s17] =	ssyncadd.s32 $0xFFFFFC00  }
0x28: {  	[tilespmem:s0], [sflag:$0x7] =	stream.linear.gather [hbm4b:s11+s30], $0x400, $0x38;
	[tilespmem:$0x1D000] =	vst v63  }
0x29: {  	_ =	swait.ge [sflag:s17], $0x400  }
0x2a: {  	[sflag:s17] =	ssyncset.done $0x0  }
0x2b: {  	s0 =	simm.s32 $0x0;
	[sflag:s17] =	ssyncadd.s32 $0xFFFFFC00  }
0x2c: {  	[tilespmem:s21], [sflag:$0x1] =	stream.indirect.gather [hbm4b:s5+s20], $0x80, s18, s20, $0xb8;
	[tilespmem:$0x1D000] =	vst v63  }
.LBB2_6:
0x2d: {  	s6 =	sand.u32 $0x8, s30  }
0x2e: {  	p1 =	seq.s32 s0, $0x480;
	s1 =	sxor.u32 $0x8, s6  }
0x2f: {  	s9 =	sadd.s32 @!p1 s0, s23;
	s7 =	sshll.u32 @!p1 s1, $0x7  }
0x30: {  	s19 =	simm.s32 @!p1 $0x0;
	p2 =	seq.s32 @!p1 s0, $0x0;
	s1 =	sor.u32 @!p1 $0x14000, s7  }
0x31: {  	[tilespmem:s1], [sflag:$0x5] =	stream.linear.gather @!p1 [hbm4b:s9+s19], $0x400, $0x38;
	[tilespmem:$0x1D000] =	vst v63  }
0x32: {  	p2 =	por p1, !p2;
	s7 =	sor.u32 @!p1 $0x14800, s7;
	s9 =	sadd.s32 @!p1 s0, s22  }
0x33: {  	[tilespmem:s7], [sflag:$0x6] =	stream.linear.gather @!p1 [hbm4b:s9+s19], $0x400, $0x38;
	[tilespmem:$0x1D000] =	vst v63  }
0x34: {  	_ =	swait.ge @p2 [sflag:s29], $0x4000  }
0x35: {  	s6 =	sshll.u32 s6, $0x7;
	[sflag:s29] =	ssyncset.done @p2 $0x0  }
0x36: {  	s9 =	sor.u32 $0x14080, s6;
	[sflag:s29] =	ssyncadd.s32 @p2 $0xFFFFC000  }
0x37: {  	[tilespmem:s24], [sflag:$0x2] =	stream.indirect.gather [hbm4b:s5+s20], $0x80, s9, s20, $0xb8;
	[tilespmem:$0x1D000] =	vst v63  }
0x38: {  	_ =	swait.ge [sflag:s25], $0x4000  }
0x39: {  	[sflag:s25] =	ssyncset.done $0x0  }
0x3a: {  	s19 =	sor.u32 $0x14800, s6;
	[sflag:s25] =	ssyncadd.s32 $0xFFFFC000  }
0x3b: {  	[spmem:s2] =	stream.indirect.scatter.add.f32 [tilespmem:s21], [sflag:$0x3], $0x80, s19, s20, $0xb8;
	[tilespmem:$0x1D000] =	vst v63  }
0x3c: {  	_ =	swait.ge [sflag:s26], $0x4000  }
0x3d: {  	[sflag:s26] =	ssyncset.done $0x0  }
0x3e: {  	s31 =	sor.u32 $0x14100, s6;
	[sflag:s26] =	ssyncadd.s32 $0xFFFFC000  }
0x3f: {  	[tilespmem:s21], [sflag:$0x1] =	stream.indirect.gather [hbm4b:s5+s20], $0x80, s31, s20, $0xb8;
	[tilespmem:$0x1D000] =	vst v63  }
0x40: {  	_ =	swait.ge [sflag:s28], $0x4000  }
0x41: {  	[sflag:s28] =	ssyncset.done $0x0  }
0x42: {  	s9 =	sor.u32 $0x14880, s6;
	[sflag:s28] =	ssyncadd.s32 $0xFFFFC000  }
0x43: {  	[spmem:s2] =	stream.indirect.scatter.add.f32 [tilespmem:s24], [sflag:$0x4], $0x80, s9, s20, $0xb8;
	[tilespmem:$0x1D000] =	vst v63  }
0x44: {  	_ =	swait.ge [sflag:s29], $0x4000  }
0x45: {  	[sflag:s29] =	ssyncset.done $0x0  }
0x46: {  	s19 =	sor.u32 $0x14180, s6;
	[sflag:s29] =	ssyncadd.s32 $0xFFFFC000  }
0x47: {  	[tilespmem:s24], [sflag:$0x2] =	stream.indirect.gather [hbm4b:s5+s20], $0x80, s19, s20, $0xb8;
	[tilespmem:$0x1D000] =	vst v63  }
0x48: {  	_ =	swait.ge [sflag:s25], $0x4000  }
0x49: {  	[sflag:s25] =	ssyncset.done $0x0  }
0x4a: {  	s31 =	sor.u32 $0x14900, s6;
	[sflag:s25] =	ssyncadd.s32 $0xFFFFC000  }
0x4b: {  	[spmem:s2] =	stream.indirect.scatter.add.f32 [tilespmem:s21], [sflag:$0x3], $0x80, s31, s20, $0xb8;
	[tilespmem:$0x1D000] =	vst v63  }
0x4c: {  	_ =	swait.ge [sflag:s26], $0x4000  }
0x4d: {  	[sflag:s26] =	ssyncset.done $0x0  }
0x4e: {  	s9 =	sor.u32 $0x14200, s6;
	[sflag:s26] =	ssyncadd.s32 $0xFFFFC000  }
0x4f: {  	[tilespmem:s21], [sflag:$0x1] =	stream.indirect.gather [hbm4b:s5+s20], $0x80, s9, s20, $0xb8;
	[tilespmem:$0x1D000] =	vst v63  }
0x50: {  	_ =	swait.ge [sflag:s28], $0x4000  }
0x51: {  	[sflag:s28] =	ssyncset.done $0x0  }
0x52: {  	s19 =	sor.u32 $0x14980, s6;
	[sflag:s28] =	ssyncadd.s32 $0xFFFFC000  }
0x53: {  	[spmem:s2] =	stream.indirect.scatter.add.f32 [tilespmem:s24], [sflag:$0x4], $0x80, s19, s20, $0xb8;
	[tilespmem:$0x1D000] =	vst v63  }
0x54: {  	_ =	swait.ge [sflag:s29], $0x4000  }
0x55: {  	[sflag:s29] =	ssyncset.done $0x0  }
0x56: {  	s31 =	sor.u32 $0x14280, s6;
	[sflag:s29] =	ssyncadd.s32 $0xFFFFC000  }
0x57: {  	[tilespmem:s24], [sflag:$0x2] =	stream.indirect.gather [hbm4b:s5+s20], $0x80, s31, s20, $0xb8;
	[tilespmem:$0x1D000] =	vst v63  }
0x58: {  	_ =	swait.ge [sflag:s25], $0x4000  }
0x59: {  	[sflag:s25] =	ssyncset.done $0x0  }
0x5a: {  	s9 =	sor.u32 $0x14A00, s6;
	[sflag:s25] =	ssyncadd.s32 $0xFFFFC000  }
0x5b: {  	[spmem:s2] =	stream.indirect.scatter.add.f32 [tilespmem:s21], [sflag:$0x3], $0x80, s9, s20, $0xb8;
	[tilespmem:$0x1D000] =	vst v63  }
0x5c: {  	_ =	swait.ge [sflag:s26], $0x4000  }
0x5d: {  	[sflag:s26] =	ssyncset.done $0x0  }
0x5e: {  	s19 =	sor.u32 $0x14300, s6;
	[sflag:s26] =	ssyncadd.s32 $0xFFFFC000  }
0x5f: {  	[tilespmem:s21], [sflag:$0x1] =	stream.indirect.gather [hbm4b:s5+s20], $0x80, s19, s20, $0xb8;
	[tilespmem:$0x1D000] =	vst v63  }
0x60: {  	_ =	swait.ge [sflag:s28], $0x4000  }
0x61: {  	[sflag:s28] =	ssyncset.done $0x0  }
0x62: {  	s31 =	sor.u32 $0x14A80, s6;
	[sflag:s28] =	ssyncadd.s32 $0xFFFFC000  }
0x63: {  	[spmem:s2] =	stream.indirect.scatter.add.f32 [tilespmem:s24], [sflag:$0x4], $0x80, s31, s20, $0xb8;
	[tilespmem:$0x1D000] =	vst v63  }
0x64: {  	_ =	swait.ge [sflag:s29], $0x4000  }
0x65: {  	[sflag:s29] =	ssyncset.done $0x0  }
0x66: {  	s9 =	sor.u32 $0x14380, s6;
	[sflag:s29] =	ssyncadd.s32 $0xFFFFC000  }
0x67: {  	[tilespmem:s24], [sflag:$0x2] =	stream.indirect.gather [hbm4b:s5+s20], $0x80, s9, s20, $0xb8;
	[tilespmem:$0x1D000] =	vst v63  }
0x68: {  	_ =	swait.ge [sflag:s25], $0x4000  }
0x69: {  	[sflag:s25] =	ssyncset.done $0x0  }
0x6a: {  	s7 =	simm.s32 @!p1 $0x3;
	s19 =	sor.u32 $0x14B00, s6;
	[sflag:s25] =	ssyncadd.s32 $0xFFFFC000  }
0x6b: {  	[spmem:s2] =	stream.indirect.scatter.add.f32 [tilespmem:s21], [sflag:$0x3], $0x80, s19, s20, $0xb8;
	[tilespmem:$0x1D000] =	vst v63  }
0x6c: {  	_ =	swait.ge @!p1 [sflag:s7], $0x4000  }
0x6d: {  	[sflag:s7] =	ssyncset.done @!p1 $0x0  }
0x6e: {  	[sflag:s7] =	ssyncadd.s32 @!p1 $0xFFFFC000;
	s7 =	simm.s32 @!p1 $0x5  }
0x6f: {  	_ =	swait.ge @!p1 [sflag:s7], $0x400  }
0x70: {  	[sflag:s7] =	ssyncset.done @!p1 $0x0  }
0x71: {  	[sflag:s7] =	ssyncadd.s32 @!p1 $0xFFFFFC00;
	s7 =	simm.s32 @!p1 $0x6  }
0x72: {  	_ =	swait.ge @!p1 [sflag:s7], $0x400  }
0x73: {  	s0 =	sadd.s32 $0x80, s0;
	[sflag:s7] =	ssyncset.done @!p1 $0x0  }
0x74: {  	s9 =	simm.s32 @!p1 $0x15000;
	[sflag:s7] =	ssyncadd.s32 @!p1 $0xFFFFFC00;
	s7 =	simm.s32 @!p1 $0x80  }
0x75: {  	[tilespmem:s9], [sflag:$0x1] =	stream.indirect.gather @!p1 [hbm4b:s5+s7], $0x80, s1, s7, $0xb8;
	[tilespmem:$0x1D000] =	vst v63  }
0x76: {  	p1 =	sne.s32 s0, $0x500  }
.Ltmp3:
0x77: {  	_ = 	snop;
	(pc) =	sbr.rel @p1 .LBB2_6-.Ltmp3, $4  }
0x78: {  	_ =	swait.ge [sflag:s28], $0x4000  }
0x79: {  	s31 =	sor.u32 $0x380, s6;
	[sflag:s28] =	ssyncset.done $0x0  }
0x7a: {  	s30 =	sadd.s32 $0x8, s30;
	s1 =	sor.u32 $0x14800, s31;
	[sflag:s28] =	ssyncadd.s32 $0xFFFFC000  }
0x7b: {  	[spmem:s2] =	stream.indirect.scatter.add.f32 [tilespmem:s24], [sflag:$0x4], $0x80, s1, s20, $0xb8;
	[tilespmem:$0x1D000] =	vst v63  }
.Ltmp4:
0x7c: {  	(pc) =	sbr.rel .LBB2_8-.Ltmp4, $2  }
0x7d: {  	_ =	sdelay $0x2  }
0x7e: {  	s0 =	rddreg [dreg:$0x4];
	s30 =	smov.u32 s15  }
.LBB2_2:
0x7f: {  	s30 =	sor.u32 $0x1C07, s13;
	s0 =	rddreg [dreg:$0x5]  }
0x80: {  	[spmem:s16], [sflag:s30] =	dma.local [hbm:s0], $0x2800  }
0x81: {  	_ =	swait.ge [sflag:s17], $0x2800  }
0x82: {  	[sflag:s17] =	ssyncset.done $0x0  }
0x83: {  	[sflag:s17] =	ssyncadd.s32 $0xFFFFD800  }
0x84: {  	s31 =	simm.s32 $0x0;
	[bflag:$0x0] =	sbarrier.arrive $0xFFFF  }
0x85: {  	[tilespmem:s18], [sflag:$0x7] =	stream.linear.gather [hbm4b:s10+s31], $0x400, $0x38;
	[tilespmem:$0x1D000] =	vst v63  }
0x86: {  	_ =	swait.ge [sflag:s17], $0x400  }
0x87: {  	[sflag:s17] =	ssyncset.done $0x0  }
0x88: {  	s19 =	simm.s32 $0x14800;
	[sflag:s17] =	ssyncadd.s32 $0xFFFFFC00  }
0x89: {  	[tilespmem:s19], [sflag:$0x7] =	stream.linear.gather [hbm4b:s11+s31], $0x400, $0x38;
	[tilespmem:$0x1D000] =	vst v63  }
0x8a: {  	_ =	swait.ge [sflag:s17], $0x400  }
0x8b: {  	[sflag:s17] =	ssyncset.done $0x0  }
0x8c: {  	s0 =	simm.s32 $0x0;
	[sflag:s17] =	ssyncadd.s32 $0xFFFFFC00  }
0x8d: {  	[tilespmem:s21], [sflag:$0x1] =	stream.indirect.gather [hbm4b:s4+s20], $0x80, s18, s20, $0xb8;
	[tilespmem:$0x1D000] =	vst v63  }
.LBB2_3:
0x8e: {  	s6 =	sand.u32 $0x8, s31  }
0x8f: {  	p1 =	seq.s32 s0, $0x480;
	s1 =	sxor.u32 $0x8, s6  }
0x90: {  	s9 =	sadd.s32 @!p1 s0, s23;
	s7 =	sshll.u32 @!p1 s1, $0x7  }
0x91: {  	s19 =	simm.s32 @!p1 $0x0;
	p2 =	seq.s32 @!p1 s0, $0x0;
	s1 =	sor.u32 @!p1 $0x14000, s7  }
0x92: {  	[tilespmem:s1], [sflag:$0x5] =	stream.linear.gather @!p1 [hbm4b:s9+s19], $0x400, $0x38;
	[tilespmem:$0x1D000] =	vst v63  }
0x93: {  	p2 =	por p1, !p2;
	s7 =	sor.u32 @!p1 $0x14800, s7;
	s9 =	sadd.s32 @!p1 s0, s22  }
0x94: {  	[tilespmem:s7], [sflag:$0x6] =	stream.linear.gather @!p1 [hbm4b:s9+s19], $0x400, $0x38;
	[tilespmem:$0x1D000] =	vst v63  }
0x95: {  	_ =	swait.ge @p2 [sflag:s29], $0x4000  }
0x96: {  	s6 =	sshll.u32 s6, $0x7;
	[sflag:s29] =	ssyncset.done @p2 $0x0  }
0x97: {  	s19 =	sor.u32 $0x14080, s6;
	[sflag:s29] =	ssyncadd.s32 @p2 $0xFFFFC000  }
0x98: {  	[tilespmem:s24], [sflag:$0x2] =	stream.indirect.gather [hbm4b:s4+s20], $0x80, s19, s20, $0xb8;
	[tilespmem:$0x1D000] =	vst v63  }
0x99: {  	_ =	swait.ge [sflag:s25], $0x4000  }
0x9a: {  	[sflag:s25] =	ssyncset.done $0x0  }
0x9b: {  	s9 =	sor.u32 $0x14800, s6;
	[sflag:s25] =	ssyncadd.s32 $0xFFFFC000  }
0x9c: {  	[spmem:s2] =	stream.indirect.scatter.add.f32 [tilespmem:s21], [sflag:$0x3], $0x80, s9, s20, $0xb8;
	[tilespmem:$0x1D000] =	vst v63  }
0x9d: {  	_ =	swait.ge [sflag:s26], $0x4000  }
0x9e: {  	[sflag:s26] =	ssyncset.done $0x0  }
0x9f: {  	s19 =	sor.u32 $0x14100, s6;
	[sflag:s26] =	ssyncadd.s32 $0xFFFFC000  }
0xa0: {  	[tilespmem:s21], [sflag:$0x1] =	stream.indirect.gather [hbm4b:s4+s20], $0x80, s19, s20, $0xb8;
	[tilespmem:$0x1D000] =	vst v63  }
0xa1: {  	_ =	swait.ge [sflag:s28], $0x4000  }
0xa2: {  	[sflag:s28] =	ssyncset.done $0x0  }
0xa3: {  	s9 =	sor.u32 $0x14880, s6;
	[sflag:s28] =	ssyncadd.s32 $0xFFFFC000  }
0xa4: {  	[spmem:s2] =	stream.indirect.scatter.add.f32 [tilespmem:s24], [sflag:$0x4], $0x80, s9, s20, $0xb8;
	[tilespmem:$0x1D000] =	vst v63  }
0xa5: {  	_ =	swait.ge [sflag:s29], $0x4000  }
0xa6: {  	[sflag:s29] =	ssyncset.done $0x0  }
0xa7: {  	s19 =	sor.u32 $0x14180, s6;
	[sflag:s29] =	ssyncadd.s32 $0xFFFFC000  }
0xa8: {  	[tilespmem:s24], [sflag:$0x2] =	stream.indirect.gather [hbm4b:s4+s20], $0x80, s19, s20, $0xb8;
	[tilespmem:$0x1D000] =	vst v63  }
0xa9: {  	_ =	swait.ge [sflag:s25], $0x4000  }
0xaa: {  	[sflag:s25] =	ssyncset.done $0x0  }
0xab: {  	s9 =	sor.u32 $0x14900, s6;
	[sflag:s25] =	ssyncadd.s32 $0xFFFFC000  }
0xac: {  	[spmem:s2] =	stream.indirect.scatter.add.f32 [tilespmem:s21], [sflag:$0x3], $0x80, s9, s20, $0xb8;
	[tilespmem:$0x1D000] =	vst v63  }
0xad: {  	_ =	swait.ge [sflag:s26], $0x4000  }
0xae: {  	[sflag:s26] =	ssyncset.done $0x0  }
0xaf: {  	s19 =	sor.u32 $0x14200, s6;
	[sflag:s26] =	ssyncadd.s32 $0xFFFFC000  }
0xb0: {  	[tilespmem:s21], [sflag:$0x1] =	stream.indirect.gather [hbm4b:s4+s20], $0x80, s19, s20, $0xb8;
	[tilespmem:$0x1D000] =	vst v63  }
0xb1: {  	_ =	swait.ge [sflag:s28], $0x4000  }
0xb2: {  	[sflag:s28] =	ssyncset.done $0x0  }
0xb3: {  	s9 =	sor.u32 $0x14980, s6;
	[sflag:s28] =	ssyncadd.s32 $0xFFFFC000  }
0xb4: {  	[spmem:s2] =	stream.indirect.scatter.add.f32 [tilespmem:s24], [sflag:$0x4], $0x80, s9, s20, $0xb8;
	[tilespmem:$0x1D000] =	vst v63  }
0xb5: {  	_ =	swait.ge [sflag:s29], $0x4000  }
0xb6: {  	[sflag:s29] =	ssyncset.done $0x0  }
0xb7: {  	s19 =	sor.u32 $0x14280, s6;
	[sflag:s29] =	ssyncadd.s32 $0xFFFFC000  }
0xb8: {  	[tilespmem:s24], [sflag:$0x2] =	stream.indirect.gather [hbm4b:s4+s20], $0x80, s19, s20, $0xb8;
	[tilespmem:$0x1D000] =	vst v63  }
0xb9: {  	_ =	swait.ge [sflag:s25], $0x4000  }
0xba: {  	[sflag:s25] =	ssyncset.done $0x0  }
0xbb: {  	s9 =	sor.u32 $0x14A00, s6;
	[sflag:s25] =	ssyncadd.s32 $0xFFFFC000  }
0xbc: {  	[spmem:s2] =	stream.indirect.scatter.add.f32 [tilespmem:s21], [sflag:$0x3], $0x80, s9, s20, $0xb8;
	[tilespmem:$0x1D000] =	vst v63  }
0xbd: {  	_ =	swait.ge [sflag:s26], $0x4000  }
0xbe: {  	[sflag:s26] =	ssyncset.done $0x0  }
0xbf: {  	s19 =	sor.u32 $0x14300, s6;
	[sflag:s26] =	ssyncadd.s32 $0xFFFFC000  }
0xc0: {  	[tilespmem:s21], [sflag:$0x1] =	stream.indirect.gather [hbm4b:s4+s20], $0x80, s19, s20, $0xb8;
	[tilespmem:$0x1D000] =	vst v63  }
0xc1: {  	_ =	swait.ge [sflag:s28], $0x4000  }
0xc2: {  	[sflag:s28] =	ssyncset.done $0x0  }
0xc3: {  	s9 =	sor.u32 $0x14A80, s6;
	[sflag:s28] =	ssyncadd.s32 $0xFFFFC000  }
0xc4: {  	[spmem:s2] =	stream.indirect.scatter.add.f32 [tilespmem:s24], [sflag:$0x4], $0x80, s9, s20, $0xb8;
	[tilespmem:$0x1D000] =	vst v63  }
0xc5: {  	_ =	swait.ge [sflag:s29], $0x4000  }
0xc6: {  	[sflag:s29] =	ssyncset.done $0x0  }
0xc7: {  	s19 =	sor.u32 $0x14380, s6;
	[sflag:s29] =	ssyncadd.s32 $0xFFFFC000  }
0xc8: {  	[tilespmem:s24], [sflag:$0x2] =	stream.indirect.gather [hbm4b:s4+s20], $0x80, s19, s20, $0xb8;
	[tilespmem:$0x1D000] =	vst v63  }
0xc9: {  	_ =	swait.ge [sflag:s25], $0x4000  }
0xca: {  	[sflag:s25] =	ssyncset.done $0x0  }
0xcb: {  	s7 =	simm.s32 @!p1 $0x3;
	s9 =	sor.u32 $0x14B00, s6;
	[sflag:s25] =	ssyncadd.s32 $0xFFFFC000  }
0xcc: {  	[spmem:s2] =	stream.indirect.scatter.add.f32 [tilespmem:s21], [sflag:$0x3], $0x80, s9, s20, $0xb8;
	[tilespmem:$0x1D000] =	vst v63  }
0xcd: {  	_ =	swait.ge @!p1 [sflag:s7], $0x4000  }
0xce: {  	[sflag:s7] =	ssyncset.done @!p1 $0x0  }
0xcf: {  	[sflag:s7] =	ssyncadd.s32 @!p1 $0xFFFFC000;
	s7 =	simm.s32 @!p1 $0x5  }
0xd0: {  	_ =	swait.ge @!p1 [sflag:s7], $0x400  }
0xd1: {  	[sflag:s7] =	ssyncset.done @!p1 $0x0  }
0xd2: {  	[sflag:s7] =	ssyncadd.s32 @!p1 $0xFFFFFC00;
	s7 =	simm.s32 @!p1 $0x6  }
0xd3: {  	_ =	swait.ge @!p1 [sflag:s7], $0x400  }
0xd4: {  	s0 =	sadd.s32 $0x80, s0;
	[sflag:s7] =	ssyncset.done @!p1 $0x0  }
0xd5: {  	s9 =	simm.s32 @!p1 $0x15000;
	[sflag:s7] =	ssyncadd.s32 @!p1 $0xFFFFFC00;
	s7 =	simm.s32 @!p1 $0x80  }
0xd6: {  	[tilespmem:s9], [sflag:$0x1] =	stream.indirect.gather @!p1 [hbm4b:s4+s7], $0x80, s1, s7, $0xb8;
	[tilespmem:$0x1D000] =	vst v63  }
0xd7: {  	p1 =	seq.s32 s0, $0x500  }
.Ltmp5:
0xd8: {  	_ = 	snop;
	(pc) =	sbr.rel @!p1 .LBB2_3-.Ltmp5, $4  }
0xd9: {  	_ =	swait.ge [sflag:s28], $0x4000  }
0xda: {  	s19 =	sor.u32 $0x380, s6;
	[sflag:s28] =	ssyncset.done $0x0  }
0xdb: {  	s31 =	sadd.s32 $0x8, s31;
	s1 =	sor.u32 $0x14800, s19;
	[sflag:s28] =	ssyncadd.s32 $0xFFFFC000  }
0xdc: {  	[spmem:s2] =	stream.indirect.scatter.add.f32 [tilespmem:s24], [sflag:$0x4], $0x80, s1, s20, $0xb8;
	[tilespmem:$0x1D000] =	vst v63  }
.Ltmp6:
0xdd: {  	_ = 	snop;
	(pc) =	sbr.rel .LBB2_4-.Ltmp6, $1  }
0xde: {  	_ =	sdelay $0x3  }
.LBB2_9:
0xdf: {  	_ =	sfence.sel $0x180000  }
0xe0: {  	[bflag:$0x0] =	sbarrier.arrive $0xFFFF  }
0xe1: {  	_ =	strace $0x90000050  }
0xe2: {  	s0 =	stileid.u32;
	[bflag:$0x2] =	sbarrier.arrive $0xFFFF  }
0xe3: {  	p0 =	sne.s32 s0, $0x0;
	s0 =	rddreg [dreg:$0x2]  }
0xe4: {  	s0 =	sadd.s32 @!p0 $0x100000, s0  }
0xe5: {  	[sflag:s0] =	ssyncadd.tile.s32 @!p0 $0x1;
	_ =	shalt  }
.Lfunc_end2:
_tile_overlayer_lowered:
.L_overlay_start_2:
0xe6: {  	(tag) =	ssettag $0x2  }
0xe7: {  	s0 =	rddreg [dreg:$0x0];
	s2 =	stileid.u32  }
0xe8: {  	s1 =	rddreg [dreg:$0x1];
	p0 =	sne.s32 s2, $0x0  }
0xe9: {  	s3 =	rddreg [dreg:$0x2];
	[bflag:$0x3] =	sbarrier.arrive $0xFFFF;
	s2 =	simm.s32 @!p0 $0x1C07  }
0xea: {  	[timem:s3], [sflag:s2] =	dma.local @!p0 [hbm:s0], s1  }
0xeb: {  	s0 =	simm.s32 @!p0 $0x7  }
0xec: {  	_ =	swait.ge @!p0 [sflag:s0], s1  }
0xed: {  	s1 =	ssub.s32 @!p0 $0x0, s1;
	[sflag:s0] =	ssyncset.done @!p0 $0x0  }
0xee: {  	[sflag:s0] =	ssyncadd.s32 @!p0 s1  }
0xef: {  	[bflag:$0x3] =	sbarrier.arrive $0xFFFF  }
0xf0: {  	_ =	shalt  }

// kernel: kernel.8.cloned.1.call-start
scs
__scs_entry_jumppad:
0x0: {  	(pc) =	sbr.rel $0x88, $3  }
0x1: {  	(tag) =	ssettag $0x0;
	lr =	simm.s32 $0x1  }
0x2: {  	[smem:$0x3F94] =	sst lr;
	_ =	strace $0xD0000000  }
0x3: {  	_ = 	snop  }
0x4: {  	_ = 	snop  }
0x5: {  	_ = 	snop  }
0x6: {  	_ = 	snop  }
0x7: {  	_ = 	snop  }
__scs_overlays_trampoline_lowered:
0x8: {  	[smem:$0x3FA3] =	sst s0  }
0x9: {  	[smem:$0x3FA4] =	sst s1  }
0xa: {  	[smem:$0x3FA5] =	sst s2  }
0xb: {  	[smem:$0x3FA6] =	sst s3  }
0xc: {  	[smem:$0x3FA7] =	sst s4  }
0xd: {  	[smem:$0x3FA8] =	sst s5  }
0xe: {  	[smem:$0x3FA9] =	sst s6  }
0xf: {  	[smem:$0x3FAA] =	sst s7  }
0x10: {  	[smem:$0x3FAB] =	sst s8  }
0x11: {  	[smem:$0x3FAC] =	sst s9;
	s0 =	simm.s32 @!p0 $0x0  }
0x12: {  	s1 =	sld [smem:$0x3F92];
	s0 =	simm.s32 @p0 $0x1  }
0x13: {  	[smem:$0x3FAD] =	sst s0;
	s0 =	simm.s32 @!p1 $0x0  }
0x14: {  	s2 =	sld [smem:$0x3F91];
	s0 =	simm.s32 @p1 $0x1  }
0x15: {  	[smem:$0x3FAE] =	sst s0;
	s0 =	simm.s32 @!p2 $0x0  }
0x16: {  	s3 =	sld [smem:$0x3FDB];
	s0 =	simm.s32 @p2 $0x1  }
0x17: {  	s4 =	simm.s32 $0x1BF5;
	[smem:$0x3FB0] =	sst s0  }
0x18: {  	s0 =	sld [smem:$0x3F93];
	_ =	swait.ge [sflag:s4], $0x0  }
0x19: {  	s7 =	sld [smem:$0x3F94]  }
0x1a: {  	s8 =	sadd.s32 $0xFFFFE003, lr  }
0x1b: {  	s9 =	sadd.s32 $0xFFFFFEF7, lr;
	s5 =	simm.s32 $0xFFFFFFFF;
	p2 =	slt.u32 s8, $0xFFFFF086  }
0x1c: {  	p1 =	slt.u32 s9, $0xF7A;
	s5 =	simm.s32 @!p2 $0x0  }
0x1d: {  	s5 =	simm.s32 @p1 $0x1;
	p0 =	seq.s32 s7, s2  }
0x1e: {  	s7 =	smul.u32 @!p0 $0xF7A, s2;
	p2 =	seq.s32 @!p0 s5, $0x0  }
0x1f: {  	s9 =	smul.u32 $0xF7A, s1;
	s8 =	simm.s32 @!p0 $0x1BF5;
	p2 =	por !p2, p0  }
0x20: {  	[sflag:s8] =	ssyncset.s32 @!p0 $0xFFFFF086;
	s6 =	sadd.s32 @!p0 s3, s7;
	s7 =	simm.s32 @!p0 $0x108  }
0x21: {  	s3 =	sadd.s32 s3, s9;
	s6 =	sadd.s32 @!p0 $0x88, s6;
	s7 =	simm.s32 @p2 $0x1082  }
0x22: {  	[simem:s7], [sflag:s8] =	dma.local @!p0 [hbm:s6], $0xF7A  }
0x23: {  	s9 =	sor.u32 $0xD0000000, s2;
	s6 =	simm.s32 $0x108;
	_ =	swait.ge @!p0 [sflag:s8], $0x0  }
0x24: {  	s3 =	sadd.s32 $0x88, s3;
	s6 =	simm.s32 @!p1 $0x1082;
	[sflag:s4] =	ssyncset.s32 $0xFFFFF086  }
0x25: {  	[simem:s6], [sflag:s4] =	dma.local [hbm:s3], $0xF7A  }
0x26: {  	[smem:$0x3F94] =	sst s1;
	(tag) =	ssettag s2;
	_ =	strace s9  }
0x27: {  	s1 =	sld [smem:$0x3FA4]  }
0x28: {  	s2 =	sld [smem:$0x3FA5]  }
0x29: {  	s4 =	sld [smem:$0x3FA7]  }
0x2a: {  	p0 =	seq.s32 s5, $0x0;
	s5 =	sld [smem:$0x3FA8]  }
0x2b: {  	s6 =	sld [smem:$0x3FA9]  }
0x2c: {  	s7 =	sld [smem:$0x3FAA]  }
0x2d: {  	s3 =	simm.s32 $0x108;
	s8 =	sld [smem:$0x3FAB]  }
0x2e: {  	s3 =	simm.s32 @!p0 $0x1082;
	s9 =	sld [smem:$0x3FAC]  }
0x2f: {  	lr =	sadd.s32 s0, s3;
	s0 =	sld [smem:$0x3FA3]  }
0x30: {  	s3 =	sld [smem:$0x3FA6]  }
0x31: {  	[smem:$0x3FAF] =	sst s10  }
0x32: {  	s10 =	sld [smem:$0x3FAD];
	_ =	sdelay $0x3  }
0x33: {  	p0 =	seq.s32 s10, $0x1;
	s10 =	sld [smem:$0x3FAF];
	_ =	sdelay $0x3  }
0x34: {  	[smem:$0x3FAF] =	sst s10  }
0x35: {  	s10 =	sld [smem:$0x3FAE];
	_ =	sdelay $0x3  }
0x36: {  	p1 =	seq.s32 s10, $0x1;
	s10 =	sld [smem:$0x3FAF];
	_ =	sdelay $0x3  }
0x37: {  	[smem:$0x3FAF] =	sst s10  }
0x38: {  	s10 =	sld [smem:$0x3FB0]  }
0x39: {  	_ = 	snop;
	(pc) =	sbr.ind lr, $3  }
0x3a: {  	_ = 	snop  }
0x3b: {  	_ = 	snop  }
0x3c: {  	p2 =	seq.s32 s10, $0x1;
	s10 =	sld [smem:$0x3FAF]  }
0x3d: {  	_ =	shalt  }
0x3e: {  	_ =	shalt  }
0x3f: {  	_ =	shalt  }
0x40: {  	_ =	shalt  }
0x41: {  	_ =	shalt  }
0x42: {  	_ =	shalt  }
0x43: {  	_ =	shalt  }
0x44: {  	_ =	shalt  }
0x45: {  	_ =	shalt  }
0x46: {  	_ =	shalt  }
0x47: {  	_ =	shalt  }
0x48: {  	_ =	shalt  }
0x49: {  	_ =	shalt  }
0x4a: {  	_ =	shalt  }
0x4b: {  	_ =	shalt  }
0x4c: {  	_ =	shalt  }
0x4d: {  	_ =	shalt  }
0x4e: {  	_ =	shalt  }
0x4f: {  	_ =	shalt  }
0x50: {  	_ =	shalt  }
0x51: {  	_ =	shalt  }
0x52: {  	_ =	shalt  }
0x53: {  	_ =	shalt  }
0x54: {  	_ =	shalt  }
0x55: {  	_ =	shalt  }
0x56: {  	_ =	shalt  }
0x57: {  	_ =	shalt  }
0x58: {  	_ =	shalt  }
0x59: {  	_ =	shalt  }
0x5a: {  	_ =	shalt  }
0x5b: {  	_ =	shalt  }
0x5c: {  	_ =	shalt  }
0x5d: {  	_ =	shalt  }
0x5e: {  	_ =	shalt  }
0x5f: {  	_ =	shalt  }
0x60: {  	_ =	shalt  }
0x61: {  	_ =	shalt  }
0x62: {  	_ =	shalt  }
0x63: {  	_ =	shalt  }
0x64: {  	_ =	shalt  }
0x65: {  	_ =	shalt  }
0x66: {  	_ =	shalt  }
0x67: {  	_ =	shalt  }
0x68: {  	_ =	shalt  }
0x69: {  	_ =	shalt  }
0x6a: {  	_ =	shalt  }
0x6b: {  	_ =	shalt  }
0x6c: {  	_ =	shalt  }
0x6d: {  	_ =	shalt  }
0x6e: {  	_ =	shalt  }
0x6f: {  	_ =	shalt  }
0x70: {  	_ =	shalt  }
0x71: {  	_ =	shalt  }
0x72: {  	_ =	shalt  }
0x73: {  	_ =	shalt  }
0x74: {  	_ =	shalt  }
0x75: {  	_ =	shalt  }
0x76: {  	_ =	shalt  }
0x77: {  	_ =	shalt  }
0x78: {  	_ =	shalt  }
0x79: {  	_ =	shalt  }
0x7a: {  	_ =	shalt  }
0x7b: {  	_ =	shalt  }
0x7c: {  	_ =	shalt  }
0x7d: {  	_ =	shalt  }
0x7e: {  	_ =	shalt  }
0x7f: {  	_ =	shalt  }
0x80: {  	_ =	shalt  }
0x81: {  	_ =	shalt  }
0x82: {  	_ =	shalt  }
0x83: {  	_ =	shalt  }
0x84: {  	_ =	shalt  }
0x85: {  	_ =	shalt  }
0x86: {  	_ =	shalt  }
0x87: {  	_ =	shalt  }
.Lfunc_end0:
.L_simem_size_0:
called_computation_lowered:
.L_overlay_start_0:
0x88: {  	s2 =	sld [smem:$0x3FD9]  }
0x89: {  	s3 =	sld [smem:$0x3FFE];
	_ =	sdelay $0x1  }
0x8a: {  	s1 =	srdreg.scid  }
0x8b: {  	s0 =	sand.u32 $0x1, s1  }
0x8c: {  	s17 =	sshll.u32 s0, $0xA;
	s2 =	sadd.s32 s3, s2  }
0x8d: {  	s2 =	sadd.s32 s2, s17  }
0x8e: {  	[smem:$0x3FBB] =	sst s2  }
0x8f: {  	_ = 	snop  }
0x90: {  	s2 =	sld [smem:$0x3FC5]  }
0x91: {  	s18 =	sld [smem:$0x3FD0];
	(tm) =	ssettm $0x1  }
0x92: {  	s4 =	sld [smem:$0x3FFB];
	_ =	sdelay $0x3  }
0x93: {  	_ =	strace s4  }
0x94: {  	s4 =	sld [smem:$0x3FFC];
	_ =	sdelay $0x3  }
0x95: {  	_ =	strace s4  }
0x96: {  	s4 =	sld [smem:$0x3FFD];
	_ =	sdelay $0x3  }
0x97: {  	_ =	strace s4  }
0x98: {  	_ =	strace $0x8FFFFFFF  }
0x99: {  	s19 =	sld [smem:$0x3FDB];
	_ =	sdelay $0x1  }
0x9a: {  	s5 =	simm.s32 $_scs_section_size  }
0x9b: {  	s6 =	simm.s32 $_size__tile_overlayer_lowered;
	s7 =	simm.s32 $_tile_overlayer_lowered  }
0x9c: {  	s22 =	simm.s32 $0x1BFF;
	s21 =	sshll.u32 s7, $0x1;
	s4 =	sadd.s32 s5, s19  }
0x9d: {  	s8 =	simm.s32 $0x0;
	s20 =	sshll.u32 s6, $0x1;
	s6 =	sadd.s32 s21, s4  }
0x9e: {  	[timem:s8], [sflag:s22] =	dma.local [hbm:s6], s20  }
0x9f: {  	_ =	swait.ge [sflag:s22], s20  }
0xa0: {  	s5 =	ssub.s32 $0x0, s20;
	[sflag:s22] =	ssyncset.done $0x0  }
0xa1: {  	[sflag:s22] =	ssyncadd.s32 s5;
	_ =	sdelay $0x1  }
0xa2: {  	s23 =	simm.s32 $0x1B8B  }
0xa3: {  	_ =	swait.ge [sflag:s23], $0x1  }
0xa4: {  	[sflag:s23] =	ssyncset.done $0x0  }
0xa5: {  	s25 =	simm.s32 $0x1B8E;
	s24 =	sld [smem:$0x3FFE];
	[sflag:s23] =	ssyncadd.s32 $0xFFFFFFFF  }
0xa6: {  	s26 =	simm.s32 $execute0_lowered;
	[smem:$0x3FD2] =	sst s25  }
0xa7: {  	s6 =	sshll.u32 s26, $0x1;
	_ =	strace $0x80000046;
	[dreg:$0x1] =	wrdreg $0xFFFFFFFF  }
0xa8: {  	s28 =	simm.s32 $_size_execute0_lowered;
	s4 =	sadd.s32 s4, s6;
	[dreg:$0x0] =	wrdreg $0x0  }
0xa9: {  	s6 =	sshll.u32 s28, $0x1;
	[dreg:$0x2] =	wrdreg s4  }
0xaa: {  	[dreg:$0x3] =	wrdreg s6  }
0xab: {  	[dreg:$0x4] =	wrdreg $0xC0  }
0xac: {  	_ =	task [dreg:s8], $0x5FFFF  }
0xad: {  	[dreg:$0x1] =	wrdreg $0xFFFFFFFF  }
0xae: {  	[dreg:$0x0] =	wrdreg $0x60  }
0xaf: {  	[dreg:$0x2] =	wrdreg s18  }
0xb0: {  	[dreg:$0x3] =	wrdreg s2  }
0xb1: {  	[dreg:$0x4] =	wrdreg s24  }
0xb2: {  	[dreg:$0x5] =	wrdreg $0xA  }
0xb3: {  	_ =	task.clear_ibuf [dreg:s8], $0x6FFFF;
	_ =	strace $0x90000046  }
0xb4: {  	s29 =	simm.s32 $0xA;
	_ =	strace $0x80000048  }
0xb5: {  	_ =	swait.ge [sflag:s29], $0x1  }
0xb6: {  	[sflag:s29] =	ssyncadd.s32 $0xFFFFFFFF  }
0xb7: {  	_ =	strace $0x90000048  }
0xb8: {  	_ =	sfence  }
0xb9: {  	s30 =	sld [smem:$0x0];
	_ =	sdelay $0x2  }
0xba: {  	s31 =	sshll.u32 s1, $0xD;
	s1 =	sshrl.u32 s1, $0x2  }
0xbb: {  	s3 =	sand.u32 $0x4000, s31;
	s1 =	sadd.s32 s1, s30  }
0xbc: {  	s0 =	sor.u32 s3, s0;
	s1 =	sshll.u32 s1, $0x11  }
0xbd: {  	s0 =	sor.u32 s1, s0  }
0xbe: {  	s0 =	sadd.s32 $0x8F2B, s0  }
0xbf: {  	[sflag:s0] =	ssyncadd.remote.s32 $0x1  }
0xc0: {  	_ =	sfence.sel $0xFFFF  }
0xc1: {  	[dreg:$0x0] =	wrdreg $0xFFFFFFFF;
	(pc) =	sbr.abs _section_cstart, $3  }
0xc2: {  	[dreg:$0x1] =	wrdreg $0xFFFFFFFF  }
0xc3: {  	_ =	task.clear_ibuf [dreg:s8], $0x2FFFF;
	_ =	strace $0x9FFFFFFF  }
0xc4: {  	(tm) =	ssettm $0x7FFFFFFF  }
0xc5: {  	_ =	shalt  }
tec
execute0_lowered:
.L_overlay_start_1:
0x0: {  	(tag) =	ssettag $0x1  }
0x1: {  	s4 =	rddreg [dreg:$0x0]  }
0x2: {  	s1 =	srdreg.scid;
	s0 =	stileid.u32  }
0x3: {  	s2 =	rddreg [dreg:$0x1];
	s16 =	sand.u32 $0x1, s1;
	s29 =	sshll.u32 s0, $0x1  }
0x4: {  	s17 =	rddreg [dreg:$0x2];
	s18 =	sor.u32 s16, s29  }
0x5: {  	s3 =	simm.s32 $0x0;
	s1 =	rddreg [dreg:$0x3];
	s5 =	smul.u32 $0x28, s18  }
0x6: {  	[smem:$0x7FF] =	sst s3  }
0x7: {  	_ =	strace $0x80000047;
	s5 =	sadd.s32 s4, s5;
	s4 =	simm.s32 $0x2  }
0x8: {  	[tilespmem:s3], [sflag:$0x2] =	stream.linear.gather [hbm4b:s5+s3], $0x140, $0x38;
	[tilespmem:$0xA180] =	vst v63  }
0x9: {  	_ =	swait.ge [sflag:s4], $0x140  }
0xa: {  	[sflag:s4] =	ssyncset.done $0x0  }
0xb: {  	s6 =	simm.s32 $0x40;
	s7 =	simm.s32 $0x180;
	[sflag:s4] =	ssyncadd.s32 $0xFFFFFEC0  }
0xc: {  	[tilespmem:s7], [sflag:$0x1] =	stream.indirect.gather [hbm4b:s2+s6], $0x80, s3, s6, $0xb8;
	[tilespmem:$0xA180] =	vst v63  }
0xd: {  	s8 =	simm.s32 $0x2180  }
0xe: {  	[tilespmem:s8], [sflag:$0x1] =	stream.indirect.gather [hbm4b:s2+s6], $0x80, s6, s6, $0xb8;
	[tilespmem:$0xA180] =	vst v63  }
0xf: {  	s9 =	simm.s32 $0x80;
	s10 =	simm.s32 $0x4180  }
0x10: {  	[tilespmem:s10], [sflag:$0x1] =	stream.indirect.gather [hbm4b:s2+s6], $0x80, s9, s6, $0xb8;
	[tilespmem:$0xA180] =	vst v63  }
0x11: {  	s11 =	simm.s32 $0xC0;
	s12 =	simm.s32 $0x6180  }
0x12: {  	[tilespmem:s12], [sflag:$0x1] =	stream.indirect.gather [hbm4b:s2+s6], $0x80, s11, s6, $0xb8;
	[tilespmem:$0xA180] =	vst v63  }
0x13: {  	s13 =	simm.s32 $0x100;
	s14 =	simm.s32 $0x8180;
	s15 =	simm.s32 $0x1  }
0x14: {  	[tilespmem:s14], [sflag:$0x1] =	stream.indirect.gather [hbm4b:s2+s6], $0x80, s13, s6, $0xb8;
	[tilespmem:$0xA180] =	vst v63  }
0x15: {  	_ =	swait.ge [sflag:s15], $0x2000  }
0x16: {  	[sflag:s15] =	ssyncset.done $0x0  }
0x17: {  	[sflag:s15] =	ssyncadd.s32 $0xFFFFE000  }
0x18: {  	_ =	swait.ge [sflag:s15], $0x2000  }
0x19: {  	[sflag:s15] =	ssyncset.done $0x0  }
0x1a: {  	[sflag:s15] =	ssyncadd.s32 $0xFFFFE000  }
0x1b: {  	_ =	swait.ge [sflag:s15], $0x2000  }
0x1c: {  	[sflag:s15] =	ssyncset.done $0x0  }
0x1d: {  	s16 =	ssub.s32 $0x2, s16;
	[sflag:s15] =	ssyncadd.s32 $0xFFFFE000  }
0x1e: {  	s19 =	sshrl.u32 s16, $0x1;
	_ =	swait.ge [sflag:s15], $0x2000  }
0x1f: {  	s30 =	ssub.s32 s16, s19;
	[sflag:s15] =	ssyncset.done $0x0  }
0x20: {  	s18 =	smul.u32 $0x1400, s18;
	s31 =	smax.u32 s30, $0x1;
	[sflag:s15] =	ssyncadd.s32 $0xFFFFE000  }
0x21: {  	p0 =	sne.s32 s31, $0x1;
	_ =	swait.ge [sflag:s15], $0x2000  }
.Ltmp0:
0x22: {  	s17 =	sadd.s32 s18, s17;
	[sflag:s15] =	ssyncset.done $0x0;
	(pc) =	sbr.rel @!p0 .LBB2_2-.Ltmp0, $4  }
0x23: {  	s16 =	sadd.s32 $0x4A00, s17;
	[sflag:s15] =	ssyncadd.s32 $0xFFFFE000  }
0x24: {  	[hbm4b:s16+s3] =	stream.linear.scatter [tilespmem:s7], [sflag:$0x2], $0xA000, $0x38;
	[tilespmem:$0xA180] =	vst v63  }
0x25: {  	_ =	swait.ge [sflag:s4], $0xA000  }
0x26: {  	s17 =	sadd.s32 $0xFFFFFFFF, s31;
	[sflag:s4] =	ssyncset.done $0x0  }
.LBB2_1:
0x27: {  	p0 =	sne.s32 s17, $0x1;
	s17 =	sadd.s32 $0xFFFFFFFF, s17;
	[sflag:s4] =	ssyncadd.s32 $0xFFFF6000  }
0x28: {  	[tilespmem:s3], [sflag:$0x2] =	stream.linear.gather [hbm4b:s5+s3], $0x140, $0x38;
	[tilespmem:$0xA180] =	vst v63  }
0x29: {  	_ =	swait.ge [sflag:s4], $0x140  }
0x2a: {  	[sflag:s4] =	ssyncset.done $0x0  }
0x2b: {  	[sflag:s4] =	ssyncadd.s32 $0xFFFFFEC0  }
0x2c: {  	[tilespmem:s7], [sflag:$0x1] =	stream.indirect.gather [hbm4b:s2+s6], $0x80, s3, s6, $0xb8;
	[tilespmem:$0xA180] =	vst v63  }
0x2d: {  	_ = 	snop  }
0x2e: {  	[tilespmem:s8], [sflag:$0x1] =	stream.indirect.gather [hbm4b:s2+s6], $0x80, s6, s6, $0xb8;
	[tilespmem:$0xA180] =	vst v63  }
0x2f: {  	_ = 	snop  }
0x30: {  	[tilespmem:s10], [sflag:$0x1] =	stream.indirect.gather [hbm4b:s2+s6], $0x80, s9, s6, $0xb8;
	[tilespmem:$0xA180] =	vst v63  }
0x31: {  	_ = 	snop  }
0x32: {  	[tilespmem:s12], [sflag:$0x1] =	stream.indirect.gather [hbm4b:s2+s6], $0x80, s11, s6, $0xb8;
	[tilespmem:$0xA180] =	vst v63  }
0x33: {  	_ = 	snop  }
0x34: {  	[tilespmem:s14], [sflag:$0x1] =	stream.indirect.gather [hbm4b:s2+s6], $0x80, s13, s6, $0xb8;
	[tilespmem:$0xA180] =	vst v63  }
0x35: {  	_ =	swait.ge [sflag:s15], $0x2000  }
0x36: {  	[sflag:s15] =	ssyncset.done $0x0  }
0x37: {  	[sflag:s15] =	ssyncadd.s32 $0xFFFFE000  }
0x38: {  	_ =	swait.ge [sflag:s15], $0x2000  }
0x39: {  	[sflag:s15] =	ssyncset.done $0x0  }
0x3a: {  	[sflag:s15] =	ssyncadd.s32 $0xFFFFE000  }
0x3b: {  	_ =	swait.ge [sflag:s15], $0x2000  }
0x3c: {  	[sflag:s15] =	ssyncset.done $0x0  }
0x3d: {  	[sflag:s15] =	ssyncadd.s32 $0xFFFFE000  }
0x3e: {  	_ =	swait.ge [sflag:s15], $0x2000  }
0x3f: {  	[sflag:s15] =	ssyncset.done $0x0  }
0x40: {  	[sflag:s15] =	ssyncadd.s32 $0xFFFFE000  }
0x41: {  	_ =	swait.ge [sflag:s15], $0x2000  }
.Ltmp1:
0x42: {  	[sflag:s15] =	ssyncset.done $0x0;
	(pc) =	sbr.rel @p0 .LBB2_1-.Ltmp1, $4  }
0x43: {  	[sflag:s15] =	ssyncadd.s32 $0xFFFFE000  }
0x44: {  	[hbm4b:s16+s3] =	stream.linear.scatter [tilespmem:s7], [sflag:$0x2], $0xA000, $0x38;
	[tilespmem:$0xA180] =	vst v63  }
0x45: {  	_ =	swait.ge [sflag:s4], $0xA000  }
0x46: {  	[sflag:s4] =	ssyncset.done $0x0  }
.LBB2_2:
0x47: {  	[sflag:s4] =	ssyncadd.s32 $0xFFFF6000  }
0x48: {  	_ =	sfence.sel $0x180000  }
0x49: {  	[bflag:$0x0] =	sbarrier.arrive $0xFFFF  }
0x4a: {  	p0 =	sne.s32 s0, $0x0;
	_ =	strace $0x90000047  }
0x4b: {  	s0 =	sadd.s32 @!p0 $0x100000, s1;
	[bflag:$0x2] =	sbarrier.arrive $0xFFFF  }
0x4c: {  	[sflag:s0] =	ssyncadd.tile.s32 @!p0 $0x1;
	_ =	shalt  }
.Lfunc_end2:
_tile_overlayer_lowered:
.L_overlay_start_2:
0x4d: {  	(tag) =	ssettag $0x2  }
0x4e: {  	s0 =	rddreg [dreg:$0x0];
	s2 =	stileid.u32  }
0x4f: {  	s1 =	rddreg [dreg:$0x1];
	p0 =	sne.s32 s2, $0x0  }
0x50: {  	s3 =	rddreg [dreg:$0x2];
	[bflag:$0x3] =	sbarrier.arrive $0xFFFF;
	s2 =	simm.s32 @!p0 $0x1C02  }
0x51: {  	[timem:s3], [sflag:s2] =	dma.local @!p0 [hbm:s0], s1  }
0x52: {  	s0 =	simm.s32 @!p0 $0x2  }
0x53: {  	_ =	swait.ge @!p0 [sflag:s0], s1  }
0x54: {  	s1 =	ssub.s32 @!p0 $0x0, s1;
	[sflag:s0] =	ssyncset.done @!p0 $0x0  }
0x55: {  	[sflag:s0] =	ssyncadd.s32 @!p0 s1  }
0x56: {  	[bflag:$0x3] =	sbarrier.arrive $0xFFFF  }
0x57: {  	_ =	shalt  }

</sc_bundles>
